<compile_context>
chip_gen: v7x
topology: tpu7x:2x2x1
jax: 0.10.2.dev20260603
libtpu: 0.0.44.dev20260713+nightly
codegen_flags: <defaults>
</compile_context>

<pallas_src>
import functools

import jax
import jax.numpy as jnp
from jax import lax
from jax.experimental import pallas as pl
from jax.experimental.pallas import tpu as pltpu
from jax.experimental.pallas import tpu_sc as plsc

_VOCAB = 30522
_NENT = 100000
_EDIM = 100
_HID = 768
_MAXP = 512
_B = 16
_S = 256
_NTOK = _B * _S
_NW = 32
_TPW = _NTOK // _NW
_EPS = 1e-12
_PT = _MAXP + 2



def _splat_last(x, L=16):
    idx = jnp.full((L, 1), L - 1, jnp.int32)
    dn = lax.GatherDimensionNumbers(offset_dims=(), collapsed_slice_dims=(0,),
                                    start_index_map=(0,))
    return lax.gather(x, idx, dn, (1,),
                      mode=lax.GatherScatterMode.PROMISE_IN_BOUNDS)


def _sc_split_gather(ids_f, tts_f, word_emb):
    mesh = plsc.VectorSubcoreMesh(core_axis_name="c", subcore_axis_name="s")
    L = 16
    nchunk = _S // L
    NC = 8
    CR = _S // NC

    @functools.partial(
        pl.kernel,
        mesh=mesh,
        compiler_params=pltpu.CompilerParams(needs_layout_passes=False),
        out_type=[jax.ShapeDtypeStruct((_NTOK, _HID), jnp.float32)]
                 + [jax.ShapeDtypeStruct((_NTOK,), jnp.int32)] * 6
                 + [jax.ShapeDtypeStruct((_NTOK,), jnp.float32)],
        scratch_types=[
            pltpu.VMEM((_S,), jnp.int32),
            pltpu.VMEM((_S,), jnp.int32),
            pltpu.VMEM((_S,), jnp.int32),
            pltpu.VMEM((_S,), jnp.int32),
            pltpu.VMEM((_S,), jnp.int32),
            pltpu.VMEM((_S,), jnp.int32),
            pltpu.VMEM((_S,), jnp.int32),
            pltpu.VMEM((_S,), jnp.int32),
            pltpu.VMEM((_S,), jnp.float32),
            pltpu.VMEM((4, CR, _HID), jnp.float32),
            pltpu.SemaphoreType.DMA,
            pltpu.SemaphoreType.DMA,
            pltpu.SemaphoreType.DMA,
            pltpu.SemaphoreType.DMA,
        ],
    )
    def split(ids_h, tts_h, wemb_h,
              W_h, wid_o, wtt_o, wpos_o, kent_o, ktt_o, kpos_o, kmsk_o,
              idsv, ttsv, wiv, wtv, wpv, kev, ktv, kpv, kmv, gbuf,
              gsem, ws0, ws1, ws2):
        wid = lax.axis_index("s") * 2 + lax.axis_index("c")

        @pl.when(wid < _B)
        def _():
            base = wid * _S
            pltpu.sync_copy(ids_h.at[pl.ds(base, _S)], idsv)
            pltpu.sync_copy(tts_h.at[pl.ds(base, _S)], ttsv)
            nwv = jnp.zeros((L,), jnp.int32)
            nkv = jnp.zeros((L,), jnp.int32)
            for c in range(nchunk):
                v = idsv[pl.ds(c * L, L)]
                t = ttsv[pl.ds(c * L, L)]
                colv = lax.iota(jnp.int32, L) + (c * L)
                wm = (v > 0) & (v < _VOCAB)
                wmi = jnp.where(wm, jnp.int32(1), jnp.int32(0))
                wcum = plsc.cumsum(wmi)
                wdest = jnp.where(wm, nwv + wcum - 1, 0)
                plsc.store_scatter(wiv, [wdest], v, mask=wm)
                plsc.store_scatter(wtv, [wdest], t, mask=wm)
                plsc.store_scatter(wpv, [wdest], colv, mask=wm)
                nwv = nwv + _splat_last(wcum)
                km = v >= _VOCAB
                kmi = jnp.where(km, jnp.int32(1), jnp.int32(0))
                kcum = plsc.cumsum(kmi)
                kdest = jnp.where(km, nkv + kcum - 1, 0)
                plsc.store_scatter(kev, [kdest], v - _VOCAB, mask=km)
                plsc.store_scatter(ktv, [kdest], t, mask=km)
                plsc.store_scatter(kpv, [kdest], colv, mask=km)
                nkv = nkv + _splat_last(kcum)
            nkeff = jnp.where(nkv >= 2, nkv, 0)
            for c in range(nchunk):
                sl = pl.ds(c * L, L)
                colv = lax.iota(jnp.int32, L) + (c * L)
                wvld = colv < nwv
                wiv[sl] = jnp.where(wvld, wiv[sl], 0)
                wtv[sl] = jnp.where(wvld, wtv[sl], 1)
                wpv[sl] = jnp.where(wvld, wpv[sl], colv)
                kvld = colv < nkeff
                kev[sl] = jnp.where(kvld, kev[sl], 0)
                ktv[sl] = jnp.where(kvld, ktv[sl], 0)
                kpv[sl] = jnp.where(kvld, kpv[sl], 0)
                kmv[sl] = jnp.where(kvld, 1.0, 0.0)
            wsems = (ws0, ws1, ws2, ws0)
            gs = [None] * NC
            ws = [None] * NC
            for i in range(4):
                gs[i] = pltpu.async_copy(
                    wemb_h.at[wiv.at[pl.ds(i * CR, CR)]], gbuf.at[i], gsem)
            for i in range(NC):
                gs[i].wait()
                ws[i] = pltpu.async_copy(
                    gbuf.at[i % 4], W_h.at[pl.ds(base + i * CR, CR)],
                    wsems[i % 4])
                if i + 4 < NC:
                    ws[i].wait()
                    gs[i + 4] = pltpu.async_copy(
                        wemb_h.at[wiv.at[pl.ds((i + 4) * CR, CR)]],
                        gbuf.at[i % 4], gsem)
                    ws[i] = None
            pltpu.sync_copy(wiv, wid_o.at[pl.ds(base, _S)])
            pltpu.sync_copy(wtv, wtt_o.at[pl.ds(base, _S)])
            pltpu.sync_copy(wpv, wpos_o.at[pl.ds(base, _S)])
            pltpu.sync_copy(kev, kent_o.at[pl.ds(base, _S)])
            pltpu.sync_copy(ktv, ktt_o.at[pl.ds(base, _S)])
            pltpu.sync_copy(kpv, kpos_o.at[pl.ds(base, _S)])
            pltpu.sync_copy(kmv, kmsk_o.at[pl.ds(base, _S)])
            for w in ws:
                if w is not None:
                    w.wait()

    return split(ids_f, tts_f, word_emb)


_EBLK = 2048


def _relayout_body(entT, eye, out):
    x = entT[...]
    xt = lax.dot_general(x, eye[...], (((0,), (0,)), ((), ())),
                         preferred_element_type=jnp.float32)
    out[...] = jnp.concatenate(
        [xt, jnp.zeros((_EBLK, 128 - _EDIM), jnp.float32)], axis=1)


def _tc_relayout(entT, eye):
    return pl.pallas_call(
        _relayout_body,
        grid=((_NENT + _EBLK - 1) // _EBLK,),
        in_specs=[
            pl.BlockSpec((_EDIM, _EBLK), lambda i: (0, i)),
            pl.BlockSpec((_EDIM, _EDIM), lambda i: (0, 0)),
        ],
        out_specs=pl.BlockSpec((_EBLK, 128), lambda i: (i, 0)),
        out_shape=jax.ShapeDtypeStruct((_NENT, 128), jnp.float32),
    )(entT, eye)


def _sc_gather_ent(k_ent, ent128, ntok):
    mesh = plsc.VectorSubcoreMesh(core_axis_name="c", subcore_axis_name="s")
    tpw = ntok // _NW

    @functools.partial(
        pl.kernel,
        mesh=mesh,
        out_type=jax.ShapeDtypeStruct((ntok, 128), jnp.float32),
        scratch_types=[
            pltpu.VMEM((tpw,), jnp.int32),
            pltpu.VMEM((tpw, 128), jnp.float32),
            pltpu.SemaphoreType.DMA,
        ],
    )
    def gather(kent_h, ent_h, E_h, keidx_v, ebuf, sem):
        wid = lax.axis_index("s") * 2 + lax.axis_index("c")
        base = wid * tpw
        pltpu.sync_copy(kent_h.at[pl.ds(base, tpw)], keidx_v)
        pltpu.async_copy(ent_h.at[keidx_v], ebuf, sem).wait()
        pltpu.sync_copy(ebuf, E_h.at[pl.ds(base, tpw)])

    return gather(k_ent, ent128)


def _tc_body(W, Es, wtt, ktt, wpos, kpos, kmask,
             ptab, wg, wb, keW, keb, kg, kb, out):
    cols = lax.broadcasted_iota(jnp.int32, (_S, _PT), 1)
    pt = ptab[...]
    oh_w = ((cols == wpos[0]) | (cols == wtt[0] + _MAXP)).astype(jnp.float32)
    wsum = W[0] + lax.dot_general(oh_w, pt, (((1,), (0,)), ((), ())),
                                  preferred_element_type=jnp.float32)
    u = jnp.mean(wsum, axis=-1, keepdims=True)
    d = wsum - u
    s = jnp.mean(d * d, axis=-1, keepdims=True)
    wemb = wg[...] * d / jnp.sqrt(s + _EPS) + wb[...]
    km = kmask[0]
    proj = lax.dot_general(Es[0][:, 0:_EDIM], keW[...], (((1,), (1,)), ((), ())),
                           preferred_element_type=jnp.float32)
    oh_k = ((cols == kpos[0]) | (cols == ktt[0] + _MAXP)).astype(jnp.float32)
    ptk = lax.dot_general(oh_k, pt, (((1,), (0,)), ((), ())),
                          preferred_element_type=jnp.float32)
    ksum = (proj + keb[...] + ptk) * km
    uk = jnp.mean(ksum, axis=-1, keepdims=True)
    dk = ksum - uk
    sk = jnp.mean(dk * dk, axis=-1, keepdims=True)
    kemb = kg[...] * dk / jnp.sqrt(sk + _EPS) + kb[...]
    out[0, 0:_S, :] = wemb
    out[0, _S:2 * _S, :] = kemb


def _tc_dense(W, Es, wtt, ktt, wpos, kpos, kmask, ptab, wg, wb, keW, keb, kg, kb):
    nb = W.shape[0]
    b3 = lambda i: (i, 0, 0)
    b2 = lambda i: (0, 0)
    return pl.pallas_call(
        _tc_body,
        grid=(nb,),
        in_specs=[
            pl.BlockSpec((1, _S, _HID), b3),
            pl.BlockSpec((1, _S, 128), b3),
            pl.BlockSpec((1, _S, 1), b3),
            pl.BlockSpec((1, _S, 1), b3),
            pl.BlockSpec((1, _S, 1), b3),
            pl.BlockSpec((1, _S, 1), b3),
            pl.BlockSpec((1, _S, 1), b3),
            pl.BlockSpec((_PT, _HID), b2),
            pl.BlockSpec((1, _HID), b2),
            pl.BlockSpec((1, _HID), b2),
            pl.BlockSpec((_HID, _EDIM), b2),
            pl.BlockSpec((1, _HID), b2),
            pl.BlockSpec((1, _HID), b2),
            pl.BlockSpec((1, _HID), b2),
        ],
        out_specs=pl.BlockSpec((1, 2 * _S, _HID), b3),
        out_shape=jax.ShapeDtypeStruct((nb, 2 * _S, _HID), jnp.float32),
    )(W, Es, wtt, ktt, wpos, kpos, kmask, ptab, wg, wb, keW, keb, kg, kb)


def kernel(input_ids, token_type_ids, word_emb, pos_emb, tt_emb, wln_g, wln_b,
           ke_W, ke_b, kln_g, kln_b, entityVec):
    ids_f = input_ids.astype(jnp.int32).reshape(_NTOK)
    tts_f = token_type_ids.astype(jnp.int32).reshape(_NTOK)
    W, w_ids, w_tt, w_pos, k_ent, k_tt, k_pos, k_mask = _sc_split_gather(
        ids_f, tts_f, word_emb)

    entT = jnp.transpose(entityVec)
    eye = jnp.eye(_EDIM, dtype=jnp.float32)
    ent128 = _tc_relayout(entT, eye)

    ptab = jnp.concatenate([pos_emb, tt_emb], axis=0)

    Es = _sc_gather_ent(k_ent, ent128, _NTOK)

    out = _tc_dense(
        W.reshape(_B, _S, _HID), Es.reshape(_B, _S, 128),
        w_tt.reshape(_B, _S, 1), k_tt.reshape(_B, _S, 1),
        w_pos.reshape(_B, _S, 1), k_pos.reshape(_B, _S, 1),
        k_mask.reshape(_B, _S, 1),
        ptab, wln_g.reshape(1, _HID), wln_b.reshape(1, _HID),
        ke_W, ke_b.reshape(1, _HID), kln_g.reshape(1, _HID),
        kln_b.reshape(1, _HID))
    return out

# --- scband reference (transcript-rebuilt; emitter-appended) ---
"""Pipeline reference for scband-knowledge-embeddings-80839874445880 (READ-ONLY COPY).

The authoritative reference and input builder live on the scoring server;
editing this copy changes nothing except your own understanding.
"""

import jax, jax.numpy as jnp
import numpy as np

VOCAB = 30522
N_ENT = 100000
ENT_DIM = 100
HID = 768
MAX_POS = 512
WORD_LEN = 256
KNOW_LEN = 256
B = 16
S = 256
EPS = 1e-12


def setup_inputs(seed: int = 0):
    key = jax.random.key(seed)
    ks = jax.random.split(key, 10)
    input_ids = jax.random.randint(ks[0], (B, S), 0, VOCAB + N_ENT)
    token_type_ids = jax.random.randint(ks[1], (B, S), 0, 2)
    word_emb = jax.random.normal(ks[2], (VOCAB, HID), dtype=jnp.float32) * 0.02
    pos_emb = jax.random.normal(ks[3], (MAX_POS, HID), dtype=jnp.float32) * 0.02
    tt_emb = jax.random.normal(ks[4], (2, HID), dtype=jnp.float32) * 0.02
    wln_g = jnp.ones((HID,), jnp.float32)
    wln_b = jnp.zeros((HID,), jnp.float32)
    ke_W = jax.random.normal(ks[5], (HID, ENT_DIM), dtype=jnp.float32) * 0.02
    ke_b = jnp.zeros((HID,), jnp.float32)
    kln_g = jnp.ones((HID,), jnp.float32)
    kln_b = jnp.zeros((HID,), jnp.float32)
    entityVec = jax.random.normal(ks[6], (N_ENT, ENT_DIM), dtype=jnp.float32)
    return {"input_ids": input_ids, "token_type_ids": token_type_ids, "word_emb": word_emb,
            "pos_emb": pos_emb, "tt_emb": tt_emb, "wln_g": wln_g, "wln_b": wln_b,
            "ke_W": ke_W, "ke_b": ke_b, "kln_g": kln_g, "kln_b": kln_b, "entityVec": entityVec}


def _build_indices(input_ids, token_type_ids):
    ids = input_ids
    tts = token_type_ids
    Bn, Sn = ids.shape
    wmask = (ids > 0) & (ids < VOCAB)
    wperm = jnp.argsort(jnp.logical_not(wmask), axis=1, stable=True).astype(jnp.int32)[:, :WORD_LEN]
    nw = wmask.sum(axis=1).astype(jnp.int32)
    wcols = jnp.arange(WORD_LEN, dtype=jnp.int32)
    wvalid = wcols[None, :] < nw[:, None]
    ids_w = jnp.take_along_axis(ids, wperm, axis=1)
    tts_w = jnp.take_along_axis(tts, wperm, axis=1)
    word_ids = jnp.where(wvalid, ids_w, 0).astype(jnp.int32)
    word_tt = jnp.where(wvalid, tts_w, 1).astype(jnp.int32)
    word_pos = jnp.where(wvalid, wperm, wcols[None, :]).astype(jnp.int32)  # position_ids = arange(seq_len), so position_ids[wp] == wp
    kmaskb = ids >= VOCAB
    kperm = jnp.argsort(jnp.logical_not(kmaskb), axis=1, stable=True).astype(jnp.int32)[:, :KNOW_LEN]
    nk = kmaskb.sum(axis=1).astype(jnp.int32)
    kcols = jnp.arange(KNOW_LEN, dtype=jnp.int32)
    # torch quirk: nonzero().squeeze() of a single match is 0-d, size() is falsy -> else branch
    kvalid = (kcols[None, :] < nk[:, None]) & (nk[:, None] >= 2)
    ids_k = jnp.take_along_axis(ids, kperm, axis=1)
    tts_k = jnp.take_along_axis(tts, kperm, axis=1)
    k_ent = jnp.where(kvalid, ids_k - VOCAB, 0).astype(jnp.int32)
    k_tt = jnp.where(kvalid, tts_k, 0).astype(jnp.int32)
    k_pos = jnp.where(kvalid, kperm, 0).astype(jnp.int32)
    k_mask = kvalid.astype(jnp.float32)
    return word_ids, word_tt, word_pos, k_ent, k_tt, k_pos, k_mask


def _bert_ln(x, g, b):
    u = x.mean(-1, keepdims=True)
    s = ((x - u) ** 2).mean(-1, keepdims=True)
    return g * (x - u) / jnp.sqrt(s + EPS) + b


def reference(input_ids, token_type_ids, word_emb, pos_emb, tt_emb, wln_g, wln_b,
              ke_W, ke_b, kln_g, kln_b, entityVec):
    word_ids, word_tt, word_pos, k_ent, k_tt, k_pos, k_mask = _build_indices(input_ids, token_type_ids)
    km = jnp.asarray(k_mask)[..., None]
    # knowledge branch: gather entity vectors (padded rows masked), linear proj + tt + pos
    ent = jnp.take(entityVec, jnp.asarray(k_ent), axis=0) * km
    kemb = ent @ ke_W.T + ke_b + jnp.take(tt_emb, jnp.asarray(k_tt), axis=0) + jnp.take(pos_emb, jnp.asarray(k_pos), axis=0)
    kemb = kemb * km
    kemb = _bert_ln(kemb, kln_g, kln_b)
    # word branch (dropout = identity at inference)
    wemb = jnp.take(word_emb, jnp.asarray(word_ids), axis=0) + jnp.take(tt_emb, jnp.asarray(word_tt), axis=0) + jnp.take(pos_emb, jnp.asarray(word_pos), axis=0)
    wemb = _bert_ln(wemb, wln_g, wln_b)
    return jnp.concatenate([wemb, kemb], axis=1)

if __name__ == "__main__":
    import jax
    _d = setup_inputs()
    print(jax.jit(kernel)(*tuple(_d.values())))

</pallas_src>

<mosaic_0001>
#map = affine_map<(d0, d1) -> (0)>
#map1 = affine_map<(d0, d1) -> (0, 0)>
module attributes {stable_mosaic.version = 14 : i64} {
  func.func @split(%arg0: i32, %arg1: i32, %arg2: memref<4096xi32, #tpu.memory_space<hbm>>, %arg3: memref<4096xi32, #tpu.memory_space<hbm>>, %arg4: memref<30522x768xf32, #tpu.memory_space<hbm>>, %arg5: memref<4096x768xf32, #tpu.memory_space<hbm>>, %arg6: memref<4096xi32, #tpu.memory_space<hbm>>, %arg7: memref<4096xi32, #tpu.memory_space<hbm>>, %arg8: memref<4096xi32, #tpu.memory_space<hbm>>, %arg9: memref<4096xi32, #tpu.memory_space<hbm>>, %arg10: memref<4096xi32, #tpu.memory_space<hbm>>, %arg11: memref<4096xi32, #tpu.memory_space<hbm>>, %arg12: memref<4096xf32, #tpu.memory_space<hbm>>, %arg13: memref<256xi32, #tpu.memory_space<vmem>>, %arg14: memref<256xi32, #tpu.memory_space<vmem>>, %arg15: memref<256xi32, #tpu.memory_space<vmem>>, %arg16: memref<256xi32, #tpu.memory_space<vmem>>, %arg17: memref<256xi32, #tpu.memory_space<vmem>>, %arg18: memref<256xi32, #tpu.memory_space<vmem>>, %arg19: memref<256xi32, #tpu.memory_space<vmem>>, %arg20: memref<256xi32, #tpu.memory_space<vmem>>, %arg21: memref<256xf32, #tpu.memory_space<vmem>>, %arg22: memref<4x32x768xf32, #tpu.memory_space<vmem>>, %arg23: memref<!tpu.dma_semaphore, #tpu.memory_space<semaphore_mem>>, %arg24: memref<!tpu.dma_semaphore, #tpu.memory_space<semaphore_mem>>, %arg25: memref<!tpu.dma_semaphore, #tpu.memory_space<semaphore_mem>>, %arg26: memref<!tpu.dma_semaphore, #tpu.memory_space<semaphore_mem>>) attributes {dimension_semantics = [#tpu.dimension_semantics<core_parallel>, #tpu.dimension_semantics<subcore_parallel>], iteration_bounds = array<i64: 2, 16>, scalar_prefetch = 0 : i64, scratch_operands = 14 : i64, tpu.core_type = #tpu.core_type<sc_vector_subcore>, window_params = [{transform_indices = #map}, {transform_indices = #map}, {transform_indices = #map1}, {transform_indices = #map1}, {transform_indices = #map}, {transform_indices = #map}, {transform_indices = #map}, {transform_indices = #map}, {transform_indices = #map}, {transform_indices = #map}, {transform_indices = #map}]} {
    %mul3A = arith.constant 2 : i32
    %mul3A_0 = arith.muli %arg1, %mul3A : i32
    %add3A = arith.addi %mul3A_0, %arg0 : i32
    %lt3A = arith.constant 16 : i32
    %lt3A_1 = arith.cmpi slt, %add3A, %lt3A : i32
    %convert_element_type3A = arith.extui %lt3A_1 : i1 to i32
    %cond3A = arith.constant 0 : i32
    %cond3A_2 = arith.cmpi ne, %convert_element_type3A, %cond3A : i32
    scf.if %cond3A_2 {
      %mul3A_3 = arith.constant 256 : i32
      %mul3A_4 = arith.muli %add3A, %mul3A_3 : i32
      "tpu.region"() ({
        %run_scoped3A = tpu.sem_alloc : memref<!tpu.dma_semaphore, #tpu.memory_space<semaphore_mem>>
        %dma_start3A_2209 = tpu.memref_slice %arg2[%mul3A_4] : memref<4096xi32, #tpu.memory_space<hbm>> -> memref<256xi32, #tpu.memory_space<hbm>>
        %dma_start3A_2210 = tpu.memref_slice %arg2[%mul3A_4] : memref<4096xi32, #tpu.memory_space<hbm>> -> memref<256xi32, #tpu.memory_space<hbm>>
        tpu.enqueue_dma source(%dma_start3A_2210 : memref<256xi32, #tpu.memory_space<hbm>>) target(%arg13 : memref<256xi32, #tpu.memory_space<vmem>>) target_semaphore(%run_scoped3A : memref<!tpu.dma_semaphore, #tpu.memory_space<semaphore_mem>>)
        %dma_wait3A_2211 = tpu.memref_slice %arg2[%mul3A_4] : memref<4096xi32, #tpu.memory_space<hbm>> -> memref<256xi32, #tpu.memory_space<hbm>>
        %dma_wait3A_2212 = tpu.memref_slice %arg2[%mul3A_4] : memref<4096xi32, #tpu.memory_space<hbm>> -> memref<256xi32, #tpu.memory_space<hbm>>
        tpu.wait_dma2 semaphore(%run_scoped3A : memref<!tpu.dma_semaphore, #tpu.memory_space<semaphore_mem>>) src(%dma_wait3A_2212 : memref<256xi32, #tpu.memory_space<hbm>>) dst(%arg13 : memref<256xi32, #tpu.memory_space<vmem>>)
        tpu.yield
      }) : () -> ()
      "tpu.region"() ({
        %run_scoped3A = tpu.sem_alloc : memref<!tpu.dma_semaphore, #tpu.memory_space<semaphore_mem>>
        %dma_start3A_2209 = tpu.memref_slice %arg3[%mul3A_4] : memref<4096xi32, #tpu.memory_space<hbm>> -> memref<256xi32, #tpu.memory_space<hbm>>
        %dma_start3A_2210 = tpu.memref_slice %arg3[%mul3A_4] : memref<4096xi32, #tpu.memory_space<hbm>> -> memref<256xi32, #tpu.memory_space<hbm>>
        tpu.enqueue_dma source(%dma_start3A_2210 : memref<256xi32, #tpu.memory_space<hbm>>) target(%arg14 : memref<256xi32, #tpu.memory_space<vmem>>) target_semaphore(%run_scoped3A : memref<!tpu.dma_semaphore, #tpu.memory_space<semaphore_mem>>)
        %dma_wait3A_2211 = tpu.memref_slice %arg3[%mul3A_4] : memref<4096xi32, #tpu.memory_space<hbm>> -> memref<256xi32, #tpu.memory_space<hbm>>
        %dma_wait3A_2212 = tpu.memref_slice %arg3[%mul3A_4] : memref<4096xi32, #tpu.memory_space<hbm>> -> memref<256xi32, #tpu.memory_space<hbm>>
        tpu.wait_dma2 semaphore(%run_scoped3A : memref<!tpu.dma_semaphore, #tpu.memory_space<semaphore_mem>>) src(%dma_wait3A_2212 : memref<256xi32, #tpu.memory_space<hbm>>) dst(%arg14 : memref<256xi32, #tpu.memory_space<vmem>>)
        tpu.yield
      }) : () -> ()
      %broadcast_in_dim3A = arith.constant 0 : i32
      %broadcast_in_dim3A_5 = vector.broadcast %broadcast_in_dim3A : i32 to vector<16xi32>
      %broadcast_in_dim3A_6 = arith.constant 0 : i32
      %broadcast_in_dim3A_7 = vector.broadcast %broadcast_in_dim3A_6 : i32 to vector<16xi32>
      %get3A = arith.constant 0 : index
      %get3A_8 = tpu.vector_load %arg13[%get3A] {strides = array<i32>} : memref<256xi32, #tpu.memory_space<vmem>>, vector<16xi32>,
      %get3A_9 = arith.constant 0 : index
      %get3A_10 = tpu.vector_load %arg14[%get3A_9] {strides = array<i32>} : memref<256xi32, #tpu.memory_space<vmem>>, vector<16xi32>,
      %iota3A = tpu.iota {dimensions = array<i32: 0>} : vector<16xi32>
      %add3A_11 = arith.constant 0 : i32
      %add3A_12 = vector.broadcast %add3A_11 : i32 to vector<16xi32>
      %add3A_13 = arith.addi %iota3A, %add3A_12 : vector<16xi32>
      %gt3A = arith.constant 0 : i32
      %gt3A_14 = vector.broadcast %gt3A : i32 to vector<16xi32>
      %gt3A_15 = arith.cmpi sgt, %get3A_8, %gt3A_14 : vector<16xi32>
      %lt3A_16 = arith.constant 30522 : i32
      %lt3A_17 = vector.broadcast %lt3A_16 : i32 to vector<16xi32>
      %lt3A_18 = arith.cmpi slt, %get3A_8, %lt3A_17 : vector<16xi32>
      %and3A = arith.andi %gt3A_15, %lt3A_18 : vector<16xi1>
      %jit3A = arith.constant 1 : i32
      %jit3A_19 = arith.constant 0 : i32
      %broadcast_in_dim3A_20 = vector.broadcast %jit3A : i32 to vector<16xi32>
      %broadcast_in_dim3A_21 = vector.broadcast %jit3A_19 : i32 to vector<16xi32>
      %select_n3A = arith.select %and3A, %broadcast_in_dim3A_20, %broadcast_in_dim3A_21 : vector<16xi1>, vector<16xi32>
      %broadcast_in_dim3A_22 = arith.constant true
      %broadcast_in_dim3A_23 = vector.broadcast %broadcast_in_dim3A_22 : i1 to vector<16xi1>
      %masked_cumsum3A = tpu.scan <sum>, %select_n3A masked %broadcast_in_dim3A_23 : vector<16xi32>, vector<16xi1> -> vector<16xi32>
      %add3A_24 = arith.addi %broadcast_in_dim3A_5, %masked_cumsum3A : vector<16xi32>
      %sub3A = arith.constant 1 : i32
      %sub3A_25 = vector.broadcast %sub3A : i32 to vector<16xi32>
      %sub3A_26 = arith.subi %add3A_24, %sub3A_25 : vector<16xi32>
      %jit3A_27 = arith.constant 0 : i32
      %broadcast_in_dim3A_28 = vector.broadcast %jit3A_27 : i32 to vector<16xi32>
      %select_n3A_29 = arith.select %and3A, %sub3A_26, %broadcast_in_dim3A_28 : vector<16xi1>, vector<16xi32>
      tpu.vector_store_idx %arg15[%select_n3A_29], %get3A_8 masked %and3A : memref<256xi32, #tpu.memory_space<vmem>>[vector<16xi32>], vector<16xi32>, vector<16xi1>
      tpu.vector_store_idx %arg16[%select_n3A_29], %get3A_10 masked %and3A : memref<256xi32, #tpu.memory_space<vmem>>[vector<16xi32>], vector<16xi32>, vector<16xi1>
      tpu.vector_store_idx %arg17[%select_n3A_29], %add3A_13 masked %and3A : memref<256xi32, #tpu.memory_space<vmem>>[vector<16xi32>], vector<16xi32>, vector<16xi1>
      %broadcast_in_dim3A_30 = arith.constant 15 : i32
      %broadcast_in_dim3A_31 = vector.broadcast %broadcast_in_dim3A_30 : i32 to vector<16x1xi32>
      %gather3A = vector.shape_cast %broadcast_in_dim3A_31 : vector<16x1xi32> to vector<16xi32>
      %gather3A_32 = tpu.dynamic_gather %masked_cumsum3A[%gather3A] in [0] : vector<16xi32>, vector<16xi32> -> vector<16xi32>
      %add3A_33 = arith.addi %broadcast_in_dim3A_5, %gather3A_32 : vector<16xi32>
      %ge3A = arith.constant 30522 : i32
      %ge3A_34 = vector.broadcast %ge3A : i32 to vector<16xi32>
      %ge3A_35 = arith.cmpi sge, %get3A_8, %ge3A_34 : vector<16xi32>
      %jit3A_36 = arith.constant 1 : i32
      %jit3A_37 = arith.constant 0 : i32
      %broadcast_in_dim3A_38 = vector.broadcast %jit3A_36 : i32 to vector<16xi32>
      %broadcast_in_dim3A_39 = vector.broadcast %jit3A_37 : i32 to vector<16xi32>
      %select_n3A_40 = arith.select %ge3A_35, %broadcast_in_dim3A_38, %broadcast_in_dim3A_39 : vector<16xi1>, vector<16xi32>
      %broadcast_in_dim3A_41 = arith.constant true
      %broadcast_in_dim3A_42 = vector.broadcast %broadcast_in_dim3A_41 : i1 to vector<16xi1>
      %masked_cumsum3A_43 = tpu.scan <sum>, %select_n3A_40 masked %broadcast_in_dim3A_42 : vector<16xi32>, vector<16xi1> -> vector<16xi32>
      %add3A_44 = arith.addi %broadcast_in_dim3A_7, %masked_cumsum3A_43 : vector<16xi32>
      %sub3A_45 = arith.constant 1 : i32
      %sub3A_46 = vector.broadcast %sub3A_45 : i32 to vector<16xi32>
      %sub3A_47 = arith.subi %add3A_44, %sub3A_46 : vector<16xi32>
      %jit3A_48 = arith.constant 0 : i32
      %broadcast_in_dim3A_49 = vector.broadcast %jit3A_48 : i32 to vector<16xi32>
      %select_n3A_50 = arith.select %ge3A_35, %sub3A_47, %broadcast_in_dim3A_49 : vector<16xi1>, vector<16xi32>
      %sub3A_51 = arith.constant 30522 : i32
      %sub3A_52 = vector.broadcast %sub3A_51 : i32 to vector<16xi32>
      %sub3A_53 = arith.subi %get3A_8, %sub3A_52 : vector<16xi32>
      tpu.vector_store_idx %arg18[%select_n3A_50], %sub3A_53 masked %ge3A_35 : memref<256xi32, #tpu.memory_space<vmem>>[vector<16xi32>], vector<16xi32>, vector<16xi1>
      tpu.vector_store_idx %arg19[%select_n3A_50], %get3A_10 masked %ge3A_35 : memref<256xi32, #tpu.memory_space<vmem>>[vector<16xi32>], vector<16xi32>, vector<16xi1>
      tpu.vector_store_idx %arg20[%select_n3A_50], %add3A_13 masked %ge3A_35 : memref<256xi32, #tpu.memory_space<vmem>>[vector<16xi32>], vector<16xi32>, vector<16xi1>
      %broadcast_in_dim3A_54 = arith.constant 15 : i32
      %broadcast_in_dim3A_55 = vector.broadcast %broadcast_in_dim3A_54 : i32 to vector<16x1xi32>
      %gather3A_56 = vector.shape_cast %broadcast_in_dim3A_55 : vector<16x1xi32> to vector<16xi32>
      %gather3A_57 = tpu.dynamic_gather %masked_cumsum3A_43[%gather3A_56] in [0] : vector<16xi32>, vector<16xi32> -> vector<16xi32>
      %add3A_58 = arith.addi %broadcast_in_dim3A_7, %gather3A_57 : vector<16xi32>
      %get3A_59 = arith.constant 16 : index
      %get3A_60 = tpu.vector_load %arg13[%get3A_59] {strides = array<i32>} : memref<256xi32, #tpu.memory_space<vmem>>, vector<16xi32>,
      %get3A_61 = arith.constant 16 : index
      %get3A_62 = tpu.vector_load %arg14[%get3A_61] {strides = array<i32>} : memref<256xi32, #tpu.memory_space<vmem>>, vector<16xi32>,
      %iota3A_63 = tpu.iota {dimensions = array<i32: 0>} : vector<16xi32>
      %add3A_64 = arith.constant 16 : i32
      %add3A_65 = vector.broadcast %add3A_64 : i32 to vector<16xi32>
      %add3A_66 = arith.addi %iota3A_63, %add3A_65 : vector<16xi32>
      %gt3A_67 = arith.constant 0 : i32
      %gt3A_68 = vector.broadcast %gt3A_67 : i32 to vector<16xi32>
      %gt3A_69 = arith.cmpi sgt, %get3A_60, %gt3A_68 : vector<16xi32>
      %lt3A_70 = arith.constant 30522 : i32
      %lt3A_71 = vector.broadcast %lt3A_70 : i32 to vector<16xi32>
      %lt3A_72 = arith.cmpi slt, %get3A_60, %lt3A_71 : vector<16xi32>
      %and3A_73 = arith.andi %gt3A_69, %lt3A_72 : vector<16xi1>
      %jit3A_74 = arith.constant 1 : i32
      %jit3A_75 = arith.constant 0 : i32
      %broadcast_in_dim3A_76 = vector.broadcast %jit3A_74 : i32 to vector<16xi32>
      %broadcast_in_dim3A_77 = vector.broadcast %jit3A_75 : i32 to vector<16xi32>
      %select_n3A_78 = arith.select %and3A_73, %broadcast_in_dim3A_76, %broadcast_in_dim3A_77 : vector<16xi1>, vector<16xi32>
      %broadcast_in_dim3A_79 = arith.constant true
      %broadcast_in_dim3A_80 = vector.broadcast %broadcast_in_dim3A_79 : i1 to vector<16xi1>
      %masked_cumsum3A_81 = tpu.scan <sum>, %select_n3A_78 masked %broadcast_in_dim3A_80 : vector<16xi32>, vector<16xi1> -> vector<16xi32>
      %add3A_82 = arith.addi %add3A_33, %masked_cumsum3A_81 : vector<16xi32>
      %sub3A_83 = arith.constant 1 : i32
      %sub3A_84 = vector.broadcast %sub3A_83 : i32 to vector<16xi32>
      %sub3A_85 = arith.subi %add3A_82, %sub3A_84 : vector<16xi32>
      %jit3A_86 = arith.constant 0 : i32
      %broadcast_in_dim3A_87 = vector.broadcast %jit3A_86 : i32 to vector<16xi32>
      %select_n3A_88 = arith.select %and3A_73, %sub3A_85, %broadcast_in_dim3A_87 : vector<16xi1>, vector<16xi32>
      tpu.vector_store_idx %arg15[%select_n3A_88], %get3A_60 masked %and3A_73 : memref<256xi32, #tpu.memory_space<vmem>>[vector<16xi32>], vector<16xi32>, vector<16xi1>
      tpu.vector_store_idx %arg16[%select_n3A_88], %get3A_62 masked %and3A_73 : memref<256xi32, #tpu.memory_space<vmem>>[vector<16xi32>], vector<16xi32>, vector<16xi1>
      tpu.vector_store_idx %arg17[%select_n3A_88], %add3A_66 masked %and3A_73 : memref<256xi32, #tpu.memory_space<vmem>>[vector<16xi32>], vector<16xi32>, vector<16xi1>
      %broadcast_in_dim3A_89 = arith.constant 15 : i32
      %broadcast_in_dim3A_90 = vector.broadcast %broadcast_in_dim3A_89 : i32 to vector<16x1xi32>
      %gather3A_91 = vector.shape_cast %broadcast_in_dim3A_90 : vector<16x1xi32> to vector<16xi32>
      %gather3A_92 = tpu.dynamic_gather %masked_cumsum3A_81[%gather3A_91] in [0] : vector<16xi32>, vector<16xi32> -> vector<16xi32>
      %add3A_93 = arith.addi %add3A_33, %gather3A_92 : vector<16xi32>
      %ge3A_94 = arith.constant 30522 : i32
      %ge3A_95 = vector.broadcast %ge3A_94 : i32 to vector<16xi32>
      %ge3A_96 = arith.cmpi sge, %get3A_60, %ge3A_95 : vector<16xi32>
      %jit3A_97 = arith.constant 1 : i32
      %jit3A_98 = arith.constant 0 : i32
      %broadcast_in_dim3A_99 = vector.broadcast %jit3A_97 : i32 to vector<16xi32>
      %broadcast_in_dim3A_100 = vector.broadcast %jit3A_98 : i32 to vector<16xi32>
      %select_n3A_101 = arith.select %ge3A_96, %broadcast_in_dim3A_99, %broadcast_in_dim3A_100 : vector<16xi1>, vector<16xi32>
      %broadcast_in_dim3A_102 = arith.constant true
      %broadcast_in_dim3A_103 = vector.broadcast %broadcast_in_dim3A_102 : i1 to vector<16xi1>
      %masked_cumsum3A_104 = tpu.scan <sum>, %select_n3A_101 masked %broadcast_in_dim3A_103 : vector<16xi32>, vector<16xi1> -> vector<16xi32>
      %add3A_105 = arith.addi %add3A_58, %masked_cumsum3A_104 : vector<16xi32>
      %sub3A_106 = arith.constant 1 : i32
      %sub3A_107 = vector.broadcast %sub3A_106 : i32 to vector<16xi32>
      %sub3A_108 = arith.subi %add3A_105, %sub3A_107 : vector<16xi32>
      %jit3A_109 = arith.constant 0 : i32
      %broadcast_in_dim3A_110 = vector.broadcast %jit3A_109 : i32 to vector<16xi32>
      %select_n3A_111 = arith.select %ge3A_96, %sub3A_108, %broadcast_in_dim3A_110 : vector<16xi1>, vector<16xi32>
      %sub3A_112 = arith.constant 30522 : i32
      %sub3A_113 = vector.broadcast %sub3A_112 : i32 to vector<16xi32>
      %sub3A_114 = arith.subi %get3A_60, %sub3A_113 : vector<16xi32>
      tpu.vector_store_idx %arg18[%select_n3A_111], %sub3A_114 masked %ge3A_96 : memref<256xi32, #tpu.memory_space<vmem>>[vector<16xi32>], vector<16xi32>, vector<16xi1>
      tpu.vector_store_idx %arg19[%select_n3A_111], %get3A_62 masked %ge3A_96 : memref<256xi32, #tpu.memory_space<vmem>>[vector<16xi32>], vector<16xi32>, vector<16xi1>
      tpu.vector_store_idx %arg20[%select_n3A_111], %add3A_66 masked %ge3A_96 : memref<256xi32, #tpu.memory_space<vmem>>[vector<16xi32>], vector<16xi32>, vector<16xi1>
      %broadcast_in_dim3A_115 = arith.constant 15 : i32
      %broadcast_in_dim3A_116 = vector.broadcast %broadcast_in_dim3A_115 : i32 to vector<16x1xi32>
      %gather3A_117 = vector.shape_cast %broadcast_in_dim3A_116 : vector<16x1xi32> to vector<16xi32>
      %gather3A_118 = tpu.dynamic_gather %masked_cumsum3A_104[%gather3A_117] in [0] : vector<16xi32>, vector<16xi32> -> vector<16xi32>
      %add3A_119 = arith.addi %add3A_58, %gather3A_118 : vector<16xi32>
      %get3A_120 = arith.constant 32 : index
      %get3A_121 = tpu.vector_load %arg13[%get3A_120] {strides = array<i32>} : memref<256xi32, #tpu.memory_space<vmem>>, vector<16xi32>,
      %get3A_122 = arith.constant 32 : index
      %get3A_123 = tpu.vector_load %arg14[%get3A_122] {strides = array<i32>} : memref<256xi32, #tpu.memory_space<vmem>>, vector<16xi32>,
      %iota3A_124 = tpu.iota {dimensions = array<i32: 0>} : vector<16xi32>
      %add3A_125 = arith.constant 32 : i32
      %add3A_126 = vector.broadcast %add3A_125 : i32 to vector<16xi32>
      %add3A_127 = arith.addi %iota3A_124, %add3A_126 : vector<16xi32>
      %gt3A_128 = arith.constant 0 : i32
      %gt3A_129 = vector.broadcast %gt3A_128 : i32 to vector<16xi32>
      %gt3A_130 = arith.cmpi sgt, %get3A_121, %gt3A_129 : vector<16xi32>
      %lt3A_131 = arith.constant 30522 : i32
      %lt3A_132 = vector.broadcast %lt3A_131 : i32 to vector<16xi32>
      %lt3A_133 = arith.cmpi slt, %get3A_121, %lt3A_132 : vector<16xi32>
      %and3A_134 = arith.andi %gt3A_130, %lt3A_133 : vector<16xi1>
      %jit3A_135 = arith.constant 1 : i32
      %jit3A_136 = arith.constant 0 : i32
      %broadcast_in_dim3A_137 = vector.broadcast %jit3A_135 : i32 to vector<16xi32>
      %broadcast_in_dim3A_138 = vector.broadcast %jit3A_136 : i32 to vector<16xi32>
      %select_n3A_139 = arith.select %and3A_134, %broadcast_in_dim3A_137, %broadcast_in_dim3A_138 : vector<16xi1>, vector<16xi32>
      %broadcast_in_dim3A_140 = arith.constant true
      %broadcast_in_dim3A_141 = vector.broadcast %broadcast_in_dim3A_140 : i1 to vector<16xi1>
      %masked_cumsum3A_142 = tpu.scan <sum>, %select_n3A_139 masked %broadcast_in_dim3A_141 : vector<16xi32>, vector<16xi1> -> vector<16xi32>
      %add3A_143 = arith.addi %add3A_93, %masked_cumsum3A_142 : vector<16xi32>
      %sub3A_144 = arith.constant 1 : i32
      %sub3A_145 = vector.broadcast %sub3A_144 : i32 to vector<16xi32>
      %sub3A_146 = arith.subi %add3A_143, %sub3A_145 : vector<16xi32>
      %jit3A_147 = arith.constant 0 : i32
      %broadcast_in_dim3A_148 = vector.broadcast %jit3A_147 : i32 to vector<16xi32>
      %select_n3A_149 = arith.select %and3A_134, %sub3A_146, %broadcast_in_dim3A_148 : vector<16xi1>, vector<16xi32>
      tpu.vector_store_idx %arg15[%select_n3A_149], %get3A_121 masked %and3A_134 : memref<256xi32, #tpu.memory_space<vmem>>[vector<16xi32>], vector<16xi32>, vector<16xi1>
      tpu.vector_store_idx %arg16[%select_n3A_149], %get3A_123 masked %and3A_134 : memref<256xi32, #tpu.memory_space<vmem>>[vector<16xi32>], vector<16xi32>, vector<16xi1>
      tpu.vector_store_idx %arg17[%select_n3A_149], %add3A_127 masked %and3A_134 : memref<256xi32, #tpu.memory_space<vmem>>[vector<16xi32>], vector<16xi32>, vector<16xi1>
      %broadcast_in_dim3A_150 = arith.constant 15 : i32
      %broadcast_in_dim3A_151 = vector.broadcast %broadcast_in_dim3A_150 : i32 to vector<16x1xi32>
      %gather3A_152 = vector.shape_cast %broadcast_in_dim3A_151 : vector<16x1xi32> to vector<16xi32>
      %gather3A_153 = tpu.dynamic_gather %masked_cumsum3A_142[%gather3A_152] in [0] : vector<16xi32>, vector<16xi32> -> vector<16xi32>
      %add3A_154 = arith.addi %add3A_93, %gather3A_153 : vector<16xi32>
      %ge3A_155 = arith.constant 30522 : i32
      %ge3A_156 = vector.broadcast %ge3A_155 : i32 to vector<16xi32>
      %ge3A_157 = arith.cmpi sge, %get3A_121, %ge3A_156 : vector<16xi32>
      %jit3A_158 = arith.constant 1 : i32
      %jit3A_159 = arith.constant 0 : i32
      %broadcast_in_dim3A_160 = vector.broadcast %jit3A_158 : i32 to vector<16xi32>
      %broadcast_in_dim3A_161 = vector.broadcast %jit3A_159 : i32 to vector<16xi32>
      %select_n3A_162 = arith.select %ge3A_157, %broadcast_in_dim3A_160, %broadcast_in_dim3A_161 : vector<16xi1>, vector<16xi32>
      %broadcast_in_dim3A_163 = arith.constant true
      %broadcast_in_dim3A_164 = vector.broadcast %broadcast_in_dim3A_163 : i1 to vector<16xi1>
      %masked_cumsum3A_165 = tpu.scan <sum>, %select_n3A_162 masked %broadcast_in_dim3A_164 : vector<16xi32>, vector<16xi1> -> vector<16xi32>
      %add3A_166 = arith.addi %add3A_119, %masked_cumsum3A_165 : vector<16xi32>
      %sub3A_167 = arith.constant 1 : i32
      %sub3A_168 = vector.broadcast %sub3A_167 : i32 to vector<16xi32>
      %sub3A_169 = arith.subi %add3A_166, %sub3A_168 : vector<16xi32>
      %jit3A_170 = arith.constant 0 : i32
      %broadcast_in_dim3A_171 = vector.broadcast %jit3A_170 : i32 to vector<16xi32>
      %select_n3A_172 = arith.select %ge3A_157, %sub3A_169, %broadcast_in_dim3A_171 : vector<16xi1>, vector<16xi32>
      %sub3A_173 = arith.constant 30522 : i32
      %sub3A_174 = vector.broadcast %sub3A_173 : i32 to vector<16xi32>
      %sub3A_175 = arith.subi %get3A_121, %sub3A_174 : vector<16xi32>
      tpu.vector_store_idx %arg18[%select_n3A_172], %sub3A_175 masked %ge3A_157 : memref<256xi32, #tpu.memory_space<vmem>>[vector<16xi32>], vector<16xi32>, vector<16xi1>
      tpu.vector_store_idx %arg19[%select_n3A_172], %get3A_123 masked %ge3A_157 : memref<256xi32, #tpu.memory_space<vmem>>[vector<16xi32>], vector<16xi32>, vector<16xi1>
      tpu.vector_store_idx %arg20[%select_n3A_172], %add3A_127 masked %ge3A_157 : memref<256xi32, #tpu.memory_space<vmem>>[vector<16xi32>], vector<16xi32>, vector<16xi1>
      %broadcast_in_dim3A_176 = arith.constant 15 : i32
      %broadcast_in_dim3A_177 = vector.broadcast %broadcast_in_dim3A_176 : i32 to vector<16x1xi32>
      %gather3A_178 = vector.shape_cast %broadcast_in_dim3A_177 : vector<16x1xi32> to vector<16xi32>
      %gather3A_179 = tpu.dynamic_gather %masked_cumsum3A_165[%gather3A_178] in [0] : vector<16xi32>, vector<16xi32> -> vector<16xi32>
      %add3A_180 = arith.addi %add3A_119, %gather3A_179 : vector<16xi32>
      %get3A_181 = arith.constant 48 : index
      %get3A_182 = tpu.vector_load %arg13[%get3A_181] {strides = array<i32>} : memref<256xi32, #tpu.memory_space<vmem>>, vector<16xi32>,
      %get3A_183 = arith.constant 48 : index
      %get3A_184 = tpu.vector_load %arg14[%get3A_183] {strides = array<i32>} : memref<256xi32, #tpu.memory_space<vmem>>, vector<16xi32>,
      %iota3A_185 = tpu.iota {dimensions = array<i32: 0>} : vector<16xi32>
      %add3A_186 = arith.constant 48 : i32
      %add3A_187 = vector.broadcast %add3A_186 : i32 to vector<16xi32>
      %add3A_188 = arith.addi %iota3A_185, %add3A_187 : vector<16xi32>
      %gt3A_189 = arith.constant 0 : i32
      %gt3A_190 = vector.broadcast %gt3A_189 : i32 to vector<16xi32>
      %gt3A_191 = arith.cmpi sgt, %get3A_182, %gt3A_190 : vector<16xi32>
      %lt3A_192 = arith.constant 30522 : i32
      %lt3A_193 = vector.broadcast %lt3A_192 : i32 to vector<16xi32>
      %lt3A_194 = arith.cmpi slt, %get3A_182, %lt3A_193 : vector<16xi32>
      %and3A_195 = arith.andi %gt3A_191, %lt3A_194 : vector<16xi1>
      %jit3A_196 = arith.constant 1 : i32
      %jit3A_197 = arith.constant 0 : i32
      %broadcast_in_dim3A_198 = vector.broadcast %jit3A_196 : i32 to vector<16xi32>
      %broadcast_in_dim3A_199 = vector.broadcast %jit3A_197 : i32 to vector<16xi32>
      %select_n3A_200 = arith.select %and3A_195, %broadcast_in_dim3A_198, %broadcast_in_dim3A_199 : vector<16xi1>, vector<16xi32>
      %broadcast_in_dim3A_201 = arith.constant true
      %broadcast_in_dim3A_202 = vector.broadcast %broadcast_in_dim3A_201 : i1 to vector<16xi1>
      %masked_cumsum3A_203 = tpu.scan <sum>, %select_n3A_200 masked %broadcast_in_dim3A_202 : vector<16xi32>, vector<16xi1> -> vector<16xi32>
      %add3A_204 = arith.addi %add3A_154, %masked_cumsum3A_203 : vector<16xi32>
      %sub3A_205 = arith.constant 1 : i32
      %sub3A_206 = vector.broadcast %sub3A_205 : i32 to vector<16xi32>
      %sub3A_207 = arith.subi %add3A_204, %sub3A_206 : vector<16xi32>
      %jit3A_208 = arith.constant 0 : i32
      %broadcast_in_dim3A_209 = vector.broadcast %jit3A_208 : i32 to vector<16xi32>
      %select_n3A_210 = arith.select %and3A_195, %sub3A_207, %broadcast_in_dim3A_209 : vector<16xi1>, vector<16xi32>
      tpu.vector_store_idx %arg15[%select_n3A_210], %get3A_182 masked %and3A_195 : memref<256xi32, #tpu.memory_space<vmem>>[vector<16xi32>], vector<16xi32>, vector<16xi1>
      tpu.vector_store_idx %arg16[%select_n3A_210], %get3A_184 masked %and3A_195 : memref<256xi32, #tpu.memory_space<vmem>>[vector<16xi32>], vector<16xi32>, vector<16xi1>
      tpu.vector_store_idx %arg17[%select_n3A_210], %add3A_188 masked %and3A_195 : memref<256xi32, #tpu.memory_space<vmem>>[vector<16xi32>], vector<16xi32>, vector<16xi1>
      %broadcast_in_dim3A_211 = arith.constant 15 : i32
      %broadcast_in_dim3A_212 = vector.broadcast %broadcast_in_dim3A_211 : i32 to vector<16x1xi32>
      %gather3A_213 = vector.shape_cast %broadcast_in_dim3A_212 : vector<16x1xi32> to vector<16xi32>
      %gather3A_214 = tpu.dynamic_gather %masked_cumsum3A_203[%gather3A_213] in [0] : vector<16xi32>, vector<16xi32> -> vector<16xi32>
      %add3A_215 = arith.addi %add3A_154, %gather3A_214 : vector<16xi32>
      %ge3A_216 = arith.constant 30522 : i32
      %ge3A_217 = vector.broadcast %ge3A_216 : i32 to vector<16xi32>
      %ge3A_218 = arith.cmpi sge, %get3A_182, %ge3A_217 : vector<16xi32>
      %jit3A_219 = arith.constant 1 : i32
      %jit3A_220 = arith.constant 0 : i32
      %broadcast_in_dim3A_221 = vector.broadcast %jit3A_219 : i32 to vector<16xi32>
      %broadcast_in_dim3A_222 = vector.broadcast %jit3A_220 : i32 to vector<16xi32>
      %select_n3A_223 = arith.select %ge3A_218, %broadcast_in_dim3A_221, %broadcast_in_dim3A_222 : vector<16xi1>, vector<16xi32>
      %broadcast_in_dim3A_224 = arith.constant true
      %broadcast_in_dim3A_225 = vector.broadcast %broadcast_in_dim3A_224 : i1 to vector<16xi1>
      %masked_cumsum3A_226 = tpu.scan <sum>, %select_n3A_223 masked %broadcast_in_dim3A_225 : vector<16xi32>, vector<16xi1> -> vector<16xi32>
      %add3A_227 = arith.addi %add3A_180, %masked_cumsum3A_226 : vector<16xi32>
      %sub3A_228 = arith.constant 1 : i32
      %sub3A_229 = vector.broadcast %sub3A_228 : i32 to vector<16xi32>
      %sub3A_230 = arith.subi %add3A_227, %sub3A_229 : vector<16xi32>
      %jit3A_231 = arith.constant 0 : i32
      %broadcast_in_dim3A_232 = vector.broadcast %jit3A_231 : i32 to vector<16xi32>
      %select_n3A_233 = arith.select %ge3A_218, %sub3A_230, %broadcast_in_dim3A_232 : vector<16xi1>, vector<16xi32>
      %sub3A_234 = arith.constant 30522 : i32
      %sub3A_235 = vector.broadcast %sub3A_234 : i32 to vector<16xi32>
      %sub3A_236 = arith.subi %get3A_182, %sub3A_235 : vector<16xi32>
      tpu.vector_store_idx %arg18[%select_n3A_233], %sub3A_236 masked %ge3A_218 : memref<256xi32, #tpu.memory_space<vmem>>[vector<16xi32>], vector<16xi32>, vector<16xi1>
      tpu.vector_store_idx %arg19[%select_n3A_233], %get3A_184 masked %ge3A_218 : memref<256xi32, #tpu.memory_space<vmem>>[vector<16xi32>], vector<16xi32>, vector<16xi1>
      tpu.vector_store_idx %arg20[%select_n3A_233], %add3A_188 masked %ge3A_218 : memref<256xi32, #tpu.memory_space<vmem>>[vector<16xi32>], vector<16xi32>, vector<16xi1>
      %broadcast_in_dim3A_237 = arith.constant 15 : i32
      %broadcast_in_dim3A_238 = vector.broadcast %broadcast_in_dim3A_237 : i32 to vector<16x1xi32>
      %gather3A_239 = vector.shape_cast %broadcast_in_dim3A_238 : vector<16x1xi32> to vector<16xi32>
      %gather3A_240 = tpu.dynamic_gather %masked_cumsum3A_226[%gather3A_239] in [0] : vector<16xi32>, vector<16xi32> -> vector<16xi32>
      %add3A_241 = arith.addi %add3A_180, %gather3A_240 : vector<16xi32>
      %get3A_242 = arith.constant 64 : index
      %get3A_243 = tpu.vector_load %arg13[%get3A_242] {strides = array<i32>} : memref<256xi32, #tpu.memory_space<vmem>>, vector<16xi32>,
      %get3A_244 = arith.constant 64 : index
      %get3A_245 = tpu.vector_load %arg14[%get3A_244] {strides = array<i32>} : memref<256xi32, #tpu.memory_space<vmem>>, vector<16xi32>,
      %iota3A_246 = tpu.iota {dimensions = array<i32: 0>} : vector<16xi32>
      %add3A_247 = arith.constant 64 : i32
      %add3A_248 = vector.broadcast %add3A_247 : i32 to vector<16xi32>
      %add3A_249 = arith.addi %iota3A_246, %add3A_248 : vector<16xi32>
      %gt3A_250 = arith.constant 0 : i32
      %gt3A_251 = vector.broadcast %gt3A_250 : i32 to vector<16xi32>
      %gt3A_252 = arith.cmpi sgt, %get3A_243, %gt3A_251 : vector<16xi32>
      %lt3A_253 = arith.constant 30522 : i32
      %lt3A_254 = vector.broadcast %lt3A_253 : i32 to vector<16xi32>
      %lt3A_255 = arith.cmpi slt, %get3A_243, %lt3A_254 : vector<16xi32>
      %and3A_256 = arith.andi %gt3A_252, %lt3A_255 : vector<16xi1>
      %jit3A_257 = arith.constant 1 : i32
      %jit3A_258 = arith.constant 0 : i32
      %broadcast_in_dim3A_259 = vector.broadcast %jit3A_257 : i32 to vector<16xi32>
      %broadcast_in_dim3A_260 = vector.broadcast %jit3A_258 : i32 to vector<16xi32>
      %select_n3A_261 = arith.select %and3A_256, %broadcast_in_dim3A_259, %broadcast_in_dim3A_260 : vector<16xi1>, vector<16xi32>
      %broadcast_in_dim3A_262 = arith.constant true
      %broadcast_in_dim3A_263 = vector.broadcast %broadcast_in_dim3A_262 : i1 to vector<16xi1>
      %masked_cumsum3A_264 = tpu.scan <sum>, %select_n3A_261 masked %broadcast_in_dim3A_263 : vector<16xi32>, vector<16xi1> -> vector<16xi32>
      %add3A_265 = arith.addi %add3A_215, %masked_cumsum3A_264 : vector<16xi32>
      %sub3A_266 = arith.constant 1 : i32
      %sub3A_267 = vector.broadcast %sub3A_266 : i32 to vector<16xi32>
      %sub3A_268 = arith.subi %add3A_265, %sub3A_267 : vector<16xi32>
      %jit3A_269 = arith.constant 0 : i32
      %broadcast_in_dim3A_270 = vector.broadcast %jit3A_269 : i32 to vector<16xi32>
      %select_n3A_271 = arith.select %and3A_256, %sub3A_268, %broadcast_in_dim3A_270 : vector<16xi1>, vector<16xi32>
      tpu.vector_store_idx %arg15[%select_n3A_271], %get3A_243 masked %and3A_256 : memref<256xi32, #tpu.memory_space<vmem>>[vector<16xi32>], vector<16xi32>, vector<16xi1>
      tpu.vector_store_idx %arg16[%select_n3A_271], %get3A_245 masked %and3A_256 : memref<256xi32, #tpu.memory_space<vmem>>[vector<16xi32>], vector<16xi32>, vector<16xi1>
      tpu.vector_store_idx %arg17[%select_n3A_271], %add3A_249 masked %and3A_256 : memref<256xi32, #tpu.memory_space<vmem>>[vector<16xi32>], vector<16xi32>, vector<16xi1>
      %broadcast_in_dim3A_272 = arith.constant 15 : i32
      %broadcast_in_dim3A_273 = vector.broadcast %broadcast_in_dim3A_272 : i32 to vector<16x1xi32>
      %gather3A_274 = vector.shape_cast %broadcast_in_dim3A_273 : vector<16x1xi32> to vector<16xi32>
      %gather3A_275 = tpu.dynamic_gather %masked_cumsum3A_264[%gather3A_274] in [0] : vector<16xi32>, vector<16xi32> -> vector<16xi32>
      %add3A_276 = arith.addi %add3A_215, %gather3A_275 : vector<16xi32>
      %ge3A_277 = arith.constant 30522 : i32
      %ge3A_278 = vector.broadcast %ge3A_277 : i32 to vector<16xi32>
      %ge3A_279 = arith.cmpi sge, %get3A_243, %ge3A_278 : vector<16xi32>
      %jit3A_280 = arith.constant 1 : i32
      %jit3A_281 = arith.constant 0 : i32
      %broadcast_in_dim3A_282 = vector.broadcast %jit3A_280 : i32 to vector<16xi32>
      %broadcast_in_dim3A_283 = vector.broadcast %jit3A_281 : i32 to vector<16xi32>
      %select_n3A_284 = arith.select %ge3A_279, %broadcast_in_dim3A_282, %broadcast_in_dim3A_283 : vector<16xi1>, vector<16xi32>
      %broadcast_in_dim3A_285 = arith.constant true
      %broadcast_in_dim3A_286 = vector.broadcast %broadcast_in_dim3A_285 : i1 to vector<16xi1>
      %masked_cumsum3A_287 = tpu.scan <sum>, %select_n3A_284 masked %broadcast_in_dim3A_286 : vector<16xi32>, vector<16xi1> -> vector<16xi32>
      %add3A_288 = arith.addi %add3A_241, %masked_cumsum3A_287 : vector<16xi32>
      %sub3A_289 = arith.constant 1 : i32
      %sub3A_290 = vector.broadcast %sub3A_289 : i32 to vector<16xi32>
      %sub3A_291 = arith.subi %add3A_288, %sub3A_290 : vector<16xi32>
      %jit3A_292 = arith.constant 0 : i32
      %broadcast_in_dim3A_293 = vector.broadcast %jit3A_292 : i32 to vector<16xi32>
      %select_n3A_294 = arith.select %ge3A_279, %sub3A_291, %broadcast_in_dim3A_293 : vector<16xi1>, vector<16xi32>
      %sub3A_295 = arith.constant 30522 : i32
      %sub3A_296 = vector.broadcast %sub3A_295 : i32 to vector<16xi32>
      %sub3A_297 = arith.subi %get3A_243, %sub3A_296 : vector<16xi32>
      tpu.vector_store_idx %arg18[%select_n3A_294], %sub3A_297 masked %ge3A_279 : memref<256xi32, #tpu.memory_space<vmem>>[vector<16xi32>], vector<16xi32>, vector<16xi1>
      tpu.vector_store_idx %arg19[%select_n3A_294], %get3A_245 masked %ge3A_279 : memref<256xi32, #tpu.memory_space<vmem>>[vector<16xi32>], vector<16xi32>, vector<16xi1>
      tpu.vector_store_idx %arg20[%select_n3A_294], %add3A_249 masked %ge3A_279 : memref<256xi32, #tpu.memory_space<vmem>>[vector<16xi32>], vector<16xi32>, vector<16xi1>
      %broadcast_in_dim3A_298 = arith.constant 15 : i32
      %broadcast_in_dim3A_299 = vector.broadcast %broadcast_in_dim3A_298 : i32 to vector<16x1xi32>
      %gather3A_300 = vector.shape_cast %broadcast_in_dim3A_299 : vector<16x1xi32> to vector<16xi32>
      %gather3A_301 = tpu.dynamic_gather %masked_cumsum3A_287[%gather3A_300] in [0] : vector<16xi32>, vector<16xi32> -> vector<16xi32>
      %add3A_302 = arith.addi %add3A_241, %gather3A_301 : vector<16xi32>
      %get3A_303 = arith.constant 80 : index
      %get3A_304 = tpu.vector_load %arg13[%get3A_303] {strides = array<i32>} : memref<256xi32, #tpu.memory_space<vmem>>, vector<16xi32>,
      %get3A_305 = arith.constant 80 : index
      %get3A_306 = tpu.vector_load %arg14[%get3A_305] {strides = array<i32>} : memref<256xi32, #tpu.memory_space<vmem>>, vector<16xi32>,
      %iota3A_307 = tpu.iota {dimensions = array<i32: 0>} : vector<16xi32>
      %add3A_308 = arith.constant 80 : i32
      %add3A_309 = vector.broadcast %add3A_308 : i32 to vector<16xi32>
      %add3A_310 = arith.addi %iota3A_307, %add3A_309 : vector<16xi32>
      %gt3A_311 = arith.constant 0 : i32
      %gt3A_312 = vector.broadcast %gt3A_311 : i32 to vector<16xi32>
      %gt3A_313 = arith.cmpi sgt, %get3A_304, %gt3A_312 : vector<16xi32>
      %lt3A_314 = arith.constant 30522 : i32
      %lt3A_315 = vector.broadcast %lt3A_314 : i32 to vector<16xi32>
      %lt3A_316 = arith.cmpi slt, %get3A_304, %lt3A_315 : vector<16xi32>
      %and3A_317 = arith.andi %gt3A_313, %lt3A_316 : vector<16xi1>
      %jit3A_318 = arith.constant 1 : i32
      %jit3A_319 = arith.constant 0 : i32
      %broadcast_in_dim3A_320 = vector.broadcast %jit3A_318 : i32 to vector<16xi32>
      %broadcast_in_dim3A_321 = vector.broadcast %jit3A_319 : i32 to vector<16xi32>
      %select_n3A_322 = arith.select %and3A_317, %broadcast_in_dim3A_320, %broadcast_in_dim3A_321 : vector<16xi1>, vector<16xi32>
      %broadcast_in_dim3A_323 = arith.constant true
      %broadcast_in_dim3A_324 = vector.broadcast %broadcast_in_dim3A_323 : i1 to vector<16xi1>
      %masked_cumsum3A_325 = tpu.scan <sum>, %select_n3A_322 masked %broadcast_in_dim3A_324 : vector<16xi32>, vector<16xi1> -> vector<16xi32>
      %add3A_326 = arith.addi %add3A_276, %masked_cumsum3A_325 : vector<16xi32>
      %sub3A_327 = arith.constant 1 : i32
      %sub3A_328 = vector.broadcast %sub3A_327 : i32 to vector<16xi32>
      %sub3A_329 = arith.subi %add3A_326, %sub3A_328 : vector<16xi32>
      %jit3A_330 = arith.constant 0 : i32
      %broadcast_in_dim3A_331 = vector.broadcast %jit3A_330 : i32 to vector<16xi32>
      %select_n3A_332 = arith.select %and3A_317, %sub3A_329, %broadcast_in_dim3A_331 : vector<16xi1>, vector<16xi32>
      tpu.vector_store_idx %arg15[%select_n3A_332], %get3A_304 masked %and3A_317 : memref<256xi32, #tpu.memory_space<vmem>>[vector<16xi32>], vector<16xi32>, vector<16xi1>
      tpu.vector_store_idx %arg16[%select_n3A_332], %get3A_306 masked %and3A_317 : memref<256xi32, #tpu.memory_space<vmem>>[vector<16xi32>], vector<16xi32>, vector<16xi1>
      tpu.vector_store_idx %arg17[%select_n3A_332], %add3A_310 masked %and3A_317 : memref<256xi32, #tpu.memory_space<vmem>>[vector<16xi32>], vector<16xi32>, vector<16xi1>
      %broadcast_in_dim3A_333 = arith.constant 15 : i32
      %broadcast_in_dim3A_334 = vector.broadcast %broadcast_in_dim3A_333 : i32 to vector<16x1xi32>
      %gather3A_335 = vector.shape_cast %broadcast_in_dim3A_334 : vector<16x1xi32> to vector<16xi32>
      %gather3A_336 = tpu.dynamic_gather %masked_cumsum3A_325[%gather3A_335] in [0] : vector<16xi32>, vector<16xi32> -> vector<16xi32>
      %add3A_337 = arith.addi %add3A_276, %gather3A_336 : vector<16xi32>
      %ge3A_338 = arith.constant 30522 : i32
      %ge3A_339 = vector.broadcast %ge3A_338 : i32 to vector<16xi32>
      %ge3A_340 = arith.cmpi sge, %get3A_304, %ge3A_339 : vector<16xi32>
      %jit3A_341 = arith.constant 1 : i32
      %jit3A_342 = arith.constant 0 : i32
      %broadcast_in_dim3A_343 = vector.broadcast %jit3A_341 : i32 to vector<16xi32>
      %broadcast_in_dim3A_344 = vector.broadcast %jit3A_342 : i32 to vector<16xi32>
      %select_n3A_345 = arith.select %ge3A_340, %broadcast_in_dim3A_343, %broadcast_in_dim3A_344 : vector<16xi1>, vector<16xi32>
      %broadcast_in_dim3A_346 = arith.constant true
      %broadcast_in_dim3A_347 = vector.broadcast %broadcast_in_dim3A_346 : i1 to vector<16xi1>
      %masked_cumsum3A_348 = tpu.scan <sum>, %select_n3A_345 masked %broadcast_in_dim3A_347 : vector<16xi32>, vector<16xi1> -> vector<16xi32>
      %add3A_349 = arith.addi %add3A_302, %masked_cumsum3A_348 : vector<16xi32>
      %sub3A_350 = arith.constant 1 : i32
      %sub3A_351 = vector.broadcast %sub3A_350 : i32 to vector<16xi32>
      %sub3A_352 = arith.subi %add3A_349, %sub3A_351 : vector<16xi32>
      %jit3A_353 = arith.constant 0 : i32
      %broadcast_in_dim3A_354 = vector.broadcast %jit3A_353 : i32 to vector<16xi32>
      %select_n3A_355 = arith.select %ge3A_340, %sub3A_352, %broadcast_in_dim3A_354 : vector<16xi1>, vector<16xi32>
      %sub3A_356 = arith.constant 30522 : i32
      %sub3A_357 = vector.broadcast %sub3A_356 : i32 to vector<16xi32>
      %sub3A_358 = arith.subi %get3A_304, %sub3A_357 : vector<16xi32>
      tpu.vector_store_idx %arg18[%select_n3A_355], %sub3A_358 masked %ge3A_340 : memref<256xi32, #tpu.memory_space<vmem>>[vector<16xi32>], vector<16xi32>, vector<16xi1>
      tpu.vector_store_idx %arg19[%select_n3A_355], %get3A_306 masked %ge3A_340 : memref<256xi32, #tpu.memory_space<vmem>>[vector<16xi32>], vector<16xi32>, vector<16xi1>
      tpu.vector_store_idx %arg20[%select_n3A_355], %add3A_310 masked %ge3A_340 : memref<256xi32, #tpu.memory_space<vmem>>[vector<16xi32>], vector<16xi32>, vector<16xi1>
      %broadcast_in_dim3A_359 = arith.constant 15 : i32
      %broadcast_in_dim3A_360 = vector.broadcast %broadcast_in_dim3A_359 : i32 to vector<16x1xi32>
      %gather3A_361 = vector.shape_cast %broadcast_in_dim3A_360 : vector<16x1xi32> to vector<16xi32>
      %gather3A_362 = tpu.dynamic_gather %masked_cumsum3A_348[%gather3A_361] in [0] : vector<16xi32>, vector<16xi32> -> vector<16xi32>
      %add3A_363 = arith.addi %add3A_302, %gather3A_362 : vector<16xi32>
      %get3A_364 = arith.constant 96 : index
      %get3A_365 = tpu.vector_load %arg13[%get3A_364] {strides = array<i32>} : memref<256xi32, #tpu.memory_space<vmem>>, vector<16xi32>,
      %get3A_366 = arith.constant 96 : index
      %get3A_367 = tpu.vector_load %arg14[%get3A_366] {strides = array<i32>} : memref<256xi32, #tpu.memory_space<vmem>>, vector<16xi32>,
      %iota3A_368 = tpu.iota {dimensions = array<i32: 0>} : vector<16xi32>
      %add3A_369 = arith.constant 96 : i32
      %add3A_370 = vector.broadcast %add3A_369 : i32 to vector<16xi32>
      %add3A_371 = arith.addi %iota3A_368, %add3A_370 : vector<16xi32>
      %gt3A_372 = arith.constant 0 : i32
      %gt3A_373 = vector.broadcast %gt3A_372 : i32 to vector<16xi32>
      %gt3A_374 = arith.cmpi sgt, %get3A_365, %gt3A_373 : vector<16xi32>
      %lt3A_375 = arith.constant 30522 : i32
      %lt3A_376 = vector.broadcast %lt3A_375 : i32 to vector<16xi32>
      %lt3A_377 = arith.cmpi slt, %get3A_365, %lt3A_376 : vector<16xi32>
      %and3A_378 = arith.andi %gt3A_374, %lt3A_377 : vector<16xi1>
      %jit3A_379 = arith.constant 1 : i32
      %jit3A_380 = arith.constant 0 : i32
      %broadcast_in_dim3A_381 = vector.broadcast %jit3A_379 : i32 to vector<16xi32>
      %broadcast_in_dim3A_382 = vector.broadcast %jit3A_380 : i32 to vector<16xi32>
      %select_n3A_383 = arith.select %and3A_378, %broadcast_in_dim3A_381, %broadcast_in_dim3A_382 : vector<16xi1>, vector<16xi32>
      %broadcast_in_dim3A_384 = arith.constant true
      %broadcast_in_dim3A_385 = vector.broadcast %broadcast_in_dim3A_384 : i1 to vector<16xi1>
      %masked_cumsum3A_386 = tpu.scan <sum>, %select_n3A_383 masked %broadcast_in_dim3A_385 : vector<16xi32>, vector<16xi1> -> vector<16xi32>
      %add3A_387 = arith.addi %add3A_337, %masked_cumsum3A_386 : vector<16xi32>
      %sub3A_388 = arith.constant 1 : i32
      %sub3A_389 = vector.broadcast %sub3A_388 : i32 to vector<16xi32>
      %sub3A_390 = arith.subi %add3A_387, %sub3A_389 : vector<16xi32>
      %jit3A_391 = arith.constant 0 : i32
      %broadcast_in_dim3A_392 = vector.broadcast %jit3A_391 : i32 to vector<16xi32>
      %select_n3A_393 = arith.select %and3A_378, %sub3A_390, %broadcast_in_dim3A_392 : vector<16xi1>, vector<16xi32>
      tpu.vector_store_idx %arg15[%select_n3A_393], %get3A_365 masked %and3A_378 : memref<256xi32, #tpu.memory_space<vmem>>[vector<16xi32>], vector<16xi32>, vector<16xi1>
      tpu.vector_store_idx %arg16[%select_n3A_393], %get3A_367 masked %and3A_378 : memref<256xi32, #tpu.memory_space<vmem>>[vector<16xi32>], vector<16xi32>, vector<16xi1>
      tpu.vector_store_idx %arg17[%select_n3A_393], %add3A_371 masked %and3A_378 : memref<256xi32, #tpu.memory_space<vmem>>[vector<16xi32>], vector<16xi32>, vector<16xi1>
      %broadcast_in_dim3A_394 = arith.constant 15 : i32
      %broadcast_in_dim3A_395 = vector.broadcast %broadcast_in_dim3A_394 : i32 to vector<16x1xi32>
      %gather3A_396 = vector.shape_cast %broadcast_in_dim3A_395 : vector<16x1xi32> to vector<16xi32>
      %gather3A_397 = tpu.dynamic_gather %masked_cumsum3A_386[%gather3A_396] in [0] : vector<16xi32>, vector<16xi32> -> vector<16xi32>
      %add3A_398 = arith.addi %add3A_337, %gather3A_397 : vector<16xi32>
      %ge3A_399 = arith.constant 30522 : i32
      %ge3A_400 = vector.broadcast %ge3A_399 : i32 to vector<16xi32>
      %ge3A_401 = arith.cmpi sge, %get3A_365, %ge3A_400 : vector<16xi32>
      %jit3A_402 = arith.constant 1 : i32
      %jit3A_403 = arith.constant 0 : i32
      %broadcast_in_dim3A_404 = vector.broadcast %jit3A_402 : i32 to vector<16xi32>
      %broadcast_in_dim3A_405 = vector.broadcast %jit3A_403 : i32 to vector<16xi32>
      %select_n3A_406 = arith.select %ge3A_401, %broadcast_in_dim3A_404, %broadcast_in_dim3A_405 : vector<16xi1>, vector<16xi32>
      %broadcast_in_dim3A_407 = arith.constant true
      %broadcast_in_dim3A_408 = vector.broadcast %broadcast_in_dim3A_407 : i1 to vector<16xi1>
      %masked_cumsum3A_409 = tpu.scan <sum>, %select_n3A_406 masked %broadcast_in_dim3A_408 : vector<16xi32>, vector<16xi1> -> vector<16xi32>
      %add3A_410 = arith.addi %add3A_363, %masked_cumsum3A_409 : vector<16xi32>
      %sub3A_411 = arith.constant 1 : i32
      %sub3A_412 = vector.broadcast %sub3A_411 : i32 to vector<16xi32>
      %sub3A_413 = arith.subi %add3A_410, %sub3A_412 : vector<16xi32>
      %jit3A_414 = arith.constant 0 : i32
      %broadcast_in_dim3A_415 = vector.broadcast %jit3A_414 : i32 to vector<16xi32>
      %select_n3A_416 = arith.select %ge3A_401, %sub3A_413, %broadcast_in_dim3A_415 : vector<16xi1>, vector<16xi32>
      %sub3A_417 = arith.constant 30522 : i32
      %sub3A_418 = vector.broadcast %sub3A_417 : i32 to vector<16xi32>
      %sub3A_419 = arith.subi %get3A_365, %sub3A_418 : vector<16xi32>
      tpu.vector_store_idx %arg18[%select_n3A_416], %sub3A_419 masked %ge3A_401 : memref<256xi32, #tpu.memory_space<vmem>>[vector<16xi32>], vector<16xi32>, vector<16xi1>
      tpu.vector_store_idx %arg19[%select_n3A_416], %get3A_367 masked %ge3A_401 : memref<256xi32, #tpu.memory_space<vmem>>[vector<16xi32>], vector<16xi32>, vector<16xi1>
      tpu.vector_store_idx %arg20[%select_n3A_416], %add3A_371 masked %ge3A_401 : memref<256xi32, #tpu.memory_space<vmem>>[vector<16xi32>], vector<16xi32>, vector<16xi1>
      %broadcast_in_dim3A_420 = arith.constant 15 : i32
      %broadcast_in_dim3A_421 = vector.broadcast %broadcast_in_dim3A_420 : i32 to vector<16x1xi32>
      %gather3A_422 = vector.shape_cast %broadcast_in_dim3A_421 : vector<16x1xi32> to vector<16xi32>
      %gather3A_423 = tpu.dynamic_gather %masked_cumsum3A_409[%gather3A_422] in [0] : vector<16xi32>, vector<16xi32> -> vector<16xi32>
      %add3A_424 = arith.addi %add3A_363, %gather3A_423 : vector<16xi32>
      %get3A_425 = arith.constant 112 : index
      %get3A_426 = tpu.vector_load %arg13[%get3A_425] {strides = array<i32>} : memref<256xi32, #tpu.memory_space<vmem>>, vector<16xi32>,
      %get3A_427 = arith.constant 112 : index
      %get3A_428 = tpu.vector_load %arg14[%get3A_427] {strides = array<i32>} : memref<256xi32, #tpu.memory_space<vmem>>, vector<16xi32>,
      %iota3A_429 = tpu.iota {dimensions = array<i32: 0>} : vector<16xi32>
      %add3A_430 = arith.constant 112 : i32
      %add3A_431 = vector.broadcast %add3A_430 : i32 to vector<16xi32>
      %add3A_432 = arith.addi %iota3A_429, %add3A_431 : vector<16xi32>
      %gt3A_433 = arith.constant 0 : i32
      %gt3A_434 = vector.broadcast %gt3A_433 : i32 to vector<16xi32>
      %gt3A_435 = arith.cmpi sgt, %get3A_426, %gt3A_434 : vector<16xi32>
      %lt3A_436 = arith.constant 30522 : i32
      %lt3A_437 = vector.broadcast %lt3A_436 : i32 to vector<16xi32>
      %lt3A_438 = arith.cmpi slt, %get3A_426, %lt3A_437 : vector<16xi32>
      %and3A_439 = arith.andi %gt3A_435, %lt3A_438 : vector<16xi1>
      %jit3A_440 = arith.constant 1 : i32
      %jit3A_441 = arith.constant 0 : i32
      %broadcast_in_dim3A_442 = vector.broadcast %jit3A_440 : i32 to vector<16xi32>
      %broadcast_in_dim3A_443 = vector.broadcast %jit3A_441 : i32 to vector<16xi32>
      %select_n3A_444 = arith.select %and3A_439, %broadcast_in_dim3A_442, %broadcast_in_dim3A_443 : vector<16xi1>, vector<16xi32>
      %broadcast_in_dim3A_445 = arith.constant true
      %broadcast_in_dim3A_446 = vector.broadcast %broadcast_in_dim3A_445 : i1 to vector<16xi1>
      %masked_cumsum3A_447 = tpu.scan <sum>, %select_n3A_444 masked %broadcast_in_dim3A_446 : vector<16xi32>, vector<16xi1> -> vector<16xi32>
      %add3A_448 = arith.addi %add3A_398, %masked_cumsum3A_447 : vector<16xi32>
      %sub3A_449 = arith.constant 1 : i32
      %sub3A_450 = vector.broadcast %sub3A_449 : i32 to vector<16xi32>
      %sub3A_451 = arith.subi %add3A_448, %sub3A_450 : vector<16xi32>
      %jit3A_452 = arith.constant 0 : i32
      %broadcast_in_dim3A_453 = vector.broadcast %jit3A_452 : i32 to vector<16xi32>
      %select_n3A_454 = arith.select %and3A_439, %sub3A_451, %broadcast_in_dim3A_453 : vector<16xi1>, vector<16xi32>
      tpu.vector_store_idx %arg15[%select_n3A_454], %get3A_426 masked %and3A_439 : memref<256xi32, #tpu.memory_space<vmem>>[vector<16xi32>], vector<16xi32>, vector<16xi1>
      tpu.vector_store_idx %arg16[%select_n3A_454], %get3A_428 masked %and3A_439 : memref<256xi32, #tpu.memory_space<vmem>>[vector<16xi32>], vector<16xi32>, vector<16xi1>
      tpu.vector_store_idx %arg17[%select_n3A_454], %add3A_432 masked %and3A_439 : memref<256xi32, #tpu.memory_space<vmem>>[vector<16xi32>], vector<16xi32>, vector<16xi1>
      %broadcast_in_dim3A_455 = arith.constant 15 : i32
      %broadcast_in_dim3A_456 = vector.broadcast %broadcast_in_dim3A_455 : i32 to vector<16x1xi32>
      %gather3A_457 = vector.shape_cast %broadcast_in_dim3A_456 : vector<16x1xi32> to vector<16xi32>
      %gather3A_458 = tpu.dynamic_gather %masked_cumsum3A_447[%gather3A_457] in [0] : vector<16xi32>, vector<16xi32> -> vector<16xi32>
      %add3A_459 = arith.addi %add3A_398, %gather3A_458 : vector<16xi32>
      %ge3A_460 = arith.constant 30522 : i32
      %ge3A_461 = vector.broadcast %ge3A_460 : i32 to vector<16xi32>
      %ge3A_462 = arith.cmpi sge, %get3A_426, %ge3A_461 : vector<16xi32>
      %jit3A_463 = arith.constant 1 : i32
      %jit3A_464 = arith.constant 0 : i32
      %broadcast_in_dim3A_465 = vector.broadcast %jit3A_463 : i32 to vector<16xi32>
      %broadcast_in_dim3A_466 = vector.broadcast %jit3A_464 : i32 to vector<16xi32>
      %select_n3A_467 = arith.select %ge3A_462, %broadcast_in_dim3A_465, %broadcast_in_dim3A_466 : vector<16xi1>, vector<16xi32>
      %broadcast_in_dim3A_468 = arith.constant true
      %broadcast_in_dim3A_469 = vector.broadcast %broadcast_in_dim3A_468 : i1 to vector<16xi1>
      %masked_cumsum3A_470 = tpu.scan <sum>, %select_n3A_467 masked %broadcast_in_dim3A_469 : vector<16xi32>, vector<16xi1> -> vector<16xi32>
      %add3A_471 = arith.addi %add3A_424, %masked_cumsum3A_470 : vector<16xi32>
      %sub3A_472 = arith.constant 1 : i32
      %sub3A_473 = vector.broadcast %sub3A_472 : i32 to vector<16xi32>
      %sub3A_474 = arith.subi %add3A_471, %sub3A_473 : vector<16xi32>
      %jit3A_475 = arith.constant 0 : i32
      %broadcast_in_dim3A_476 = vector.broadcast %jit3A_475 : i32 to vector<16xi32>
      %select_n3A_477 = arith.select %ge3A_462, %sub3A_474, %broadcast_in_dim3A_476 : vector<16xi1>, vector<16xi32>
      %sub3A_478 = arith.constant 30522 : i32
      %sub3A_479 = vector.broadcast %sub3A_478 : i32 to vector<16xi32>
      %sub3A_480 = arith.subi %get3A_426, %sub3A_479 : vector<16xi32>
      tpu.vector_store_idx %arg18[%select_n3A_477], %sub3A_480 masked %ge3A_462 : memref<256xi32, #tpu.memory_space<vmem>>[vector<16xi32>], vector<16xi32>, vector<16xi1>
      tpu.vector_store_idx %arg19[%select_n3A_477], %get3A_428 masked %ge3A_462 : memref<256xi32, #tpu.memory_space<vmem>>[vector<16xi32>], vector<16xi32>, vector<16xi1>
      tpu.vector_store_idx %arg20[%select_n3A_477], %add3A_432 masked %ge3A_462 : memref<256xi32, #tpu.memory_space<vmem>>[vector<16xi32>], vector<16xi32>, vector<16xi1>
      %broadcast_in_dim3A_481 = arith.constant 15 : i32
      %broadcast_in_dim3A_482 = vector.broadcast %broadcast_in_dim3A_481 : i32 to vector<16x1xi32>
      %gather3A_483 = vector.shape_cast %broadcast_in_dim3A_482 : vector<16x1xi32> to vector<16xi32>
      %gather3A_484 = tpu.dynamic_gather %masked_cumsum3A_470[%gather3A_483] in [0] : vector<16xi32>, vector<16xi32> -> vector<16xi32>
      %add3A_485 = arith.addi %add3A_424, %gather3A_484 : vector<16xi32>
      %get3A_486 = arith.constant 128 : index
      %get3A_487 = tpu.vector_load %arg13[%get3A_486] {strides = array<i32>} : memref<256xi32, #tpu.memory_space<vmem>>, vector<16xi32>,
      %get3A_488 = arith.constant 128 : index
      %get3A_489 = tpu.vector_load %arg14[%get3A_488] {strides = array<i32>} : memref<256xi32, #tpu.memory_space<vmem>>, vector<16xi32>,
      %iota3A_490 = tpu.iota {dimensions = array<i32: 0>} : vector<16xi32>
      %add3A_491 = arith.constant 128 : i32
      %add3A_492 = vector.broadcast %add3A_491 : i32 to vector<16xi32>
      %add3A_493 = arith.addi %iota3A_490, %add3A_492 : vector<16xi32>
      %gt3A_494 = arith.constant 0 : i32
      %gt3A_495 = vector.broadcast %gt3A_494 : i32 to vector<16xi32>
      %gt3A_496 = arith.cmpi sgt, %get3A_487, %gt3A_495 : vector<16xi32>
      %lt3A_497 = arith.constant 30522 : i32
      %lt3A_498 = vector.broadcast %lt3A_497 : i32 to vector<16xi32>
      %lt3A_499 = arith.cmpi slt, %get3A_487, %lt3A_498 : vector<16xi32>
      %and3A_500 = arith.andi %gt3A_496, %lt3A_499 : vector<16xi1>
      %jit3A_501 = arith.constant 1 : i32
      %jit3A_502 = arith.constant 0 : i32
      %broadcast_in_dim3A_503 = vector.broadcast %jit3A_501 : i32 to vector<16xi32>
      %broadcast_in_dim3A_504 = vector.broadcast %jit3A_502 : i32 to vector<16xi32>
      %select_n3A_505 = arith.select %and3A_500, %broadcast_in_dim3A_503, %broadcast_in_dim3A_504 : vector<16xi1>, vector<16xi32>
      %broadcast_in_dim3A_506 = arith.constant true
      %broadcast_in_dim3A_507 = vector.broadcast %broadcast_in_dim3A_506 : i1 to vector<16xi1>
      %masked_cumsum3A_508 = tpu.scan <sum>, %select_n3A_505 masked %broadcast_in_dim3A_507 : vector<16xi32>, vector<16xi1> -> vector<16xi32>
      %add3A_509 = arith.addi %add3A_459, %masked_cumsum3A_508 : vector<16xi32>
      %sub3A_510 = arith.constant 1 : i32
      %sub3A_511 = vector.broadcast %sub3A_510 : i32 to vector<16xi32>
      %sub3A_512 = arith.subi %add3A_509, %sub3A_511 : vector<16xi32>
      %jit3A_513 = arith.constant 0 : i32
      %broadcast_in_dim3A_514 = vector.broadcast %jit3A_513 : i32 to vector<16xi32>
      %select_n3A_515 = arith.select %and3A_500, %sub3A_512, %broadcast_in_dim3A_514 : vector<16xi1>, vector<16xi32>
      tpu.vector_store_idx %arg15[%select_n3A_515], %get3A_487 masked %and3A_500 : memref<256xi32, #tpu.memory_space<vmem>>[vector<16xi32>], vector<16xi32>, vector<16xi1>
      tpu.vector_store_idx %arg16[%select_n3A_515], %get3A_489 masked %and3A_500 : memref<256xi32, #tpu.memory_space<vmem>>[vector<16xi32>], vector<16xi32>, vector<16xi1>
      tpu.vector_store_idx %arg17[%select_n3A_515], %add3A_493 masked %and3A_500 : memref<256xi32, #tpu.memory_space<vmem>>[vector<16xi32>], vector<16xi32>, vector<16xi1>
      %broadcast_in_dim3A_516 = arith.constant 15 : i32
      %broadcast_in_dim3A_517 = vector.broadcast %broadcast_in_dim3A_516 : i32 to vector<16x1xi32>
      %gather3A_518 = vector.shape_cast %broadcast_in_dim3A_517 : vector<16x1xi32> to vector<16xi32>
      %gather3A_519 = tpu.dynamic_gather %masked_cumsum3A_508[%gather3A_518] in [0] : vector<16xi32>, vector<16xi32> -> vector<16xi32>
      %add3A_520 = arith.addi %add3A_459, %gather3A_519 : vector<16xi32>
      %ge3A_521 = arith.constant 30522 : i32
      %ge3A_522 = vector.broadcast %ge3A_521 : i32 to vector<16xi32>
      %ge3A_523 = arith.cmpi sge, %get3A_487, %ge3A_522 : vector<16xi32>
      %jit3A_524 = arith.constant 1 : i32
      %jit3A_525 = arith.constant 0 : i32
      %broadcast_in_dim3A_526 = vector.broadcast %jit3A_524 : i32 to vector<16xi32>
      %broadcast_in_dim3A_527 = vector.broadcast %jit3A_525 : i32 to vector<16xi32>
      %select_n3A_528 = arith.select %ge3A_523, %broadcast_in_dim3A_526, %broadcast_in_dim3A_527 : vector<16xi1>, vector<16xi32>
      %broadcast_in_dim3A_529 = arith.constant true
      %broadcast_in_dim3A_530 = vector.broadcast %broadcast_in_dim3A_529 : i1 to vector<16xi1>
      %masked_cumsum3A_531 = tpu.scan <sum>, %select_n3A_528 masked %broadcast_in_dim3A_530 : vector<16xi32>, vector<16xi1> -> vector<16xi32>
      %add3A_532 = arith.addi %add3A_485, %masked_cumsum3A_531 : vector<16xi32>
      %sub3A_533 = arith.constant 1 : i32
      %sub3A_534 = vector.broadcast %sub3A_533 : i32 to vector<16xi32>
      %sub3A_535 = arith.subi %add3A_532, %sub3A_534 : vector<16xi32>
      %jit3A_536 = arith.constant 0 : i32
      %broadcast_in_dim3A_537 = vector.broadcast %jit3A_536 : i32 to vector<16xi32>
      %select_n3A_538 = arith.select %ge3A_523, %sub3A_535, %broadcast_in_dim3A_537 : vector<16xi1>, vector<16xi32>
      %sub3A_539 = arith.constant 30522 : i32
      %sub3A_540 = vector.broadcast %sub3A_539 : i32 to vector<16xi32>
      %sub3A_541 = arith.subi %get3A_487, %sub3A_540 : vector<16xi32>
      tpu.vector_store_idx %arg18[%select_n3A_538], %sub3A_541 masked %ge3A_523 : memref<256xi32, #tpu.memory_space<vmem>>[vector<16xi32>], vector<16xi32>, vector<16xi1>
      tpu.vector_store_idx %arg19[%select_n3A_538], %get3A_489 masked %ge3A_523 : memref<256xi32, #tpu.memory_space<vmem>>[vector<16xi32>], vector<16xi32>, vector<16xi1>
      tpu.vector_store_idx %arg20[%select_n3A_538], %add3A_493 masked %ge3A_523 : memref<256xi32, #tpu.memory_space<vmem>>[vector<16xi32>], vector<16xi32>, vector<16xi1>
      %broadcast_in_dim3A_542 = arith.constant 15 : i32
      %broadcast_in_dim3A_543 = vector.broadcast %broadcast_in_dim3A_542 : i32 to vector<16x1xi32>
      %gather3A_544 = vector.shape_cast %broadcast_in_dim3A_543 : vector<16x1xi32> to vector<16xi32>
      %gather3A_545 = tpu.dynamic_gather %masked_cumsum3A_531[%gather3A_544] in [0] : vector<16xi32>, vector<16xi32> -> vector<16xi32>
      %add3A_546 = arith.addi %add3A_485, %gather3A_545 : vector<16xi32>
      %get3A_547 = arith.constant 144 : index
      %get3A_548 = tpu.vector_load %arg13[%get3A_547] {strides = array<i32>} : memref<256xi32, #tpu.memory_space<vmem>>, vector<16xi32>,
      %get3A_549 = arith.constant 144 : index
      %get3A_550 = tpu.vector_load %arg14[%get3A_549] {strides = array<i32>} : memref<256xi32, #tpu.memory_space<vmem>>, vector<16xi32>,
      %iota3A_551 = tpu.iota {dimensions = array<i32: 0>} : vector<16xi32>
      %add3A_552 = arith.constant 144 : i32
      %add3A_553 = vector.broadcast %add3A_552 : i32 to vector<16xi32>
      %add3A_554 = arith.addi %iota3A_551, %add3A_553 : vector<16xi32>
      %gt3A_555 = arith.constant 0 : i32
      %gt3A_556 = vector.broadcast %gt3A_555 : i32 to vector<16xi32>
      %gt3A_557 = arith.cmpi sgt, %get3A_548, %gt3A_556 : vector<16xi32>
      %lt3A_558 = arith.constant 30522 : i32
      %lt3A_559 = vector.broadcast %lt3A_558 : i32 to vector<16xi32>
      %lt3A_560 = arith.cmpi slt, %get3A_548, %lt3A_559 : vector<16xi32>
      %and3A_561 = arith.andi %gt3A_557, %lt3A_560 : vector<16xi1>
      %jit3A_562 = arith.constant 1 : i32
      %jit3A_563 = arith.constant 0 : i32
      %broadcast_in_dim3A_564 = vector.broadcast %jit3A_562 : i32 to vector<16xi32>
      %broadcast_in_dim3A_565 = vector.broadcast %jit3A_563 : i32 to vector<16xi32>
      %select_n3A_566 = arith.select %and3A_561, %broadcast_in_dim3A_564, %broadcast_in_dim3A_565 : vector<16xi1>, vector<16xi32>
      %broadcast_in_dim3A_567 = arith.constant true
      %broadcast_in_dim3A_568 = vector.broadcast %broadcast_in_dim3A_567 : i1 to vector<16xi1>
      %masked_cumsum3A_569 = tpu.scan <sum>, %select_n3A_566 masked %broadcast_in_dim3A_568 : vector<16xi32>, vector<16xi1> -> vector<16xi32>
      %add3A_570 = arith.addi %add3A_520, %masked_cumsum3A_569 : vector<16xi32>
      %sub3A_571 = arith.constant 1 : i32
      %sub3A_572 = vector.broadcast %sub3A_571 : i32 to vector<16xi32>
      %sub3A_573 = arith.subi %add3A_570, %sub3A_572 : vector<16xi32>
      %jit3A_574 = arith.constant 0 : i32
      %broadcast_in_dim3A_575 = vector.broadcast %jit3A_574 : i32 to vector<16xi32>
      %select_n3A_576 = arith.select %and3A_561, %sub3A_573, %broadcast_in_dim3A_575 : vector<16xi1>, vector<16xi32>
      tpu.vector_store_idx %arg15[%select_n3A_576], %get3A_548 masked %and3A_561 : memref<256xi32, #tpu.memory_space<vmem>>[vector<16xi32>], vector<16xi32>, vector<16xi1>
      tpu.vector_store_idx %arg16[%select_n3A_576], %get3A_550 masked %and3A_561 : memref<256xi32, #tpu.memory_space<vmem>>[vector<16xi32>], vector<16xi32>, vector<16xi1>
      tpu.vector_store_idx %arg17[%select_n3A_576], %add3A_554 masked %and3A_561 : memref<256xi32, #tpu.memory_space<vmem>>[vector<16xi32>], vector<16xi32>, vector<16xi1>
      %broadcast_in_dim3A_577 = arith.constant 15 : i32
      %broadcast_in_dim3A_578 = vector.broadcast %broadcast_in_dim3A_577 : i32 to vector<16x1xi32>
      %gather3A_579 = vector.shape_cast %broadcast_in_dim3A_578 : vector<16x1xi32> to vector<16xi32>
      %gather3A_580 = tpu.dynamic_gather %masked_cumsum3A_569[%gather3A_579] in [0] : vector<16xi32>, vector<16xi32> -> vector<16xi32>
      %add3A_581 = arith.addi %add3A_520, %gather3A_580 : vector<16xi32>
      %ge3A_582 = arith.constant 30522 : i32
      %ge3A_583 = vector.broadcast %ge3A_582 : i32 to vector<16xi32>
      %ge3A_584 = arith.cmpi sge, %get3A_548, %ge3A_583 : vector<16xi32>
      %jit3A_585 = arith.constant 1 : i32
      %jit3A_586 = arith.constant 0 : i32
      %broadcast_in_dim3A_587 = vector.broadcast %jit3A_585 : i32 to vector<16xi32>
      %broadcast_in_dim3A_588 = vector.broadcast %jit3A_586 : i32 to vector<16xi32>
      %select_n3A_589 = arith.select %ge3A_584, %broadcast_in_dim3A_587, %broadcast_in_dim3A_588 : vector<16xi1>, vector<16xi32>
      %broadcast_in_dim3A_590 = arith.constant true
      %broadcast_in_dim3A_591 = vector.broadcast %broadcast_in_dim3A_590 : i1 to vector<16xi1>
      %masked_cumsum3A_592 = tpu.scan <sum>, %select_n3A_589 masked %broadcast_in_dim3A_591 : vector<16xi32>, vector<16xi1> -> vector<16xi32>
      %add3A_593 = arith.addi %add3A_546, %masked_cumsum3A_592 : vector<16xi32>
      %sub3A_594 = arith.constant 1 : i32
      %sub3A_595 = vector.broadcast %sub3A_594 : i32 to vector<16xi32>
      %sub3A_596 = arith.subi %add3A_593, %sub3A_595 : vector<16xi32>
      %jit3A_597 = arith.constant 0 : i32
      %broadcast_in_dim3A_598 = vector.broadcast %jit3A_597 : i32 to vector<16xi32>
      %select_n3A_599 = arith.select %ge3A_584, %sub3A_596, %broadcast_in_dim3A_598 : vector<16xi1>, vector<16xi32>
      %sub3A_600 = arith.constant 30522 : i32
      %sub3A_601 = vector.broadcast %sub3A_600 : i32 to vector<16xi32>
      %sub3A_602 = arith.subi %get3A_548, %sub3A_601 : vector<16xi32>
      tpu.vector_store_idx %arg18[%select_n3A_599], %sub3A_602 masked %ge3A_584 : memref<256xi32, #tpu.memory_space<vmem>>[vector<16xi32>], vector<16xi32>, vector<16xi1>
      tpu.vector_store_idx %arg19[%select_n3A_599], %get3A_550 masked %ge3A_584 : memref<256xi32, #tpu.memory_space<vmem>>[vector<16xi32>], vector<16xi32>, vector<16xi1>
      tpu.vector_store_idx %arg20[%select_n3A_599], %add3A_554 masked %ge3A_584 : memref<256xi32, #tpu.memory_space<vmem>>[vector<16xi32>], vector<16xi32>, vector<16xi1>
      %broadcast_in_dim3A_603 = arith.constant 15 : i32
      %broadcast_in_dim3A_604 = vector.broadcast %broadcast_in_dim3A_603 : i32 to vector<16x1xi32>
      %gather3A_605 = vector.shape_cast %broadcast_in_dim3A_604 : vector<16x1xi32> to vector<16xi32>
      %gather3A_606 = tpu.dynamic_gather %masked_cumsum3A_592[%gather3A_605] in [0] : vector<16xi32>, vector<16xi32> -> vector<16xi32>
      %add3A_607 = arith.addi %add3A_546, %gather3A_606 : vector<16xi32>
      %get3A_608 = arith.constant 160 : index
      %get3A_609 = tpu.vector_load %arg13[%get3A_608] {strides = array<i32>} : memref<256xi32, #tpu.memory_space<vmem>>, vector<16xi32>,
      %get3A_610 = arith.constant 160 : index
      %get3A_611 = tpu.vector_load %arg14[%get3A_610] {strides = array<i32>} : memref<256xi32, #tpu.memory_space<vmem>>, vector<16xi32>,
      %iota3A_612 = tpu.iota {dimensions = array<i32: 0>} : vector<16xi32>
      %add3A_613 = arith.constant 160 : i32
      %add3A_614 = vector.broadcast %add3A_613 : i32 to vector<16xi32>
      %add3A_615 = arith.addi %iota3A_612, %add3A_614 : vector<16xi32>
      %gt3A_616 = arith.constant 0 : i32
      %gt3A_617 = vector.broadcast %gt3A_616 : i32 to vector<16xi32>
      %gt3A_618 = arith.cmpi sgt, %get3A_609, %gt3A_617 : vector<16xi32>
      %lt3A_619 = arith.constant 30522 : i32
      %lt3A_620 = vector.broadcast %lt3A_619 : i32 to vector<16xi32>
      %lt3A_621 = arith.cmpi slt, %get3A_609, %lt3A_620 : vector<16xi32>
      %and3A_622 = arith.andi %gt3A_618, %lt3A_621 : vector<16xi1>
      %jit3A_623 = arith.constant 1 : i32
      %jit3A_624 = arith.constant 0 : i32
      %broadcast_in_dim3A_625 = vector.broadcast %jit3A_623 : i32 to vector<16xi32>
      %broadcast_in_dim3A_626 = vector.broadcast %jit3A_624 : i32 to vector<16xi32>
      %select_n3A_627 = arith.select %and3A_622, %broadcast_in_dim3A_625, %broadcast_in_dim3A_626 : vector<16xi1>, vector<16xi32>
      %broadcast_in_dim3A_628 = arith.constant true
      %broadcast_in_dim3A_629 = vector.broadcast %broadcast_in_dim3A_628 : i1 to vector<16xi1>
      %masked_cumsum3A_630 = tpu.scan <sum>, %select_n3A_627 masked %broadcast_in_dim3A_629 : vector<16xi32>, vector<16xi1> -> vector<16xi32>
      %add3A_631 = arith.addi %add3A_581, %masked_cumsum3A_630 : vector<16xi32>
      %sub3A_632 = arith.constant 1 : i32
      %sub3A_633 = vector.broadcast %sub3A_632 : i32 to vector<16xi32>
      %sub3A_634 = arith.subi %add3A_631, %sub3A_633 : vector<16xi32>
      %jit3A_635 = arith.constant 0 : i32
      %broadcast_in_dim3A_636 = vector.broadcast %jit3A_635 : i32 to vector<16xi32>
      %select_n3A_637 = arith.select %and3A_622, %sub3A_634, %broadcast_in_dim3A_636 : vector<16xi1>, vector<16xi32>
      tpu.vector_store_idx %arg15[%select_n3A_637], %get3A_609 masked %and3A_622 : memref<256xi32, #tpu.memory_space<vmem>>[vector<16xi32>], vector<16xi32>, vector<16xi1>
      tpu.vector_store_idx %arg16[%select_n3A_637], %get3A_611 masked %and3A_622 : memref<256xi32, #tpu.memory_space<vmem>>[vector<16xi32>], vector<16xi32>, vector<16xi1>
      tpu.vector_store_idx %arg17[%select_n3A_637], %add3A_615 masked %and3A_622 : memref<256xi32, #tpu.memory_space<vmem>>[vector<16xi32>], vector<16xi32>, vector<16xi1>
      %broadcast_in_dim3A_638 = arith.constant 15 : i32
      %broadcast_in_dim3A_639 = vector.broadcast %broadcast_in_dim3A_638 : i32 to vector<16x1xi32>
      %gather3A_640 = vector.shape_cast %broadcast_in_dim3A_639 : vector<16x1xi32> to vector<16xi32>
      %gather3A_641 = tpu.dynamic_gather %masked_cumsum3A_630[%gather3A_640] in [0] : vector<16xi32>, vector<16xi32> -> vector<16xi32>
      %add3A_642 = arith.addi %add3A_581, %gather3A_641 : vector<16xi32>
      %ge3A_643 = arith.constant 30522 : i32
      %ge3A_644 = vector.broadcast %ge3A_643 : i32 to vector<16xi32>
      %ge3A_645 = arith.cmpi sge, %get3A_609, %ge3A_644 : vector<16xi32>
      %jit3A_646 = arith.constant 1 : i32
      %jit3A_647 = arith.constant 0 : i32
      %broadcast_in_dim3A_648 = vector.broadcast %jit3A_646 : i32 to vector<16xi32>
      %broadcast_in_dim3A_649 = vector.broadcast %jit3A_647 : i32 to vector<16xi32>
      %select_n3A_650 = arith.select %ge3A_645, %broadcast_in_dim3A_648, %broadcast_in_dim3A_649 : vector<16xi1>, vector<16xi32>
      %broadcast_in_dim3A_651 = arith.constant true
      %broadcast_in_dim3A_652 = vector.broadcast %broadcast_in_dim3A_651 : i1 to vector<16xi1>
      %masked_cumsum3A_653 = tpu.scan <sum>, %select_n3A_650 masked %broadcast_in_dim3A_652 : vector<16xi32>, vector<16xi1> -> vector<16xi32>
      %add3A_654 = arith.addi %add3A_607, %masked_cumsum3A_653 : vector<16xi32>
      %sub3A_655 = arith.constant 1 : i32
      %sub3A_656 = vector.broadcast %sub3A_655 : i32 to vector<16xi32>
      %sub3A_657 = arith.subi %add3A_654, %sub3A_656 : vector<16xi32>
      %jit3A_658 = arith.constant 0 : i32
      %broadcast_in_dim3A_659 = vector.broadcast %jit3A_658 : i32 to vector<16xi32>
      %select_n3A_660 = arith.select %ge3A_645, %sub3A_657, %broadcast_in_dim3A_659 : vector<16xi1>, vector<16xi32>
      %sub3A_661 = arith.constant 30522 : i32
      %sub3A_662 = vector.broadcast %sub3A_661 : i32 to vector<16xi32>
      %sub3A_663 = arith.subi %get3A_609, %sub3A_662 : vector<16xi32>
      tpu.vector_store_idx %arg18[%select_n3A_660], %sub3A_663 masked %ge3A_645 : memref<256xi32, #tpu.memory_space<vmem>>[vector<16xi32>], vector<16xi32>, vector<16xi1>
      tpu.vector_store_idx %arg19[%select_n3A_660], %get3A_611 masked %ge3A_645 : memref<256xi32, #tpu.memory_space<vmem>>[vector<16xi32>], vector<16xi32>, vector<16xi1>
      tpu.vector_store_idx %arg20[%select_n3A_660], %add3A_615 masked %ge3A_645 : memref<256xi32, #tpu.memory_space<vmem>>[vector<16xi32>], vector<16xi32>, vector<16xi1>
      %broadcast_in_dim3A_664 = arith.constant 15 : i32
      %broadcast_in_dim3A_665 = vector.broadcast %broadcast_in_dim3A_664 : i32 to vector<16x1xi32>
      %gather3A_666 = vector.shape_cast %broadcast_in_dim3A_665 : vector<16x1xi32> to vector<16xi32>
      %gather3A_667 = tpu.dynamic_gather %masked_cumsum3A_653[%gather3A_666] in [0] : vector<16xi32>, vector<16xi32> -> vector<16xi32>
      %add3A_668 = arith.addi %add3A_607, %gather3A_667 : vector<16xi32>
      %get3A_669 = arith.constant 176 : index
      %get3A_670 = tpu.vector_load %arg13[%get3A_669] {strides = array<i32>} : memref<256xi32, #tpu.memory_space<vmem>>, vector<16xi32>,
      %get3A_671 = arith.constant 176 : index
      %get3A_672 = tpu.vector_load %arg14[%get3A_671] {strides = array<i32>} : memref<256xi32, #tpu.memory_space<vmem>>, vector<16xi32>,
      %iota3A_673 = tpu.iota {dimensions = array<i32: 0>} : vector<16xi32>
      %add3A_674 = arith.constant 176 : i32
      %add3A_675 = vector.broadcast %add3A_674 : i32 to vector<16xi32>
      %add3A_676 = arith.addi %iota3A_673, %add3A_675 : vector<16xi32>
      %gt3A_677 = arith.constant 0 : i32
      %gt3A_678 = vector.broadcast %gt3A_677 : i32 to vector<16xi32>
      %gt3A_679 = arith.cmpi sgt, %get3A_670, %gt3A_678 : vector<16xi32>
      %lt3A_680 = arith.constant 30522 : i32
      %lt3A_681 = vector.broadcast %lt3A_680 : i32 to vector<16xi32>
      %lt3A_682 = arith.cmpi slt, %get3A_670, %lt3A_681 : vector<16xi32>
      %and3A_683 = arith.andi %gt3A_679, %lt3A_682 : vector<16xi1>
      %jit3A_684 = arith.constant 1 : i32
      %jit3A_685 = arith.constant 0 : i32
      %broadcast_in_dim3A_686 = vector.broadcast %jit3A_684 : i32 to vector<16xi32>
      %broadcast_in_dim3A_687 = vector.broadcast %jit3A_685 : i32 to vector<16xi32>
      %select_n3A_688 = arith.select %and3A_683, %broadcast_in_dim3A_686, %broadcast_in_dim3A_687 : vector<16xi1>, vector<16xi32>
      %broadcast_in_dim3A_689 = arith.constant true
      %broadcast_in_dim3A_690 = vector.broadcast %broadcast_in_dim3A_689 : i1 to vector<16xi1>
      %masked_cumsum3A_691 = tpu.scan <sum>, %select_n3A_688 masked %broadcast_in_dim3A_690 : vector<16xi32>, vector<16xi1> -> vector<16xi32>
      %add3A_692 = arith.addi %add3A_642, %masked_cumsum3A_691 : vector<16xi32>
      %sub3A_693 = arith.constant 1 : i32
      %sub3A_694 = vector.broadcast %sub3A_693 : i32 to vector<16xi32>
      %sub3A_695 = arith.subi %add3A_692, %sub3A_694 : vector<16xi32>
      %jit3A_696 = arith.constant 0 : i32
      %broadcast_in_dim3A_697 = vector.broadcast %jit3A_696 : i32 to vector<16xi32>
      %select_n3A_698 = arith.select %and3A_683, %sub3A_695, %broadcast_in_dim3A_697 : vector<16xi1>, vector<16xi32>
      tpu.vector_store_idx %arg15[%select_n3A_698], %get3A_670 masked %and3A_683 : memref<256xi32, #tpu.memory_space<vmem>>[vector<16xi32>], vector<16xi32>, vector<16xi1>
      tpu.vector_store_idx %arg16[%select_n3A_698], %get3A_672 masked %and3A_683 : memref<256xi32, #tpu.memory_space<vmem>>[vector<16xi32>], vector<16xi32>, vector<16xi1>
      tpu.vector_store_idx %arg17[%select_n3A_698], %add3A_676 masked %and3A_683 : memref<256xi32, #tpu.memory_space<vmem>>[vector<16xi32>], vector<16xi32>, vector<16xi1>
      %broadcast_in_dim3A_699 = arith.constant 15 : i32
      %broadcast_in_dim3A_700 = vector.broadcast %broadcast_in_dim3A_699 : i32 to vector<16x1xi32>
      %gather3A_701 = vector.shape_cast %broadcast_in_dim3A_700 : vector<16x1xi32> to vector<16xi32>
      %gather3A_702 = tpu.dynamic_gather %masked_cumsum3A_691[%gather3A_701] in [0] : vector<16xi32>, vector<16xi32> -> vector<16xi32>
      %add3A_703 = arith.addi %add3A_642, %gather3A_702 : vector<16xi32>
      %ge3A_704 = arith.constant 30522 : i32
      %ge3A_705 = vector.broadcast %ge3A_704 : i32 to vector<16xi32>
      %ge3A_706 = arith.cmpi sge, %get3A_670, %ge3A_705 : vector<16xi32>
      %jit3A_707 = arith.constant 1 : i32
      %jit3A_708 = arith.constant 0 : i32
      %broadcast_in_dim3A_709 = vector.broadcast %jit3A_707 : i32 to vector<16xi32>
      %broadcast_in_dim3A_710 = vector.broadcast %jit3A_708 : i32 to vector<16xi32>
      %select_n3A_711 = arith.select %ge3A_706, %broadcast_in_dim3A_709, %broadcast_in_dim3A_710 : vector<16xi1>, vector<16xi32>
      %broadcast_in_dim3A_712 = arith.constant true
      %broadcast_in_dim3A_713 = vector.broadcast %broadcast_in_dim3A_712 : i1 to vector<16xi1>
      %masked_cumsum3A_714 = tpu.scan <sum>, %select_n3A_711 masked %broadcast_in_dim3A_713 : vector<16xi32>, vector<16xi1> -> vector<16xi32>
      %add3A_715 = arith.addi %add3A_668, %masked_cumsum3A_714 : vector<16xi32>
      %sub3A_716 = arith.constant 1 : i32
      %sub3A_717 = vector.broadcast %sub3A_716 : i32 to vector<16xi32>
      %sub3A_718 = arith.subi %add3A_715, %sub3A_717 : vector<16xi32>
      %jit3A_719 = arith.constant 0 : i32
      %broadcast_in_dim3A_720 = vector.broadcast %jit3A_719 : i32 to vector<16xi32>
      %select_n3A_721 = arith.select %ge3A_706, %sub3A_718, %broadcast_in_dim3A_720 : vector<16xi1>, vector<16xi32>
      %sub3A_722 = arith.constant 30522 : i32
      %sub3A_723 = vector.broadcast %sub3A_722 : i32 to vector<16xi32>
      %sub3A_724 = arith.subi %get3A_670, %sub3A_723 : vector<16xi32>
      tpu.vector_store_idx %arg18[%select_n3A_721], %sub3A_724 masked %ge3A_706 : memref<256xi32, #tpu.memory_space<vmem>>[vector<16xi32>], vector<16xi32>, vector<16xi1>
      tpu.vector_store_idx %arg19[%select_n3A_721], %get3A_672 masked %ge3A_706 : memref<256xi32, #tpu.memory_space<vmem>>[vector<16xi32>], vector<16xi32>, vector<16xi1>
      tpu.vector_store_idx %arg20[%select_n3A_721], %add3A_676 masked %ge3A_706 : memref<256xi32, #tpu.memory_space<vmem>>[vector<16xi32>], vector<16xi32>, vector<16xi1>
      %broadcast_in_dim3A_725 = arith.constant 15 : i32
      %broadcast_in_dim3A_726 = vector.broadcast %broadcast_in_dim3A_725 : i32 to vector<16x1xi32>
      %gather3A_727 = vector.shape_cast %broadcast_in_dim3A_726 : vector<16x1xi32> to vector<16xi32>
      %gather3A_728 = tpu.dynamic_gather %masked_cumsum3A_714[%gather3A_727] in [0] : vector<16xi32>, vector<16xi32> -> vector<16xi32>
      %add3A_729 = arith.addi %add3A_668, %gather3A_728 : vector<16xi32>
      %get3A_730 = arith.constant 192 : index
      %get3A_731 = tpu.vector_load %arg13[%get3A_730] {strides = array<i32>} : memref<256xi32, #tpu.memory_space<vmem>>, vector<16xi32>,
      %get3A_732 = arith.constant 192 : index
      %get3A_733 = tpu.vector_load %arg14[%get3A_732] {strides = array<i32>} : memref<256xi32, #tpu.memory_space<vmem>>, vector<16xi32>,
      %iota3A_734 = tpu.iota {dimensions = array<i32: 0>} : vector<16xi32>
      %add3A_735 = arith.constant 192 : i32
      %add3A_736 = vector.broadcast %add3A_735 : i32 to vector<16xi32>
      %add3A_737 = arith.addi %iota3A_734, %add3A_736 : vector<16xi32>
      %gt3A_738 = arith.constant 0 : i32
      %gt3A_739 = vector.broadcast %gt3A_738 : i32 to vector<16xi32>
      %gt3A_740 = arith.cmpi sgt, %get3A_731, %gt3A_739 : vector<16xi32>
      %lt3A_741 = arith.constant 30522 : i32
      %lt3A_742 = vector.broadcast %lt3A_741 : i32 to vector<16xi32>
      %lt3A_743 = arith.cmpi slt, %get3A_731, %lt3A_742 : vector<16xi32>
      %and3A_744 = arith.andi %gt3A_740, %lt3A_743 : vector<16xi1>
      %jit3A_745 = arith.constant 1 : i32
      %jit3A_746 = arith.constant 0 : i32
      %broadcast_in_dim3A_747 = vector.broadcast %jit3A_745 : i32 to vector<16xi32>
      %broadcast_in_dim3A_748 = vector.broadcast %jit3A_746 : i32 to vector<16xi32>
      %select_n3A_749 = arith.select %and3A_744, %broadcast_in_dim3A_747, %broadcast_in_dim3A_748 : vector<16xi1>, vector<16xi32>
      %broadcast_in_dim3A_750 = arith.constant true
      %broadcast_in_dim3A_751 = vector.broadcast %broadcast_in_dim3A_750 : i1 to vector<16xi1>
      %masked_cumsum3A_752 = tpu.scan <sum>, %select_n3A_749 masked %broadcast_in_dim3A_751 : vector<16xi32>, vector<16xi1> -> vector<16xi32>
      %add3A_753 = arith.addi %add3A_703, %masked_cumsum3A_752 : vector<16xi32>
      %sub3A_754 = arith.constant 1 : i32
      %sub3A_755 = vector.broadcast %sub3A_754 : i32 to vector<16xi32>
      %sub3A_756 = arith.subi %add3A_753, %sub3A_755 : vector<16xi32>
      %jit3A_757 = arith.constant 0 : i32
      %broadcast_in_dim3A_758 = vector.broadcast %jit3A_757 : i32 to vector<16xi32>
      %select_n3A_759 = arith.select %and3A_744, %sub3A_756, %broadcast_in_dim3A_758 : vector<16xi1>, vector<16xi32>
      tpu.vector_store_idx %arg15[%select_n3A_759], %get3A_731 masked %and3A_744 : memref<256xi32, #tpu.memory_space<vmem>>[vector<16xi32>], vector<16xi32>, vector<16xi1>
      tpu.vector_store_idx %arg16[%select_n3A_759], %get3A_733 masked %and3A_744 : memref<256xi32, #tpu.memory_space<vmem>>[vector<16xi32>], vector<16xi32>, vector<16xi1>
      tpu.vector_store_idx %arg17[%select_n3A_759], %add3A_737 masked %and3A_744 : memref<256xi32, #tpu.memory_space<vmem>>[vector<16xi32>], vector<16xi32>, vector<16xi1>
      %broadcast_in_dim3A_760 = arith.constant 15 : i32
      %broadcast_in_dim3A_761 = vector.broadcast %broadcast_in_dim3A_760 : i32 to vector<16x1xi32>
      %gather3A_762 = vector.shape_cast %broadcast_in_dim3A_761 : vector<16x1xi32> to vector<16xi32>
      %gather3A_763 = tpu.dynamic_gather %masked_cumsum3A_752[%gather3A_762] in [0] : vector<16xi32>, vector<16xi32> -> vector<16xi32>
      %add3A_764 = arith.addi %add3A_703, %gather3A_763 : vector<16xi32>
      %ge3A_765 = arith.constant 30522 : i32
      %ge3A_766 = vector.broadcast %ge3A_765 : i32 to vector<16xi32>
      %ge3A_767 = arith.cmpi sge, %get3A_731, %ge3A_766 : vector<16xi32>
      %jit3A_768 = arith.constant 1 : i32
      %jit3A_769 = arith.constant 0 : i32
      %broadcast_in_dim3A_770 = vector.broadcast %jit3A_768 : i32 to vector<16xi32>
      %broadcast_in_dim3A_771 = vector.broadcast %jit3A_769 : i32 to vector<16xi32>
      %select_n3A_772 = arith.select %ge3A_767, %broadcast_in_dim3A_770, %broadcast_in_dim3A_771 : vector<16xi1>, vector<16xi32>
      %broadcast_in_dim3A_773 = arith.constant true
      %broadcast_in_dim3A_774 = vector.broadcast %broadcast_in_dim3A_773 : i1 to vector<16xi1>
      %masked_cumsum3A_775 = tpu.scan <sum>, %select_n3A_772 masked %broadcast_in_dim3A_774 : vector<16xi32>, vector<16xi1> -> vector<16xi32>
      %add3A_776 = arith.addi %add3A_729, %masked_cumsum3A_775 : vector<16xi32>
      %sub3A_777 = arith.constant 1 : i32
      %sub3A_778 = vector.broadcast %sub3A_777 : i32 to vector<16xi32>
      %sub3A_779 = arith.subi %add3A_776, %sub3A_778 : vector<16xi32>
      %jit3A_780 = arith.constant 0 : i32
      %broadcast_in_dim3A_781 = vector.broadcast %jit3A_780 : i32 to vector<16xi32>
      %select_n3A_782 = arith.select %ge3A_767, %sub3A_779, %broadcast_in_dim3A_781 : vector<16xi1>, vector<16xi32>
      %sub3A_783 = arith.constant 30522 : i32
      %sub3A_784 = vector.broadcast %sub3A_783 : i32 to vector<16xi32>
      %sub3A_785 = arith.subi %get3A_731, %sub3A_784 : vector<16xi32>
      tpu.vector_store_idx %arg18[%select_n3A_782], %sub3A_785 masked %ge3A_767 : memref<256xi32, #tpu.memory_space<vmem>>[vector<16xi32>], vector<16xi32>, vector<16xi1>
      tpu.vector_store_idx %arg19[%select_n3A_782], %get3A_733 masked %ge3A_767 : memref<256xi32, #tpu.memory_space<vmem>>[vector<16xi32>], vector<16xi32>, vector<16xi1>
      tpu.vector_store_idx %arg20[%select_n3A_782], %add3A_737 masked %ge3A_767 : memref<256xi32, #tpu.memory_space<vmem>>[vector<16xi32>], vector<16xi32>, vector<16xi1>
      %broadcast_in_dim3A_786 = arith.constant 15 : i32
      %broadcast_in_dim3A_787 = vector.broadcast %broadcast_in_dim3A_786 : i32 to vector<16x1xi32>
      %gather3A_788 = vector.shape_cast %broadcast_in_dim3A_787 : vector<16x1xi32> to vector<16xi32>
      %gather3A_789 = tpu.dynamic_gather %masked_cumsum3A_775[%gather3A_788] in [0] : vector<16xi32>, vector<16xi32> -> vector<16xi32>
      %add3A_790 = arith.addi %add3A_729, %gather3A_789 : vector<16xi32>
      %get3A_791 = arith.constant 208 : index
      %get3A_792 = tpu.vector_load %arg13[%get3A_791] {strides = array<i32>} : memref<256xi32, #tpu.memory_space<vmem>>, vector<16xi32>,
      %get3A_793 = arith.constant 208 : index
      %get3A_794 = tpu.vector_load %arg14[%get3A_793] {strides = array<i32>} : memref<256xi32, #tpu.memory_space<vmem>>, vector<16xi32>,
      %iota3A_795 = tpu.iota {dimensions = array<i32: 0>} : vector<16xi32>
      %add3A_796 = arith.constant 208 : i32
      %add3A_797 = vector.broadcast %add3A_796 : i32 to vector<16xi32>
      %add3A_798 = arith.addi %iota3A_795, %add3A_797 : vector<16xi32>
      %gt3A_799 = arith.constant 0 : i32
      %gt3A_800 = vector.broadcast %gt3A_799 : i32 to vector<16xi32>
      %gt3A_801 = arith.cmpi sgt, %get3A_792, %gt3A_800 : vector<16xi32>
      %lt3A_802 = arith.constant 30522 : i32
      %lt3A_803 = vector.broadcast %lt3A_802 : i32 to vector<16xi32>
      %lt3A_804 = arith.cmpi slt, %get3A_792, %lt3A_803 : vector<16xi32>
      %and3A_805 = arith.andi %gt3A_801, %lt3A_804 : vector<16xi1>
      %jit3A_806 = arith.constant 1 : i32
      %jit3A_807 = arith.constant 0 : i32
      %broadcast_in_dim3A_808 = vector.broadcast %jit3A_806 : i32 to vector<16xi32>
      %broadcast_in_dim3A_809 = vector.broadcast %jit3A_807 : i32 to vector<16xi32>
      %select_n3A_810 = arith.select %and3A_805, %broadcast_in_dim3A_808, %broadcast_in_dim3A_809 : vector<16xi1>, vector<16xi32>
      %broadcast_in_dim3A_811 = arith.constant true
      %broadcast_in_dim3A_812 = vector.broadcast %broadcast_in_dim3A_811 : i1 to vector<16xi1>
      %masked_cumsum3A_813 = tpu.scan <sum>, %select_n3A_810 masked %broadcast_in_dim3A_812 : vector<16xi32>, vector<16xi1> -> vector<16xi32>
      %add3A_814 = arith.addi %add3A_764, %masked_cumsum3A_813 : vector<16xi32>
      %sub3A_815 = arith.constant 1 : i32
      %sub3A_816 = vector.broadcast %sub3A_815 : i32 to vector<16xi32>
      %sub3A_817 = arith.subi %add3A_814, %sub3A_816 : vector<16xi32>
      %jit3A_818 = arith.constant 0 : i32
      %broadcast_in_dim3A_819 = vector.broadcast %jit3A_818 : i32 to vector<16xi32>
      %select_n3A_820 = arith.select %and3A_805, %sub3A_817, %broadcast_in_dim3A_819 : vector<16xi1>, vector<16xi32>
      tpu.vector_store_idx %arg15[%select_n3A_820], %get3A_792 masked %and3A_805 : memref<256xi32, #tpu.memory_space<vmem>>[vector<16xi32>], vector<16xi32>, vector<16xi1>
      tpu.vector_store_idx %arg16[%select_n3A_820], %get3A_794 masked %and3A_805 : memref<256xi32, #tpu.memory_space<vmem>>[vector<16xi32>], vector<16xi32>, vector<16xi1>
      tpu.vector_store_idx %arg17[%select_n3A_820], %add3A_798 masked %and3A_805 : memref<256xi32, #tpu.memory_space<vmem>>[vector<16xi32>], vector<16xi32>, vector<16xi1>
      %broadcast_in_dim3A_821 = arith.constant 15 : i32
      %broadcast_in_dim3A_822 = vector.broadcast %broadcast_in_dim3A_821 : i32 to vector<16x1xi32>
      %gather3A_823 = vector.shape_cast %broadcast_in_dim3A_822 : vector<16x1xi32> to vector<16xi32>
      %gather3A_824 = tpu.dynamic_gather %masked_cumsum3A_813[%gather3A_823] in [0] : vector<16xi32>, vector<16xi32> -> vector<16xi32>
      %add3A_825 = arith.addi %add3A_764, %gather3A_824 : vector<16xi32>
      %ge3A_826 = arith.constant 30522 : i32
      %ge3A_827 = vector.broadcast %ge3A_826 : i32 to vector<16xi32>
      %ge3A_828 = arith.cmpi sge, %get3A_792, %ge3A_827 : vector<16xi32>
      %jit3A_829 = arith.constant 1 : i32
      %jit3A_830 = arith.constant 0 : i32
      %broadcast_in_dim3A_831 = vector.broadcast %jit3A_829 : i32 to vector<16xi32>
      %broadcast_in_dim3A_832 = vector.broadcast %jit3A_830 : i32 to vector<16xi32>
      %select_n3A_833 = arith.select %ge3A_828, %broadcast_in_dim3A_831, %broadcast_in_dim3A_832 : vector<16xi1>, vector<16xi32>
      %broadcast_in_dim3A_834 = arith.constant true
      %broadcast_in_dim3A_835 = vector.broadcast %broadcast_in_dim3A_834 : i1 to vector<16xi1>
      %masked_cumsum3A_836 = tpu.scan <sum>, %select_n3A_833 masked %broadcast_in_dim3A_835 : vector<16xi32>, vector<16xi1> -> vector<16xi32>
      %add3A_837 = arith.addi %add3A_790, %masked_cumsum3A_836 : vector<16xi32>
      %sub3A_838 = arith.constant 1 : i32
      %sub3A_839 = vector.broadcast %sub3A_838 : i32 to vector<16xi32>
      %sub3A_840 = arith.subi %add3A_837, %sub3A_839 : vector<16xi32>
      %jit3A_841 = arith.constant 0 : i32
      %broadcast_in_dim3A_842 = vector.broadcast %jit3A_841 : i32 to vector<16xi32>
      %select_n3A_843 = arith.select %ge3A_828, %sub3A_840, %broadcast_in_dim3A_842 : vector<16xi1>, vector<16xi32>
      %sub3A_844 = arith.constant 30522 : i32
      %sub3A_845 = vector.broadcast %sub3A_844 : i32 to vector<16xi32>
      %sub3A_846 = arith.subi %get3A_792, %sub3A_845 : vector<16xi32>
      tpu.vector_store_idx %arg18[%select_n3A_843], %sub3A_846 masked %ge3A_828 : memref<256xi32, #tpu.memory_space<vmem>>[vector<16xi32>], vector<16xi32>, vector<16xi1>
      tpu.vector_store_idx %arg19[%select_n3A_843], %get3A_794 masked %ge3A_828 : memref<256xi32, #tpu.memory_space<vmem>>[vector<16xi32>], vector<16xi32>, vector<16xi1>
      tpu.vector_store_idx %arg20[%select_n3A_843], %add3A_798 masked %ge3A_828 : memref<256xi32, #tpu.memory_space<vmem>>[vector<16xi32>], vector<16xi32>, vector<16xi1>
      %broadcast_in_dim3A_847 = arith.constant 15 : i32
      %broadcast_in_dim3A_848 = vector.broadcast %broadcast_in_dim3A_847 : i32 to vector<16x1xi32>
      %gather3A_849 = vector.shape_cast %broadcast_in_dim3A_848 : vector<16x1xi32> to vector<16xi32>
      %gather3A_850 = tpu.dynamic_gather %masked_cumsum3A_836[%gather3A_849] in [0] : vector<16xi32>, vector<16xi32> -> vector<16xi32>
      %add3A_851 = arith.addi %add3A_790, %gather3A_850 : vector<16xi32>
      %get3A_852 = arith.constant 224 : index
      %get3A_853 = tpu.vector_load %arg13[%get3A_852] {strides = array<i32>} : memref<256xi32, #tpu.memory_space<vmem>>, vector<16xi32>,
      %get3A_854 = arith.constant 224 : index
      %get3A_855 = tpu.vector_load %arg14[%get3A_854] {strides = array<i32>} : memref<256xi32, #tpu.memory_space<vmem>>, vector<16xi32>,
      %iota3A_856 = tpu.iota {dimensions = array<i32: 0>} : vector<16xi32>
      %add3A_857 = arith.constant 224 : i32
      %add3A_858 = vector.broadcast %add3A_857 : i32 to vector<16xi32>
      %add3A_859 = arith.addi %iota3A_856, %add3A_858 : vector<16xi32>
      %gt3A_860 = arith.constant 0 : i32
      %gt3A_861 = vector.broadcast %gt3A_860 : i32 to vector<16xi32>
      %gt3A_862 = arith.cmpi sgt, %get3A_853, %gt3A_861 : vector<16xi32>
      %lt3A_863 = arith.constant 30522 : i32
      %lt3A_864 = vector.broadcast %lt3A_863 : i32 to vector<16xi32>
      %lt3A_865 = arith.cmpi slt, %get3A_853, %lt3A_864 : vector<16xi32>
      %and3A_866 = arith.andi %gt3A_862, %lt3A_865 : vector<16xi1>
      %jit3A_867 = arith.constant 1 : i32
      %jit3A_868 = arith.constant 0 : i32
      %broadcast_in_dim3A_869 = vector.broadcast %jit3A_867 : i32 to vector<16xi32>
      %broadcast_in_dim3A_870 = vector.broadcast %jit3A_868 : i32 to vector<16xi32>
      %select_n3A_871 = arith.select %and3A_866, %broadcast_in_dim3A_869, %broadcast_in_dim3A_870 : vector<16xi1>, vector<16xi32>
      %broadcast_in_dim3A_872 = arith.constant true
      %broadcast_in_dim3A_873 = vector.broadcast %broadcast_in_dim3A_872 : i1 to vector<16xi1>
      %masked_cumsum3A_874 = tpu.scan <sum>, %select_n3A_871 masked %broadcast_in_dim3A_873 : vector<16xi32>, vector<16xi1> -> vector<16xi32>
      %add3A_875 = arith.addi %add3A_825, %masked_cumsum3A_874 : vector<16xi32>
      %sub3A_876 = arith.constant 1 : i32
      %sub3A_877 = vector.broadcast %sub3A_876 : i32 to vector<16xi32>
      %sub3A_878 = arith.subi %add3A_875, %sub3A_877 : vector<16xi32>
      %jit3A_879 = arith.constant 0 : i32
      %broadcast_in_dim3A_880 = vector.broadcast %jit3A_879 : i32 to vector<16xi32>
      %select_n3A_881 = arith.select %and3A_866, %sub3A_878, %broadcast_in_dim3A_880 : vector<16xi1>, vector<16xi32>
      tpu.vector_store_idx %arg15[%select_n3A_881], %get3A_853 masked %and3A_866 : memref<256xi32, #tpu.memory_space<vmem>>[vector<16xi32>], vector<16xi32>, vector<16xi1>
      tpu.vector_store_idx %arg16[%select_n3A_881], %get3A_855 masked %and3A_866 : memref<256xi32, #tpu.memory_space<vmem>>[vector<16xi32>], vector<16xi32>, vector<16xi1>
      tpu.vector_store_idx %arg17[%select_n3A_881], %add3A_859 masked %and3A_866 : memref<256xi32, #tpu.memory_space<vmem>>[vector<16xi32>], vector<16xi32>, vector<16xi1>
      %broadcast_in_dim3A_882 = arith.constant 15 : i32
      %broadcast_in_dim3A_883 = vector.broadcast %broadcast_in_dim3A_882 : i32 to vector<16x1xi32>
      %gather3A_884 = vector.shape_cast %broadcast_in_dim3A_883 : vector<16x1xi32> to vector<16xi32>
      %gather3A_885 = tpu.dynamic_gather %masked_cumsum3A_874[%gather3A_884] in [0] : vector<16xi32>, vector<16xi32> -> vector<16xi32>
      %add3A_886 = arith.addi %add3A_825, %gather3A_885 : vector<16xi32>
      %ge3A_887 = arith.constant 30522 : i32
      %ge3A_888 = vector.broadcast %ge3A_887 : i32 to vector<16xi32>
      %ge3A_889 = arith.cmpi sge, %get3A_853, %ge3A_888 : vector<16xi32>
      %jit3A_890 = arith.constant 1 : i32
      %jit3A_891 = arith.constant 0 : i32
      %broadcast_in_dim3A_892 = vector.broadcast %jit3A_890 : i32 to vector<16xi32>
      %broadcast_in_dim3A_893 = vector.broadcast %jit3A_891 : i32 to vector<16xi32>
      %select_n3A_894 = arith.select %ge3A_889, %broadcast_in_dim3A_892, %broadcast_in_dim3A_893 : vector<16xi1>, vector<16xi32>
      %broadcast_in_dim3A_895 = arith.constant true
      %broadcast_in_dim3A_896 = vector.broadcast %broadcast_in_dim3A_895 : i1 to vector<16xi1>
      %masked_cumsum3A_897 = tpu.scan <sum>, %select_n3A_894 masked %broadcast_in_dim3A_896 : vector<16xi32>, vector<16xi1> -> vector<16xi32>
      %add3A_898 = arith.addi %add3A_851, %masked_cumsum3A_897 : vector<16xi32>
      %sub3A_899 = arith.constant 1 : i32
      %sub3A_900 = vector.broadcast %sub3A_899 : i32 to vector<16xi32>
      %sub3A_901 = arith.subi %add3A_898, %sub3A_900 : vector<16xi32>
      %jit3A_902 = arith.constant 0 : i32
      %broadcast_in_dim3A_903 = vector.broadcast %jit3A_902 : i32 to vector<16xi32>
      %select_n3A_904 = arith.select %ge3A_889, %sub3A_901, %broadcast_in_dim3A_903 : vector<16xi1>, vector<16xi32>
      %sub3A_905 = arith.constant 30522 : i32
      %sub3A_906 = vector.broadcast %sub3A_905 : i32 to vector<16xi32>
      %sub3A_907 = arith.subi %get3A_853, %sub3A_906 : vector<16xi32>
      tpu.vector_store_idx %arg18[%select_n3A_904], %sub3A_907 masked %ge3A_889 : memref<256xi32, #tpu.memory_space<vmem>>[vector<16xi32>], vector<16xi32>, vector<16xi1>
      tpu.vector_store_idx %arg19[%select_n3A_904], %get3A_855 masked %ge3A_889 : memref<256xi32, #tpu.memory_space<vmem>>[vector<16xi32>], vector<16xi32>, vector<16xi1>
      tpu.vector_store_idx %arg20[%select_n3A_904], %add3A_859 masked %ge3A_889 : memref<256xi32, #tpu.memory_space<vmem>>[vector<16xi32>], vector<16xi32>, vector<16xi1>
      %broadcast_in_dim3A_908 = arith.constant 15 : i32
      %broadcast_in_dim3A_909 = vector.broadcast %broadcast_in_dim3A_908 : i32 to vector<16x1xi32>
      %gather3A_910 = vector.shape_cast %broadcast_in_dim3A_909 : vector<16x1xi32> to vector<16xi32>
      %gather3A_911 = tpu.dynamic_gather %masked_cumsum3A_897[%gather3A_910] in [0] : vector<16xi32>, vector<16xi32> -> vector<16xi32>
      %add3A_912 = arith.addi %add3A_851, %gather3A_911 : vector<16xi32>
      %get3A_913 = arith.constant 240 : index
      %get3A_914 = tpu.vector_load %arg13[%get3A_913] {strides = array<i32>} : memref<256xi32, #tpu.memory_space<vmem>>, vector<16xi32>,
      %get3A_915 = arith.constant 240 : index
      %get3A_916 = tpu.vector_load %arg14[%get3A_915] {strides = array<i32>} : memref<256xi32, #tpu.memory_space<vmem>>, vector<16xi32>,
      %iota3A_917 = tpu.iota {dimensions = array<i32: 0>} : vector<16xi32>
      %add3A_918 = arith.constant 240 : i32
      %add3A_919 = vector.broadcast %add3A_918 : i32 to vector<16xi32>
      %add3A_920 = arith.addi %iota3A_917, %add3A_919 : vector<16xi32>
      %gt3A_921 = arith.constant 0 : i32
      %gt3A_922 = vector.broadcast %gt3A_921 : i32 to vector<16xi32>
      %gt3A_923 = arith.cmpi sgt, %get3A_914, %gt3A_922 : vector<16xi32>
      %lt3A_924 = arith.constant 30522 : i32
      %lt3A_925 = vector.broadcast %lt3A_924 : i32 to vector<16xi32>
      %lt3A_926 = arith.cmpi slt, %get3A_914, %lt3A_925 : vector<16xi32>
      %and3A_927 = arith.andi %gt3A_923, %lt3A_926 : vector<16xi1>
      %jit3A_928 = arith.constant 1 : i32
      %jit3A_929 = arith.constant 0 : i32
      %broadcast_in_dim3A_930 = vector.broadcast %jit3A_928 : i32 to vector<16xi32>
      %broadcast_in_dim3A_931 = vector.broadcast %jit3A_929 : i32 to vector<16xi32>
      %select_n3A_932 = arith.select %and3A_927, %broadcast_in_dim3A_930, %broadcast_in_dim3A_931 : vector<16xi1>, vector<16xi32>
      %broadcast_in_dim3A_933 = arith.constant true
      %broadcast_in_dim3A_934 = vector.broadcast %broadcast_in_dim3A_933 : i1 to vector<16xi1>
      %masked_cumsum3A_935 = tpu.scan <sum>, %select_n3A_932 masked %broadcast_in_dim3A_934 : vector<16xi32>, vector<16xi1> -> vector<16xi32>
      %add3A_936 = arith.addi %add3A_886, %masked_cumsum3A_935 : vector<16xi32>
      %sub3A_937 = arith.constant 1 : i32
      %sub3A_938 = vector.broadcast %sub3A_937 : i32 to vector<16xi32>
      %sub3A_939 = arith.subi %add3A_936, %sub3A_938 : vector<16xi32>
      %jit3A_940 = arith.constant 0 : i32
      %broadcast_in_dim3A_941 = vector.broadcast %jit3A_940 : i32 to vector<16xi32>
      %select_n3A_942 = arith.select %and3A_927, %sub3A_939, %broadcast_in_dim3A_941 : vector<16xi1>, vector<16xi32>
      tpu.vector_store_idx %arg15[%select_n3A_942], %get3A_914 masked %and3A_927 : memref<256xi32, #tpu.memory_space<vmem>>[vector<16xi32>], vector<16xi32>, vector<16xi1>
      tpu.vector_store_idx %arg16[%select_n3A_942], %get3A_916 masked %and3A_927 : memref<256xi32, #tpu.memory_space<vmem>>[vector<16xi32>], vector<16xi32>, vector<16xi1>
      tpu.vector_store_idx %arg17[%select_n3A_942], %add3A_920 masked %and3A_927 : memref<256xi32, #tpu.memory_space<vmem>>[vector<16xi32>], vector<16xi32>, vector<16xi1>
      %broadcast_in_dim3A_943 = arith.constant 15 : i32
      %broadcast_in_dim3A_944 = vector.broadcast %broadcast_in_dim3A_943 : i32 to vector<16x1xi32>
      %gather3A_945 = vector.shape_cast %broadcast_in_dim3A_944 : vector<16x1xi32> to vector<16xi32>
      %gather3A_946 = tpu.dynamic_gather %masked_cumsum3A_935[%gather3A_945] in [0] : vector<16xi32>, vector<16xi32> -> vector<16xi32>
      %add3A_947 = arith.addi %add3A_886, %gather3A_946 : vector<16xi32>
      %ge3A_948 = arith.constant 30522 : i32
      %ge3A_949 = vector.broadcast %ge3A_948 : i32 to vector<16xi32>
      %ge3A_950 = arith.cmpi sge, %get3A_914, %ge3A_949 : vector<16xi32>
      %jit3A_951 = arith.constant 1 : i32
      %jit3A_952 = arith.constant 0 : i32
      %broadcast_in_dim3A_953 = vector.broadcast %jit3A_951 : i32 to vector<16xi32>
      %broadcast_in_dim3A_954 = vector.broadcast %jit3A_952 : i32 to vector<16xi32>
      %select_n3A_955 = arith.select %ge3A_950, %broadcast_in_dim3A_953, %broadcast_in_dim3A_954 : vector<16xi1>, vector<16xi32>
      %broadcast_in_dim3A_956 = arith.constant true
      %broadcast_in_dim3A_957 = vector.broadcast %broadcast_in_dim3A_956 : i1 to vector<16xi1>
      %masked_cumsum3A_958 = tpu.scan <sum>, %select_n3A_955 masked %broadcast_in_dim3A_957 : vector<16xi32>, vector<16xi1> -> vector<16xi32>
      %add3A_959 = arith.addi %add3A_912, %masked_cumsum3A_958 : vector<16xi32>
      %sub3A_960 = arith.constant 1 : i32
      %sub3A_961 = vector.broadcast %sub3A_960 : i32 to vector<16xi32>
      %sub3A_962 = arith.subi %add3A_959, %sub3A_961 : vector<16xi32>
      %jit3A_963 = arith.constant 0 : i32
      %broadcast_in_dim3A_964 = vector.broadcast %jit3A_963 : i32 to vector<16xi32>
      %select_n3A_965 = arith.select %ge3A_950, %sub3A_962, %broadcast_in_dim3A_964 : vector<16xi1>, vector<16xi32>
      %sub3A_966 = arith.constant 30522 : i32
      %sub3A_967 = vector.broadcast %sub3A_966 : i32 to vector<16xi32>
      %sub3A_968 = arith.subi %get3A_914, %sub3A_967 : vector<16xi32>
      tpu.vector_store_idx %arg18[%select_n3A_965], %sub3A_968 masked %ge3A_950 : memref<256xi32, #tpu.memory_space<vmem>>[vector<16xi32>], vector<16xi32>, vector<16xi1>
      tpu.vector_store_idx %arg19[%select_n3A_965], %get3A_916 masked %ge3A_950 : memref<256xi32, #tpu.memory_space<vmem>>[vector<16xi32>], vector<16xi32>, vector<16xi1>
      tpu.vector_store_idx %arg20[%select_n3A_965], %add3A_920 masked %ge3A_950 : memref<256xi32, #tpu.memory_space<vmem>>[vector<16xi32>], vector<16xi32>, vector<16xi1>
      %broadcast_in_dim3A_969 = arith.constant 15 : i32
      %broadcast_in_dim3A_970 = vector.broadcast %broadcast_in_dim3A_969 : i32 to vector<16x1xi32>
      %gather3A_971 = vector.shape_cast %broadcast_in_dim3A_970 : vector<16x1xi32> to vector<16xi32>
      %gather3A_972 = tpu.dynamic_gather %masked_cumsum3A_958[%gather3A_971] in [0] : vector<16xi32>, vector<16xi32> -> vector<16xi32>
      %add3A_973 = arith.addi %add3A_912, %gather3A_972 : vector<16xi32>
      %ge3A_974 = arith.constant 2 : i32
      %ge3A_975 = vector.broadcast %ge3A_974 : i32 to vector<16xi32>
      %ge3A_976 = arith.cmpi sge, %add3A_973, %ge3A_975 : vector<16xi32>
      %jit3A_977 = arith.constant 0 : i32
      %broadcast_in_dim3A_978 = vector.broadcast %jit3A_977 : i32 to vector<16xi32>
      %select_n3A_979 = arith.select %ge3A_976, %add3A_973, %broadcast_in_dim3A_978 : vector<16xi1>, vector<16xi32>
      %iota3A_980 = tpu.iota {dimensions = array<i32: 0>} : vector<16xi32>
      %add3A_981 = arith.constant 0 : i32
      %add3A_982 = vector.broadcast %add3A_981 : i32 to vector<16xi32>
      %add3A_983 = arith.addi %iota3A_980, %add3A_982 : vector<16xi32>
      %lt3A_984 = arith.cmpi slt, %add3A_983, %add3A_947 : vector<16xi32>
      %get3A_985 = arith.constant 0 : index
      %get3A_986 = tpu.vector_load %arg15[%get3A_985] {strides = array<i32>} : memref<256xi32, #tpu.memory_space<vmem>>, vector<16xi32>,
      %jit3A_987 = arith.constant 0 : i32
      %broadcast_in_dim3A_988 = vector.broadcast %jit3A_987 : i32 to vector<16xi32>
      %select_n3A_989 = arith.select %lt3A_984, %get3A_986, %broadcast_in_dim3A_988 : vector<16xi1>, vector<16xi32>
      %swap3A = arith.constant 0 : index
      %swap3A_990 = tpu.vector_load %arg15[%swap3A] {strides = array<i32>} : memref<256xi32, #tpu.memory_space<vmem>>, vector<16xi32>,
      tpu.vector_store %arg15[%swap3A], %select_n3A_989 {strides = array<i32>} : memref<256xi32, #tpu.memory_space<vmem>>, vector<16xi32>,
      %get3A_991 = arith.constant 0 : index
      %get3A_992 = tpu.vector_load %arg16[%get3A_991] {strides = array<i32>} : memref<256xi32, #tpu.memory_space<vmem>>, vector<16xi32>,
      %jit3A_993 = arith.constant 1 : i32
      %broadcast_in_dim3A_994 = vector.broadcast %jit3A_993 : i32 to vector<16xi32>
      %select_n3A_995 = arith.select %lt3A_984, %get3A_992, %broadcast_in_dim3A_994 : vector<16xi1>, vector<16xi32>
      %swap3A_996 = arith.constant 0 : index
      %swap3A_997 = tpu.vector_load %arg16[%swap3A_996] {strides = array<i32>} : memref<256xi32, #tpu.memory_space<vmem>>, vector<16xi32>,
      tpu.vector_store %arg16[%swap3A_996], %select_n3A_995 {strides = array<i32>} : memref<256xi32, #tpu.memory_space<vmem>>, vector<16xi32>,
      %get3A_998 = arith.constant 0 : index
      %get3A_999 = tpu.vector_load %arg17[%get3A_998] {strides = array<i32>} : memref<256xi32, #tpu.memory_space<vmem>>, vector<16xi32>,
      %select_n3A_1000 = arith.select %lt3A_984, %get3A_999, %add3A_983 : vector<16xi1>, vector<16xi32>
      %swap3A_1001 = arith.constant 0 : index
      %swap3A_1002 = tpu.vector_load %arg17[%swap3A_1001] {strides = array<i32>} : memref<256xi32, #tpu.memory_space<vmem>>, vector<16xi32>,
      tpu.vector_store %arg17[%swap3A_1001], %select_n3A_1000 {strides = array<i32>} : memref<256xi32, #tpu.memory_space<vmem>>, vector<16xi32>,
      %lt3A_1003 = arith.cmpi slt, %add3A_983, %select_n3A_979 : vector<16xi32>
      %get3A_1004 = arith.constant 0 : index
      %get3A_1005 = tpu.vector_load %arg18[%get3A_1004] {strides = array<i32>} : memref<256xi32, #tpu.memory_space<vmem>>, vector<16xi32>,
      %jit3A_1006 = arith.constant 0 : i32
      %broadcast_in_dim3A_1007 = vector.broadcast %jit3A_1006 : i32 to vector<16xi32>
      %select_n3A_1008 = arith.select %lt3A_1003, %get3A_1005, %broadcast_in_dim3A_1007 : vector<16xi1>, vector<16xi32>
      %swap3A_1009 = arith.constant 0 : index
      %swap3A_1010 = tpu.vector_load %arg18[%swap3A_1009] {strides = array<i32>} : memref<256xi32, #tpu.memory_space<vmem>>, vector<16xi32>,
      tpu.vector_store %arg18[%swap3A_1009], %select_n3A_1008 {strides = array<i32>} : memref<256xi32, #tpu.memory_space<vmem>>, vector<16xi32>,
      %get3A_1011 = arith.constant 0 : index
      %get3A_1012 = tpu.vector_load %arg19[%get3A_1011] {strides = array<i32>} : memref<256xi32, #tpu.memory_space<vmem>>, vector<16xi32>,
      %jit3A_1013 = arith.constant 0 : i32
      %broadcast_in_dim3A_1014 = vector.broadcast %jit3A_1013 : i32 to vector<16xi32>
      %select_n3A_1015 = arith.select %lt3A_1003, %get3A_1012, %broadcast_in_dim3A_1014 : vector<16xi1>, vector<16xi32>
      %swap3A_1016 = arith.constant 0 : index
      %swap3A_1017 = tpu.vector_load %arg19[%swap3A_1016] {strides = array<i32>} : memref<256xi32, #tpu.memory_space<vmem>>, vector<16xi32>,
      tpu.vector_store %arg19[%swap3A_1016], %select_n3A_1015 {strides = array<i32>} : memref<256xi32, #tpu.memory_space<vmem>>, vector<16xi32>,
      %get3A_1018 = arith.constant 0 : index
      %get3A_1019 = tpu.vector_load %arg20[%get3A_1018] {strides = array<i32>} : memref<256xi32, #tpu.memory_space<vmem>>, vector<16xi32>,
      %jit3A_1020 = arith.constant 0 : i32
      %broadcast_in_dim3A_1021 = vector.broadcast %jit3A_1020 : i32 to vector<16xi32>
      %select_n3A_1022 = arith.select %lt3A_1003, %get3A_1019, %broadcast_in_dim3A_1021 : vector<16xi1>, vector<16xi32>
      %swap3A_1023 = arith.constant 0 : index
      %swap3A_1024 = tpu.vector_load %arg20[%swap3A_1023] {strides = array<i32>} : memref<256xi32, #tpu.memory_space<vmem>>, vector<16xi32>,
      tpu.vector_store %arg20[%swap3A_1023], %select_n3A_1022 {strides = array<i32>} : memref<256xi32, #tpu.memory_space<vmem>>, vector<16xi32>,
      %jit3A_1025 = arith.constant 1.000000e+00 : f32
      %jit3A_1026 = arith.constant 0.000000e+00 : f32
      %broadcast_in_dim3A_1027 = vector.broadcast %jit3A_1025 : f32 to vector<16xf32>
      %broadcast_in_dim3A_1028 = vector.broadcast %jit3A_1026 : f32 to vector<16xf32>
      %select_n3A_1029 = arith.select %lt3A_1003, %broadcast_in_dim3A_1027, %broadcast_in_dim3A_1028 : vector<16xi1>, vector<16xf32>
      %swap3A_1030 = arith.constant 0 : index
      %swap3A_1031 = tpu.vector_load %arg21[%swap3A_1030] {strides = array<i32>} : memref<256xf32, #tpu.memory_space<vmem>>, vector<16xf32>,
      tpu.vector_store %arg21[%swap3A_1030], %select_n3A_1029 {strides = array<i32>} : memref<256xf32, #tpu.memory_space<vmem>>, vector<16xf32>,
      %iota3A_1032 = tpu.iota {dimensions = array<i32: 0>} : vector<16xi32>
      %add3A_1033 = arith.constant 16 : i32
      %add3A_1034 = vector.broadcast %add3A_1033 : i32 to vector<16xi32>
      %add3A_1035 = arith.addi %iota3A_1032, %add3A_1034 : vector<16xi32>
      %lt3A_1036 = arith.cmpi slt, %add3A_1035, %add3A_947 : vector<16xi32>
      %get3A_1037 = arith.constant 16 : index
      %get3A_1038 = tpu.vector_load %arg15[%get3A_1037] {strides = array<i32>} : memref<256xi32, #tpu.memory_space<vmem>>, vector<16xi32>,
      %jit3A_1039 = arith.constant 0 : i32
      %broadcast_in_dim3A_1040 = vector.broadcast %jit3A_1039 : i32 to vector<16xi32>
      %select_n3A_1041 = arith.select %lt3A_1036, %get3A_1038, %broadcast_in_dim3A_1040 : vector<16xi1>, vector<16xi32>
      %swap3A_1042 = arith.constant 16 : index
      %swap3A_1043 = tpu.vector_load %arg15[%swap3A_1042] {strides = array<i32>} : memref<256xi32, #tpu.memory_space<vmem>>, vector<16xi32>,
      tpu.vector_store %arg15[%swap3A_1042], %select_n3A_1041 {strides = array<i32>} : memref<256xi32, #tpu.memory_space<vmem>>, vector<16xi32>,
      %get3A_1044 = arith.constant 16 : index
      %get3A_1045 = tpu.vector_load %arg16[%get3A_1044] {strides = array<i32>} : memref<256xi32, #tpu.memory_space<vmem>>, vector<16xi32>,
      %jit3A_1046 = arith.constant 1 : i32
      %broadcast_in_dim3A_1047 = vector.broadcast %jit3A_1046 : i32 to vector<16xi32>
      %select_n3A_1048 = arith.select %lt3A_1036, %get3A_1045, %broadcast_in_dim3A_1047 : vector<16xi1>, vector<16xi32>
      %swap3A_1049 = arith.constant 16 : index
      %swap3A_1050 = tpu.vector_load %arg16[%swap3A_1049] {strides = array<i32>} : memref<256xi32, #tpu.memory_space<vmem>>, vector<16xi32>,
      tpu.vector_store %arg16[%swap3A_1049], %select_n3A_1048 {strides = array<i32>} : memref<256xi32, #tpu.memory_space<vmem>>, vector<16xi32>,
      %get3A_1051 = arith.constant 16 : index
      %get3A_1052 = tpu.vector_load %arg17[%get3A_1051] {strides = array<i32>} : memref<256xi32, #tpu.memory_space<vmem>>, vector<16xi32>,
      %select_n3A_1053 = arith.select %lt3A_1036, %get3A_1052, %add3A_1035 : vector<16xi1>, vector<16xi32>
      %swap3A_1054 = arith.constant 16 : index
      %swap3A_1055 = tpu.vector_load %arg17[%swap3A_1054] {strides = array<i32>} : memref<256xi32, #tpu.memory_space<vmem>>, vector<16xi32>,
      tpu.vector_store %arg17[%swap3A_1054], %select_n3A_1053 {strides = array<i32>} : memref<256xi32, #tpu.memory_space<vmem>>, vector<16xi32>,
      %lt3A_1056 = arith.cmpi slt, %add3A_1035, %select_n3A_979 : vector<16xi32>
      %get3A_1057 = arith.constant 16 : index
      %get3A_1058 = tpu.vector_load %arg18[%get3A_1057] {strides = array<i32>} : memref<256xi32, #tpu.memory_space<vmem>>, vector<16xi32>,
      %jit3A_1059 = arith.constant 0 : i32
      %broadcast_in_dim3A_1060 = vector.broadcast %jit3A_1059 : i32 to vector<16xi32>
      %select_n3A_1061 = arith.select %lt3A_1056, %get3A_1058, %broadcast_in_dim3A_1060 : vector<16xi1>, vector<16xi32>
      %swap3A_1062 = arith.constant 16 : index
      %swap3A_1063 = tpu.vector_load %arg18[%swap3A_1062] {strides = array<i32>} : memref<256xi32, #tpu.memory_space<vmem>>, vector<16xi32>,
      tpu.vector_store %arg18[%swap3A_1062], %select_n3A_1061 {strides = array<i32>} : memref<256xi32, #tpu.memory_space<vmem>>, vector<16xi32>,
      %get3A_1064 = arith.constant 16 : index
      %get3A_1065 = tpu.vector_load %arg19[%get3A_1064] {strides = array<i32>} : memref<256xi32, #tpu.memory_space<vmem>>, vector<16xi32>,
      %jit3A_1066 = arith.constant 0 : i32
      %broadcast_in_dim3A_1067 = vector.broadcast %jit3A_1066 : i32 to vector<16xi32>
      %select_n3A_1068 = arith.select %lt3A_1056, %get3A_1065, %broadcast_in_dim3A_1067 : vector<16xi1>, vector<16xi32>
      %swap3A_1069 = arith.constant 16 : index
      %swap3A_1070 = tpu.vector_load %arg19[%swap3A_1069] {strides = array<i32>} : memref<256xi32, #tpu.memory_space<vmem>>, vector<16xi32>,
      tpu.vector_store %arg19[%swap3A_1069], %select_n3A_1068 {strides = array<i32>} : memref<256xi32, #tpu.memory_space<vmem>>, vector<16xi32>,
      %get3A_1071 = arith.constant 16 : index
      %get3A_1072 = tpu.vector_load %arg20[%get3A_1071] {strides = array<i32>} : memref<256xi32, #tpu.memory_space<vmem>>, vector<16xi32>,
      %jit3A_1073 = arith.constant 0 : i32
      %broadcast_in_dim3A_1074 = vector.broadcast %jit3A_1073 : i32 to vector<16xi32>
      %select_n3A_1075 = arith.select %lt3A_1056, %get3A_1072, %broadcast_in_dim3A_1074 : vector<16xi1>, vector<16xi32>
      %swap3A_1076 = arith.constant 16 : index
      %swap3A_1077 = tpu.vector_load %arg20[%swap3A_1076] {strides = array<i32>} : memref<256xi32, #tpu.memory_space<vmem>>, vector<16xi32>,
      tpu.vector_store %arg20[%swap3A_1076], %select_n3A_1075 {strides = array<i32>} : memref<256xi32, #tpu.memory_space<vmem>>, vector<16xi32>,
      %jit3A_1078 = arith.constant 1.000000e+00 : f32
      %jit3A_1079 = arith.constant 0.000000e+00 : f32
      %broadcast_in_dim3A_1080 = vector.broadcast %jit3A_1078 : f32 to vector<16xf32>
      %broadcast_in_dim3A_1081 = vector.broadcast %jit3A_1079 : f32 to vector<16xf32>
      %select_n3A_1082 = arith.select %lt3A_1056, %broadcast_in_dim3A_1080, %broadcast_in_dim3A_1081 : vector<16xi1>, vector<16xf32>
      %swap3A_1083 = arith.constant 16 : index
      %swap3A_1084 = tpu.vector_load %arg21[%swap3A_1083] {strides = array<i32>} : memref<256xf32, #tpu.memory_space<vmem>>, vector<16xf32>,
      tpu.vector_store %arg21[%swap3A_1083], %select_n3A_1082 {strides = array<i32>} : memref<256xf32, #tpu.memory_space<vmem>>, vector<16xf32>,
      %iota3A_1085 = tpu.iota {dimensions = array<i32: 0>} : vector<16xi32>
      %add3A_1086 = arith.constant 32 : i32
      %add3A_1087 = vector.broadcast %add3A_1086 : i32 to vector<16xi32>
      %add3A_1088 = arith.addi %iota3A_1085, %add3A_1087 : vector<16xi32>
      %lt3A_1089 = arith.cmpi slt, %add3A_1088, %add3A_947 : vector<16xi32>
      %get3A_1090 = arith.constant 32 : index
      %get3A_1091 = tpu.vector_load %arg15[%get3A_1090] {strides = array<i32>} : memref<256xi32, #tpu.memory_space<vmem>>, vector<16xi32>,
      %jit3A_1092 = arith.constant 0 : i32
      %broadcast_in_dim3A_1093 = vector.broadcast %jit3A_1092 : i32 to vector<16xi32>
      %select_n3A_1094 = arith.select %lt3A_1089, %get3A_1091, %broadcast_in_dim3A_1093 : vector<16xi1>, vector<16xi32>
      %swap3A_1095 = arith.constant 32 : index
      %swap3A_1096 = tpu.vector_load %arg15[%swap3A_1095] {strides = array<i32>} : memref<256xi32, #tpu.memory_space<vmem>>, vector<16xi32>,
      tpu.vector_store %arg15[%swap3A_1095], %select_n3A_1094 {strides = array<i32>} : memref<256xi32, #tpu.memory_space<vmem>>, vector<16xi32>,
      %get3A_1097 = arith.constant 32 : index
      %get3A_1098 = tpu.vector_load %arg16[%get3A_1097] {strides = array<i32>} : memref<256xi32, #tpu.memory_space<vmem>>, vector<16xi32>,
      %jit3A_1099 = arith.constant 1 : i32
      %broadcast_in_dim3A_1100 = vector.broadcast %jit3A_1099 : i32 to vector<16xi32>
      %select_n3A_1101 = arith.select %lt3A_1089, %get3A_1098, %broadcast_in_dim3A_1100 : vector<16xi1>, vector<16xi32>
      %swap3A_1102 = arith.constant 32 : index
      %swap3A_1103 = tpu.vector_load %arg16[%swap3A_1102] {strides = array<i32>} : memref<256xi32, #tpu.memory_space<vmem>>, vector<16xi32>,
      tpu.vector_store %arg16[%swap3A_1102], %select_n3A_1101 {strides = array<i32>} : memref<256xi32, #tpu.memory_space<vmem>>, vector<16xi32>,
      %get3A_1104 = arith.constant 32 : index
      %get3A_1105 = tpu.vector_load %arg17[%get3A_1104] {strides = array<i32>} : memref<256xi32, #tpu.memory_space<vmem>>, vector<16xi32>,
      %select_n3A_1106 = arith.select %lt3A_1089, %get3A_1105, %add3A_1088 : vector<16xi1>, vector<16xi32>
      %swap3A_1107 = arith.constant 32 : index
      %swap3A_1108 = tpu.vector_load %arg17[%swap3A_1107] {strides = array<i32>} : memref<256xi32, #tpu.memory_space<vmem>>, vector<16xi32>,
      tpu.vector_store %arg17[%swap3A_1107], %select_n3A_1106 {strides = array<i32>} : memref<256xi32, #tpu.memory_space<vmem>>, vector<16xi32>,
      %lt3A_1109 = arith.cmpi slt, %add3A_1088, %select_n3A_979 : vector<16xi32>
      %get3A_1110 = arith.constant 32 : index
      %get3A_1111 = tpu.vector_load %arg18[%get3A_1110] {strides = array<i32>} : memref<256xi32, #tpu.memory_space<vmem>>, vector<16xi32>,
      %jit3A_1112 = arith.constant 0 : i32
      %broadcast_in_dim3A_1113 = vector.broadcast %jit3A_1112 : i32 to vector<16xi32>
      %select_n3A_1114 = arith.select %lt3A_1109, %get3A_1111, %broadcast_in_dim3A_1113 : vector<16xi1>, vector<16xi32>
      %swap3A_1115 = arith.constant 32 : index
      %swap3A_1116 = tpu.vector_load %arg18[%swap3A_1115] {strides = array<i32>} : memref<256xi32, #tpu.memory_space<vmem>>, vector<16xi32>,
      tpu.vector_store %arg18[%swap3A_1115], %select_n3A_1114 {strides = array<i32>} : memref<256xi32, #tpu.memory_space<vmem>>, vector<16xi32>,
      %get3A_1117 = arith.constant 32 : index
      %get3A_1118 = tpu.vector_load %arg19[%get3A_1117] {strides = array<i32>} : memref<256xi32, #tpu.memory_space<vmem>>, vector<16xi32>,
      %jit3A_1119 = arith.constant 0 : i32
      %broadcast_in_dim3A_1120 = vector.broadcast %jit3A_1119 : i32 to vector<16xi32>
      %select_n3A_1121 = arith.select %lt3A_1109, %get3A_1118, %broadcast_in_dim3A_1120 : vector<16xi1>, vector<16xi32>
      %swap3A_1122 = arith.constant 32 : index
      %swap3A_1123 = tpu.vector_load %arg19[%swap3A_1122] {strides = array<i32>} : memref<256xi32, #tpu.memory_space<vmem>>, vector<16xi32>,
      tpu.vector_store %arg19[%swap3A_1122], %select_n3A_1121 {strides = array<i32>} : memref<256xi32, #tpu.memory_space<vmem>>, vector<16xi32>,
      %get3A_1124 = arith.constant 32 : index
      %get3A_1125 = tpu.vector_load %arg20[%get3A_1124] {strides = array<i32>} : memref<256xi32, #tpu.memory_space<vmem>>, vector<16xi32>,
      %jit3A_1126 = arith.constant 0 : i32
      %broadcast_in_dim3A_1127 = vector.broadcast %jit3A_1126 : i32 to vector<16xi32>
      %select_n3A_1128 = arith.select %lt3A_1109, %get3A_1125, %broadcast_in_dim3A_1127 : vector<16xi1>, vector<16xi32>
      %swap3A_1129 = arith.constant 32 : index
      %swap3A_1130 = tpu.vector_load %arg20[%swap3A_1129] {strides = array<i32>} : memref<256xi32, #tpu.memory_space<vmem>>, vector<16xi32>,
      tpu.vector_store %arg20[%swap3A_1129], %select_n3A_1128 {strides = array<i32>} : memref<256xi32, #tpu.memory_space<vmem>>, vector<16xi32>,
      %jit3A_1131 = arith.constant 1.000000e+00 : f32
      %jit3A_1132 = arith.constant 0.000000e+00 : f32
      %broadcast_in_dim3A_1133 = vector.broadcast %jit3A_1131 : f32 to vector<16xf32>
      %broadcast_in_dim3A_1134 = vector.broadcast %jit3A_1132 : f32 to vector<16xf32>
      %select_n3A_1135 = arith.select %lt3A_1109, %broadcast_in_dim3A_1133, %broadcast_in_dim3A_1134 : vector<16xi1>, vector<16xf32>
      %swap3A_1136 = arith.constant 32 : index
      %swap3A_1137 = tpu.vector_load %arg21[%swap3A_1136] {strides = array<i32>} : memref<256xf32, #tpu.memory_space<vmem>>, vector<16xf32>,
      tpu.vector_store %arg21[%swap3A_1136], %select_n3A_1135 {strides = array<i32>} : memref<256xf32, #tpu.memory_space<vmem>>, vector<16xf32>,
      %iota3A_1138 = tpu.iota {dimensions = array<i32: 0>} : vector<16xi32>
      %add3A_1139 = arith.constant 48 : i32
      %add3A_1140 = vector.broadcast %add3A_1139 : i32 to vector<16xi32>
      %add3A_1141 = arith.addi %iota3A_1138, %add3A_1140 : vector<16xi32>
      %lt3A_1142 = arith.cmpi slt, %add3A_1141, %add3A_947 : vector<16xi32>
      %get3A_1143 = arith.constant 48 : index
      %get3A_1144 = tpu.vector_load %arg15[%get3A_1143] {strides = array<i32>} : memref<256xi32, #tpu.memory_space<vmem>>, vector<16xi32>,
      %jit3A_1145 = arith.constant 0 : i32
      %broadcast_in_dim3A_1146 = vector.broadcast %jit3A_1145 : i32 to vector<16xi32>
      %select_n3A_1147 = arith.select %lt3A_1142, %get3A_1144, %broadcast_in_dim3A_1146 : vector<16xi1>, vector<16xi32>
      %swap3A_1148 = arith.constant 48 : index
      %swap3A_1149 = tpu.vector_load %arg15[%swap3A_1148] {strides = array<i32>} : memref<256xi32, #tpu.memory_space<vmem>>, vector<16xi32>,
      tpu.vector_store %arg15[%swap3A_1148], %select_n3A_1147 {strides = array<i32>} : memref<256xi32, #tpu.memory_space<vmem>>, vector<16xi32>,
      %get3A_1150 = arith.constant 48 : index
      %get3A_1151 = tpu.vector_load %arg16[%get3A_1150] {strides = array<i32>} : memref<256xi32, #tpu.memory_space<vmem>>, vector<16xi32>,
      %jit3A_1152 = arith.constant 1 : i32
      %broadcast_in_dim3A_1153 = vector.broadcast %jit3A_1152 : i32 to vector<16xi32>
      %select_n3A_1154 = arith.select %lt3A_1142, %get3A_1151, %broadcast_in_dim3A_1153 : vector<16xi1>, vector<16xi32>
      %swap3A_1155 = arith.constant 48 : index
      %swap3A_1156 = tpu.vector_load %arg16[%swap3A_1155] {strides = array<i32>} : memref<256xi32, #tpu.memory_space<vmem>>, vector<16xi32>,
      tpu.vector_store %arg16[%swap3A_1155], %select_n3A_1154 {strides = array<i32>} : memref<256xi32, #tpu.memory_space<vmem>>, vector<16xi32>,
      %get3A_1157 = arith.constant 48 : index
      %get3A_1158 = tpu.vector_load %arg17[%get3A_1157] {strides = array<i32>} : memref<256xi32, #tpu.memory_space<vmem>>, vector<16xi32>,
      %select_n3A_1159 = arith.select %lt3A_1142, %get3A_1158, %add3A_1141 : vector<16xi1>, vector<16xi32>
      %swap3A_1160 = arith.constant 48 : index
      %swap3A_1161 = tpu.vector_load %arg17[%swap3A_1160] {strides = array<i32>} : memref<256xi32, #tpu.memory_space<vmem>>, vector<16xi32>,
      tpu.vector_store %arg17[%swap3A_1160], %select_n3A_1159 {strides = array<i32>} : memref<256xi32, #tpu.memory_space<vmem>>, vector<16xi32>,
      %lt3A_1162 = arith.cmpi slt, %add3A_1141, %select_n3A_979 : vector<16xi32>
      %get3A_1163 = arith.constant 48 : index
      %get3A_1164 = tpu.vector_load %arg18[%get3A_1163] {strides = array<i32>} : memref<256xi32, #tpu.memory_space<vmem>>, vector<16xi32>,
      %jit3A_1165 = arith.constant 0 : i32
      %broadcast_in_dim3A_1166 = vector.broadcast %jit3A_1165 : i32 to vector<16xi32>
      %select_n3A_1167 = arith.select %lt3A_1162, %get3A_1164, %broadcast_in_dim3A_1166 : vector<16xi1>, vector<16xi32>
      %swap3A_1168 = arith.constant 48 : index
      %swap3A_1169 = tpu.vector_load %arg18[%swap3A_1168] {strides = array<i32>} : memref<256xi32, #tpu.memory_space<vmem>>, vector<16xi32>,
      tpu.vector_store %arg18[%swap3A_1168], %select_n3A_1167 {strides = array<i32>} : memref<256xi32, #tpu.memory_space<vmem>>, vector<16xi32>,
      %get3A_1170 = arith.constant 48 : index
      %get3A_1171 = tpu.vector_load %arg19[%get3A_1170] {strides = array<i32>} : memref<256xi32, #tpu.memory_space<vmem>>, vector<16xi32>,
      %jit3A_1172 = arith.constant 0 : i32
      %broadcast_in_dim3A_1173 = vector.broadcast %jit3A_1172 : i32 to vector<16xi32>
      %select_n3A_1174 = arith.select %lt3A_1162, %get3A_1171, %broadcast_in_dim3A_1173 : vector<16xi1>, vector<16xi32>
      %swap3A_1175 = arith.constant 48 : index
      %swap3A_1176 = tpu.vector_load %arg19[%swap3A_1175] {strides = array<i32>} : memref<256xi32, #tpu.memory_space<vmem>>, vector<16xi32>,
      tpu.vector_store %arg19[%swap3A_1175], %select_n3A_1174 {strides = array<i32>} : memref<256xi32, #tpu.memory_space<vmem>>, vector<16xi32>,
      %get3A_1177 = arith.constant 48 : index
      %get3A_1178 = tpu.vector_load %arg20[%get3A_1177] {strides = array<i32>} : memref<256xi32, #tpu.memory_space<vmem>>, vector<16xi32>,
      %jit3A_1179 = arith.constant 0 : i32
      %broadcast_in_dim3A_1180 = vector.broadcast %jit3A_1179 : i32 to vector<16xi32>
      %select_n3A_1181 = arith.select %lt3A_1162, %get3A_1178, %broadcast_in_dim3A_1180 : vector<16xi1>, vector<16xi32>
      %swap3A_1182 = arith.constant 48 : index
      %swap3A_1183 = tpu.vector_load %arg20[%swap3A_1182] {strides = array<i32>} : memref<256xi32, #tpu.memory_space<vmem>>, vector<16xi32>,
      tpu.vector_store %arg20[%swap3A_1182], %select_n3A_1181 {strides = array<i32>} : memref<256xi32, #tpu.memory_space<vmem>>, vector<16xi32>,
      %jit3A_1184 = arith.constant 1.000000e+00 : f32
      %jit3A_1185 = arith.constant 0.000000e+00 : f32
      %broadcast_in_dim3A_1186 = vector.broadcast %jit3A_1184 : f32 to vector<16xf32>
      %broadcast_in_dim3A_1187 = vector.broadcast %jit3A_1185 : f32 to vector<16xf32>
      %select_n3A_1188 = arith.select %lt3A_1162, %broadcast_in_dim3A_1186, %broadcast_in_dim3A_1187 : vector<16xi1>, vector<16xf32>
      %swap3A_1189 = arith.constant 48 : index
      %swap3A_1190 = tpu.vector_load %arg21[%swap3A_1189] {strides = array<i32>} : memref<256xf32, #tpu.memory_space<vmem>>, vector<16xf32>,
      tpu.vector_store %arg21[%swap3A_1189], %select_n3A_1188 {strides = array<i32>} : memref<256xf32, #tpu.memory_space<vmem>>, vector<16xf32>,
      %iota3A_1191 = tpu.iota {dimensions = array<i32: 0>} : vector<16xi32>
      %add3A_1192 = arith.constant 64 : i32
      %add3A_1193 = vector.broadcast %add3A_1192 : i32 to vector<16xi32>
      %add3A_1194 = arith.addi %iota3A_1191, %add3A_1193 : vector<16xi32>
      %lt3A_1195 = arith.cmpi slt, %add3A_1194, %add3A_947 : vector<16xi32>
      %get3A_1196 = arith.constant 64 : index
      %get3A_1197 = tpu.vector_load %arg15[%get3A_1196] {strides = array<i32>} : memref<256xi32, #tpu.memory_space<vmem>>, vector<16xi32>,
      %jit3A_1198 = arith.constant 0 : i32
      %broadcast_in_dim3A_1199 = vector.broadcast %jit3A_1198 : i32 to vector<16xi32>
      %select_n3A_1200 = arith.select %lt3A_1195, %get3A_1197, %broadcast_in_dim3A_1199 : vector<16xi1>, vector<16xi32>
      %swap3A_1201 = arith.constant 64 : index
      %swap3A_1202 = tpu.vector_load %arg15[%swap3A_1201] {strides = array<i32>} : memref<256xi32, #tpu.memory_space<vmem>>, vector<16xi32>,
      tpu.vector_store %arg15[%swap3A_1201], %select_n3A_1200 {strides = array<i32>} : memref<256xi32, #tpu.memory_space<vmem>>, vector<16xi32>,
      %get3A_1203 = arith.constant 64 : index
      %get3A_1204 = tpu.vector_load %arg16[%get3A_1203] {strides = array<i32>} : memref<256xi32, #tpu.memory_space<vmem>>, vector<16xi32>,
      %jit3A_1205 = arith.constant 1 : i32
      %broadcast_in_dim3A_1206 = vector.broadcast %jit3A_1205 : i32 to vector<16xi32>
      %select_n3A_1207 = arith.select %lt3A_1195, %get3A_1204, %broadcast_in_dim3A_1206 : vector<16xi1>, vector<16xi32>
      %swap3A_1208 = arith.constant 64 : index
      %swap3A_1209 = tpu.vector_load %arg16[%swap3A_1208] {strides = array<i32>} : memref<256xi32, #tpu.memory_space<vmem>>, vector<16xi32>,
      tpu.vector_store %arg16[%swap3A_1208], %select_n3A_1207 {strides = array<i32>} : memref<256xi32, #tpu.memory_space<vmem>>, vector<16xi32>,
      %get3A_1210 = arith.constant 64 : index
      %get3A_1211 = tpu.vector_load %arg17[%get3A_1210] {strides = array<i32>} : memref<256xi32, #tpu.memory_space<vmem>>, vector<16xi32>,
      %select_n3A_1212 = arith.select %lt3A_1195, %get3A_1211, %add3A_1194 : vector<16xi1>, vector<16xi32>
      %swap3A_1213 = arith.constant 64 : index
      %swap3A_1214 = tpu.vector_load %arg17[%swap3A_1213] {strides = array<i32>} : memref<256xi32, #tpu.memory_space<vmem>>, vector<16xi32>,
      tpu.vector_store %arg17[%swap3A_1213], %select_n3A_1212 {strides = array<i32>} : memref<256xi32, #tpu.memory_space<vmem>>, vector<16xi32>,
      %lt3A_1215 = arith.cmpi slt, %add3A_1194, %select_n3A_979 : vector<16xi32>
      %get3A_1216 = arith.constant 64 : index
      %get3A_1217 = tpu.vector_load %arg18[%get3A_1216] {strides = array<i32>} : memref<256xi32, #tpu.memory_space<vmem>>, vector<16xi32>,
      %jit3A_1218 = arith.constant 0 : i32
      %broadcast_in_dim3A_1219 = vector.broadcast %jit3A_1218 : i32 to vector<16xi32>
      %select_n3A_1220 = arith.select %lt3A_1215, %get3A_1217, %broadcast_in_dim3A_1219 : vector<16xi1>, vector<16xi32>
      %swap3A_1221 = arith.constant 64 : index
      %swap3A_1222 = tpu.vector_load %arg18[%swap3A_1221] {strides = array<i32>} : memref<256xi32, #tpu.memory_space<vmem>>, vector<16xi32>,
      tpu.vector_store %arg18[%swap3A_1221], %select_n3A_1220 {strides = array<i32>} : memref<256xi32, #tpu.memory_space<vmem>>, vector<16xi32>,
      %get3A_1223 = arith.constant 64 : index
      %get3A_1224 = tpu.vector_load %arg19[%get3A_1223] {strides = array<i32>} : memref<256xi32, #tpu.memory_space<vmem>>, vector<16xi32>,
      %jit3A_1225 = arith.constant 0 : i32
      %broadcast_in_dim3A_1226 = vector.broadcast %jit3A_1225 : i32 to vector<16xi32>
      %select_n3A_1227 = arith.select %lt3A_1215, %get3A_1224, %broadcast_in_dim3A_1226 : vector<16xi1>, vector<16xi32>
      %swap3A_1228 = arith.constant 64 : index
      %swap3A_1229 = tpu.vector_load %arg19[%swap3A_1228] {strides = array<i32>} : memref<256xi32, #tpu.memory_space<vmem>>, vector<16xi32>,
      tpu.vector_store %arg19[%swap3A_1228], %select_n3A_1227 {strides = array<i32>} : memref<256xi32, #tpu.memory_space<vmem>>, vector<16xi32>,
      %get3A_1230 = arith.constant 64 : index
      %get3A_1231 = tpu.vector_load %arg20[%get3A_1230] {strides = array<i32>} : memref<256xi32, #tpu.memory_space<vmem>>, vector<16xi32>,
      %jit3A_1232 = arith.constant 0 : i32
      %broadcast_in_dim3A_1233 = vector.broadcast %jit3A_1232 : i32 to vector<16xi32>
      %select_n3A_1234 = arith.select %lt3A_1215, %get3A_1231, %broadcast_in_dim3A_1233 : vector<16xi1>, vector<16xi32>
      %swap3A_1235 = arith.constant 64 : index
      %swap3A_1236 = tpu.vector_load %arg20[%swap3A_1235] {strides = array<i32>} : memref<256xi32, #tpu.memory_space<vmem>>, vector<16xi32>,
      tpu.vector_store %arg20[%swap3A_1235], %select_n3A_1234 {strides = array<i32>} : memref<256xi32, #tpu.memory_space<vmem>>, vector<16xi32>,
      %jit3A_1237 = arith.constant 1.000000e+00 : f32
      %jit3A_1238 = arith.constant 0.000000e+00 : f32
      %broadcast_in_dim3A_1239 = vector.broadcast %jit3A_1237 : f32 to vector<16xf32>
      %broadcast_in_dim3A_1240 = vector.broadcast %jit3A_1238 : f32 to vector<16xf32>
      %select_n3A_1241 = arith.select %lt3A_1215, %broadcast_in_dim3A_1239, %broadcast_in_dim3A_1240 : vector<16xi1>, vector<16xf32>
      %swap3A_1242 = arith.constant 64 : index
      %swap3A_1243 = tpu.vector_load %arg21[%swap3A_1242] {strides = array<i32>} : memref<256xf32, #tpu.memory_space<vmem>>, vector<16xf32>,
      tpu.vector_store %arg21[%swap3A_1242], %select_n3A_1241 {strides = array<i32>} : memref<256xf32, #tpu.memory_space<vmem>>, vector<16xf32>,
      %iota3A_1244 = tpu.iota {dimensions = array<i32: 0>} : vector<16xi32>
      %add3A_1245 = arith.constant 80 : i32
      %add3A_1246 = vector.broadcast %add3A_1245 : i32 to vector<16xi32>
      %add3A_1247 = arith.addi %iota3A_1244, %add3A_1246 : vector<16xi32>
      %lt3A_1248 = arith.cmpi slt, %add3A_1247, %add3A_947 : vector<16xi32>
      %get3A_1249 = arith.constant 80 : index
      %get3A_1250 = tpu.vector_load %arg15[%get3A_1249] {strides = array<i32>} : memref<256xi32, #tpu.memory_space<vmem>>, vector<16xi32>,
      %jit3A_1251 = arith.constant 0 : i32
      %broadcast_in_dim3A_1252 = vector.broadcast %jit3A_1251 : i32 to vector<16xi32>
      %select_n3A_1253 = arith.select %lt3A_1248, %get3A_1250, %broadcast_in_dim3A_1252 : vector<16xi1>, vector<16xi32>
      %swap3A_1254 = arith.constant 80 : index
      %swap3A_1255 = tpu.vector_load %arg15[%swap3A_1254] {strides = array<i32>} : memref<256xi32, #tpu.memory_space<vmem>>, vector<16xi32>,
      tpu.vector_store %arg15[%swap3A_1254], %select_n3A_1253 {strides = array<i32>} : memref<256xi32, #tpu.memory_space<vmem>>, vector<16xi32>,
      %get3A_1256 = arith.constant 80 : index
      %get3A_1257 = tpu.vector_load %arg16[%get3A_1256] {strides = array<i32>} : memref<256xi32, #tpu.memory_space<vmem>>, vector<16xi32>,
      %jit3A_1258 = arith.constant 1 : i32
      %broadcast_in_dim3A_1259 = vector.broadcast %jit3A_1258 : i32 to vector<16xi32>
      %select_n3A_1260 = arith.select %lt3A_1248, %get3A_1257, %broadcast_in_dim3A_1259 : vector<16xi1>, vector<16xi32>
      %swap3A_1261 = arith.constant 80 : index
      %swap3A_1262 = tpu.vector_load %arg16[%swap3A_1261] {strides = array<i32>} : memref<256xi32, #tpu.memory_space<vmem>>, vector<16xi32>,
      tpu.vector_store %arg16[%swap3A_1261], %select_n3A_1260 {strides = array<i32>} : memref<256xi32, #tpu.memory_space<vmem>>, vector<16xi32>,
      %get3A_1263 = arith.constant 80 : index
      %get3A_1264 = tpu.vector_load %arg17[%get3A_1263] {strides = array<i32>} : memref<256xi32, #tpu.memory_space<vmem>>, vector<16xi32>,
      %select_n3A_1265 = arith.select %lt3A_1248, %get3A_1264, %add3A_1247 : vector<16xi1>, vector<16xi32>
      %swap3A_1266 = arith.constant 80 : index
      %swap3A_1267 = tpu.vector_load %arg17[%swap3A_1266] {strides = array<i32>} : memref<256xi32, #tpu.memory_space<vmem>>, vector<16xi32>,
      tpu.vector_store %arg17[%swap3A_1266], %select_n3A_1265 {strides = array<i32>} : memref<256xi32, #tpu.memory_space<vmem>>, vector<16xi32>,
      %lt3A_1268 = arith.cmpi slt, %add3A_1247, %select_n3A_979 : vector<16xi32>
      %get3A_1269 = arith.constant 80 : index
      %get3A_1270 = tpu.vector_load %arg18[%get3A_1269] {strides = array<i32>} : memref<256xi32, #tpu.memory_space<vmem>>, vector<16xi32>,
      %jit3A_1271 = arith.constant 0 : i32
      %broadcast_in_dim3A_1272 = vector.broadcast %jit3A_1271 : i32 to vector<16xi32>
      %select_n3A_1273 = arith.select %lt3A_1268, %get3A_1270, %broadcast_in_dim3A_1272 : vector<16xi1>, vector<16xi32>
      %swap3A_1274 = arith.constant 80 : index
      %swap3A_1275 = tpu.vector_load %arg18[%swap3A_1274] {strides = array<i32>} : memref<256xi32, #tpu.memory_space<vmem>>, vector<16xi32>,
      tpu.vector_store %arg18[%swap3A_1274], %select_n3A_1273 {strides = array<i32>} : memref<256xi32, #tpu.memory_space<vmem>>, vector<16xi32>,
      %get3A_1276 = arith.constant 80 : index
      %get3A_1277 = tpu.vector_load %arg19[%get3A_1276] {strides = array<i32>} : memref<256xi32, #tpu.memory_space<vmem>>, vector<16xi32>,
      %jit3A_1278 = arith.constant 0 : i32
      %broadcast_in_dim3A_1279 = vector.broadcast %jit3A_1278 : i32 to vector<16xi32>
      %select_n3A_1280 = arith.select %lt3A_1268, %get3A_1277, %broadcast_in_dim3A_1279 : vector<16xi1>, vector<16xi32>
      %swap3A_1281 = arith.constant 80 : index
      %swap3A_1282 = tpu.vector_load %arg19[%swap3A_1281] {strides = array<i32>} : memref<256xi32, #tpu.memory_space<vmem>>, vector<16xi32>,
      tpu.vector_store %arg19[%swap3A_1281], %select_n3A_1280 {strides = array<i32>} : memref<256xi32, #tpu.memory_space<vmem>>, vector<16xi32>,
      %get3A_1283 = arith.constant 80 : index
      %get3A_1284 = tpu.vector_load %arg20[%get3A_1283] {strides = array<i32>} : memref<256xi32, #tpu.memory_space<vmem>>, vector<16xi32>,
      %jit3A_1285 = arith.constant 0 : i32
      %broadcast_in_dim3A_1286 = vector.broadcast %jit3A_1285 : i32 to vector<16xi32>
      %select_n3A_1287 = arith.select %lt3A_1268, %get3A_1284, %broadcast_in_dim3A_1286 : vector<16xi1>, vector<16xi32>
      %swap3A_1288 = arith.constant 80 : index
      %swap3A_1289 = tpu.vector_load %arg20[%swap3A_1288] {strides = array<i32>} : memref<256xi32, #tpu.memory_space<vmem>>, vector<16xi32>,
      tpu.vector_store %arg20[%swap3A_1288], %select_n3A_1287 {strides = array<i32>} : memref<256xi32, #tpu.memory_space<vmem>>, vector<16xi32>,
      %jit3A_1290 = arith.constant 1.000000e+00 : f32
      %jit3A_1291 = arith.constant 0.000000e+00 : f32
      %broadcast_in_dim3A_1292 = vector.broadcast %jit3A_1290 : f32 to vector<16xf32>
      %broadcast_in_dim3A_1293 = vector.broadcast %jit3A_1291 : f32 to vector<16xf32>
      %select_n3A_1294 = arith.select %lt3A_1268, %broadcast_in_dim3A_1292, %broadcast_in_dim3A_1293 : vector<16xi1>, vector<16xf32>
      %swap3A_1295 = arith.constant 80 : index
      %swap3A_1296 = tpu.vector_load %arg21[%swap3A_1295] {strides = array<i32>} : memref<256xf32, #tpu.memory_space<vmem>>, vector<16xf32>,
      tpu.vector_store %arg21[%swap3A_1295], %select_n3A_1294 {strides = array<i32>} : memref<256xf32, #tpu.memory_space<vmem>>, vector<16xf32>,
      %iota3A_1297 = tpu.iota {dimensions = array<i32: 0>} : vector<16xi32>
      %add3A_1298 = arith.constant 96 : i32
      %add3A_1299 = vector.broadcast %add3A_1298 : i32 to vector<16xi32>
      %add3A_1300 = arith.addi %iota3A_1297, %add3A_1299 : vector<16xi32>
      %lt3A_1301 = arith.cmpi slt, %add3A_1300, %add3A_947 : vector<16xi32>
      %get3A_1302 = arith.constant 96 : index
      %get3A_1303 = tpu.vector_load %arg15[%get3A_1302] {strides = array<i32>} : memref<256xi32, #tpu.memory_space<vmem>>, vector<16xi32>,
      %jit3A_1304 = arith.constant 0 : i32
      %broadcast_in_dim3A_1305 = vector.broadcast %jit3A_1304 : i32 to vector<16xi32>
      %select_n3A_1306 = arith.select %lt3A_1301, %get3A_1303, %broadcast_in_dim3A_1305 : vector<16xi1>, vector<16xi32>
      %swap3A_1307 = arith.constant 96 : index
      %swap3A_1308 = tpu.vector_load %arg15[%swap3A_1307] {strides = array<i32>} : memref<256xi32, #tpu.memory_space<vmem>>, vector<16xi32>,
      tpu.vector_store %arg15[%swap3A_1307], %select_n3A_1306 {strides = array<i32>} : memref<256xi32, #tpu.memory_space<vmem>>, vector<16xi32>,
      %get3A_1309 = arith.constant 96 : index
      %get3A_1310 = tpu.vector_load %arg16[%get3A_1309] {strides = array<i32>} : memref<256xi32, #tpu.memory_space<vmem>>, vector<16xi32>,
      %jit3A_1311 = arith.constant 1 : i32
      %broadcast_in_dim3A_1312 = vector.broadcast %jit3A_1311 : i32 to vector<16xi32>
      %select_n3A_1313 = arith.select %lt3A_1301, %get3A_1310, %broadcast_in_dim3A_1312 : vector<16xi1>, vector<16xi32>
      %swap3A_1314 = arith.constant 96 : index
      %swap3A_1315 = tpu.vector_load %arg16[%swap3A_1314] {strides = array<i32>} : memref<256xi32, #tpu.memory_space<vmem>>, vector<16xi32>,
      tpu.vector_store %arg16[%swap3A_1314], %select_n3A_1313 {strides = array<i32>} : memref<256xi32, #tpu.memory_space<vmem>>, vector<16xi32>,
      %get3A_1316 = arith.constant 96 : index
      %get3A_1317 = tpu.vector_load %arg17[%get3A_1316] {strides = array<i32>} : memref<256xi32, #tpu.memory_space<vmem>>, vector<16xi32>,
      %select_n3A_1318 = arith.select %lt3A_1301, %get3A_1317, %add3A_1300 : vector<16xi1>, vector<16xi32>
      %swap3A_1319 = arith.constant 96 : index
      %swap3A_1320 = tpu.vector_load %arg17[%swap3A_1319] {strides = array<i32>} : memref<256xi32, #tpu.memory_space<vmem>>, vector<16xi32>,
      tpu.vector_store %arg17[%swap3A_1319], %select_n3A_1318 {strides = array<i32>} : memref<256xi32, #tpu.memory_space<vmem>>, vector<16xi32>,
      %lt3A_1321 = arith.cmpi slt, %add3A_1300, %select_n3A_979 : vector<16xi32>
      %get3A_1322 = arith.constant 96 : index
      %get3A_1323 = tpu.vector_load %arg18[%get3A_1322] {strides = array<i32>} : memref<256xi32, #tpu.memory_space<vmem>>, vector<16xi32>,
      %jit3A_1324 = arith.constant 0 : i32
      %broadcast_in_dim3A_1325 = vector.broadcast %jit3A_1324 : i32 to vector<16xi32>
      %select_n3A_1326 = arith.select %lt3A_1321, %get3A_1323, %broadcast_in_dim3A_1325 : vector<16xi1>, vector<16xi32>
      %swap3A_1327 = arith.constant 96 : index
      %swap3A_1328 = tpu.vector_load %arg18[%swap3A_1327] {strides = array<i32>} : memref<256xi32, #tpu.memory_space<vmem>>, vector<16xi32>,
      tpu.vector_store %arg18[%swap3A_1327], %select_n3A_1326 {strides = array<i32>} : memref<256xi32, #tpu.memory_space<vmem>>, vector<16xi32>,
      %get3A_1329 = arith.constant 96 : index
      %get3A_1330 = tpu.vector_load %arg19[%get3A_1329] {strides = array<i32>} : memref<256xi32, #tpu.memory_space<vmem>>, vector<16xi32>,
      %jit3A_1331 = arith.constant 0 : i32
      %broadcast_in_dim3A_1332 = vector.broadcast %jit3A_1331 : i32 to vector<16xi32>
      %select_n3A_1333 = arith.select %lt3A_1321, %get3A_1330, %broadcast_in_dim3A_1332 : vector<16xi1>, vector<16xi32>
      %swap3A_1334 = arith.constant 96 : index
      %swap3A_1335 = tpu.vector_load %arg19[%swap3A_1334] {strides = array<i32>} : memref<256xi32, #tpu.memory_space<vmem>>, vector<16xi32>,
      tpu.vector_store %arg19[%swap3A_1334], %select_n3A_1333 {strides = array<i32>} : memref<256xi32, #tpu.memory_space<vmem>>, vector<16xi32>,
      %get3A_1336 = arith.constant 96 : index
      %get3A_1337 = tpu.vector_load %arg20[%get3A_1336] {strides = array<i32>} : memref<256xi32, #tpu.memory_space<vmem>>, vector<16xi32>,
      %jit3A_1338 = arith.constant 0 : i32
      %broadcast_in_dim3A_1339 = vector.broadcast %jit3A_1338 : i32 to vector<16xi32>
      %select_n3A_1340 = arith.select %lt3A_1321, %get3A_1337, %broadcast_in_dim3A_1339 : vector<16xi1>, vector<16xi32>
      %swap3A_1341 = arith.constant 96 : index
      %swap3A_1342 = tpu.vector_load %arg20[%swap3A_1341] {strides = array<i32>} : memref<256xi32, #tpu.memory_space<vmem>>, vector<16xi32>,
      tpu.vector_store %arg20[%swap3A_1341], %select_n3A_1340 {strides = array<i32>} : memref<256xi32, #tpu.memory_space<vmem>>, vector<16xi32>,
      %jit3A_1343 = arith.constant 1.000000e+00 : f32
      %jit3A_1344 = arith.constant 0.000000e+00 : f32
      %broadcast_in_dim3A_1345 = vector.broadcast %jit3A_1343 : f32 to vector<16xf32>
      %broadcast_in_dim3A_1346 = vector.broadcast %jit3A_1344 : f32 to vector<16xf32>
      %select_n3A_1347 = arith.select %lt3A_1321, %broadcast_in_dim3A_1345, %broadcast_in_dim3A_1346 : vector<16xi1>, vector<16xf32>
      %swap3A_1348 = arith.constant 96 : index
      %swap3A_1349 = tpu.vector_load %arg21[%swap3A_1348] {strides = array<i32>} : memref<256xf32, #tpu.memory_space<vmem>>, vector<16xf32>,
      tpu.vector_store %arg21[%swap3A_1348], %select_n3A_1347 {strides = array<i32>} : memref<256xf32, #tpu.memory_space<vmem>>, vector<16xf32>,
      %iota3A_1350 = tpu.iota {dimensions = array<i32: 0>} : vector<16xi32>
      %add3A_1351 = arith.constant 112 : i32
      %add3A_1352 = vector.broadcast %add3A_1351 : i32 to vector<16xi32>
      %add3A_1353 = arith.addi %iota3A_1350, %add3A_1352 : vector<16xi32>
      %lt3A_1354 = arith.cmpi slt, %add3A_1353, %add3A_947 : vector<16xi32>
      %get3A_1355 = arith.constant 112 : index
      %get3A_1356 = tpu.vector_load %arg15[%get3A_1355] {strides = array<i32>} : memref<256xi32, #tpu.memory_space<vmem>>, vector<16xi32>,
      %jit3A_1357 = arith.constant 0 : i32
      %broadcast_in_dim3A_1358 = vector.broadcast %jit3A_1357 : i32 to vector<16xi32>
      %select_n3A_1359 = arith.select %lt3A_1354, %get3A_1356, %broadcast_in_dim3A_1358 : vector<16xi1>, vector<16xi32>
      %swap3A_1360 = arith.constant 112 : index
      %swap3A_1361 = tpu.vector_load %arg15[%swap3A_1360] {strides = array<i32>} : memref<256xi32, #tpu.memory_space<vmem>>, vector<16xi32>,
      tpu.vector_store %arg15[%swap3A_1360], %select_n3A_1359 {strides = array<i32>} : memref<256xi32, #tpu.memory_space<vmem>>, vector<16xi32>,
      %get3A_1362 = arith.constant 112 : index
      %get3A_1363 = tpu.vector_load %arg16[%get3A_1362] {strides = array<i32>} : memref<256xi32, #tpu.memory_space<vmem>>, vector<16xi32>,
      %jit3A_1364 = arith.constant 1 : i32
      %broadcast_in_dim3A_1365 = vector.broadcast %jit3A_1364 : i32 to vector<16xi32>
      %select_n3A_1366 = arith.select %lt3A_1354, %get3A_1363, %broadcast_in_dim3A_1365 : vector<16xi1>, vector<16xi32>
      %swap3A_1367 = arith.constant 112 : index
      %swap3A_1368 = tpu.vector_load %arg16[%swap3A_1367] {strides = array<i32>} : memref<256xi32, #tpu.memory_space<vmem>>, vector<16xi32>,
      tpu.vector_store %arg16[%swap3A_1367], %select_n3A_1366 {strides = array<i32>} : memref<256xi32, #tpu.memory_space<vmem>>, vector<16xi32>,
      %get3A_1369 = arith.constant 112 : index
      %get3A_1370 = tpu.vector_load %arg17[%get3A_1369] {strides = array<i32>} : memref<256xi32, #tpu.memory_space<vmem>>, vector<16xi32>,
      %select_n3A_1371 = arith.select %lt3A_1354, %get3A_1370, %add3A_1353 : vector<16xi1>, vector<16xi32>
      %swap3A_1372 = arith.constant 112 : index
      %swap3A_1373 = tpu.vector_load %arg17[%swap3A_1372] {strides = array<i32>} : memref<256xi32, #tpu.memory_space<vmem>>, vector<16xi32>,
      tpu.vector_store %arg17[%swap3A_1372], %select_n3A_1371 {strides = array<i32>} : memref<256xi32, #tpu.memory_space<vmem>>, vector<16xi32>,
      %lt3A_1374 = arith.cmpi slt, %add3A_1353, %select_n3A_979 : vector<16xi32>
      %get3A_1375 = arith.constant 112 : index
      %get3A_1376 = tpu.vector_load %arg18[%get3A_1375] {strides = array<i32>} : memref<256xi32, #tpu.memory_space<vmem>>, vector<16xi32>,
      %jit3A_1377 = arith.constant 0 : i32
      %broadcast_in_dim3A_1378 = vector.broadcast %jit3A_1377 : i32 to vector<16xi32>
      %select_n3A_1379 = arith.select %lt3A_1374, %get3A_1376, %broadcast_in_dim3A_1378 : vector<16xi1>, vector<16xi32>
      %swap3A_1380 = arith.constant 112 : index
      %swap3A_1381 = tpu.vector_load %arg18[%swap3A_1380] {strides = array<i32>} : memref<256xi32, #tpu.memory_space<vmem>>, vector<16xi32>,
      tpu.vector_store %arg18[%swap3A_1380], %select_n3A_1379 {strides = array<i32>} : memref<256xi32, #tpu.memory_space<vmem>>, vector<16xi32>,
      %get3A_1382 = arith.constant 112 : index
      %get3A_1383 = tpu.vector_load %arg19[%get3A_1382] {strides = array<i32>} : memref<256xi32, #tpu.memory_space<vmem>>, vector<16xi32>,
      %jit3A_1384 = arith.constant 0 : i32
      %broadcast_in_dim3A_1385 = vector.broadcast %jit3A_1384 : i32 to vector<16xi32>
      %select_n3A_1386 = arith.select %lt3A_1374, %get3A_1383, %broadcast_in_dim3A_1385 : vector<16xi1>, vector<16xi32>
      %swap3A_1387 = arith.constant 112 : index
      %swap3A_1388 = tpu.vector_load %arg19[%swap3A_1387] {strides = array<i32>} : memref<256xi32, #tpu.memory_space<vmem>>, vector<16xi32>,
      tpu.vector_store %arg19[%swap3A_1387], %select_n3A_1386 {strides = array<i32>} : memref<256xi32, #tpu.memory_space<vmem>>, vector<16xi32>,
      %get3A_1389 = arith.constant 112 : index
      %get3A_1390 = tpu.vector_load %arg20[%get3A_1389] {strides = array<i32>} : memref<256xi32, #tpu.memory_space<vmem>>, vector<16xi32>,
      %jit3A_1391 = arith.constant 0 : i32
      %broadcast_in_dim3A_1392 = vector.broadcast %jit3A_1391 : i32 to vector<16xi32>
      %select_n3A_1393 = arith.select %lt3A_1374, %get3A_1390, %broadcast_in_dim3A_1392 : vector<16xi1>, vector<16xi32>
      %swap3A_1394 = arith.constant 112 : index
      %swap3A_1395 = tpu.vector_load %arg20[%swap3A_1394] {strides = array<i32>} : memref<256xi32, #tpu.memory_space<vmem>>, vector<16xi32>,
      tpu.vector_store %arg20[%swap3A_1394], %select_n3A_1393 {strides = array<i32>} : memref<256xi32, #tpu.memory_space<vmem>>, vector<16xi32>,
      %jit3A_1396 = arith.constant 1.000000e+00 : f32
      %jit3A_1397 = arith.constant 0.000000e+00 : f32
      %broadcast_in_dim3A_1398 = vector.broadcast %jit3A_1396 : f32 to vector<16xf32>
      %broadcast_in_dim3A_1399 = vector.broadcast %jit3A_1397 : f32 to vector<16xf32>
      %select_n3A_1400 = arith.select %lt3A_1374, %broadcast_in_dim3A_1398, %broadcast_in_dim3A_1399 : vector<16xi1>, vector<16xf32>
      %swap3A_1401 = arith.constant 112 : index
      %swap3A_1402 = tpu.vector_load %arg21[%swap3A_1401] {strides = array<i32>} : memref<256xf32, #tpu.memory_space<vmem>>, vector<16xf32>,
      tpu.vector_store %arg21[%swap3A_1401], %select_n3A_1400 {strides = array<i32>} : memref<256xf32, #tpu.memory_space<vmem>>, vector<16xf32>,
      %iota3A_1403 = tpu.iota {dimensions = array<i32: 0>} : vector<16xi32>
      %add3A_1404 = arith.constant 128 : i32
      %add3A_1405 = vector.broadcast %add3A_1404 : i32 to vector<16xi32>
      %add3A_1406 = arith.addi %iota3A_1403, %add3A_1405 : vector<16xi32>
      %lt3A_1407 = arith.cmpi slt, %add3A_1406, %add3A_947 : vector<16xi32>
      %get3A_1408 = arith.constant 128 : index
      %get3A_1409 = tpu.vector_load %arg15[%get3A_1408] {strides = array<i32>} : memref<256xi32, #tpu.memory_space<vmem>>, vector<16xi32>,
      %jit3A_1410 = arith.constant 0 : i32
      %broadcast_in_dim3A_1411 = vector.broadcast %jit3A_1410 : i32 to vector<16xi32>
      %select_n3A_1412 = arith.select %lt3A_1407, %get3A_1409, %broadcast_in_dim3A_1411 : vector<16xi1>, vector<16xi32>
      %swap3A_1413 = arith.constant 128 : index
      %swap3A_1414 = tpu.vector_load %arg15[%swap3A_1413] {strides = array<i32>} : memref<256xi32, #tpu.memory_space<vmem>>, vector<16xi32>,
      tpu.vector_store %arg15[%swap3A_1413], %select_n3A_1412 {strides = array<i32>} : memref<256xi32, #tpu.memory_space<vmem>>, vector<16xi32>,
      %get3A_1415 = arith.constant 128 : index
      %get3A_1416 = tpu.vector_load %arg16[%get3A_1415] {strides = array<i32>} : memref<256xi32, #tpu.memory_space<vmem>>, vector<16xi32>,
      %jit3A_1417 = arith.constant 1 : i32
      %broadcast_in_dim3A_1418 = vector.broadcast %jit3A_1417 : i32 to vector<16xi32>
      %select_n3A_1419 = arith.select %lt3A_1407, %get3A_1416, %broadcast_in_dim3A_1418 : vector<16xi1>, vector<16xi32>
      %swap3A_1420 = arith.constant 128 : index
      %swap3A_1421 = tpu.vector_load %arg16[%swap3A_1420] {strides = array<i32>} : memref<256xi32, #tpu.memory_space<vmem>>, vector<16xi32>,
      tpu.vector_store %arg16[%swap3A_1420], %select_n3A_1419 {strides = array<i32>} : memref<256xi32, #tpu.memory_space<vmem>>, vector<16xi32>,
      %get3A_1422 = arith.constant 128 : index
      %get3A_1423 = tpu.vector_load %arg17[%get3A_1422] {strides = array<i32>} : memref<256xi32, #tpu.memory_space<vmem>>, vector<16xi32>,
      %select_n3A_1424 = arith.select %lt3A_1407, %get3A_1423, %add3A_1406 : vector<16xi1>, vector<16xi32>
      %swap3A_1425 = arith.constant 128 : index
      %swap3A_1426 = tpu.vector_load %arg17[%swap3A_1425] {strides = array<i32>} : memref<256xi32, #tpu.memory_space<vmem>>, vector<16xi32>,
      tpu.vector_store %arg17[%swap3A_1425], %select_n3A_1424 {strides = array<i32>} : memref<256xi32, #tpu.memory_space<vmem>>, vector<16xi32>,
      %lt3A_1427 = arith.cmpi slt, %add3A_1406, %select_n3A_979 : vector<16xi32>
      %get3A_1428 = arith.constant 128 : index
      %get3A_1429 = tpu.vector_load %arg18[%get3A_1428] {strides = array<i32>} : memref<256xi32, #tpu.memory_space<vmem>>, vector<16xi32>,
      %jit3A_1430 = arith.constant 0 : i32
      %broadcast_in_dim3A_1431 = vector.broadcast %jit3A_1430 : i32 to vector<16xi32>
      %select_n3A_1432 = arith.select %lt3A_1427, %get3A_1429, %broadcast_in_dim3A_1431 : vector<16xi1>, vector<16xi32>
      %swap3A_1433 = arith.constant 128 : index
      %swap3A_1434 = tpu.vector_load %arg18[%swap3A_1433] {strides = array<i32>} : memref<256xi32, #tpu.memory_space<vmem>>, vector<16xi32>,
      tpu.vector_store %arg18[%swap3A_1433], %select_n3A_1432 {strides = array<i32>} : memref<256xi32, #tpu.memory_space<vmem>>, vector<16xi32>,
      %get3A_1435 = arith.constant 128 : index
      %get3A_1436 = tpu.vector_load %arg19[%get3A_1435] {strides = array<i32>} : memref<256xi32, #tpu.memory_space<vmem>>, vector<16xi32>,
      %jit3A_1437 = arith.constant 0 : i32
      %broadcast_in_dim3A_1438 = vector.broadcast %jit3A_1437 : i32 to vector<16xi32>
      %select_n3A_1439 = arith.select %lt3A_1427, %get3A_1436, %broadcast_in_dim3A_1438 : vector<16xi1>, vector<16xi32>
      %swap3A_1440 = arith.constant 128 : index
      %swap3A_1441 = tpu.vector_load %arg19[%swap3A_1440] {strides = array<i32>} : memref<256xi32, #tpu.memory_space<vmem>>, vector<16xi32>,
      tpu.vector_store %arg19[%swap3A_1440], %select_n3A_1439 {strides = array<i32>} : memref<256xi32, #tpu.memory_space<vmem>>, vector<16xi32>,
      %get3A_1442 = arith.constant 128 : index
      %get3A_1443 = tpu.vector_load %arg20[%get3A_1442] {strides = array<i32>} : memref<256xi32, #tpu.memory_space<vmem>>, vector<16xi32>,
      %jit3A_1444 = arith.constant 0 : i32
      %broadcast_in_dim3A_1445 = vector.broadcast %jit3A_1444 : i32 to vector<16xi32>
      %select_n3A_1446 = arith.select %lt3A_1427, %get3A_1443, %broadcast_in_dim3A_1445 : vector<16xi1>, vector<16xi32>
      %swap3A_1447 = arith.constant 128 : index
      %swap3A_1448 = tpu.vector_load %arg20[%swap3A_1447] {strides = array<i32>} : memref<256xi32, #tpu.memory_space<vmem>>, vector<16xi32>,
      tpu.vector_store %arg20[%swap3A_1447], %select_n3A_1446 {strides = array<i32>} : memref<256xi32, #tpu.memory_space<vmem>>, vector<16xi32>,
      %jit3A_1449 = arith.constant 1.000000e+00 : f32
      %jit3A_1450 = arith.constant 0.000000e+00 : f32
      %broadcast_in_dim3A_1451 = vector.broadcast %jit3A_1449 : f32 to vector<16xf32>
      %broadcast_in_dim3A_1452 = vector.broadcast %jit3A_1450 : f32 to vector<16xf32>
      %select_n3A_1453 = arith.select %lt3A_1427, %broadcast_in_dim3A_1451, %broadcast_in_dim3A_1452 : vector<16xi1>, vector<16xf32>
      %swap3A_1454 = arith.constant 128 : index
      %swap3A_1455 = tpu.vector_load %arg21[%swap3A_1454] {strides = array<i32>} : memref<256xf32, #tpu.memory_space<vmem>>, vector<16xf32>,
      tpu.vector_store %arg21[%swap3A_1454], %select_n3A_1453 {strides = array<i32>} : memref<256xf32, #tpu.memory_space<vmem>>, vector<16xf32>,
      %iota3A_1456 = tpu.iota {dimensions = array<i32: 0>} : vector<16xi32>
      %add3A_1457 = arith.constant 144 : i32
      %add3A_1458 = vector.broadcast %add3A_1457 : i32 to vector<16xi32>
      %add3A_1459 = arith.addi %iota3A_1456, %add3A_1458 : vector<16xi32>
      %lt3A_1460 = arith.cmpi slt, %add3A_1459, %add3A_947 : vector<16xi32>
      %get3A_1461 = arith.constant 144 : index
      %get3A_1462 = tpu.vector_load %arg15[%get3A_1461] {strides = array<i32>} : memref<256xi32, #tpu.memory_space<vmem>>, vector<16xi32>,
      %jit3A_1463 = arith.constant 0 : i32
      %broadcast_in_dim3A_1464 = vector.broadcast %jit3A_1463 : i32 to vector<16xi32>
      %select_n3A_1465 = arith.select %lt3A_1460, %get3A_1462, %broadcast_in_dim3A_1464 : vector<16xi1>, vector<16xi32>
      %swap3A_1466 = arith.constant 144 : index
      %swap3A_1467 = tpu.vector_load %arg15[%swap3A_1466] {strides = array<i32>} : memref<256xi32, #tpu.memory_space<vmem>>, vector<16xi32>,
      tpu.vector_store %arg15[%swap3A_1466], %select_n3A_1465 {strides = array<i32>} : memref<256xi32, #tpu.memory_space<vmem>>, vector<16xi32>,
      %get3A_1468 = arith.constant 144 : index
      %get3A_1469 = tpu.vector_load %arg16[%get3A_1468] {strides = array<i32>} : memref<256xi32, #tpu.memory_space<vmem>>, vector<16xi32>,
      %jit3A_1470 = arith.constant 1 : i32
      %broadcast_in_dim3A_1471 = vector.broadcast %jit3A_1470 : i32 to vector<16xi32>
      %select_n3A_1472 = arith.select %lt3A_1460, %get3A_1469, %broadcast_in_dim3A_1471 : vector<16xi1>, vector<16xi32>
      %swap3A_1473 = arith.constant 144 : index
      %swap3A_1474 = tpu.vector_load %arg16[%swap3A_1473] {strides = array<i32>} : memref<256xi32, #tpu.memory_space<vmem>>, vector<16xi32>,
      tpu.vector_store %arg16[%swap3A_1473], %select_n3A_1472 {strides = array<i32>} : memref<256xi32, #tpu.memory_space<vmem>>, vector<16xi32>,
      %get3A_1475 = arith.constant 144 : index
      %get3A_1476 = tpu.vector_load %arg17[%get3A_1475] {strides = array<i32>} : memref<256xi32, #tpu.memory_space<vmem>>, vector<16xi32>,
      %select_n3A_1477 = arith.select %lt3A_1460, %get3A_1476, %add3A_1459 : vector<16xi1>, vector<16xi32>
      %swap3A_1478 = arith.constant 144 : index
      %swap3A_1479 = tpu.vector_load %arg17[%swap3A_1478] {strides = array<i32>} : memref<256xi32, #tpu.memory_space<vmem>>, vector<16xi32>,
      tpu.vector_store %arg17[%swap3A_1478], %select_n3A_1477 {strides = array<i32>} : memref<256xi32, #tpu.memory_space<vmem>>, vector<16xi32>,
      %lt3A_1480 = arith.cmpi slt, %add3A_1459, %select_n3A_979 : vector<16xi32>
      %get3A_1481 = arith.constant 144 : index
      %get3A_1482 = tpu.vector_load %arg18[%get3A_1481] {strides = array<i32>} : memref<256xi32, #tpu.memory_space<vmem>>, vector<16xi32>,
      %jit3A_1483 = arith.constant 0 : i32
      %broadcast_in_dim3A_1484 = vector.broadcast %jit3A_1483 : i32 to vector<16xi32>
      %select_n3A_1485 = arith.select %lt3A_1480, %get3A_1482, %broadcast_in_dim3A_1484 : vector<16xi1>, vector<16xi32>
      %swap3A_1486 = arith.constant 144 : index
      %swap3A_1487 = tpu.vector_load %arg18[%swap3A_1486] {strides = array<i32>} : memref<256xi32, #tpu.memory_space<vmem>>, vector<16xi32>,
      tpu.vector_store %arg18[%swap3A_1486], %select_n3A_1485 {strides = array<i32>} : memref<256xi32, #tpu.memory_space<vmem>>, vector<16xi32>,
      %get3A_1488 = arith.constant 144 : index
      %get3A_1489 = tpu.vector_load %arg19[%get3A_1488] {strides = array<i32>} : memref<256xi32, #tpu.memory_space<vmem>>, vector<16xi32>,
      %jit3A_1490 = arith.constant 0 : i32
      %broadcast_in_dim3A_1491 = vector.broadcast %jit3A_1490 : i32 to vector<16xi32>
      %select_n3A_1492 = arith.select %lt3A_1480, %get3A_1489, %broadcast_in_dim3A_1491 : vector<16xi1>, vector<16xi32>
      %swap3A_1493 = arith.constant 144 : index
      %swap3A_1494 = tpu.vector_load %arg19[%swap3A_1493] {strides = array<i32>} : memref<256xi32, #tpu.memory_space<vmem>>, vector<16xi32>,
      tpu.vector_store %arg19[%swap3A_1493], %select_n3A_1492 {strides = array<i32>} : memref<256xi32, #tpu.memory_space<vmem>>, vector<16xi32>,
      %get3A_1495 = arith.constant 144 : index
      %get3A_1496 = tpu.vector_load %arg20[%get3A_1495] {strides = array<i32>} : memref<256xi32, #tpu.memory_space<vmem>>, vector<16xi32>,
      %jit3A_1497 = arith.constant 0 : i32
      %broadcast_in_dim3A_1498 = vector.broadcast %jit3A_1497 : i32 to vector<16xi32>
      %select_n3A_1499 = arith.select %lt3A_1480, %get3A_1496, %broadcast_in_dim3A_1498 : vector<16xi1>, vector<16xi32>
      %swap3A_1500 = arith.constant 144 : index
      %swap3A_1501 = tpu.vector_load %arg20[%swap3A_1500] {strides = array<i32>} : memref<256xi32, #tpu.memory_space<vmem>>, vector<16xi32>,
      tpu.vector_store %arg20[%swap3A_1500], %select_n3A_1499 {strides = array<i32>} : memref<256xi32, #tpu.memory_space<vmem>>, vector<16xi32>,
      %jit3A_1502 = arith.constant 1.000000e+00 : f32
      %jit3A_1503 = arith.constant 0.000000e+00 : f32
      %broadcast_in_dim3A_1504 = vector.broadcast %jit3A_1502 : f32 to vector<16xf32>
      %broadcast_in_dim3A_1505 = vector.broadcast %jit3A_1503 : f32 to vector<16xf32>
      %select_n3A_1506 = arith.select %lt3A_1480, %broadcast_in_dim3A_1504, %broadcast_in_dim3A_1505 : vector<16xi1>, vector<16xf32>
      %swap3A_1507 = arith.constant 144 : index
      %swap3A_1508 = tpu.vector_load %arg21[%swap3A_1507] {strides = array<i32>} : memref<256xf32, #tpu.memory_space<vmem>>, vector<16xf32>,
      tpu.vector_store %arg21[%swap3A_1507], %select_n3A_1506 {strides = array<i32>} : memref<256xf32, #tpu.memory_space<vmem>>, vector<16xf32>,
      %iota3A_1509 = tpu.iota {dimensions = array<i32: 0>} : vector<16xi32>
      %add3A_1510 = arith.constant 160 : i32
      %add3A_1511 = vector.broadcast %add3A_1510 : i32 to vector<16xi32>
      %add3A_1512 = arith.addi %iota3A_1509, %add3A_1511 : vector<16xi32>
      %lt3A_1513 = arith.cmpi slt, %add3A_1512, %add3A_947 : vector<16xi32>
      %get3A_1514 = arith.constant 160 : index
      %get3A_1515 = tpu.vector_load %arg15[%get3A_1514] {strides = array<i32>} : memref<256xi32, #tpu.memory_space<vmem>>, vector<16xi32>,
      %jit3A_1516 = arith.constant 0 : i32
      %broadcast_in_dim3A_1517 = vector.broadcast %jit3A_1516 : i32 to vector<16xi32>
      %select_n3A_1518 = arith.select %lt3A_1513, %get3A_1515, %broadcast_in_dim3A_1517 : vector<16xi1>, vector<16xi32>
      %swap3A_1519 = arith.constant 160 : index
      %swap3A_1520 = tpu.vector_load %arg15[%swap3A_1519] {strides = array<i32>} : memref<256xi32, #tpu.memory_space<vmem>>, vector<16xi32>,
      tpu.vector_store %arg15[%swap3A_1519], %select_n3A_1518 {strides = array<i32>} : memref<256xi32, #tpu.memory_space<vmem>>, vector<16xi32>,
      %get3A_1521 = arith.constant 160 : index
      %get3A_1522 = tpu.vector_load %arg16[%get3A_1521] {strides = array<i32>} : memref<256xi32, #tpu.memory_space<vmem>>, vector<16xi32>,
      %jit3A_1523 = arith.constant 1 : i32
      %broadcast_in_dim3A_1524 = vector.broadcast %jit3A_1523 : i32 to vector<16xi32>
      %select_n3A_1525 = arith.select %lt3A_1513, %get3A_1522, %broadcast_in_dim3A_1524 : vector<16xi1>, vector<16xi32>
      %swap3A_1526 = arith.constant 160 : index
      %swap3A_1527 = tpu.vector_load %arg16[%swap3A_1526] {strides = array<i32>} : memref<256xi32, #tpu.memory_space<vmem>>, vector<16xi32>,
      tpu.vector_store %arg16[%swap3A_1526], %select_n3A_1525 {strides = array<i32>} : memref<256xi32, #tpu.memory_space<vmem>>, vector<16xi32>,
      %get3A_1528 = arith.constant 160 : index
      %get3A_1529 = tpu.vector_load %arg17[%get3A_1528] {strides = array<i32>} : memref<256xi32, #tpu.memory_space<vmem>>, vector<16xi32>,
      %select_n3A_1530 = arith.select %lt3A_1513, %get3A_1529, %add3A_1512 : vector<16xi1>, vector<16xi32>
      %swap3A_1531 = arith.constant 160 : index
      %swap3A_1532 = tpu.vector_load %arg17[%swap3A_1531] {strides = array<i32>} : memref<256xi32, #tpu.memory_space<vmem>>, vector<16xi32>,
      tpu.vector_store %arg17[%swap3A_1531], %select_n3A_1530 {strides = array<i32>} : memref<256xi32, #tpu.memory_space<vmem>>, vector<16xi32>,
      %lt3A_1533 = arith.cmpi slt, %add3A_1512, %select_n3A_979 : vector<16xi32>
      %get3A_1534 = arith.constant 160 : index
      %get3A_1535 = tpu.vector_load %arg18[%get3A_1534] {strides = array<i32>} : memref<256xi32, #tpu.memory_space<vmem>>, vector<16xi32>,
      %jit3A_1536 = arith.constant 0 : i32
      %broadcast_in_dim3A_1537 = vector.broadcast %jit3A_1536 : i32 to vector<16xi32>
      %select_n3A_1538 = arith.select %lt3A_1533, %get3A_1535, %broadcast_in_dim3A_1537 : vector<16xi1>, vector<16xi32>
      %swap3A_1539 = arith.constant 160 : index
      %swap3A_1540 = tpu.vector_load %arg18[%swap3A_1539] {strides = array<i32>} : memref<256xi32, #tpu.memory_space<vmem>>, vector<16xi32>,
      tpu.vector_store %arg18[%swap3A_1539], %select_n3A_1538 {strides = array<i32>} : memref<256xi32, #tpu.memory_space<vmem>>, vector<16xi32>,
      %get3A_1541 = arith.constant 160 : index
      %get3A_1542 = tpu.vector_load %arg19[%get3A_1541] {strides = array<i32>} : memref<256xi32, #tpu.memory_space<vmem>>, vector<16xi32>,
      %jit3A_1543 = arith.constant 0 : i32
      %broadcast_in_dim3A_1544 = vector.broadcast %jit3A_1543 : i32 to vector<16xi32>
      %select_n3A_1545 = arith.select %lt3A_1533, %get3A_1542, %broadcast_in_dim3A_1544 : vector<16xi1>, vector<16xi32>
      %swap3A_1546 = arith.constant 160 : index
      %swap3A_1547 = tpu.vector_load %arg19[%swap3A_1546] {strides = array<i32>} : memref<256xi32, #tpu.memory_space<vmem>>, vector<16xi32>,
      tpu.vector_store %arg19[%swap3A_1546], %select_n3A_1545 {strides = array<i32>} : memref<256xi32, #tpu.memory_space<vmem>>, vector<16xi32>,
      %get3A_1548 = arith.constant 160 : index
      %get3A_1549 = tpu.vector_load %arg20[%get3A_1548] {strides = array<i32>} : memref<256xi32, #tpu.memory_space<vmem>>, vector<16xi32>,
      %jit3A_1550 = arith.constant 0 : i32
      %broadcast_in_dim3A_1551 = vector.broadcast %jit3A_1550 : i32 to vector<16xi32>
      %select_n3A_1552 = arith.select %lt3A_1533, %get3A_1549, %broadcast_in_dim3A_1551 : vector<16xi1>, vector<16xi32>
      %swap3A_1553 = arith.constant 160 : index
      %swap3A_1554 = tpu.vector_load %arg20[%swap3A_1553] {strides = array<i32>} : memref<256xi32, #tpu.memory_space<vmem>>, vector<16xi32>,
      tpu.vector_store %arg20[%swap3A_1553], %select_n3A_1552 {strides = array<i32>} : memref<256xi32, #tpu.memory_space<vmem>>, vector<16xi32>,
      %jit3A_1555 = arith.constant 1.000000e+00 : f32
      %jit3A_1556 = arith.constant 0.000000e+00 : f32
      %broadcast_in_dim3A_1557 = vector.broadcast %jit3A_1555 : f32 to vector<16xf32>
      %broadcast_in_dim3A_1558 = vector.broadcast %jit3A_1556 : f32 to vector<16xf32>
      %select_n3A_1559 = arith.select %lt3A_1533, %broadcast_in_dim3A_1557, %broadcast_in_dim3A_1558 : vector<16xi1>, vector<16xf32>
      %swap3A_1560 = arith.constant 160 : index
      %swap3A_1561 = tpu.vector_load %arg21[%swap3A_1560] {strides = array<i32>} : memref<256xf32, #tpu.memory_space<vmem>>, vector<16xf32>,
      tpu.vector_store %arg21[%swap3A_1560], %select_n3A_1559 {strides = array<i32>} : memref<256xf32, #tpu.memory_space<vmem>>, vector<16xf32>,
      %iota3A_1562 = tpu.iota {dimensions = array<i32: 0>} : vector<16xi32>
      %add3A_1563 = arith.constant 176 : i32
      %add3A_1564 = vector.broadcast %add3A_1563 : i32 to vector<16xi32>
      %add3A_1565 = arith.addi %iota3A_1562, %add3A_1564 : vector<16xi32>
      %lt3A_1566 = arith.cmpi slt, %add3A_1565, %add3A_947 : vector<16xi32>
      %get3A_1567 = arith.constant 176 : index
      %get3A_1568 = tpu.vector_load %arg15[%get3A_1567] {strides = array<i32>} : memref<256xi32, #tpu.memory_space<vmem>>, vector<16xi32>,
      %jit3A_1569 = arith.constant 0 : i32
      %broadcast_in_dim3A_1570 = vector.broadcast %jit3A_1569 : i32 to vector<16xi32>
      %select_n3A_1571 = arith.select %lt3A_1566, %get3A_1568, %broadcast_in_dim3A_1570 : vector<16xi1>, vector<16xi32>
      %swap3A_1572 = arith.constant 176 : index
      %swap3A_1573 = tpu.vector_load %arg15[%swap3A_1572] {strides = array<i32>} : memref<256xi32, #tpu.memory_space<vmem>>, vector<16xi32>,
      tpu.vector_store %arg15[%swap3A_1572], %select_n3A_1571 {strides = array<i32>} : memref<256xi32, #tpu.memory_space<vmem>>, vector<16xi32>,
      %get3A_1574 = arith.constant 176 : index
      %get3A_1575 = tpu.vector_load %arg16[%get3A_1574] {strides = array<i32>} : memref<256xi32, #tpu.memory_space<vmem>>, vector<16xi32>,
      %jit3A_1576 = arith.constant 1 : i32
      %broadcast_in_dim3A_1577 = vector.broadcast %jit3A_1576 : i32 to vector<16xi32>
      %select_n3A_1578 = arith.select %lt3A_1566, %get3A_1575, %broadcast_in_dim3A_1577 : vector<16xi1>, vector<16xi32>
      %swap3A_1579 = arith.constant 176 : index
      %swap3A_1580 = tpu.vector_load %arg16[%swap3A_1579] {strides = array<i32>} : memref<256xi32, #tpu.memory_space<vmem>>, vector<16xi32>,
      tpu.vector_store %arg16[%swap3A_1579], %select_n3A_1578 {strides = array<i32>} : memref<256xi32, #tpu.memory_space<vmem>>, vector<16xi32>,
      %get3A_1581 = arith.constant 176 : index
      %get3A_1582 = tpu.vector_load %arg17[%get3A_1581] {strides = array<i32>} : memref<256xi32, #tpu.memory_space<vmem>>, vector<16xi32>,
      %select_n3A_1583 = arith.select %lt3A_1566, %get3A_1582, %add3A_1565 : vector<16xi1>, vector<16xi32>
      %swap3A_1584 = arith.constant 176 : index
      %swap3A_1585 = tpu.vector_load %arg17[%swap3A_1584] {strides = array<i32>} : memref<256xi32, #tpu.memory_space<vmem>>, vector<16xi32>,
      tpu.vector_store %arg17[%swap3A_1584], %select_n3A_1583 {strides = array<i32>} : memref<256xi32, #tpu.memory_space<vmem>>, vector<16xi32>,
      %lt3A_1586 = arith.cmpi slt, %add3A_1565, %select_n3A_979 : vector<16xi32>
      %get3A_1587 = arith.constant 176 : index
      %get3A_1588 = tpu.vector_load %arg18[%get3A_1587] {strides = array<i32>} : memref<256xi32, #tpu.memory_space<vmem>>, vector<16xi32>,
      %jit3A_1589 = arith.constant 0 : i32
      %broadcast_in_dim3A_1590 = vector.broadcast %jit3A_1589 : i32 to vector<16xi32>
      %select_n3A_1591 = arith.select %lt3A_1586, %get3A_1588, %broadcast_in_dim3A_1590 : vector<16xi1>, vector<16xi32>
      %swap3A_1592 = arith.constant 176 : index
      %swap3A_1593 = tpu.vector_load %arg18[%swap3A_1592] {strides = array<i32>} : memref<256xi32, #tpu.memory_space<vmem>>, vector<16xi32>,
      tpu.vector_store %arg18[%swap3A_1592], %select_n3A_1591 {strides = array<i32>} : memref<256xi32, #tpu.memory_space<vmem>>, vector<16xi32>,
      %get3A_1594 = arith.constant 176 : index
      %get3A_1595 = tpu.vector_load %arg19[%get3A_1594] {strides = array<i32>} : memref<256xi32, #tpu.memory_space<vmem>>, vector<16xi32>,
      %jit3A_1596 = arith.constant 0 : i32
      %broadcast_in_dim3A_1597 = vector.broadcast %jit3A_1596 : i32 to vector<16xi32>
      %select_n3A_1598 = arith.select %lt3A_1586, %get3A_1595, %broadcast_in_dim3A_1597 : vector<16xi1>, vector<16xi32>
      %swap3A_1599 = arith.constant 176 : index
      %swap3A_1600 = tpu.vector_load %arg19[%swap3A_1599] {strides = array<i32>} : memref<256xi32, #tpu.memory_space<vmem>>, vector<16xi32>,
      tpu.vector_store %arg19[%swap3A_1599], %select_n3A_1598 {strides = array<i32>} : memref<256xi32, #tpu.memory_space<vmem>>, vector<16xi32>,
      %get3A_1601 = arith.constant 176 : index
      %get3A_1602 = tpu.vector_load %arg20[%get3A_1601] {strides = array<i32>} : memref<256xi32, #tpu.memory_space<vmem>>, vector<16xi32>,
      %jit3A_1603 = arith.constant 0 : i32
      %broadcast_in_dim3A_1604 = vector.broadcast %jit3A_1603 : i32 to vector<16xi32>
      %select_n3A_1605 = arith.select %lt3A_1586, %get3A_1602, %broadcast_in_dim3A_1604 : vector<16xi1>, vector<16xi32>
      %swap3A_1606 = arith.constant 176 : index
      %swap3A_1607 = tpu.vector_load %arg20[%swap3A_1606] {strides = array<i32>} : memref<256xi32, #tpu.memory_space<vmem>>, vector<16xi32>,
      tpu.vector_store %arg20[%swap3A_1606], %select_n3A_1605 {strides = array<i32>} : memref<256xi32, #tpu.memory_space<vmem>>, vector<16xi32>,
      %jit3A_1608 = arith.constant 1.000000e+00 : f32
      %jit3A_1609 = arith.constant 0.000000e+00 : f32
      %broadcast_in_dim3A_1610 = vector.broadcast %jit3A_1608 : f32 to vector<16xf32>
      %broadcast_in_dim3A_1611 = vector.broadcast %jit3A_1609 : f32 to vector<16xf32>
      %select_n3A_1612 = arith.select %lt3A_1586, %broadcast_in_dim3A_1610, %broadcast_in_dim3A_1611 : vector<16xi1>, vector<16xf32>
      %swap3A_1613 = arith.constant 176 : index
      %swap3A_1614 = tpu.vector_load %arg21[%swap3A_1613] {strides = array<i32>} : memref<256xf32, #tpu.memory_space<vmem>>, vector<16xf32>,
      tpu.vector_store %arg21[%swap3A_1613], %select_n3A_1612 {strides = array<i32>} : memref<256xf32, #tpu.memory_space<vmem>>, vector<16xf32>,
      %iota3A_1615 = tpu.iota {dimensions = array<i32: 0>} : vector<16xi32>
      %add3A_1616 = arith.constant 192 : i32
      %add3A_1617 = vector.broadcast %add3A_1616 : i32 to vector<16xi32>
      %add3A_1618 = arith.addi %iota3A_1615, %add3A_1617 : vector<16xi32>
      %lt3A_1619 = arith.cmpi slt, %add3A_1618, %add3A_947 : vector<16xi32>
      %get3A_1620 = arith.constant 192 : index
      %get3A_1621 = tpu.vector_load %arg15[%get3A_1620] {strides = array<i32>} : memref<256xi32, #tpu.memory_space<vmem>>, vector<16xi32>,
      %jit3A_1622 = arith.constant 0 : i32
      %broadcast_in_dim3A_1623 = vector.broadcast %jit3A_1622 : i32 to vector<16xi32>
      %select_n3A_1624 = arith.select %lt3A_1619, %get3A_1621, %broadcast_in_dim3A_1623 : vector<16xi1>, vector<16xi32>
      %swap3A_1625 = arith.constant 192 : index
      %swap3A_1626 = tpu.vector_load %arg15[%swap3A_1625] {strides = array<i32>} : memref<256xi32, #tpu.memory_space<vmem>>, vector<16xi32>,
      tpu.vector_store %arg15[%swap3A_1625], %select_n3A_1624 {strides = array<i32>} : memref<256xi32, #tpu.memory_space<vmem>>, vector<16xi32>,
      %get3A_1627 = arith.constant 192 : index
      %get3A_1628 = tpu.vector_load %arg16[%get3A_1627] {strides = array<i32>} : memref<256xi32, #tpu.memory_space<vmem>>, vector<16xi32>,
      %jit3A_1629 = arith.constant 1 : i32
      %broadcast_in_dim3A_1630 = vector.broadcast %jit3A_1629 : i32 to vector<16xi32>
      %select_n3A_1631 = arith.select %lt3A_1619, %get3A_1628, %broadcast_in_dim3A_1630 : vector<16xi1>, vector<16xi32>
      %swap3A_1632 = arith.constant 192 : index
      %swap3A_1633 = tpu.vector_load %arg16[%swap3A_1632] {strides = array<i32>} : memref<256xi32, #tpu.memory_space<vmem>>, vector<16xi32>,
      tpu.vector_store %arg16[%swap3A_1632], %select_n3A_1631 {strides = array<i32>} : memref<256xi32, #tpu.memory_space<vmem>>, vector<16xi32>,
      %get3A_1634 = arith.constant 192 : index
      %get3A_1635 = tpu.vector_load %arg17[%get3A_1634] {strides = array<i32>} : memref<256xi32, #tpu.memory_space<vmem>>, vector<16xi32>,
      %select_n3A_1636 = arith.select %lt3A_1619, %get3A_1635, %add3A_1618 : vector<16xi1>, vector<16xi32>
      %swap3A_1637 = arith.constant 192 : index
      %swap3A_1638 = tpu.vector_load %arg17[%swap3A_1637] {strides = array<i32>} : memref<256xi32, #tpu.memory_space<vmem>>, vector<16xi32>,
      tpu.vector_store %arg17[%swap3A_1637], %select_n3A_1636 {strides = array<i32>} : memref<256xi32, #tpu.memory_space<vmem>>, vector<16xi32>,
      %lt3A_1639 = arith.cmpi slt, %add3A_1618, %select_n3A_979 : vector<16xi32>
      %get3A_1640 = arith.constant 192 : index
      %get3A_1641 = tpu.vector_load %arg18[%get3A_1640] {strides = array<i32>} : memref<256xi32, #tpu.memory_space<vmem>>, vector<16xi32>,
      %jit3A_1642 = arith.constant 0 : i32
      %broadcast_in_dim3A_1643 = vector.broadcast %jit3A_1642 : i32 to vector<16xi32>
      %select_n3A_1644 = arith.select %lt3A_1639, %get3A_1641, %broadcast_in_dim3A_1643 : vector<16xi1>, vector<16xi32>
      %swap3A_1645 = arith.constant 192 : index
      %swap3A_1646 = tpu.vector_load %arg18[%swap3A_1645] {strides = array<i32>} : memref<256xi32, #tpu.memory_space<vmem>>, vector<16xi32>,
      tpu.vector_store %arg18[%swap3A_1645], %select_n3A_1644 {strides = array<i32>} : memref<256xi32, #tpu.memory_space<vmem>>, vector<16xi32>,
      %get3A_1647 = arith.constant 192 : index
      %get3A_1648 = tpu.vector_load %arg19[%get3A_1647] {strides = array<i32>} : memref<256xi32, #tpu.memory_space<vmem>>, vector<16xi32>,
      %jit3A_1649 = arith.constant 0 : i32
      %broadcast_in_dim3A_1650 = vector.broadcast %jit3A_1649 : i32 to vector<16xi32>
      %select_n3A_1651 = arith.select %lt3A_1639, %get3A_1648, %broadcast_in_dim3A_1650 : vector<16xi1>, vector<16xi32>
      %swap3A_1652 = arith.constant 192 : index
      %swap3A_1653 = tpu.vector_load %arg19[%swap3A_1652] {strides = array<i32>} : memref<256xi32, #tpu.memory_space<vmem>>, vector<16xi32>,
      tpu.vector_store %arg19[%swap3A_1652], %select_n3A_1651 {strides = array<i32>} : memref<256xi32, #tpu.memory_space<vmem>>, vector<16xi32>,
      %get3A_1654 = arith.constant 192 : index
      %get3A_1655 = tpu.vector_load %arg20[%get3A_1654] {strides = array<i32>} : memref<256xi32, #tpu.memory_space<vmem>>, vector<16xi32>,
      %jit3A_1656 = arith.constant 0 : i32
      %broadcast_in_dim3A_1657 = vector.broadcast %jit3A_1656 : i32 to vector<16xi32>
      %select_n3A_1658 = arith.select %lt3A_1639, %get3A_1655, %broadcast_in_dim3A_1657 : vector<16xi1>, vector<16xi32>
      %swap3A_1659 = arith.constant 192 : index
      %swap3A_1660 = tpu.vector_load %arg20[%swap3A_1659] {strides = array<i32>} : memref<256xi32, #tpu.memory_space<vmem>>, vector<16xi32>,
      tpu.vector_store %arg20[%swap3A_1659], %select_n3A_1658 {strides = array<i32>} : memref<256xi32, #tpu.memory_space<vmem>>, vector<16xi32>,
      %jit3A_1661 = arith.constant 1.000000e+00 : f32
      %jit3A_1662 = arith.constant 0.000000e+00 : f32
      %broadcast_in_dim3A_1663 = vector.broadcast %jit3A_1661 : f32 to vector<16xf32>
      %broadcast_in_dim3A_1664 = vector.broadcast %jit3A_1662 : f32 to vector<16xf32>
      %select_n3A_1665 = arith.select %lt3A_1639, %broadcast_in_dim3A_1663, %broadcast_in_dim3A_1664 : vector<16xi1>, vector<16xf32>
      %swap3A_1666 = arith.constant 192 : index
      %swap3A_1667 = tpu.vector_load %arg21[%swap3A_1666] {strides = array<i32>} : memref<256xf32, #tpu.memory_space<vmem>>, vector<16xf32>,
      tpu.vector_store %arg21[%swap3A_1666], %select_n3A_1665 {strides = array<i32>} : memref<256xf32, #tpu.memory_space<vmem>>, vector<16xf32>,
      %iota3A_1668 = tpu.iota {dimensions = array<i32: 0>} : vector<16xi32>
      %add3A_1669 = arith.constant 208 : i32
      %add3A_1670 = vector.broadcast %add3A_1669 : i32 to vector<16xi32>
      %add3A_1671 = arith.addi %iota3A_1668, %add3A_1670 : vector<16xi32>
      %lt3A_1672 = arith.cmpi slt, %add3A_1671, %add3A_947 : vector<16xi32>
      %get3A_1673 = arith.constant 208 : index
      %get3A_1674 = tpu.vector_load %arg15[%get3A_1673] {strides = array<i32>} : memref<256xi32, #tpu.memory_space<vmem>>, vector<16xi32>,
      %jit3A_1675 = arith.constant 0 : i32
      %broadcast_in_dim3A_1676 = vector.broadcast %jit3A_1675 : i32 to vector<16xi32>
      %select_n3A_1677 = arith.select %lt3A_1672, %get3A_1674, %broadcast_in_dim3A_1676 : vector<16xi1>, vector<16xi32>
      %swap3A_1678 = arith.constant 208 : index
      %swap3A_1679 = tpu.vector_load %arg15[%swap3A_1678] {strides = array<i32>} : memref<256xi32, #tpu.memory_space<vmem>>, vector<16xi32>,
      tpu.vector_store %arg15[%swap3A_1678], %select_n3A_1677 {strides = array<i32>} : memref<256xi32, #tpu.memory_space<vmem>>, vector<16xi32>,
      %get3A_1680 = arith.constant 208 : index
      %get3A_1681 = tpu.vector_load %arg16[%get3A_1680] {strides = array<i32>} : memref<256xi32, #tpu.memory_space<vmem>>, vector<16xi32>,
      %jit3A_1682 = arith.constant 1 : i32
      %broadcast_in_dim3A_1683 = vector.broadcast %jit3A_1682 : i32 to vector<16xi32>
      %select_n3A_1684 = arith.select %lt3A_1672, %get3A_1681, %broadcast_in_dim3A_1683 : vector<16xi1>, vector<16xi32>
      %swap3A_1685 = arith.constant 208 : index
      %swap3A_1686 = tpu.vector_load %arg16[%swap3A_1685] {strides = array<i32>} : memref<256xi32, #tpu.memory_space<vmem>>, vector<16xi32>,
      tpu.vector_store %arg16[%swap3A_1685], %select_n3A_1684 {strides = array<i32>} : memref<256xi32, #tpu.memory_space<vmem>>, vector<16xi32>,
      %get3A_1687 = arith.constant 208 : index
      %get3A_1688 = tpu.vector_load %arg17[%get3A_1687] {strides = array<i32>} : memref<256xi32, #tpu.memory_space<vmem>>, vector<16xi32>,
      %select_n3A_1689 = arith.select %lt3A_1672, %get3A_1688, %add3A_1671 : vector<16xi1>, vector<16xi32>
      %swap3A_1690 = arith.constant 208 : index
      %swap3A_1691 = tpu.vector_load %arg17[%swap3A_1690] {strides = array<i32>} : memref<256xi32, #tpu.memory_space<vmem>>, vector<16xi32>,
      tpu.vector_store %arg17[%swap3A_1690], %select_n3A_1689 {strides = array<i32>} : memref<256xi32, #tpu.memory_space<vmem>>, vector<16xi32>,
      %lt3A_1692 = arith.cmpi slt, %add3A_1671, %select_n3A_979 : vector<16xi32>
      %get3A_1693 = arith.constant 208 : index
      %get3A_1694 = tpu.vector_load %arg18[%get3A_1693] {strides = array<i32>} : memref<256xi32, #tpu.memory_space<vmem>>, vector<16xi32>,
      %jit3A_1695 = arith.constant 0 : i32
      %broadcast_in_dim3A_1696 = vector.broadcast %jit3A_1695 : i32 to vector<16xi32>
      %select_n3A_1697 = arith.select %lt3A_1692, %get3A_1694, %broadcast_in_dim3A_1696 : vector<16xi1>, vector<16xi32>
      %swap3A_1698 = arith.constant 208 : index
      %swap3A_1699 = tpu.vector_load %arg18[%swap3A_1698] {strides = array<i32>} : memref<256xi32, #tpu.memory_space<vmem>>, vector<16xi32>,
      tpu.vector_store %arg18[%swap3A_1698], %select_n3A_1697 {strides = array<i32>} : memref<256xi32, #tpu.memory_space<vmem>>, vector<16xi32>,
      %get3A_1700 = arith.constant 208 : index
      %get3A_1701 = tpu.vector_load %arg19[%get3A_1700] {strides = array<i32>} : memref<256xi32, #tpu.memory_space<vmem>>, vector<16xi32>,
      %jit3A_1702 = arith.constant 0 : i32
      %broadcast_in_dim3A_1703 = vector.broadcast %jit3A_1702 : i32 to vector<16xi32>
      %select_n3A_1704 = arith.select %lt3A_1692, %get3A_1701, %broadcast_in_dim3A_1703 : vector<16xi1>, vector<16xi32>
      %swap3A_1705 = arith.constant 208 : index
      %swap3A_1706 = tpu.vector_load %arg19[%swap3A_1705] {strides = array<i32>} : memref<256xi32, #tpu.memory_space<vmem>>, vector<16xi32>,
      tpu.vector_store %arg19[%swap3A_1705], %select_n3A_1704 {strides = array<i32>} : memref<256xi32, #tpu.memory_space<vmem>>, vector<16xi32>,
      %get3A_1707 = arith.constant 208 : index
      %get3A_1708 = tpu.vector_load %arg20[%get3A_1707] {strides = array<i32>} : memref<256xi32, #tpu.memory_space<vmem>>, vector<16xi32>,
      %jit3A_1709 = arith.constant 0 : i32
      %broadcast_in_dim3A_1710 = vector.broadcast %jit3A_1709 : i32 to vector<16xi32>
      %select_n3A_1711 = arith.select %lt3A_1692, %get3A_1708, %broadcast_in_dim3A_1710 : vector<16xi1>, vector<16xi32>
      %swap3A_1712 = arith.constant 208 : index
      %swap3A_1713 = tpu.vector_load %arg20[%swap3A_1712] {strides = array<i32>} : memref<256xi32, #tpu.memory_space<vmem>>, vector<16xi32>,
      tpu.vector_store %arg20[%swap3A_1712], %select_n3A_1711 {strides = array<i32>} : memref<256xi32, #tpu.memory_space<vmem>>, vector<16xi32>,
      %jit3A_1714 = arith.constant 1.000000e+00 : f32
      %jit3A_1715 = arith.constant 0.000000e+00 : f32
      %broadcast_in_dim3A_1716 = vector.broadcast %jit3A_1714 : f32 to vector<16xf32>
      %broadcast_in_dim3A_1717 = vector.broadcast %jit3A_1715 : f32 to vector<16xf32>
      %select_n3A_1718 = arith.select %lt3A_1692, %broadcast_in_dim3A_1716, %broadcast_in_dim3A_1717 : vector<16xi1>, vector<16xf32>
      %swap3A_1719 = arith.constant 208 : index
      %swap3A_1720 = tpu.vector_load %arg21[%swap3A_1719] {strides = array<i32>} : memref<256xf32, #tpu.memory_space<vmem>>, vector<16xf32>,
      tpu.vector_store %arg21[%swap3A_1719], %select_n3A_1718 {strides = array<i32>} : memref<256xf32, #tpu.memory_space<vmem>>, vector<16xf32>,
      %iota3A_1721 = tpu.iota {dimensions = array<i32: 0>} : vector<16xi32>
      %add3A_1722 = arith.constant 224 : i32
      %add3A_1723 = vector.broadcast %add3A_1722 : i32 to vector<16xi32>
      %add3A_1724 = arith.addi %iota3A_1721, %add3A_1723 : vector<16xi32>
      %lt3A_1725 = arith.cmpi slt, %add3A_1724, %add3A_947 : vector<16xi32>
      %get3A_1726 = arith.constant 224 : index
      %get3A_1727 = tpu.vector_load %arg15[%get3A_1726] {strides = array<i32>} : memref<256xi32, #tpu.memory_space<vmem>>, vector<16xi32>,
      %jit3A_1728 = arith.constant 0 : i32
      %broadcast_in_dim3A_1729 = vector.broadcast %jit3A_1728 : i32 to vector<16xi32>
      %select_n3A_1730 = arith.select %lt3A_1725, %get3A_1727, %broadcast_in_dim3A_1729 : vector<16xi1>, vector<16xi32>
      %swap3A_1731 = arith.constant 224 : index
      %swap3A_1732 = tpu.vector_load %arg15[%swap3A_1731] {strides = array<i32>} : memref<256xi32, #tpu.memory_space<vmem>>, vector<16xi32>,
      tpu.vector_store %arg15[%swap3A_1731], %select_n3A_1730 {strides = array<i32>} : memref<256xi32, #tpu.memory_space<vmem>>, vector<16xi32>,
      %get3A_1733 = arith.constant 224 : index
      %get3A_1734 = tpu.vector_load %arg16[%get3A_1733] {strides = array<i32>} : memref<256xi32, #tpu.memory_space<vmem>>, vector<16xi32>,
      %jit3A_1735 = arith.constant 1 : i32
      %broadcast_in_dim3A_1736 = vector.broadcast %jit3A_1735 : i32 to vector<16xi32>
      %select_n3A_1737 = arith.select %lt3A_1725, %get3A_1734, %broadcast_in_dim3A_1736 : vector<16xi1>, vector<16xi32>
      %swap3A_1738 = arith.constant 224 : index
      %swap3A_1739 = tpu.vector_load %arg16[%swap3A_1738] {strides = array<i32>} : memref<256xi32, #tpu.memory_space<vmem>>, vector<16xi32>,
      tpu.vector_store %arg16[%swap3A_1738], %select_n3A_1737 {strides = array<i32>} : memref<256xi32, #tpu.memory_space<vmem>>, vector<16xi32>,
      %get3A_1740 = arith.constant 224 : index
      %get3A_1741 = tpu.vector_load %arg17[%get3A_1740] {strides = array<i32>} : memref<256xi32, #tpu.memory_space<vmem>>, vector<16xi32>,
      %select_n3A_1742 = arith.select %lt3A_1725, %get3A_1741, %add3A_1724 : vector<16xi1>, vector<16xi32>
      %swap3A_1743 = arith.constant 224 : index
      %swap3A_1744 = tpu.vector_load %arg17[%swap3A_1743] {strides = array<i32>} : memref<256xi32, #tpu.memory_space<vmem>>, vector<16xi32>,
      tpu.vector_store %arg17[%swap3A_1743], %select_n3A_1742 {strides = array<i32>} : memref<256xi32, #tpu.memory_space<vmem>>, vector<16xi32>,
      %lt3A_1745 = arith.cmpi slt, %add3A_1724, %select_n3A_979 : vector<16xi32>
      %get3A_1746 = arith.constant 224 : index
      %get3A_1747 = tpu.vector_load %arg18[%get3A_1746] {strides = array<i32>} : memref<256xi32, #tpu.memory_space<vmem>>, vector<16xi32>,
      %jit3A_1748 = arith.constant 0 : i32
      %broadcast_in_dim3A_1749 = vector.broadcast %jit3A_1748 : i32 to vector<16xi32>
      %select_n3A_1750 = arith.select %lt3A_1745, %get3A_1747, %broadcast_in_dim3A_1749 : vector<16xi1>, vector<16xi32>
      %swap3A_1751 = arith.constant 224 : index
      %swap3A_1752 = tpu.vector_load %arg18[%swap3A_1751] {strides = array<i32>} : memref<256xi32, #tpu.memory_space<vmem>>, vector<16xi32>,
      tpu.vector_store %arg18[%swap3A_1751], %select_n3A_1750 {strides = array<i32>} : memref<256xi32, #tpu.memory_space<vmem>>, vector<16xi32>,
      %get3A_1753 = arith.constant 224 : index
      %get3A_1754 = tpu.vector_load %arg19[%get3A_1753] {strides = array<i32>} : memref<256xi32, #tpu.memory_space<vmem>>, vector<16xi32>,
      %jit3A_1755 = arith.constant 0 : i32
      %broadcast_in_dim3A_1756 = vector.broadcast %jit3A_1755 : i32 to vector<16xi32>
      %select_n3A_1757 = arith.select %lt3A_1745, %get3A_1754, %broadcast_in_dim3A_1756 : vector<16xi1>, vector<16xi32>
      %swap3A_1758 = arith.constant 224 : index
      %swap3A_1759 = tpu.vector_load %arg19[%swap3A_1758] {strides = array<i32>} : memref<256xi32, #tpu.memory_space<vmem>>, vector<16xi32>,
      tpu.vector_store %arg19[%swap3A_1758], %select_n3A_1757 {strides = array<i32>} : memref<256xi32, #tpu.memory_space<vmem>>, vector<16xi32>,
      %get3A_1760 = arith.constant 224 : index
      %get3A_1761 = tpu.vector_load %arg20[%get3A_1760] {strides = array<i32>} : memref<256xi32, #tpu.memory_space<vmem>>, vector<16xi32>,
      %jit3A_1762 = arith.constant 0 : i32
      %broadcast_in_dim3A_1763 = vector.broadcast %jit3A_1762 : i32 to vector<16xi32>
      %select_n3A_1764 = arith.select %lt3A_1745, %get3A_1761, %broadcast_in_dim3A_1763 : vector<16xi1>, vector<16xi32>
      %swap3A_1765 = arith.constant 224 : index
      %swap3A_1766 = tpu.vector_load %arg20[%swap3A_1765] {strides = array<i32>} : memref<256xi32, #tpu.memory_space<vmem>>, vector<16xi32>,
      tpu.vector_store %arg20[%swap3A_1765], %select_n3A_1764 {strides = array<i32>} : memref<256xi32, #tpu.memory_space<vmem>>, vector<16xi32>,
      %jit3A_1767 = arith.constant 1.000000e+00 : f32
      %jit3A_1768 = arith.constant 0.000000e+00 : f32
      %broadcast_in_dim3A_1769 = vector.broadcast %jit3A_1767 : f32 to vector<16xf32>
      %broadcast_in_dim3A_1770 = vector.broadcast %jit3A_1768 : f32 to vector<16xf32>
      %select_n3A_1771 = arith.select %lt3A_1745, %broadcast_in_dim3A_1769, %broadcast_in_dim3A_1770 : vector<16xi1>, vector<16xf32>
      %swap3A_1772 = arith.constant 224 : index
      %swap3A_1773 = tpu.vector_load %arg21[%swap3A_1772] {strides = array<i32>} : memref<256xf32, #tpu.memory_space<vmem>>, vector<16xf32>,
      tpu.vector_store %arg21[%swap3A_1772], %select_n3A_1771 {strides = array<i32>} : memref<256xf32, #tpu.memory_space<vmem>>, vector<16xf32>,
      %iota3A_1774 = tpu.iota {dimensions = array<i32: 0>} : vector<16xi32>
      %add3A_1775 = arith.constant 240 : i32
      %add3A_1776 = vector.broadcast %add3A_1775 : i32 to vector<16xi32>
      %add3A_1777 = arith.addi %iota3A_1774, %add3A_1776 : vector<16xi32>
      %lt3A_1778 = arith.cmpi slt, %add3A_1777, %add3A_947 : vector<16xi32>
      %get3A_1779 = arith.constant 240 : index
      %get3A_1780 = tpu.vector_load %arg15[%get3A_1779] {strides = array<i32>} : memref<256xi32, #tpu.memory_space<vmem>>, vector<16xi32>,
      %jit3A_1781 = arith.constant 0 : i32
      %broadcast_in_dim3A_1782 = vector.broadcast %jit3A_1781 : i32 to vector<16xi32>
      %select_n3A_1783 = arith.select %lt3A_1778, %get3A_1780, %broadcast_in_dim3A_1782 : vector<16xi1>, vector<16xi32>
      %swap3A_1784 = arith.constant 240 : index
      %swap3A_1785 = tpu.vector_load %arg15[%swap3A_1784] {strides = array<i32>} : memref<256xi32, #tpu.memory_space<vmem>>, vector<16xi32>,
      tpu.vector_store %arg15[%swap3A_1784], %select_n3A_1783 {strides = array<i32>} : memref<256xi32, #tpu.memory_space<vmem>>, vector<16xi32>,
      %get3A_1786 = arith.constant 240 : index
      %get3A_1787 = tpu.vector_load %arg16[%get3A_1786] {strides = array<i32>} : memref<256xi32, #tpu.memory_space<vmem>>, vector<16xi32>,
      %jit3A_1788 = arith.constant 1 : i32
      %broadcast_in_dim3A_1789 = vector.broadcast %jit3A_1788 : i32 to vector<16xi32>
      %select_n3A_1790 = arith.select %lt3A_1778, %get3A_1787, %broadcast_in_dim3A_1789 : vector<16xi1>, vector<16xi32>
      %swap3A_1791 = arith.constant 240 : index
      %swap3A_1792 = tpu.vector_load %arg16[%swap3A_1791] {strides = array<i32>} : memref<256xi32, #tpu.memory_space<vmem>>, vector<16xi32>,
      tpu.vector_store %arg16[%swap3A_1791], %select_n3A_1790 {strides = array<i32>} : memref<256xi32, #tpu.memory_space<vmem>>, vector<16xi32>,
      %get3A_1793 = arith.constant 240 : index
      %get3A_1794 = tpu.vector_load %arg17[%get3A_1793] {strides = array<i32>} : memref<256xi32, #tpu.memory_space<vmem>>, vector<16xi32>,
      %select_n3A_1795 = arith.select %lt3A_1778, %get3A_1794, %add3A_1777 : vector<16xi1>, vector<16xi32>
      %swap3A_1796 = arith.constant 240 : index
      %swap3A_1797 = tpu.vector_load %arg17[%swap3A_1796] {strides = array<i32>} : memref<256xi32, #tpu.memory_space<vmem>>, vector<16xi32>,
      tpu.vector_store %arg17[%swap3A_1796], %select_n3A_1795 {strides = array<i32>} : memref<256xi32, #tpu.memory_space<vmem>>, vector<16xi32>,
      %lt3A_1798 = arith.cmpi slt, %add3A_1777, %select_n3A_979 : vector<16xi32>
      %get3A_1799 = arith.constant 240 : index
      %get3A_1800 = tpu.vector_load %arg18[%get3A_1799] {strides = array<i32>} : memref<256xi32, #tpu.memory_space<vmem>>, vector<16xi32>,
      %jit3A_1801 = arith.constant 0 : i32
      %broadcast_in_dim3A_1802 = vector.broadcast %jit3A_1801 : i32 to vector<16xi32>
      %select_n3A_1803 = arith.select %lt3A_1798, %get3A_1800, %broadcast_in_dim3A_1802 : vector<16xi1>, vector<16xi32>
      %swap3A_1804 = arith.constant 240 : index
      %swap3A_1805 = tpu.vector_load %arg18[%swap3A_1804] {strides = array<i32>} : memref<256xi32, #tpu.memory_space<vmem>>, vector<16xi32>,
      tpu.vector_store %arg18[%swap3A_1804], %select_n3A_1803 {strides = array<i32>} : memref<256xi32, #tpu.memory_space<vmem>>, vector<16xi32>,
      %get3A_1806 = arith.constant 240 : index
      %get3A_1807 = tpu.vector_load %arg19[%get3A_1806] {strides = array<i32>} : memref<256xi32, #tpu.memory_space<vmem>>, vector<16xi32>,
      %jit3A_1808 = arith.constant 0 : i32
      %broadcast_in_dim3A_1809 = vector.broadcast %jit3A_1808 : i32 to vector<16xi32>
      %select_n3A_1810 = arith.select %lt3A_1798, %get3A_1807, %broadcast_in_dim3A_1809 : vector<16xi1>, vector<16xi32>
      %swap3A_1811 = arith.constant 240 : index
      %swap3A_1812 = tpu.vector_load %arg19[%swap3A_1811] {strides = array<i32>} : memref<256xi32, #tpu.memory_space<vmem>>, vector<16xi32>,
      tpu.vector_store %arg19[%swap3A_1811], %select_n3A_1810 {strides = array<i32>} : memref<256xi32, #tpu.memory_space<vmem>>, vector<16xi32>,
      %get3A_1813 = arith.constant 240 : index
      %get3A_1814 = tpu.vector_load %arg20[%get3A_1813] {strides = array<i32>} : memref<256xi32, #tpu.memory_space<vmem>>, vector<16xi32>,
      %jit3A_1815 = arith.constant 0 : i32
      %broadcast_in_dim3A_1816 = vector.broadcast %jit3A_1815 : i32 to vector<16xi32>
      %select_n3A_1817 = arith.select %lt3A_1798, %get3A_1814, %broadcast_in_dim3A_1816 : vector<16xi1>, vector<16xi32>
      %swap3A_1818 = arith.constant 240 : index
      %swap3A_1819 = tpu.vector_load %arg20[%swap3A_1818] {strides = array<i32>} : memref<256xi32, #tpu.memory_space<vmem>>, vector<16xi32>,
      tpu.vector_store %arg20[%swap3A_1818], %select_n3A_1817 {strides = array<i32>} : memref<256xi32, #tpu.memory_space<vmem>>, vector<16xi32>,
      %jit3A_1820 = arith.constant 1.000000e+00 : f32
      %jit3A_1821 = arith.constant 0.000000e+00 : f32
      %broadcast_in_dim3A_1822 = vector.broadcast %jit3A_1820 : f32 to vector<16xf32>
      %broadcast_in_dim3A_1823 = vector.broadcast %jit3A_1821 : f32 to vector<16xf32>
      %select_n3A_1824 = arith.select %lt3A_1798, %broadcast_in_dim3A_1822, %broadcast_in_dim3A_1823 : vector<16xi1>, vector<16xf32>
      %swap3A_1825 = arith.constant 240 : index
      %swap3A_1826 = tpu.vector_load %arg21[%swap3A_1825] {strides = array<i32>} : memref<256xf32, #tpu.memory_space<vmem>>, vector<16xf32>,
      tpu.vector_store %arg21[%swap3A_1825], %select_n3A_1824 {strides = array<i32>} : memref<256xf32, #tpu.memory_space<vmem>>, vector<16xf32>,
      %dma_start3A = arith.constant 0 : i32
      %dma_start3A_1827 = arith.constant 0 : i32
      %dma_start3A_1828 = arith.constant 0 : i32
      %dma_start3A_1829 = tpu.memref_slice %arg22[%dma_start3A, %dma_start3A_1827, %dma_start3A_1828] : memref<4x32x768xf32, #tpu.memory_space<vmem>> -> memref<1x32x768xf32, #tpu.memory_space<vmem>>
      %dma_start3A_1830 = tpu.memref_squeeze %dma_start3A_1829 : memref<1x32x768xf32, #tpu.memory_space<vmem>> -> memref<32x768xf32, #tpu.memory_space<vmem>>
      %dma_start3A_1831 = arith.constant 0 : i32
      %dma_start3A_1832 = tpu.memref_slice %arg15[%dma_start3A_1831] : memref<256xi32, #tpu.memory_space<vmem>> -> memref<32xi32, #tpu.memory_space<vmem>>
      %dma_start3A_1833 = arith.constant 0 : i32
      %dma_start3A_1834 = arith.constant 0 : i32
      %dma_start3A_1835 = tpu.memref_slice %arg4[%dma_start3A_1833, %dma_start3A_1834] : memref<30522x768xf32, #tpu.memory_space<hbm>> -> memref<30522x768xf32, #tpu.memory_space<hbm>>
      tpu.enqueue_indirect_dma source(%dma_start3A_1835 : memref<30522x768xf32, #tpu.memory_space<hbm>>) target(%dma_start3A_1830 : memref<32x768xf32, #tpu.memory_space<vmem>>) offsets(%dma_start3A_1832 : memref<32xi32, #tpu.memory_space<vmem>>) semaphore(%arg23 : memref<!tpu.dma_semaphore, #tpu.memory_space<semaphore_mem>>)
      %dma_start3A_1836 = arith.constant 1 : i32
      %dma_start3A_1837 = arith.constant 0 : i32
      %dma_start3A_1838 = arith.constant 0 : i32
      %dma_start3A_1839 = tpu.memref_slice %arg22[%dma_start3A_1836, %dma_start3A_1837, %dma_start3A_1838] : memref<4x32x768xf32, #tpu.memory_space<vmem>> -> memref<1x32x768xf32, #tpu.memory_space<vmem>>
      %dma_start3A_1840 = tpu.memref_squeeze %dma_start3A_1839 : memref<1x32x768xf32, #tpu.memory_space<vmem>> -> memref<32x768xf32, #tpu.memory_space<vmem>>
      %dma_start3A_1841 = arith.constant 32 : i32
      %dma_start3A_1842 = tpu.memref_slice %arg15[%dma_start3A_1841] : memref<256xi32, #tpu.memory_space<vmem>> -> memref<32xi32, #tpu.memory_space<vmem>>
      %dma_start3A_1843 = arith.constant 0 : i32
      %dma_start3A_1844 = arith.constant 0 : i32
      %dma_start3A_1845 = tpu.memref_slice %arg4[%dma_start3A_1843, %dma_start3A_1844] : memref<30522x768xf32, #tpu.memory_space<hbm>> -> memref<30522x768xf32, #tpu.memory_space<hbm>>
      tpu.enqueue_indirect_dma source(%dma_start3A_1845 : memref<30522x768xf32, #tpu.memory_space<hbm>>) target(%dma_start3A_1840 : memref<32x768xf32, #tpu.memory_space<vmem>>) offsets(%dma_start3A_1842 : memref<32xi32, #tpu.memory_space<vmem>>) semaphore(%arg23 : memref<!tpu.dma_semaphore, #tpu.memory_space<semaphore_mem>>)
      %dma_start3A_1846 = arith.constant 2 : i32
      %dma_start3A_1847 = arith.constant 0 : i32
      %dma_start3A_1848 = arith.constant 0 : i32
      %dma_start3A_1849 = tpu.memref_slice %arg22[%dma_start3A_1846, %dma_start3A_1847, %dma_start3A_1848] : memref<4x32x768xf32, #tpu.memory_space<vmem>> -> memref<1x32x768xf32, #tpu.memory_space<vmem>>
      %dma_start3A_1850 = tpu.memref_squeeze %dma_start3A_1849 : memref<1x32x768xf32, #tpu.memory_space<vmem>> -> memref<32x768xf32, #tpu.memory_space<vmem>>
      %dma_start3A_1851 = arith.constant 64 : i32
      %dma_start3A_1852 = tpu.memref_slice %arg15[%dma_start3A_1851] : memref<256xi32, #tpu.memory_space<vmem>> -> memref<32xi32, #tpu.memory_space<vmem>>
      %dma_start3A_1853 = arith.constant 0 : i32
      %dma_start3A_1854 = arith.constant 0 : i32
      %dma_start3A_1855 = tpu.memref_slice %arg4[%dma_start3A_1853, %dma_start3A_1854] : memref<30522x768xf32, #tpu.memory_space<hbm>> -> memref<30522x768xf32, #tpu.memory_space<hbm>>
      tpu.enqueue_indirect_dma source(%dma_start3A_1855 : memref<30522x768xf32, #tpu.memory_space<hbm>>) target(%dma_start3A_1850 : memref<32x768xf32, #tpu.memory_space<vmem>>) offsets(%dma_start3A_1852 : memref<32xi32, #tpu.memory_space<vmem>>) semaphore(%arg23 : memref<!tpu.dma_semaphore, #tpu.memory_space<semaphore_mem>>)
      %dma_start3A_1856 = arith.constant 3 : i32
      %dma_start3A_1857 = arith.constant 0 : i32
      %dma_start3A_1858 = arith.constant 0 : i32
      %dma_start3A_1859 = tpu.memref_slice %arg22[%dma_start3A_1856, %dma_start3A_1857, %dma_start3A_1858] : memref<4x32x768xf32, #tpu.memory_space<vmem>> -> memref<1x32x768xf32, #tpu.memory_space<vmem>>
      %dma_start3A_1860 = tpu.memref_squeeze %dma_start3A_1859 : memref<1x32x768xf32, #tpu.memory_space<vmem>> -> memref<32x768xf32, #tpu.memory_space<vmem>>
      %dma_start3A_1861 = arith.constant 96 : i32
      %dma_start3A_1862 = tpu.memref_slice %arg15[%dma_start3A_1861] : memref<256xi32, #tpu.memory_space<vmem>> -> memref<32xi32, #tpu.memory_space<vmem>>
      %dma_start3A_1863 = arith.constant 0 : i32
      %dma_start3A_1864 = arith.constant 0 : i32
      %dma_start3A_1865 = tpu.memref_slice %arg4[%dma_start3A_1863, %dma_start3A_1864] : memref<30522x768xf32, #tpu.memory_space<hbm>> -> memref<30522x768xf32, #tpu.memory_space<hbm>>
      tpu.enqueue_indirect_dma source(%dma_start3A_1865 : memref<30522x768xf32, #tpu.memory_space<hbm>>) target(%dma_start3A_1860 : memref<32x768xf32, #tpu.memory_space<vmem>>) offsets(%dma_start3A_1862 : memref<32xi32, #tpu.memory_space<vmem>>) semaphore(%arg23 : memref<!tpu.dma_semaphore, #tpu.memory_space<semaphore_mem>>)
      %dma_wait3A = arith.constant 0 : i32
      %dma_wait3A_1866 = arith.constant 0 : i32
      %dma_wait3A_1867 = arith.constant 0 : i32
      %dma_wait3A_1868 = tpu.memref_slice %arg22[%dma_wait3A, %dma_wait3A_1866, %dma_wait3A_1867] : memref<4x32x768xf32, #tpu.memory_space<vmem>> -> memref<1x32x768xf32, #tpu.memory_space<vmem>>
      %dma_wait3A_1869 = tpu.memref_squeeze %dma_wait3A_1868 : memref<1x32x768xf32, #tpu.memory_space<vmem>> -> memref<32x768xf32, #tpu.memory_space<vmem>>
      %dma_wait3A_1870 = arith.constant 0 : i32
      %dma_wait3A_1871 = tpu.memref_slice %arg15[%dma_wait3A_1870] : memref<256xi32, #tpu.memory_space<vmem>> -> memref<32xi32, #tpu.memory_space<vmem>>
      %dma_wait3A_1872 = arith.constant 0 : i32
      %dma_wait3A_1873 = arith.constant 0 : i32
      %dma_wait3A_1874 = tpu.memref_slice %arg4[%dma_wait3A_1872, %dma_wait3A_1873] : memref<30522x768xf32, #tpu.memory_space<hbm>> -> memref<30522x768xf32, #tpu.memory_space<hbm>>
      tpu.wait_indirect_dma semaphore(%arg23 : memref<!tpu.dma_semaphore, #tpu.memory_space<semaphore_mem>>) src(%dma_wait3A_1874 : memref<30522x768xf32, #tpu.memory_space<hbm>>) dst(%dma_wait3A_1869 : memref<32x768xf32, #tpu.memory_space<vmem>>)
      %add3A_1875 = arith.constant 0 : i32
      %add3A_1876 = arith.addi %mul3A_4, %add3A_1875 : i32
      %dma_start3A_1877 = arith.constant 0 : i32
      %dma_start3A_1878 = arith.constant 0 : i32
      %dma_start3A_1879 = arith.constant 0 : i32
      %dma_start3A_1880 = tpu.memref_slice %arg22[%dma_start3A_1877, %dma_start3A_1878, %dma_start3A_1879] : memref<4x32x768xf32, #tpu.memory_space<vmem>> -> memref<1x32x768xf32, #tpu.memory_space<vmem>>
      %dma_start3A_1881 = tpu.memref_squeeze %dma_start3A_1880 : memref<1x32x768xf32, #tpu.memory_space<vmem>> -> memref<32x768xf32, #tpu.memory_space<vmem>>
      %dma_start3A_1882 = arith.constant 0 : i32
      %dma_start3A_1883 = tpu.memref_slice %arg5[%add3A_1876, %dma_start3A_1882] : memref<4096x768xf32, #tpu.memory_space<hbm>> -> memref<32x768xf32, #tpu.memory_space<hbm>>
      %dma_start3A_1884 = arith.constant 0 : i32
      %dma_start3A_1885 = tpu.memref_slice %arg5[%add3A_1876, %dma_start3A_1884] : memref<4096x768xf32, #tpu.memory_space<hbm>> -> memref<32x768xf32, #tpu.memory_space<hbm>>
      %dma_start3A_1886 = arith.constant 0 : i32
      %dma_start3A_1887 = arith.constant 0 : i32
      %dma_start3A_1888 = tpu.memref_slice %arg22[%dma_start3A_1877, %dma_start3A_1886, %dma_start3A_1887] : memref<4x32x768xf32, #tpu.memory_space<vmem>> -> memref<1x32x768xf32, #tpu.memory_space<vmem>>
      %dma_start3A_1889 = tpu.memref_squeeze %dma_start3A_1888 : memref<1x32x768xf32, #tpu.memory_space<vmem>> -> memref<32x768xf32, #tpu.memory_space<vmem>>
      tpu.enqueue_dma source(%dma_start3A_1889 : memref<32x768xf32, #tpu.memory_space<vmem>>) target(%dma_start3A_1885 : memref<32x768xf32, #tpu.memory_space<hbm>>) target_semaphore(%arg24 : memref<!tpu.dma_semaphore, #tpu.memory_space<semaphore_mem>>)
      %dma_wait3A_1890 = arith.constant 0 : i32
      %dma_wait3A_1891 = arith.constant 0 : i32
      %dma_wait3A_1892 = arith.constant 0 : i32
      %dma_wait3A_1893 = tpu.memref_slice %arg22[%dma_wait3A_1890, %dma_wait3A_1891, %dma_wait3A_1892] : memref<4x32x768xf32, #tpu.memory_space<vmem>> -> memref<1x32x768xf32, #tpu.memory_space<vmem>>
      %dma_wait3A_1894 = tpu.memref_squeeze %dma_wait3A_1893 : memref<1x32x768xf32, #tpu.memory_space<vmem>> -> memref<32x768xf32, #tpu.memory_space<vmem>>
      %dma_wait3A_1895 = arith.constant 0 : i32
      %dma_wait3A_1896 = tpu.memref_slice %arg5[%add3A_1876, %dma_wait3A_1895] : memref<4096x768xf32, #tpu.memory_space<hbm>> -> memref<32x768xf32, #tpu.memory_space<hbm>>
      %dma_wait3A_1897 = arith.constant 0 : i32
      %dma_wait3A_1898 = tpu.memref_slice %arg5[%add3A_1876, %dma_wait3A_1897] : memref<4096x768xf32, #tpu.memory_space<hbm>> -> memref<32x768xf32, #tpu.memory_space<hbm>>
      %dma_wait3A_1899 = arith.constant 0 : i32
      %dma_wait3A_1900 = arith.constant 0 : i32
      %dma_wait3A_1901 = tpu.memref_slice %arg22[%dma_wait3A_1890, %dma_wait3A_1899, %dma_wait3A_1900] : memref<4x32x768xf32, #tpu.memory_space<vmem>> -> memref<1x32x768xf32, #tpu.memory_space<vmem>>
      %dma_wait3A_1902 = tpu.memref_squeeze %dma_wait3A_1901 : memref<1x32x768xf32, #tpu.memory_space<vmem>> -> memref<32x768xf32, #tpu.memory_space<vmem>>
      tpu.wait_dma2 semaphore(%arg24 : memref<!tpu.dma_semaphore, #tpu.memory_space<semaphore_mem>>) src(%dma_wait3A_1902 : memref<32x768xf32, #tpu.memory_space<vmem>>) dst(%dma_wait3A_1898 : memref<32x768xf32, #tpu.memory_space<hbm>>)
      %dma_start3A_1903 = arith.constant 0 : i32
      %dma_start3A_1904 = arith.constant 0 : i32
      %dma_start3A_1905 = arith.constant 0 : i32
      %dma_start3A_1906 = tpu.memref_slice %arg22[%dma_start3A_1903, %dma_start3A_1904, %dma_start3A_1905] : memref<4x32x768xf32, #tpu.memory_space<vmem>> -> memref<1x32x768xf32, #tpu.memory_space<vmem>>
      %dma_start3A_1907 = tpu.memref_squeeze %dma_start3A_1906 : memref<1x32x768xf32, #tpu.memory_space<vmem>> -> memref<32x768xf32, #tpu.memory_space<vmem>>
      %dma_start3A_1908 = arith.constant 128 : i32
      %dma_start3A_1909 = tpu.memref_slice %arg15[%dma_start3A_1908] : memref<256xi32, #tpu.memory_space<vmem>> -> memref<32xi32, #tpu.memory_space<vmem>>
      %dma_start3A_1910 = arith.constant 0 : i32
      %dma_start3A_1911 = arith.constant 0 : i32
      %dma_start3A_1912 = tpu.memref_slice %arg4[%dma_start3A_1910, %dma_start3A_1911] : memref<30522x768xf32, #tpu.memory_space<hbm>> -> memref<30522x768xf32, #tpu.memory_space<hbm>>
      tpu.enqueue_indirect_dma source(%dma_start3A_1912 : memref<30522x768xf32, #tpu.memory_space<hbm>>) target(%dma_start3A_1907 : memref<32x768xf32, #tpu.memory_space<vmem>>) offsets(%dma_start3A_1909 : memref<32xi32, #tpu.memory_space<vmem>>) semaphore(%arg23 : memref<!tpu.dma_semaphore, #tpu.memory_space<semaphore_mem>>)
      %dma_wait3A_1913 = arith.constant 1 : i32
      %dma_wait3A_1914 = arith.constant 0 : i32
      %dma_wait3A_1915 = arith.constant 0 : i32
      %dma_wait3A_1916 = tpu.memref_slice %arg22[%dma_wait3A_1913, %dma_wait3A_1914, %dma_wait3A_1915] : memref<4x32x768xf32, #tpu.memory_space<vmem>> -> memref<1x32x768xf32, #tpu.memory_space<vmem>>
      %dma_wait3A_1917 = tpu.memref_squeeze %dma_wait3A_1916 : memref<1x32x768xf32, #tpu.memory_space<vmem>> -> memref<32x768xf32, #tpu.memory_space<vmem>>
      %dma_wait3A_1918 = arith.constant 32 : i32
      %dma_wait3A_1919 = tpu.memref_slice %arg15[%dma_wait3A_1918] : memref<256xi32, #tpu.memory_space<vmem>> -> memref<32xi32, #tpu.memory_space<vmem>>
      %dma_wait3A_1920 = arith.constant 0 : i32
      %dma_wait3A_1921 = arith.constant 0 : i32
      %dma_wait3A_1922 = tpu.memref_slice %arg4[%dma_wait3A_1920, %dma_wait3A_1921] : memref<30522x768xf32, #tpu.memory_space<hbm>> -> memref<30522x768xf32, #tpu.memory_space<hbm>>
      tpu.wait_indirect_dma semaphore(%arg23 : memref<!tpu.dma_semaphore, #tpu.memory_space<semaphore_mem>>) src(%dma_wait3A_1922 : memref<30522x768xf32, #tpu.memory_space<hbm>>) dst(%dma_wait3A_1917 : memref<32x768xf32, #tpu.memory_space<vmem>>)
      %add3A_1923 = arith.constant 32 : i32
      %add3A_1924 = arith.addi %mul3A_4, %add3A_1923 : i32
      %dma_start3A_1925 = arith.constant 1 : i32
      %dma_start3A_1926 = arith.constant 0 : i32
      %dma_start3A_1927 = arith.constant 0 : i32
      %dma_start3A_1928 = tpu.memref_slice %arg22[%dma_start3A_1925, %dma_start3A_1926, %dma_start3A_1927] : memref<4x32x768xf32, #tpu.memory_space<vmem>> -> memref<1x32x768xf32, #tpu.memory_space<vmem>>
      %dma_start3A_1929 = tpu.memref_squeeze %dma_start3A_1928 : memref<1x32x768xf32, #tpu.memory_space<vmem>> -> memref<32x768xf32, #tpu.memory_space<vmem>>
      %dma_start3A_1930 = arith.constant 0 : i32
      %dma_start3A_1931 = tpu.memref_slice %arg5[%add3A_1924, %dma_start3A_1930] : memref<4096x768xf32, #tpu.memory_space<hbm>> -> memref<32x768xf32, #tpu.memory_space<hbm>>
      %dma_start3A_1932 = arith.constant 0 : i32
      %dma_start3A_1933 = tpu.memref_slice %arg5[%add3A_1924, %dma_start3A_1932] : memref<4096x768xf32, #tpu.memory_space<hbm>> -> memref<32x768xf32, #tpu.memory_space<hbm>>
      %dma_start3A_1934 = arith.constant 0 : i32
      %dma_start3A_1935 = arith.constant 0 : i32
      %dma_start3A_1936 = tpu.memref_slice %arg22[%dma_start3A_1925, %dma_start3A_1934, %dma_start3A_1935] : memref<4x32x768xf32, #tpu.memory_space<vmem>> -> memref<1x32x768xf32, #tpu.memory_space<vmem>>
      %dma_start3A_1937 = tpu.memref_squeeze %dma_start3A_1936 : memref<1x32x768xf32, #tpu.memory_space<vmem>> -> memref<32x768xf32, #tpu.memory_space<vmem>>
      tpu.enqueue_dma source(%dma_start3A_1937 : memref<32x768xf32, #tpu.memory_space<vmem>>) target(%dma_start3A_1933 : memref<32x768xf32, #tpu.memory_space<hbm>>) target_semaphore(%arg25 : memref<!tpu.dma_semaphore, #tpu.memory_space<semaphore_mem>>)
      %dma_wait3A_1938 = arith.constant 1 : i32
      %dma_wait3A_1939 = arith.constant 0 : i32
      %dma_wait3A_1940 = arith.constant 0 : i32
      %dma_wait3A_1941 = tpu.memref_slice %arg22[%dma_wait3A_1938, %dma_wait3A_1939, %dma_wait3A_1940] : memref<4x32x768xf32, #tpu.memory_space<vmem>> -> memref<1x32x768xf32, #tpu.memory_space<vmem>>
      %dma_wait3A_1942 = tpu.memref_squeeze %dma_wait3A_1941 : memref<1x32x768xf32, #tpu.memory_space<vmem>> -> memref<32x768xf32, #tpu.memory_space<vmem>>
      %dma_wait3A_1943 = arith.constant 0 : i32
      %dma_wait3A_1944 = tpu.memref_slice %arg5[%add3A_1924, %dma_wait3A_1943] : memref<4096x768xf32, #tpu.memory_space<hbm>> -> memref<32x768xf32, #tpu.memory_space<hbm>>
      %dma_wait3A_1945 = arith.constant 0 : i32
      %dma_wait3A_1946 = tpu.memref_slice %arg5[%add3A_1924, %dma_wait3A_1945] : memref<4096x768xf32, #tpu.memory_space<hbm>> -> memref<32x768xf32, #tpu.memory_space<hbm>>
      %dma_wait3A_1947 = arith.constant 0 : i32
      %dma_wait3A_1948 = arith.constant 0 : i32
      %dma_wait3A_1949 = tpu.memref_slice %arg22[%dma_wait3A_1938, %dma_wait3A_1947, %dma_wait3A_1948] : memref<4x32x768xf32, #tpu.memory_space<vmem>> -> memref<1x32x768xf32, #tpu.memory_space<vmem>>
      %dma_wait3A_1950 = tpu.memref_squeeze %dma_wait3A_1949 : memref<1x32x768xf32, #tpu.memory_space<vmem>> -> memref<32x768xf32, #tpu.memory_space<vmem>>
      tpu.wait_dma2 semaphore(%arg25 : memref<!tpu.dma_semaphore, #tpu.memory_space<semaphore_mem>>) src(%dma_wait3A_1950 : memref<32x768xf32, #tpu.memory_space<vmem>>) dst(%dma_wait3A_1946 : memref<32x768xf32, #tpu.memory_space<hbm>>)
      %dma_start3A_1951 = arith.constant 1 : i32
      %dma_start3A_1952 = arith.constant 0 : i32
      %dma_start3A_1953 = arith.constant 0 : i32
      %dma_start3A_1954 = tpu.memref_slice %arg22[%dma_start3A_1951, %dma_start3A_1952, %dma_start3A_1953] : memref<4x32x768xf32, #tpu.memory_space<vmem>> -> memref<1x32x768xf32, #tpu.memory_space<vmem>>
      %dma_start3A_1955 = tpu.memref_squeeze %dma_start3A_1954 : memref<1x32x768xf32, #tpu.memory_space<vmem>> -> memref<32x768xf32, #tpu.memory_space<vmem>>
      %dma_start3A_1956 = arith.constant 160 : i32
      %dma_start3A_1957 = tpu.memref_slice %arg15[%dma_start3A_1956] : memref<256xi32, #tpu.memory_space<vmem>> -> memref<32xi32, #tpu.memory_space<vmem>>
      %dma_start3A_1958 = arith.constant 0 : i32
      %dma_start3A_1959 = arith.constant 0 : i32
      %dma_start3A_1960 = tpu.memref_slice %arg4[%dma_start3A_1958, %dma_start3A_1959] : memref<30522x768xf32, #tpu.memory_space<hbm>> -> memref<30522x768xf32, #tpu.memory_space<hbm>>
      tpu.enqueue_indirect_dma source(%dma_start3A_1960 : memref<30522x768xf32, #tpu.memory_space<hbm>>) target(%dma_start3A_1955 : memref<32x768xf32, #tpu.memory_space<vmem>>) offsets(%dma_start3A_1957 : memref<32xi32, #tpu.memory_space<vmem>>) semaphore(%arg23 : memref<!tpu.dma_semaphore, #tpu.memory_space<semaphore_mem>>)
      %dma_wait3A_1961 = arith.constant 2 : i32
      %dma_wait3A_1962 = arith.constant 0 : i32
      %dma_wait3A_1963 = arith.constant 0 : i32
      %dma_wait3A_1964 = tpu.memref_slice %arg22[%dma_wait3A_1961, %dma_wait3A_1962, %dma_wait3A_1963] : memref<4x32x768xf32, #tpu.memory_space<vmem>> -> memref<1x32x768xf32, #tpu.memory_space<vmem>>
      %dma_wait3A_1965 = tpu.memref_squeeze %dma_wait3A_1964 : memref<1x32x768xf32, #tpu.memory_space<vmem>> -> memref<32x768xf32, #tpu.memory_space<vmem>>
      %dma_wait3A_1966 = arith.constant 64 : i32
      %dma_wait3A_1967 = tpu.memref_slice %arg15[%dma_wait3A_1966] : memref<256xi32, #tpu.memory_space<vmem>> -> memref<32xi32, #tpu.memory_space<vmem>>
      %dma_wait3A_1968 = arith.constant 0 : i32
      %dma_wait3A_1969 = arith.constant 0 : i32
      %dma_wait3A_1970 = tpu.memref_slice %arg4[%dma_wait3A_1968, %dma_wait3A_1969] : memref<30522x768xf32, #tpu.memory_space<hbm>> -> memref<30522x768xf32, #tpu.memory_space<hbm>>
      tpu.wait_indirect_dma semaphore(%arg23 : memref<!tpu.dma_semaphore, #tpu.memory_space<semaphore_mem>>) src(%dma_wait3A_1970 : memref<30522x768xf32, #tpu.memory_space<hbm>>) dst(%dma_wait3A_1965 : memref<32x768xf32, #tpu.memory_space<vmem>>)
      %add3A_1971 = arith.constant 64 : i32
      %add3A_1972 = arith.addi %mul3A_4, %add3A_1971 : i32
      %dma_start3A_1973 = arith.constant 2 : i32
      %dma_start3A_1974 = arith.constant 0 : i32
      %dma_start3A_1975 = arith.constant 0 : i32
      %dma_start3A_1976 = tpu.memref_slice %arg22[%dma_start3A_1973, %dma_start3A_1974, %dma_start3A_1975] : memref<4x32x768xf32, #tpu.memory_space<vmem>> -> memref<1x32x768xf32, #tpu.memory_space<vmem>>
      %dma_start3A_1977 = tpu.memref_squeeze %dma_start3A_1976 : memref<1x32x768xf32, #tpu.memory_space<vmem>> -> memref<32x768xf32, #tpu.memory_space<vmem>>
      %dma_start3A_1978 = arith.constant 0 : i32
      %dma_start3A_1979 = tpu.memref_slice %arg5[%add3A_1972, %dma_start3A_1978] : memref<4096x768xf32, #tpu.memory_space<hbm>> -> memref<32x768xf32, #tpu.memory_space<hbm>>
      %dma_start3A_1980 = arith.constant 0 : i32
      %dma_start3A_1981 = tpu.memref_slice %arg5[%add3A_1972, %dma_start3A_1980] : memref<4096x768xf32, #tpu.memory_space<hbm>> -> memref<32x768xf32, #tpu.memory_space<hbm>>
      %dma_start3A_1982 = arith.constant 0 : i32
      %dma_start3A_1983 = arith.constant 0 : i32
      %dma_start3A_1984 = tpu.memref_slice %arg22[%dma_start3A_1973, %dma_start3A_1982, %dma_start3A_1983] : memref<4x32x768xf32, #tpu.memory_space<vmem>> -> memref<1x32x768xf32, #tpu.memory_space<vmem>>
      %dma_start3A_1985 = tpu.memref_squeeze %dma_start3A_1984 : memref<1x32x768xf32, #tpu.memory_space<vmem>> -> memref<32x768xf32, #tpu.memory_space<vmem>>
      tpu.enqueue_dma source(%dma_start3A_1985 : memref<32x768xf32, #tpu.memory_space<vmem>>) target(%dma_start3A_1981 : memref<32x768xf32, #tpu.memory_space<hbm>>) target_semaphore(%arg26 : memref<!tpu.dma_semaphore, #tpu.memory_space<semaphore_mem>>)
      %dma_wait3A_1986 = arith.constant 2 : i32
      %dma_wait3A_1987 = arith.constant 0 : i32
      %dma_wait3A_1988 = arith.constant 0 : i32
      %dma_wait3A_1989 = tpu.memref_slice %arg22[%dma_wait3A_1986, %dma_wait3A_1987, %dma_wait3A_1988] : memref<4x32x768xf32, #tpu.memory_space<vmem>> -> memref<1x32x768xf32, #tpu.memory_space<vmem>>
      %dma_wait3A_1990 = tpu.memref_squeeze %dma_wait3A_1989 : memref<1x32x768xf32, #tpu.memory_space<vmem>> -> memref<32x768xf32, #tpu.memory_space<vmem>>
      %dma_wait3A_1991 = arith.constant 0 : i32
      %dma_wait3A_1992 = tpu.memref_slice %arg5[%add3A_1972, %dma_wait3A_1991] : memref<4096x768xf32, #tpu.memory_space<hbm>> -> memref<32x768xf32, #tpu.memory_space<hbm>>
      %dma_wait3A_1993 = arith.constant 0 : i32
      %dma_wait3A_1994 = tpu.memref_slice %arg5[%add3A_1972, %dma_wait3A_1993] : memref<4096x768xf32, #tpu.memory_space<hbm>> -> memref<32x768xf32, #tpu.memory_space<hbm>>
      %dma_wait3A_1995 = arith.constant 0 : i32
      %dma_wait3A_1996 = arith.constant 0 : i32
      %dma_wait3A_1997 = tpu.memref_slice %arg22[%dma_wait3A_1986, %dma_wait3A_1995, %dma_wait3A_1996] : memref<4x32x768xf32, #tpu.memory_space<vmem>> -> memref<1x32x768xf32, #tpu.memory_space<vmem>>
      %dma_wait3A_1998 = tpu.memref_squeeze %dma_wait3A_1997 : memref<1x32x768xf32, #tpu.memory_space<vmem>> -> memref<32x768xf32, #tpu.memory_space<vmem>>
      tpu.wait_dma2 semaphore(%arg26 : memref<!tpu.dma_semaphore, #tpu.memory_space<semaphore_mem>>) src(%dma_wait3A_1998 : memref<32x768xf32, #tpu.memory_space<vmem>>) dst(%dma_wait3A_1994 : memref<32x768xf32, #tpu.memory_space<hbm>>)
      %dma_start3A_1999 = arith.constant 2 : i32
      %dma_start3A_2000 = arith.constant 0 : i32
      %dma_start3A_2001 = arith.constant 0 : i32
      %dma_start3A_2002 = tpu.memref_slice %arg22[%dma_start3A_1999, %dma_start3A_2000, %dma_start3A_2001] : memref<4x32x768xf32, #tpu.memory_space<vmem>> -> memref<1x32x768xf32, #tpu.memory_space<vmem>>
      %dma_start3A_2003 = tpu.memref_squeeze %dma_start3A_2002 : memref<1x32x768xf32, #tpu.memory_space<vmem>> -> memref<32x768xf32, #tpu.memory_space<vmem>>
      %dma_start3A_2004 = arith.constant 192 : i32
      %dma_start3A_2005 = tpu.memref_slice %arg15[%dma_start3A_2004] : memref<256xi32, #tpu.memory_space<vmem>> -> memref<32xi32, #tpu.memory_space<vmem>>
      %dma_start3A_2006 = arith.constant 0 : i32
      %dma_start3A_2007 = arith.constant 0 : i32
      %dma_start3A_2008 = tpu.memref_slice %arg4[%dma_start3A_2006, %dma_start3A_2007] : memref<30522x768xf32, #tpu.memory_space<hbm>> -> memref<30522x768xf32, #tpu.memory_space<hbm>>
      tpu.enqueue_indirect_dma source(%dma_start3A_2008 : memref<30522x768xf32, #tpu.memory_space<hbm>>) target(%dma_start3A_2003 : memref<32x768xf32, #tpu.memory_space<vmem>>) offsets(%dma_start3A_2005 : memref<32xi32, #tpu.memory_space<vmem>>) semaphore(%arg23 : memref<!tpu.dma_semaphore, #tpu.memory_space<semaphore_mem>>)
      %dma_wait3A_2009 = arith.constant 3 : i32
      %dma_wait3A_2010 = arith.constant 0 : i32
      %dma_wait3A_2011 = arith.constant 0 : i32
      %dma_wait3A_2012 = tpu.memref_slice %arg22[%dma_wait3A_2009, %dma_wait3A_2010, %dma_wait3A_2011] : memref<4x32x768xf32, #tpu.memory_space<vmem>> -> memref<1x32x768xf32, #tpu.memory_space<vmem>>
      %dma_wait3A_2013 = tpu.memref_squeeze %dma_wait3A_2012 : memref<1x32x768xf32, #tpu.memory_space<vmem>> -> memref<32x768xf32, #tpu.memory_space<vmem>>
      %dma_wait3A_2014 = arith.constant 96 : i32
      %dma_wait3A_2015 = tpu.memref_slice %arg15[%dma_wait3A_2014] : memref<256xi32, #tpu.memory_space<vmem>> -> memref<32xi32, #tpu.memory_space<vmem>>
      %dma_wait3A_2016 = arith.constant 0 : i32
      %dma_wait3A_2017 = arith.constant 0 : i32
      %dma_wait3A_2018 = tpu.memref_slice %arg4[%dma_wait3A_2016, %dma_wait3A_2017] : memref<30522x768xf32, #tpu.memory_space<hbm>> -> memref<30522x768xf32, #tpu.memory_space<hbm>>
      tpu.wait_indirect_dma semaphore(%arg23 : memref<!tpu.dma_semaphore, #tpu.memory_space<semaphore_mem>>) src(%dma_wait3A_2018 : memref<30522x768xf32, #tpu.memory_space<hbm>>) dst(%dma_wait3A_2013 : memref<32x768xf32, #tpu.memory_space<vmem>>)
      %add3A_2019 = arith.constant 96 : i32
      %add3A_2020 = arith.addi %mul3A_4, %add3A_2019 : i32
      %dma_start3A_2021 = arith.constant 3 : i32
      %dma_start3A_2022 = arith.constant 0 : i32
      %dma_start3A_2023 = arith.constant 0 : i32
      %dma_start3A_2024 = tpu.memref_slice %arg22[%dma_start3A_2021, %dma_start3A_2022, %dma_start3A_2023] : memref<4x32x768xf32, #tpu.memory_space<vmem>> -> memref<1x32x768xf32, #tpu.memory_space<vmem>>
      %dma_start3A_2025 = tpu.memref_squeeze %dma_start3A_2024 : memref<1x32x768xf32, #tpu.memory_space<vmem>> -> memref<32x768xf32, #tpu.memory_space<vmem>>
      %dma_start3A_2026 = arith.constant 0 : i32
      %dma_start3A_2027 = tpu.memref_slice %arg5[%add3A_2020, %dma_start3A_2026] : memref<4096x768xf32, #tpu.memory_space<hbm>> -> memref<32x768xf32, #tpu.memory_space<hbm>>
      %dma_start3A_2028 = arith.constant 0 : i32
      %dma_start3A_2029 = tpu.memref_slice %arg5[%add3A_2020, %dma_start3A_2028] : memref<4096x768xf32, #tpu.memory_space<hbm>> -> memref<32x768xf32, #tpu.memory_space<hbm>>
      %dma_start3A_2030 = arith.constant 0 : i32
      %dma_start3A_2031 = arith.constant 0 : i32
      %dma_start3A_2032 = tpu.memref_slice %arg22[%dma_start3A_2021, %dma_start3A_2030, %dma_start3A_2031] : memref<4x32x768xf32, #tpu.memory_space<vmem>> -> memref<1x32x768xf32, #tpu.memory_space<vmem>>
      %dma_start3A_2033 = tpu.memref_squeeze %dma_start3A_2032 : memref<1x32x768xf32, #tpu.memory_space<vmem>> -> memref<32x768xf32, #tpu.memory_space<vmem>>
      tpu.enqueue_dma source(%dma_start3A_2033 : memref<32x768xf32, #tpu.memory_space<vmem>>) target(%dma_start3A_2029 : memref<32x768xf32, #tpu.memory_space<hbm>>) target_semaphore(%arg24 : memref<!tpu.dma_semaphore, #tpu.memory_space<semaphore_mem>>)
      %dma_wait3A_2034 = arith.constant 3 : i32
      %dma_wait3A_2035 = arith.constant 0 : i32
      %dma_wait3A_2036 = arith.constant 0 : i32
      %dma_wait3A_2037 = tpu.memref_slice %arg22[%dma_wait3A_2034, %dma_wait3A_2035, %dma_wait3A_2036] : memref<4x32x768xf32, #tpu.memory_space<vmem>> -> memref<1x32x768xf32, #tpu.memory_space<vmem>>
      %dma_wait3A_2038 = tpu.memref_squeeze %dma_wait3A_2037 : memref<1x32x768xf32, #tpu.memory_space<vmem>> -> memref<32x768xf32, #tpu.memory_space<vmem>>
      %dma_wait3A_2039 = arith.constant 0 : i32
      %dma_wait3A_2040 = tpu.memref_slice %arg5[%add3A_2020, %dma_wait3A_2039] : memref<4096x768xf32, #tpu.memory_space<hbm>> -> memref<32x768xf32, #tpu.memory_space<hbm>>
      %dma_wait3A_2041 = arith.constant 0 : i32
      %dma_wait3A_2042 = tpu.memref_slice %arg5[%add3A_2020, %dma_wait3A_2041] : memref<4096x768xf32, #tpu.memory_space<hbm>> -> memref<32x768xf32, #tpu.memory_space<hbm>>
      %dma_wait3A_2043 = arith.constant 0 : i32
      %dma_wait3A_2044 = arith.constant 0 : i32
      %dma_wait3A_2045 = tpu.memref_slice %arg22[%dma_wait3A_2034, %dma_wait3A_2043, %dma_wait3A_2044] : memref<4x32x768xf32, #tpu.memory_space<vmem>> -> memref<1x32x768xf32, #tpu.memory_space<vmem>>
      %dma_wait3A_2046 = tpu.memref_squeeze %dma_wait3A_2045 : memref<1x32x768xf32, #tpu.memory_space<vmem>> -> memref<32x768xf32, #tpu.memory_space<vmem>>
      tpu.wait_dma2 semaphore(%arg24 : memref<!tpu.dma_semaphore, #tpu.memory_space<semaphore_mem>>) src(%dma_wait3A_2046 : memref<32x768xf32, #tpu.memory_space<vmem>>) dst(%dma_wait3A_2042 : memref<32x768xf32, #tpu.memory_space<hbm>>)
      %dma_start3A_2047 = arith.constant 3 : i32
      %dma_start3A_2048 = arith.constant 0 : i32
      %dma_start3A_2049 = arith.constant 0 : i32
      %dma_start3A_2050 = tpu.memref_slice %arg22[%dma_start3A_2047, %dma_start3A_2048, %dma_start3A_2049] : memref<4x32x768xf32, #tpu.memory_space<vmem>> -> memref<1x32x768xf32, #tpu.memory_space<vmem>>
      %dma_start3A_2051 = tpu.memref_squeeze %dma_start3A_2050 : memref<1x32x768xf32, #tpu.memory_space<vmem>> -> memref<32x768xf32, #tpu.memory_space<vmem>>
      %dma_start3A_2052 = arith.constant 224 : i32
      %dma_start3A_2053 = tpu.memref_slice %arg15[%dma_start3A_2052] : memref<256xi32, #tpu.memory_space<vmem>> -> memref<32xi32, #tpu.memory_space<vmem>>
      %dma_start3A_2054 = arith.constant 0 : i32
      %dma_start3A_2055 = arith.constant 0 : i32
      %dma_start3A_2056 = tpu.memref_slice %arg4[%dma_start3A_2054, %dma_start3A_2055] : memref<30522x768xf32, #tpu.memory_space<hbm>> -> memref<30522x768xf32, #tpu.memory_space<hbm>>
      tpu.enqueue_indirect_dma source(%dma_start3A_2056 : memref<30522x768xf32, #tpu.memory_space<hbm>>) target(%dma_start3A_2051 : memref<32x768xf32, #tpu.memory_space<vmem>>) offsets(%dma_start3A_2053 : memref<32xi32, #tpu.memory_space<vmem>>) semaphore(%arg23 : memref<!tpu.dma_semaphore, #tpu.memory_space<semaphore_mem>>)
      %dma_wait3A_2057 = arith.constant 0 : i32
      %dma_wait3A_2058 = arith.constant 0 : i32
      %dma_wait3A_2059 = arith.constant 0 : i32
      %dma_wait3A_2060 = tpu.memref_slice %arg22[%dma_wait3A_2057, %dma_wait3A_2058, %dma_wait3A_2059] : memref<4x32x768xf32, #tpu.memory_space<vmem>> -> memref<1x32x768xf32, #tpu.memory_space<vmem>>
      %dma_wait3A_2061 = tpu.memref_squeeze %dma_wait3A_2060 : memref<1x32x768xf32, #tpu.memory_space<vmem>> -> memref<32x768xf32, #tpu.memory_space<vmem>>
      %dma_wait3A_2062 = arith.constant 128 : i32
      %dma_wait3A_2063 = tpu.memref_slice %arg15[%dma_wait3A_2062] : memref<256xi32, #tpu.memory_space<vmem>> -> memref<32xi32, #tpu.memory_space<vmem>>
      %dma_wait3A_2064 = arith.constant 0 : i32
      %dma_wait3A_2065 = arith.constant 0 : i32
      %dma_wait3A_2066 = tpu.memref_slice %arg4[%dma_wait3A_2064, %dma_wait3A_2065] : memref<30522x768xf32, #tpu.memory_space<hbm>> -> memref<30522x768xf32, #tpu.memory_space<hbm>>
      tpu.wait_indirect_dma semaphore(%arg23 : memref<!tpu.dma_semaphore, #tpu.memory_space<semaphore_mem>>) src(%dma_wait3A_2066 : memref<30522x768xf32, #tpu.memory_space<hbm>>) dst(%dma_wait3A_2061 : memref<32x768xf32, #tpu.memory_space<vmem>>)
      %add3A_2067 = arith.constant 128 : i32
      %add3A_2068 = arith.addi %mul3A_4, %add3A_2067 : i32
      %dma_start3A_2069 = arith.constant 0 : i32
      %dma_start3A_2070 = arith.constant 0 : i32
      %dma_start3A_2071 = arith.constant 0 : i32
      %dma_start3A_2072 = tpu.memref_slice %arg22[%dma_start3A_2069, %dma_start3A_2070, %dma_start3A_2071] : memref<4x32x768xf32, #tpu.memory_space<vmem>> -> memref<1x32x768xf32, #tpu.memory_space<vmem>>
      %dma_start3A_2073 = tpu.memref_squeeze %dma_start3A_2072 : memref<1x32x768xf32, #tpu.memory_space<vmem>> -> memref<32x768xf32, #tpu.memory_space<vmem>>
      %dma_start3A_2074 = arith.constant 0 : i32
      %dma_start3A_2075 = tpu.memref_slice %arg5[%add3A_2068, %dma_start3A_2074] : memref<4096x768xf32, #tpu.memory_space<hbm>> -> memref<32x768xf32, #tpu.memory_space<hbm>>
      %dma_start3A_2076 = arith.constant 0 : i32
      %dma_start3A_2077 = tpu.memref_slice %arg5[%add3A_2068, %dma_start3A_2076] : memref<4096x768xf32, #tpu.memory_space<hbm>> -> memref<32x768xf32, #tpu.memory_space<hbm>>
      %dma_start3A_2078 = arith.constant 0 : i32
      %dma_start3A_2079 = arith.constant 0 : i32
      %dma_start3A_2080 = tpu.memref_slice %arg22[%dma_start3A_2069, %dma_start3A_2078, %dma_start3A_2079] : memref<4x32x768xf32, #tpu.memory_space<vmem>> -> memref<1x32x768xf32, #tpu.memory_space<vmem>>
      %dma_start3A_2081 = tpu.memref_squeeze %dma_start3A_2080 : memref<1x32x768xf32, #tpu.memory_space<vmem>> -> memref<32x768xf32, #tpu.memory_space<vmem>>
      tpu.enqueue_dma source(%dma_start3A_2081 : memref<32x768xf32, #tpu.memory_space<vmem>>) target(%dma_start3A_2077 : memref<32x768xf32, #tpu.memory_space<hbm>>) target_semaphore(%arg24 : memref<!tpu.dma_semaphore, #tpu.memory_space<semaphore_mem>>)
      %dma_wait3A_2082 = arith.constant 1 : i32
      %dma_wait3A_2083 = arith.constant 0 : i32
      %dma_wait3A_2084 = arith.constant 0 : i32
      %dma_wait3A_2085 = tpu.memref_slice %arg22[%dma_wait3A_2082, %dma_wait3A_2083, %dma_wait3A_2084] : memref<4x32x768xf32, #tpu.memory_space<vmem>> -> memref<1x32x768xf32, #tpu.memory_space<vmem>>
      %dma_wait3A_2086 = tpu.memref_squeeze %dma_wait3A_2085 : memref<1x32x768xf32, #tpu.memory_space<vmem>> -> memref<32x768xf32, #tpu.memory_space<vmem>>
      %dma_wait3A_2087 = arith.constant 160 : i32
      %dma_wait3A_2088 = tpu.memref_slice %arg15[%dma_wait3A_2087] : memref<256xi32, #tpu.memory_space<vmem>> -> memref<32xi32, #tpu.memory_space<vmem>>
      %dma_wait3A_2089 = arith.constant 0 : i32
      %dma_wait3A_2090 = arith.constant 0 : i32
      %dma_wait3A_2091 = tpu.memref_slice %arg4[%dma_wait3A_2089, %dma_wait3A_2090] : memref<30522x768xf32, #tpu.memory_space<hbm>> -> memref<30522x768xf32, #tpu.memory_space<hbm>>
      tpu.wait_indirect_dma semaphore(%arg23 : memref<!tpu.dma_semaphore, #tpu.memory_space<semaphore_mem>>) src(%dma_wait3A_2091 : memref<30522x768xf32, #tpu.memory_space<hbm>>) dst(%dma_wait3A_2086 : memref<32x768xf32, #tpu.memory_space<vmem>>)
      %add3A_2092 = arith.constant 160 : i32
      %add3A_2093 = arith.addi %mul3A_4, %add3A_2092 : i32
      %dma_start3A_2094 = arith.constant 1 : i32
      %dma_start3A_2095 = arith.constant 0 : i32
      %dma_start3A_2096 = arith.constant 0 : i32
      %dma_start3A_2097 = tpu.memref_slice %arg22[%dma_start3A_2094, %dma_start3A_2095, %dma_start3A_2096] : memref<4x32x768xf32, #tpu.memory_space<vmem>> -> memref<1x32x768xf32, #tpu.memory_space<vmem>>
      %dma_start3A_2098 = tpu.memref_squeeze %dma_start3A_2097 : memref<1x32x768xf32, #tpu.memory_space<vmem>> -> memref<32x768xf32, #tpu.memory_space<vmem>>
      %dma_start3A_2099 = arith.constant 0 : i32
      %dma_start3A_2100 = tpu.memref_slice %arg5[%add3A_2093, %dma_start3A_2099] : memref<4096x768xf32, #tpu.memory_space<hbm>> -> memref<32x768xf32, #tpu.memory_space<hbm>>
      %dma_start3A_2101 = arith.constant 0 : i32
      %dma_start3A_2102 = tpu.memref_slice %arg5[%add3A_2093, %dma_start3A_2101] : memref<4096x768xf32, #tpu.memory_space<hbm>> -> memref<32x768xf32, #tpu.memory_space<hbm>>
      %dma_start3A_2103 = arith.constant 0 : i32
      %dma_start3A_2104 = arith.constant 0 : i32
      %dma_start3A_2105 = tpu.memref_slice %arg22[%dma_start3A_2094, %dma_start3A_2103, %dma_start3A_2104] : memref<4x32x768xf32, #tpu.memory_space<vmem>> -> memref<1x32x768xf32, #tpu.memory_space<vmem>>
      %dma_start3A_2106 = tpu.memref_squeeze %dma_start3A_2105 : memref<1x32x768xf32, #tpu.memory_space<vmem>> -> memref<32x768xf32, #tpu.memory_space<vmem>>
      tpu.enqueue_dma source(%dma_start3A_2106 : memref<32x768xf32, #tpu.memory_space<vmem>>) target(%dma_start3A_2102 : memref<32x768xf32, #tpu.memory_space<hbm>>) target_semaphore(%arg25 : memref<!tpu.dma_semaphore, #tpu.memory_space<semaphore_mem>>)
      %dma_wait3A_2107 = arith.constant 2 : i32
      %dma_wait3A_2108 = arith.constant 0 : i32
      %dma_wait3A_2109 = arith.constant 0 : i32
      %dma_wait3A_2110 = tpu.memref_slice %arg22[%dma_wait3A_2107, %dma_wait3A_2108, %dma_wait3A_2109] : memref<4x32x768xf32, #tpu.memory_space<vmem>> -> memref<1x32x768xf32, #tpu.memory_space<vmem>>
      %dma_wait3A_2111 = tpu.memref_squeeze %dma_wait3A_2110 : memref<1x32x768xf32, #tpu.memory_space<vmem>> -> memref<32x768xf32, #tpu.memory_space<vmem>>
      %dma_wait3A_2112 = arith.constant 192 : i32
      %dma_wait3A_2113 = tpu.memref_slice %arg15[%dma_wait3A_2112] : memref<256xi32, #tpu.memory_space<vmem>> -> memref<32xi32, #tpu.memory_space<vmem>>
      %dma_wait3A_2114 = arith.constant 0 : i32
      %dma_wait3A_2115 = arith.constant 0 : i32
      %dma_wait3A_2116 = tpu.memref_slice %arg4[%dma_wait3A_2114, %dma_wait3A_2115] : memref<30522x768xf32, #tpu.memory_space<hbm>> -> memref<30522x768xf32, #tpu.memory_space<hbm>>
      tpu.wait_indirect_dma semaphore(%arg23 : memref<!tpu.dma_semaphore, #tpu.memory_space<semaphore_mem>>) src(%dma_wait3A_2116 : memref<30522x768xf32, #tpu.memory_space<hbm>>) dst(%dma_wait3A_2111 : memref<32x768xf32, #tpu.memory_space<vmem>>)
      %add3A_2117 = arith.constant 192 : i32
      %add3A_2118 = arith.addi %mul3A_4, %add3A_2117 : i32
      %dma_start3A_2119 = arith.constant 2 : i32
      %dma_start3A_2120 = arith.constant 0 : i32
      %dma_start3A_2121 = arith.constant 0 : i32
      %dma_start3A_2122 = tpu.memref_slice %arg22[%dma_start3A_2119, %dma_start3A_2120, %dma_start3A_2121] : memref<4x32x768xf32, #tpu.memory_space<vmem>> -> memref<1x32x768xf32, #tpu.memory_space<vmem>>
      %dma_start3A_2123 = tpu.memref_squeeze %dma_start3A_2122 : memref<1x32x768xf32, #tpu.memory_space<vmem>> -> memref<32x768xf32, #tpu.memory_space<vmem>>
      %dma_start3A_2124 = arith.constant 0 : i32
      %dma_start3A_2125 = tpu.memref_slice %arg5[%add3A_2118, %dma_start3A_2124] : memref<4096x768xf32, #tpu.memory_space<hbm>> -> memref<32x768xf32, #tpu.memory_space<hbm>>
      %dma_start3A_2126 = arith.constant 0 : i32
      %dma_start3A_2127 = tpu.memref_slice %arg5[%add3A_2118, %dma_start3A_2126] : memref<4096x768xf32, #tpu.memory_space<hbm>> -> memref<32x768xf32, #tpu.memory_space<hbm>>
      %dma_start3A_2128 = arith.constant 0 : i32
      %dma_start3A_2129 = arith.constant 0 : i32
      %dma_start3A_2130 = tpu.memref_slice %arg22[%dma_start3A_2119, %dma_start3A_2128, %dma_start3A_2129] : memref<4x32x768xf32, #tpu.memory_space<vmem>> -> memref<1x32x768xf32, #tpu.memory_space<vmem>>
      %dma_start3A_2131 = tpu.memref_squeeze %dma_start3A_2130 : memref<1x32x768xf32, #tpu.memory_space<vmem>> -> memref<32x768xf32, #tpu.memory_space<vmem>>
      tpu.enqueue_dma source(%dma_start3A_2131 : memref<32x768xf32, #tpu.memory_space<vmem>>) target(%dma_start3A_2127 : memref<32x768xf32, #tpu.memory_space<hbm>>) target_semaphore(%arg26 : memref<!tpu.dma_semaphore, #tpu.memory_space<semaphore_mem>>)
      %dma_wait3A_2132 = arith.constant 3 : i32
      %dma_wait3A_2133 = arith.constant 0 : i32
      %dma_wait3A_2134 = arith.constant 0 : i32
      %dma_wait3A_2135 = tpu.memref_slice %arg22[%dma_wait3A_2132, %dma_wait3A_2133, %dma_wait3A_2134] : memref<4x32x768xf32, #tpu.memory_space<vmem>> -> memref<1x32x768xf32, #tpu.memory_space<vmem>>
      %dma_wait3A_2136 = tpu.memref_squeeze %dma_wait3A_2135 : memref<1x32x768xf32, #tpu.memory_space<vmem>> -> memref<32x768xf32, #tpu.memory_space<vmem>>
      %dma_wait3A_2137 = arith.constant 224 : i32
      %dma_wait3A_2138 = tpu.memref_slice %arg15[%dma_wait3A_2137] : memref<256xi32, #tpu.memory_space<vmem>> -> memref<32xi32, #tpu.memory_space<vmem>>
      %dma_wait3A_2139 = arith.constant 0 : i32
      %dma_wait3A_2140 = arith.constant 0 : i32
      %dma_wait3A_2141 = tpu.memref_slice %arg4[%dma_wait3A_2139, %dma_wait3A_2140] : memref<30522x768xf32, #tpu.memory_space<hbm>> -> memref<30522x768xf32, #tpu.memory_space<hbm>>
      tpu.wait_indirect_dma semaphore(%arg23 : memref<!tpu.dma_semaphore, #tpu.memory_space<semaphore_mem>>) src(%dma_wait3A_2141 : memref<30522x768xf32, #tpu.memory_space<hbm>>) dst(%dma_wait3A_2136 : memref<32x768xf32, #tpu.memory_space<vmem>>)
      %add3A_2142 = arith.constant 224 : i32
      %add3A_2143 = arith.addi %mul3A_4, %add3A_2142 : i32
      %dma_start3A_2144 = arith.constant 3 : i32
      %dma_start3A_2145 = arith.constant 0 : i32
      %dma_start3A_2146 = arith.constant 0 : i32
      %dma_start3A_2147 = tpu.memref_slice %arg22[%dma_start3A_2144, %dma_start3A_2145, %dma_start3A_2146] : memref<4x32x768xf32, #tpu.memory_space<vmem>> -> memref<1x32x768xf32, #tpu.memory_space<vmem>>
      %dma_start3A_2148 = tpu.memref_squeeze %dma_start3A_2147 : memref<1x32x768xf32, #tpu.memory_space<vmem>> -> memref<32x768xf32, #tpu.memory_space<vmem>>
      %dma_start3A_2149 = arith.constant 0 : i32
      %dma_start3A_2150 = tpu.memref_slice %arg5[%add3A_2143, %dma_start3A_2149] : memref<4096x768xf32, #tpu.memory_space<hbm>> -> memref<32x768xf32, #tpu.memory_space<hbm>>
      %dma_start3A_2151 = arith.constant 0 : i32
      %dma_start3A_2152 = tpu.memref_slice %arg5[%add3A_2143, %dma_start3A_2151] : memref<4096x768xf32, #tpu.memory_space<hbm>> -> memref<32x768xf32, #tpu.memory_space<hbm>>
      %dma_start3A_2153 = arith.constant 0 : i32
      %dma_start3A_2154 = arith.constant 0 : i32
      %dma_start3A_2155 = tpu.memref_slice %arg22[%dma_start3A_2144, %dma_start3A_2153, %dma_start3A_2154] : memref<4x32x768xf32, #tpu.memory_space<vmem>> -> memref<1x32x768xf32, #tpu.memory_space<vmem>>
      %dma_start3A_2156 = tpu.memref_squeeze %dma_start3A_2155 : memref<1x32x768xf32, #tpu.memory_space<vmem>> -> memref<32x768xf32, #tpu.memory_space<vmem>>
      tpu.enqueue_dma source(%dma_start3A_2156 : memref<32x768xf32, #tpu.memory_space<vmem>>) target(%dma_start3A_2152 : memref<32x768xf32, #tpu.memory_space<hbm>>) target_semaphore(%arg24 : memref<!tpu.dma_semaphore, #tpu.memory_space<semaphore_mem>>)
      "tpu.region"() ({
        %run_scoped3A = tpu.sem_alloc : memref<!tpu.dma_semaphore, #tpu.memory_space<semaphore_mem>>
        %dma_start3A_2209 = tpu.memref_slice %arg6[%mul3A_4] : memref<4096xi32, #tpu.memory_space<hbm>> -> memref<256xi32, #tpu.memory_space<hbm>>
        %dma_start3A_2210 = tpu.memref_slice %arg6[%mul3A_4] : memref<4096xi32, #tpu.memory_space<hbm>> -> memref<256xi32, #tpu.memory_space<hbm>>
        tpu.enqueue_dma source(%arg15 : memref<256xi32, #tpu.memory_space<vmem>>) target(%dma_start3A_2210 : memref<256xi32, #tpu.memory_space<hbm>>) target_semaphore(%run_scoped3A : memref<!tpu.dma_semaphore, #tpu.memory_space<semaphore_mem>>)
        %dma_wait3A_2211 = tpu.memref_slice %arg6[%mul3A_4] : memref<4096xi32, #tpu.memory_space<hbm>> -> memref<256xi32, #tpu.memory_space<hbm>>
        %dma_wait3A_2212 = tpu.memref_slice %arg6[%mul3A_4] : memref<4096xi32, #tpu.memory_space<hbm>> -> memref<256xi32, #tpu.memory_space<hbm>>
        tpu.wait_dma2 semaphore(%run_scoped3A : memref<!tpu.dma_semaphore, #tpu.memory_space<semaphore_mem>>) src(%arg15 : memref<256xi32, #tpu.memory_space<vmem>>) dst(%dma_wait3A_2212 : memref<256xi32, #tpu.memory_space<hbm>>)
        tpu.yield
      }) : () -> ()
      "tpu.region"() ({
        %run_scoped3A = tpu.sem_alloc : memref<!tpu.dma_semaphore, #tpu.memory_space<semaphore_mem>>
        %dma_start3A_2209 = tpu.memref_slice %arg7[%mul3A_4] : memref<4096xi32, #tpu.memory_space<hbm>> -> memref<256xi32, #tpu.memory_space<hbm>>
        %dma_start3A_2210 = tpu.memref_slice %arg7[%mul3A_4] : memref<4096xi32, #tpu.memory_space<hbm>> -> memref<256xi32, #tpu.memory_space<hbm>>
        tpu.enqueue_dma source(%arg16 : memref<256xi32, #tpu.memory_space<vmem>>) target(%dma_start3A_2210 : memref<256xi32, #tpu.memory_space<hbm>>) target_semaphore(%run_scoped3A : memref<!tpu.dma_semaphore, #tpu.memory_space<semaphore_mem>>)
        %dma_wait3A_2211 = tpu.memref_slice %arg7[%mul3A_4] : memref<4096xi32, #tpu.memory_space<hbm>> -> memref<256xi32, #tpu.memory_space<hbm>>
        %dma_wait3A_2212 = tpu.memref_slice %arg7[%mul3A_4] : memref<4096xi32, #tpu.memory_space<hbm>> -> memref<256xi32, #tpu.memory_space<hbm>>
        tpu.wait_dma2 semaphore(%run_scoped3A : memref<!tpu.dma_semaphore, #tpu.memory_space<semaphore_mem>>) src(%arg16 : memref<256xi32, #tpu.memory_space<vmem>>) dst(%dma_wait3A_2212 : memref<256xi32, #tpu.memory_space<hbm>>)
        tpu.yield
      }) : () -> ()
      "tpu.region"() ({
        %run_scoped3A = tpu.sem_alloc : memref<!tpu.dma_semaphore, #tpu.memory_space<semaphore_mem>>
        %dma_start3A_2209 = tpu.memref_slice %arg8[%mul3A_4] : memref<4096xi32, #tpu.memory_space<hbm>> -> memref<256xi32, #tpu.memory_space<hbm>>
        %dma_start3A_2210 = tpu.memref_slice %arg8[%mul3A_4] : memref<4096xi32, #tpu.memory_space<hbm>> -> memref<256xi32, #tpu.memory_space<hbm>>
        tpu.enqueue_dma source(%arg17 : memref<256xi32, #tpu.memory_space<vmem>>) target(%dma_start3A_2210 : memref<256xi32, #tpu.memory_space<hbm>>) target_semaphore(%run_scoped3A : memref<!tpu.dma_semaphore, #tpu.memory_space<semaphore_mem>>)
        %dma_wait3A_2211 = tpu.memref_slice %arg8[%mul3A_4] : memref<4096xi32, #tpu.memory_space<hbm>> -> memref<256xi32, #tpu.memory_space<hbm>>
        %dma_wait3A_2212 = tpu.memref_slice %arg8[%mul3A_4] : memref<4096xi32, #tpu.memory_space<hbm>> -> memref<256xi32, #tpu.memory_space<hbm>>
        tpu.wait_dma2 semaphore(%run_scoped3A : memref<!tpu.dma_semaphore, #tpu.memory_space<semaphore_mem>>) src(%arg17 : memref<256xi32, #tpu.memory_space<vmem>>) dst(%dma_wait3A_2212 : memref<256xi32, #tpu.memory_space<hbm>>)
        tpu.yield
      }) : () -> ()
      "tpu.region"() ({
        %run_scoped3A = tpu.sem_alloc : memref<!tpu.dma_semaphore, #tpu.memory_space<semaphore_mem>>
        %dma_start3A_2209 = tpu.memref_slice %arg9[%mul3A_4] : memref<4096xi32, #tpu.memory_space<hbm>> -> memref<256xi32, #tpu.memory_space<hbm>>
        %dma_start3A_2210 = tpu.memref_slice %arg9[%mul3A_4] : memref<4096xi32, #tpu.memory_space<hbm>> -> memref<256xi32, #tpu.memory_space<hbm>>
        tpu.enqueue_dma source(%arg18 : memref<256xi32, #tpu.memory_space<vmem>>) target(%dma_start3A_2210 : memref<256xi32, #tpu.memory_space<hbm>>) target_semaphore(%run_scoped3A : memref<!tpu.dma_semaphore, #tpu.memory_space<semaphore_mem>>)
        %dma_wait3A_2211 = tpu.memref_slice %arg9[%mul3A_4] : memref<4096xi32, #tpu.memory_space<hbm>> -> memref<256xi32, #tpu.memory_space<hbm>>
        %dma_wait3A_2212 = tpu.memref_slice %arg9[%mul3A_4] : memref<4096xi32, #tpu.memory_space<hbm>> -> memref<256xi32, #tpu.memory_space<hbm>>
        tpu.wait_dma2 semaphore(%run_scoped3A : memref<!tpu.dma_semaphore, #tpu.memory_space<semaphore_mem>>) src(%arg18 : memref<256xi32, #tpu.memory_space<vmem>>) dst(%dma_wait3A_2212 : memref<256xi32, #tpu.memory_space<hbm>>)
        tpu.yield
      }) : () -> ()
      "tpu.region"() ({
        %run_scoped3A = tpu.sem_alloc : memref<!tpu.dma_semaphore, #tpu.memory_space<semaphore_mem>>
        %dma_start3A_2209 = tpu.memref_slice %arg10[%mul3A_4] : memref<4096xi32, #tpu.memory_space<hbm>> -> memref<256xi32, #tpu.memory_space<hbm>>
        %dma_start3A_2210 = tpu.memref_slice %arg10[%mul3A_4] : memref<4096xi32, #tpu.memory_space<hbm>> -> memref<256xi32, #tpu.memory_space<hbm>>
        tpu.enqueue_dma source(%arg19 : memref<256xi32, #tpu.memory_space<vmem>>) target(%dma_start3A_2210 : memref<256xi32, #tpu.memory_space<hbm>>) target_semaphore(%run_scoped3A : memref<!tpu.dma_semaphore, #tpu.memory_space<semaphore_mem>>)
        %dma_wait3A_2211 = tpu.memref_slice %arg10[%mul3A_4] : memref<4096xi32, #tpu.memory_space<hbm>> -> memref<256xi32, #tpu.memory_space<hbm>>
        %dma_wait3A_2212 = tpu.memref_slice %arg10[%mul3A_4] : memref<4096xi32, #tpu.memory_space<hbm>> -> memref<256xi32, #tpu.memory_space<hbm>>
        tpu.wait_dma2 semaphore(%run_scoped3A : memref<!tpu.dma_semaphore, #tpu.memory_space<semaphore_mem>>) src(%arg19 : memref<256xi32, #tpu.memory_space<vmem>>) dst(%dma_wait3A_2212 : memref<256xi32, #tpu.memory_space<hbm>>)
        tpu.yield
      }) : () -> ()
      "tpu.region"() ({
        %run_scoped3A = tpu.sem_alloc : memref<!tpu.dma_semaphore, #tpu.memory_space<semaphore_mem>>
        %dma_start3A_2209 = tpu.memref_slice %arg11[%mul3A_4] : memref<4096xi32, #tpu.memory_space<hbm>> -> memref<256xi32, #tpu.memory_space<hbm>>
        %dma_start3A_2210 = tpu.memref_slice %arg11[%mul3A_4] : memref<4096xi32, #tpu.memory_space<hbm>> -> memref<256xi32, #tpu.memory_space<hbm>>
        tpu.enqueue_dma source(%arg20 : memref<256xi32, #tpu.memory_space<vmem>>) target(%dma_start3A_2210 : memref<256xi32, #tpu.memory_space<hbm>>) target_semaphore(%run_scoped3A : memref<!tpu.dma_semaphore, #tpu.memory_space<semaphore_mem>>)
        %dma_wait3A_2211 = tpu.memref_slice %arg11[%mul3A_4] : memref<4096xi32, #tpu.memory_space<hbm>> -> memref<256xi32, #tpu.memory_space<hbm>>
        %dma_wait3A_2212 = tpu.memref_slice %arg11[%mul3A_4] : memref<4096xi32, #tpu.memory_space<hbm>> -> memref<256xi32, #tpu.memory_space<hbm>>
        tpu.wait_dma2 semaphore(%run_scoped3A : memref<!tpu.dma_semaphore, #tpu.memory_space<semaphore_mem>>) src(%arg20 : memref<256xi32, #tpu.memory_space<vmem>>) dst(%dma_wait3A_2212 : memref<256xi32, #tpu.memory_space<hbm>>)
        tpu.yield
      }) : () -> ()
      "tpu.region"() ({
        %run_scoped3A = tpu.sem_alloc : memref<!tpu.dma_semaphore, #tpu.memory_space<semaphore_mem>>
        %dma_start3A_2209 = tpu.memref_slice %arg12[%mul3A_4] : memref<4096xf32, #tpu.memory_space<hbm>> -> memref<256xf32, #tpu.memory_space<hbm>>
        %dma_start3A_2210 = tpu.memref_slice %arg12[%mul3A_4] : memref<4096xf32, #tpu.memory_space<hbm>> -> memref<256xf32, #tpu.memory_space<hbm>>
        tpu.enqueue_dma source(%arg21 : memref<256xf32, #tpu.memory_space<vmem>>) target(%dma_start3A_2210 : memref<256xf32, #tpu.memory_space<hbm>>) target_semaphore(%run_scoped3A : memref<!tpu.dma_semaphore, #tpu.memory_space<semaphore_mem>>)
        %dma_wait3A_2211 = tpu.memref_slice %arg12[%mul3A_4] : memref<4096xf32, #tpu.memory_space<hbm>> -> memref<256xf32, #tpu.memory_space<hbm>>
        %dma_wait3A_2212 = tpu.memref_slice %arg12[%mul3A_4] : memref<4096xf32, #tpu.memory_space<hbm>> -> memref<256xf32, #tpu.memory_space<hbm>>
        tpu.wait_dma2 semaphore(%run_scoped3A : memref<!tpu.dma_semaphore, #tpu.memory_space<semaphore_mem>>) src(%arg21 : memref<256xf32, #tpu.memory_space<vmem>>) dst(%dma_wait3A_2212 : memref<256xf32, #tpu.memory_space<hbm>>)
        tpu.yield
      }) : () -> ()
      %dma_wait3A_2157 = arith.constant 0 : i32
      %dma_wait3A_2158 = arith.constant 0 : i32
      %dma_wait3A_2159 = arith.constant 0 : i32
      %dma_wait3A_2160 = tpu.memref_slice %arg22[%dma_wait3A_2157, %dma_wait3A_2158, %dma_wait3A_2159] : memref<4x32x768xf32, #tpu.memory_space<vmem>> -> memref<1x32x768xf32, #tpu.memory_space<vmem>>
      %dma_wait3A_2161 = tpu.memref_squeeze %dma_wait3A_2160 : memref<1x32x768xf32, #tpu.memory_space<vmem>> -> memref<32x768xf32, #tpu.memory_space<vmem>>
      %dma_wait3A_2162 = arith.constant 0 : i32
      %dma_wait3A_2163 = tpu.memref_slice %arg5[%add3A_2068, %dma_wait3A_2162] : memref<4096x768xf32, #tpu.memory_space<hbm>> -> memref<32x768xf32, #tpu.memory_space<hbm>>
      %dma_wait3A_2164 = arith.constant 0 : i32
      %dma_wait3A_2165 = tpu.memref_slice %arg5[%add3A_2068, %dma_wait3A_2164] : memref<4096x768xf32, #tpu.memory_space<hbm>> -> memref<32x768xf32, #tpu.memory_space<hbm>>
      %dma_wait3A_2166 = arith.constant 0 : i32
      %dma_wait3A_2167 = arith.constant 0 : i32
      %dma_wait3A_2168 = tpu.memref_slice %arg22[%dma_wait3A_2157, %dma_wait3A_2166, %dma_wait3A_2167] : memref<4x32x768xf32, #tpu.memory_space<vmem>> -> memref<1x32x768xf32, #tpu.memory_space<vmem>>
      %dma_wait3A_2169 = tpu.memref_squeeze %dma_wait3A_2168 : memref<1x32x768xf32, #tpu.memory_space<vmem>> -> memref<32x768xf32, #tpu.memory_space<vmem>>
      tpu.wait_dma2 semaphore(%arg24 : memref<!tpu.dma_semaphore, #tpu.memory_space<semaphore_mem>>) src(%dma_wait3A_2169 : memref<32x768xf32, #tpu.memory_space<vmem>>) dst(%dma_wait3A_2165 : memref<32x768xf32, #tpu.memory_space<hbm>>)
      %dma_wait3A_2170 = arith.constant 1 : i32
      %dma_wait3A_2171 = arith.constant 0 : i32
      %dma_wait3A_2172 = arith.constant 0 : i32
      %dma_wait3A_2173 = tpu.memref_slice %arg22[%dma_wait3A_2170, %dma_wait3A_2171, %dma_wait3A_2172] : memref<4x32x768xf32, #tpu.memory_space<vmem>> -> memref<1x32x768xf32, #tpu.memory_space<vmem>>
      %dma_wait3A_2174 = tpu.memref_squeeze %dma_wait3A_2173 : memref<1x32x768xf32, #tpu.memory_space<vmem>> -> memref<32x768xf32, #tpu.memory_space<vmem>>
      %dma_wait3A_2175 = arith.constant 0 : i32
      %dma_wait3A_2176 = tpu.memref_slice %arg5[%add3A_2093, %dma_wait3A_2175] : memref<4096x768xf32, #tpu.memory_space<hbm>> -> memref<32x768xf32, #tpu.memory_space<hbm>>
      %dma_wait3A_2177 = arith.constant 0 : i32
      %dma_wait3A_2178 = tpu.memref_slice %arg5[%add3A_2093, %dma_wait3A_2177] : memref<4096x768xf32, #tpu.memory_space<hbm>> -> memref<32x768xf32, #tpu.memory_space<hbm>>
      %dma_wait3A_2179 = arith.constant 0 : i32
      %dma_wait3A_2180 = arith.constant 0 : i32
      %dma_wait3A_2181 = tpu.memref_slice %arg22[%dma_wait3A_2170, %dma_wait3A_2179, %dma_wait3A_2180] : memref<4x32x768xf32, #tpu.memory_space<vmem>> -> memref<1x32x768xf32, #tpu.memory_space<vmem>>
      %dma_wait3A_2182 = tpu.memref_squeeze %dma_wait3A_2181 : memref<1x32x768xf32, #tpu.memory_space<vmem>> -> memref<32x768xf32, #tpu.memory_space<vmem>>
      tpu.wait_dma2 semaphore(%arg25 : memref<!tpu.dma_semaphore, #tpu.memory_space<semaphore_mem>>) src(%dma_wait3A_2182 : memref<32x768xf32, #tpu.memory_space<vmem>>) dst(%dma_wait3A_2178 : memref<32x768xf32, #tpu.memory_space<hbm>>)
      %dma_wait3A_2183 = arith.constant 2 : i32
      %dma_wait3A_2184 = arith.constant 0 : i32
      %dma_wait3A_2185 = arith.constant 0 : i32
      %dma_wait3A_2186 = tpu.memref_slice %arg22[%dma_wait3A_2183, %dma_wait3A_2184, %dma_wait3A_2185] : memref<4x32x768xf32, #tpu.memory_space<vmem>> -> memref<1x32x768xf32, #tpu.memory_space<vmem>>
      %dma_wait3A_2187 = tpu.memref_squeeze %dma_wait3A_2186 : memref<1x32x768xf32, #tpu.memory_space<vmem>> -> memref<32x768xf32, #tpu.memory_space<vmem>>
      %dma_wait3A_2188 = arith.constant 0 : i32
      %dma_wait3A_2189 = tpu.memref_slice %arg5[%add3A_2118, %dma_wait3A_2188] : memref<4096x768xf32, #tpu.memory_space<hbm>> -> memref<32x768xf32, #tpu.memory_space<hbm>>
      %dma_wait3A_2190 = arith.constant 0 : i32
      %dma_wait3A_2191 = tpu.memref_slice %arg5[%add3A_2118, %dma_wait3A_2190] : memref<4096x768xf32, #tpu.memory_space<hbm>> -> memref<32x768xf32, #tpu.memory_space<hbm>>
      %dma_wait3A_2192 = arith.constant 0 : i32
      %dma_wait3A_2193 = arith.constant 0 : i32
      %dma_wait3A_2194 = tpu.memref_slice %arg22[%dma_wait3A_2183, %dma_wait3A_2192, %dma_wait3A_2193] : memref<4x32x768xf32, #tpu.memory_space<vmem>> -> memref<1x32x768xf32, #tpu.memory_space<vmem>>
      %dma_wait3A_2195 = tpu.memref_squeeze %dma_wait3A_2194 : memref<1x32x768xf32, #tpu.memory_space<vmem>> -> memref<32x768xf32, #tpu.memory_space<vmem>>
      tpu.wait_dma2 semaphore(%arg26 : memref<!tpu.dma_semaphore, #tpu.memory_space<semaphore_mem>>) src(%dma_wait3A_2195 : memref<32x768xf32, #tpu.memory_space<vmem>>) dst(%dma_wait3A_2191 : memref<32x768xf32, #tpu.memory_space<hbm>>)
      %dma_wait3A_2196 = arith.constant 3 : i32
      %dma_wait3A_2197 = arith.constant 0 : i32
      %dma_wait3A_2198 = arith.constant 0 : i32
      %dma_wait3A_2199 = tpu.memref_slice %arg22[%dma_wait3A_2196, %dma_wait3A_2197, %dma_wait3A_2198] : memref<4x32x768xf32, #tpu.memory_space<vmem>> -> memref<1x32x768xf32, #tpu.memory_space<vmem>>
      %dma_wait3A_2200 = tpu.memref_squeeze %dma_wait3A_2199 : memref<1x32x768xf32, #tpu.memory_space<vmem>> -> memref<32x768xf32, #tpu.memory_space<vmem>>
      %dma_wait3A_2201 = arith.constant 0 : i32
      %dma_wait3A_2202 = tpu.memref_slice %arg5[%add3A_2143, %dma_wait3A_2201] : memref<4096x768xf32, #tpu.memory_space<hbm>> -> memref<32x768xf32, #tpu.memory_space<hbm>>
      %dma_wait3A_2203 = arith.constant 0 : i32
      %dma_wait3A_2204 = tpu.memref_slice %arg5[%add3A_2143, %dma_wait3A_2203] : memref<4096x768xf32, #tpu.memory_space<hbm>> -> memref<32x768xf32, #tpu.memory_space<hbm>>
      %dma_wait3A_2205 = arith.constant 0 : i32
      %dma_wait3A_2206 = arith.constant 0 : i32
      %dma_wait3A_2207 = tpu.memref_slice %arg22[%dma_wait3A_2196, %dma_wait3A_2205, %dma_wait3A_2206] : memref<4x32x768xf32, #tpu.memory_space<vmem>> -> memref<1x32x768xf32, #tpu.memory_space<vmem>>
      %dma_wait3A_2208 = tpu.memref_squeeze %dma_wait3A_2207 : memref<1x32x768xf32, #tpu.memory_space<vmem>> -> memref<32x768xf32, #tpu.memory_space<vmem>>
      tpu.wait_dma2 semaphore(%arg24 : memref<!tpu.dma_semaphore, #tpu.memory_space<semaphore_mem>>) src(%dma_wait3A_2208 : memref<32x768xf32, #tpu.memory_space<vmem>>) dst(%dma_wait3A_2204 : memref<32x768xf32, #tpu.memory_space<hbm>>)
    } else {
    }
    return
  }
}

#map = affine_map<(d0, d1) -> (0)>
#map1 = affine_map<(d0, d1) -> (0, 0)>
module attributes {stable_mosaic.version = 14 : i64} {
  func.func @gather(%arg0: i32, %arg1: i32, %arg2: memref<4096xi32, #tpu.memory_space<hbm>>, %arg3: memref<100000x128xf32, #tpu.memory_space<hbm>>, %arg4: memref<4096x128xf32, #tpu.memory_space<hbm>>, %arg5: memref<128xi32, #tpu.memory_space<vmem>>, %arg6: memref<128x128xf32, #tpu.memory_space<vmem>>, %arg7: memref<!tpu.dma_semaphore, #tpu.memory_space<semaphore_mem>>) attributes {dimension_semantics = [#tpu.dimension_semantics<core_parallel>, #tpu.dimension_semantics<subcore_parallel>], iteration_bounds = array<i64: 2, 16>, scalar_prefetch = 0 : i64, scratch_operands = 3 : i64, tpu.core_type = #tpu.core_type<sc_vector_subcore>, window_params = [{transform_indices = #map}, {transform_indices = #map1}, {transform_indices = #map1}]} {
    %mul3A = arith.constant 2 : i32
    %mul3A_0 = arith.muli %arg1, %mul3A : i32
    %add3A = arith.addi %mul3A_0, %arg0 : i32
    %mul3A_1 = arith.constant 128 : i32
    %mul3A_2 = arith.muli %add3A, %mul3A_1 : i32
    "tpu.region"() ({
      %run_scoped3A = tpu.sem_alloc : memref<!tpu.dma_semaphore, #tpu.memory_space<semaphore_mem>>
      %dma_start3A_7 = tpu.memref_slice %arg2[%mul3A_2] : memref<4096xi32, #tpu.memory_space<hbm>> -> memref<128xi32, #tpu.memory_space<hbm>>
      %dma_start3A_8 = tpu.memref_slice %arg2[%mul3A_2] : memref<4096xi32, #tpu.memory_space<hbm>> -> memref<128xi32, #tpu.memory_space<hbm>>
      tpu.enqueue_dma source(%dma_start3A_8 : memref<128xi32, #tpu.memory_space<hbm>>) target(%arg5 : memref<128xi32, #tpu.memory_space<vmem>>) target_semaphore(%run_scoped3A : memref<!tpu.dma_semaphore, #tpu.memory_space<semaphore_mem>>)
      %dma_wait3A_9 = tpu.memref_slice %arg2[%mul3A_2] : memref<4096xi32, #tpu.memory_space<hbm>> -> memref<128xi32, #tpu.memory_space<hbm>>
      %dma_wait3A_10 = tpu.memref_slice %arg2[%mul3A_2] : memref<4096xi32, #tpu.memory_space<hbm>> -> memref<128xi32, #tpu.memory_space<hbm>>
      tpu.wait_dma2 semaphore(%run_scoped3A : memref<!tpu.dma_semaphore, #tpu.memory_space<semaphore_mem>>) src(%dma_wait3A_10 : memref<128xi32, #tpu.memory_space<hbm>>) dst(%arg5 : memref<128xi32, #tpu.memory_space<vmem>>)
      tpu.yield
    }) : () -> ()
    %dma_start3A = arith.constant 0 : i32
    %dma_start3A_3 = arith.constant 0 : i32
    %dma_start3A_4 = tpu.memref_slice %arg3[%dma_start3A, %dma_start3A_3] : memref<100000x128xf32, #tpu.memory_space<hbm>> -> memref<100000x128xf32, #tpu.memory_space<hbm>>
    tpu.enqueue_indirect_dma source(%dma_start3A_4 : memref<100000x128xf32, #tpu.memory_space<hbm>>) target(%arg6 : memref<128x128xf32, #tpu.memory_space<vmem>>) offsets(%arg5 : memref<128xi32, #tpu.memory_space<vmem>>) semaphore(%arg7 : memref<!tpu.dma_semaphore, #tpu.memory_space<semaphore_mem>>)
    %dma_wait3A = arith.constant 0 : i32
    %dma_wait3A_5 = arith.constant 0 : i32
    %dma_wait3A_6 = tpu.memref_slice %arg3[%dma_wait3A, %dma_wait3A_5] : memref<100000x128xf32, #tpu.memory_space<hbm>> -> memref<100000x128xf32, #tpu.memory_space<hbm>>
    tpu.wait_indirect_dma semaphore(%arg7 : memref<!tpu.dma_semaphore, #tpu.memory_space<semaphore_mem>>) src(%dma_wait3A_6 : memref<100000x128xf32, #tpu.memory_space<hbm>>) dst(%arg6 : memref<128x128xf32, #tpu.memory_space<vmem>>)
    "tpu.region"() ({
      %run_scoped3A = tpu.sem_alloc : memref<!tpu.dma_semaphore, #tpu.memory_space<semaphore_mem>>
      %dma_start3A_7 = arith.constant 0 : i32
      %dma_start3A_8 = tpu.memref_slice %arg4[%mul3A_2, %dma_start3A_7] : memref<4096x128xf32, #tpu.memory_space<hbm>> -> memref<128x128xf32, #tpu.memory_space<hbm>>
      %dma_start3A_9 = arith.constant 0 : i32
      %dma_start3A_10 = tpu.memref_slice %arg4[%mul3A_2, %dma_start3A_9] : memref<4096x128xf32, #tpu.memory_space<hbm>> -> memref<128x128xf32, #tpu.memory_space<hbm>>
      tpu.enqueue_dma source(%arg6 : memref<128x128xf32, #tpu.memory_space<vmem>>) target(%dma_start3A_10 : memref<128x128xf32, #tpu.memory_space<hbm>>) target_semaphore(%run_scoped3A : memref<!tpu.dma_semaphore, #tpu.memory_space<semaphore_mem>>)
      %dma_wait3A_11 = arith.constant 0 : i32
      %dma_wait3A_12 = tpu.memref_slice %arg4[%mul3A_2, %dma_wait3A_11] : memref<4096x128xf32, #tpu.memory_space<hbm>> -> memref<128x128xf32, #tpu.memory_space<hbm>>
      %dma_wait3A_13 = arith.constant 0 : i32
      %dma_wait3A_14 = tpu.memref_slice %arg4[%mul3A_2, %dma_wait3A_13] : memref<4096x128xf32, #tpu.memory_space<hbm>> -> memref<128x128xf32, #tpu.memory_space<hbm>>
      tpu.wait_dma2 semaphore(%run_scoped3A : memref<!tpu.dma_semaphore, #tpu.memory_space<semaphore_mem>>) src(%arg6 : memref<128x128xf32, #tpu.memory_space<vmem>>) dst(%dma_wait3A_14 : memref<128x128xf32, #tpu.memory_space<hbm>>)
      tpu.yield
    }) : () -> ()
    return
  }
}

module attributes {stable_mosaic.version = 14 : i64} {
  func.func @_relayout_body(%arg0: i32, %arg1: memref<100x2048xf32, #tpu.memory_space<vmem>>, %arg2: memref<100x100xf32, #tpu.memory_space<vmem>>, %arg3: memref<2048x128xf32, #tpu.memory_space<vmem>>) attributes {dimension_semantics = [#tpu.dimension_semantics<arbitrary>], iteration_bounds = array<i64: 49>, scalar_prefetch = 0 : i64, scratch_operands = 0 : i64, tpu.core_type = #tpu.core_type<tc>, window_params = [{transform_indices = @transform_0, window_bounds = array<i64: 100, 2048>}, {pipeline_mode = #tpu.pipeline_mode<synchronous>, transform_indices = @transform_1, window_bounds = array<i64: 100, 100>}, {transform_indices = @transform_2, window_bounds = array<i64: 2048, 128>}]} {
    %get3A = arith.constant 0 : index
    %get3A_0 = arith.constant 0 : index
    %get3A_1 = vector.load %arg1[%get3A, %get3A_0] : memref<100x2048xf32, #tpu.memory_space<vmem>>, vector<100x2048xf32>
    %get3A_2 = arith.constant 0 : index
    %get3A_3 = arith.constant 0 : index
    %get3A_4 = vector.load %arg2[%get3A_2, %get3A_3] : memref<100x100xf32, #tpu.memory_space<vmem>>, vector<100x100xf32>
    %dot_general3A = arith.constant dense<0.000000e+00> : vector<2048x100xf32>
    %dot_general3A_5 = tpu.matmul %get3A_1, %get3A_4, %dot_general3A {dimension_numbers = #tpu.dot_dimension_numbers<[0], [0], [1], [1], [0, 1, 1, 1], [], []>, transpose_lhs_hint = false} : vector<100x2048xf32>, vector<100x100xf32>, vector<2048x100xf32> -> vector<2048x100xf32>
    %broadcast_in_dim3A = arith.constant 0.000000e+00 : f32
    %broadcast_in_dim3A_6 = vector.broadcast %broadcast_in_dim3A : f32 to vector<2048x28xf32>
    %concatenate3A = tpu.concatenate %dot_general3A_5, %broadcast_in_dim3A_6 in 1 : vector<2048x100xf32>, vector<2048x28xf32> -> vector<2048x128xf32>
    %swap3A = arith.constant 0 : index
    %swap3A_7 = arith.constant 0 : index
    %swap3A_8 = vector.load %arg3[%swap3A, %swap3A_7] : memref<2048x128xf32, #tpu.memory_space<vmem>>, vector<2048x128xf32>
    tpu.vector_store %arg3[%swap3A, %swap3A_7], %concatenate3A {strides = array<i32>} : memref<2048x128xf32, #tpu.memory_space<vmem>>, vector<2048x128xf32>,
    return
  }
  func.func @transform_0(%arg0: i32) -> (i32, i32) {
    %c0_i32 = arith.constant 0 : i32
    %c0_i32_0 = arith.constant 0 : i32
    return %c0_i32, %arg0 : i32, i32
  }
  func.func @transform_1(%arg0: i32) -> (i32, i32) {
    %c0_i32 = arith.constant 0 : i32
    %c0_i32_0 = arith.constant 0 : i32
    %c0_i32_1 = arith.constant 0 : i32
    return %c0_i32, %c0_i32_0 : i32, i32
  }
  func.func @transform_2(%arg0: i32) -> (i32, i32) {
    %c0_i32 = arith.constant 0 : i32
    %c0_i32_0 = arith.constant 0 : i32
    return %arg0, %c0_i32 : i32, i32
  }
}

module attributes {stable_mosaic.version = 14 : i64} {
  func.func @_tc_body(%arg0: i32, %arg1: memref<1x256x768xf32, #tpu.memory_space<vmem>>, %arg2: memref<1x256x128xf32, #tpu.memory_space<vmem>>, %arg3: memref<1x256x1xi32, #tpu.memory_space<vmem>>, %arg4: memref<1x256x1xi32, #tpu.memory_space<vmem>>, %arg5: memref<1x256x1xi32, #tpu.memory_space<vmem>>, %arg6: memref<1x256x1xi32, #tpu.memory_space<vmem>>, %arg7: memref<1x256x1xf32, #tpu.memory_space<vmem>>, %arg8: memref<514x768xf32, #tpu.memory_space<vmem>>, %arg9: memref<1x768xf32, #tpu.memory_space<vmem>>, %arg10: memref<1x768xf32, #tpu.memory_space<vmem>>, %arg11: memref<768x100xf32, #tpu.memory_space<vmem>>, %arg12: memref<1x768xf32, #tpu.memory_space<vmem>>, %arg13: memref<1x768xf32, #tpu.memory_space<vmem>>, %arg14: memref<1x768xf32, #tpu.memory_space<vmem>>, %arg15: memref<1x512x768xf32, #tpu.memory_space<vmem>>) attributes {dimension_semantics = [#tpu.dimension_semantics<arbitrary>], iteration_bounds = array<i64: 16>, scalar_prefetch = 0 : i64, scratch_operands = 0 : i64, tpu.core_type = #tpu.core_type<tc>, window_params = [{transform_indices = @transform_0, window_bounds = array<i64: 1, 256, 768>}, {transform_indices = @transform_1, window_bounds = array<i64: 1, 256, 128>}, {transform_indices = @transform_2, window_bounds = array<i64: 1, 256, 1>}, {transform_indices = @transform_3, window_bounds = array<i64: 1, 256, 1>}, {transform_indices = @transform_4, window_bounds = array<i64: 1, 256, 1>}, {transform_indices = @transform_5, window_bounds = array<i64: 1, 256, 1>}, {transform_indices = @transform_6, window_bounds = array<i64: 1, 256, 1>}, {pipeline_mode = #tpu.pipeline_mode<synchronous>, transform_indices = @transform_7, window_bounds = array<i64: 514, 768>}, {pipeline_mode = #tpu.pipeline_mode<synchronous>, transform_indices = @transform_8, window_bounds = array<i64: 1, 768>}, {pipeline_mode = #tpu.pipeline_mode<synchronous>, transform_indices = @transform_9, window_bounds = array<i64: 1, 768>}, {pipeline_mode = #tpu.pipeline_mode<synchronous>, transform_indices = @transform_10, window_bounds = array<i64: 768, 100>}, {pipeline_mode = #tpu.pipeline_mode<synchronous>, transform_indices = @transform_11, window_bounds = array<i64: 1, 768>}, {pipeline_mode = #tpu.pipeline_mode<synchronous>, transform_indices = @transform_12, window_bounds = array<i64: 1, 768>}, {pipeline_mode = #tpu.pipeline_mode<synchronous>, transform_indices = @transform_13, window_bounds = array<i64: 1, 768>}, {transform_indices = @transform_14, window_bounds = array<i64: 1, 512, 768>}]} {
    %iota3A = tpu.iota {dimensions = array<i32: 1>} : vector<256x514xi32>
    %get3A = arith.constant 0 : index
    %get3A_0 = arith.constant 0 : index
    %get3A_1 = vector.load %arg8[%get3A, %get3A_0] : memref<514x768xf32, #tpu.memory_space<vmem>>, vector<514x768xf32>
    %get3A_2 = arith.constant 0 : index
    %get3A_3 = arith.constant 0 : index
    %get3A_4 = arith.constant 0 : index
    %get3A_5 = vector.load %arg5[%get3A_2, %get3A_3, %get3A_4] : memref<1x256x1xi32, #tpu.memory_space<vmem>>, vector<1x256x1xi32>
    %get3A_6 = vector.shape_cast %get3A_5 : vector<1x256x1xi32> to vector<256x1xi32>
    %eq3A = vector.broadcast %get3A_6 : vector<256x1xi32> to vector<256x514xi32>
    %eq3A_7 = arith.cmpi eq, %iota3A, %eq3A : vector<256x514xi32>
    %get3A_8 = arith.constant 0 : index
    %get3A_9 = arith.constant 0 : index
    %get3A_10 = arith.constant 0 : index
    %get3A_11 = vector.load %arg3[%get3A_8, %get3A_9, %get3A_10] : memref<1x256x1xi32, #tpu.memory_space<vmem>>, vector<1x256x1xi32>
    %get3A_12 = vector.shape_cast %get3A_11 : vector<1x256x1xi32> to vector<256x1xi32>
    %add3A = arith.constant 512 : i32
    %add3A_13 = vector.broadcast %add3A : i32 to vector<256x1xi32>
    %add3A_14 = arith.addi %get3A_12, %add3A_13 : vector<256x1xi32>
    %eq3A_15 = vector.broadcast %add3A_14 : vector<256x1xi32> to vector<256x514xi32>
    %eq3A_16 = arith.cmpi eq, %iota3A, %eq3A_15 : vector<256x514xi32>
    %or3A = arith.ori %eq3A_7, %eq3A_16 : vector<256x514xi1>
    %convert_element_type3A = arith.extui %or3A : vector<256x514xi1> to vector<256x514xi32>
    %convert_element_type3A_17 = arith.sitofp %convert_element_type3A : vector<256x514xi32> to vector<256x514xf32>
    %get3A_18 = arith.constant 0 : index
    %get3A_19 = arith.constant 0 : index
    %get3A_20 = arith.constant 0 : index
    %get3A_21 = vector.load %arg1[%get3A_18, %get3A_19, %get3A_20] : memref<1x256x768xf32, #tpu.memory_space<vmem>>, vector<1x256x768xf32>
    %get3A_22 = vector.shape_cast %get3A_21 : vector<1x256x768xf32> to vector<256x768xf32>
    %dot_general3A = arith.constant dense<0.000000e+00> : vector<256x768xf32>
    %dot_general3A_23 = tpu.matmul %convert_element_type3A_17, %get3A_1, %dot_general3A {dimension_numbers = #tpu.dot_dimension_numbers<[1], [0], [0], [1], [0, 0, 1, 1], [], []>, transpose_lhs_hint = false} : vector<256x514xf32>, vector<514x768xf32>, vector<256x768xf32> -> vector<256x768xf32>
    %add3A_24 = arith.addf %get3A_22, %dot_general3A_23 : vector<256x768xf32>
    %reduce_sum3A = arith.constant dense<0.000000e+00> : vector<256xf32>
    %reduce_sum3A_25 = vector.multi_reduction <add>, %add3A_24, %reduce_sum3A [1] : vector<256x768xf32> to vector<256xf32>
    %broadcast_in_dim3A = vector.shape_cast %reduce_sum3A_25 : vector<256xf32> to vector<256x1xf32>
    %div3A = arith.constant 7.680000e+02 : f32
    %div3A_26 = vector.broadcast %div3A : f32 to vector<256x1xf32>
    %div3A_27 = arith.divf %broadcast_in_dim3A, %div3A_26 : vector<256x1xf32>
    %sub3A = vector.broadcast %div3A_27 : vector<256x1xf32> to vector<256x768xf32>
    %sub3A_28 = arith.subf %add3A_24, %sub3A : vector<256x768xf32>
    %mul3A = arith.mulf %sub3A_28, %sub3A_28 : vector<256x768xf32>
    %reduce_sum3A_29 = arith.constant dense<0.000000e+00> : vector<256xf32>
    %reduce_sum3A_30 = vector.multi_reduction <add>, %mul3A, %reduce_sum3A_29 [1] : vector<256x768xf32> to vector<256xf32>
    %broadcast_in_dim3A_31 = vector.shape_cast %reduce_sum3A_30 : vector<256xf32> to vector<256x1xf32>
    %div3A_32 = arith.constant 7.680000e+02 : f32
    %div3A_33 = vector.broadcast %div3A_32 : f32 to vector<256x1xf32>
    %div3A_34 = arith.divf %broadcast_in_dim3A_31, %div3A_33 : vector<256x1xf32>
    %get3A_35 = arith.constant 0 : index
    %get3A_36 = arith.constant 0 : index
    %get3A_37 = vector.load %arg9[%get3A_35, %get3A_36] : memref<1x768xf32, #tpu.memory_space<vmem>>, vector<1x768xf32>
    %mul3A_38 = vector.broadcast %get3A_37 : vector<1x768xf32> to vector<256x768xf32>
    %mul3A_39 = arith.mulf %mul3A_38, %sub3A_28 : vector<256x768xf32>
    %add3A_40 = arith.constant 9.99999996E-13 : f32
    %add3A_41 = vector.broadcast %add3A_40 : f32 to vector<256x1xf32>
    %add3A_42 = arith.addf %div3A_34, %add3A_41 : vector<256x1xf32>
    %sqrt3A = math.sqrt %add3A_42 : vector<256x1xf32>
    %div3A_43 = vector.broadcast %sqrt3A : vector<256x1xf32> to vector<256x768xf32>
    %div3A_44 = arith.divf %mul3A_39, %div3A_43 : vector<256x768xf32>
    %get3A_45 = arith.constant 0 : index
    %get3A_46 = arith.constant 0 : index
    %get3A_47 = vector.load %arg10[%get3A_45, %get3A_46] : memref<1x768xf32, #tpu.memory_space<vmem>>, vector<1x768xf32>
    %add3A_48 = vector.broadcast %get3A_47 : vector<1x768xf32> to vector<256x768xf32>
    %add3A_49 = arith.addf %div3A_44, %add3A_48 : vector<256x768xf32>
    %get3A_50 = arith.constant 0 : index
    %get3A_51 = arith.constant 0 : index
    %get3A_52 = arith.constant 0 : index
    %get3A_53 = vector.load %arg7[%get3A_50, %get3A_51, %get3A_52] : memref<1x256x1xf32, #tpu.memory_space<vmem>>, vector<1x256x1xf32>
    %get3A_54 = vector.shape_cast %get3A_53 : vector<1x256x1xf32> to vector<256x1xf32>
    %get3A_55 = arith.constant 0 : index
    %get3A_56 = arith.constant 0 : index
    %get3A_57 = arith.constant 0 : index
    %get3A_58 = vector.load %arg2[%get3A_55, %get3A_56, %get3A_57] : memref<1x256x128xf32, #tpu.memory_space<vmem>>, vector<1x256x128xf32>
    %get3A_59 = vector.shape_cast %get3A_58 : vector<1x256x128xf32> to vector<256x128xf32>
    %slice3A = vector.extract_strided_slice %get3A_59 {offsets = [0, 0], sizes = [256, 100], strides = [1, 1]} : vector<256x128xf32> to vector<256x100xf32>
    %get3A_60 = arith.constant 0 : index
    %get3A_61 = arith.constant 0 : index
    %get3A_62 = vector.load %arg11[%get3A_60, %get3A_61] : memref<768x100xf32, #tpu.memory_space<vmem>>, vector<768x100xf32>
    %dot_general3A_63 = arith.constant dense<0.000000e+00> : vector<256x768xf32>
    %dot_general3A_64 = tpu.matmul %slice3A, %get3A_62, %dot_general3A_63 {dimension_numbers = #tpu.dot_dimension_numbers<[1], [1], [0], [0], [0, 0, 1, 0], [], []>, transpose_lhs_hint = false} : vector<256x100xf32>, vector<768x100xf32>, vector<256x768xf32> -> vector<256x768xf32>
    %get3A_65 = arith.constant 0 : index
    %get3A_66 = arith.constant 0 : index
    %get3A_67 = arith.constant 0 : index
    %get3A_68 = vector.load %arg6[%get3A_65, %get3A_66, %get3A_67] : memref<1x256x1xi32, #tpu.memory_space<vmem>>, vector<1x256x1xi32>
    %get3A_69 = vector.shape_cast %get3A_68 : vector<1x256x1xi32> to vector<256x1xi32>
    %eq3A_70 = vector.broadcast %get3A_69 : vector<256x1xi32> to vector<256x514xi32>
    %eq3A_71 = arith.cmpi eq, %iota3A, %eq3A_70 : vector<256x514xi32>
    %get3A_72 = arith.constant 0 : index
    %get3A_73 = arith.constant 0 : index
    %get3A_74 = arith.constant 0 : index
    %get3A_75 = vector.load %arg4[%get3A_72, %get3A_73, %get3A_74] : memref<1x256x1xi32, #tpu.memory_space<vmem>>, vector<1x256x1xi32>
    %get3A_76 = vector.shape_cast %get3A_75 : vector<1x256x1xi32> to vector<256x1xi32>
    %add3A_77 = arith.constant 512 : i32
    %add3A_78 = vector.broadcast %add3A_77 : i32 to vector<256x1xi32>
    %add3A_79 = arith.addi %get3A_76, %add3A_78 : vector<256x1xi32>
    %eq3A_80 = vector.broadcast %add3A_79 : vector<256x1xi32> to vector<256x514xi32>
    %eq3A_81 = arith.cmpi eq, %iota3A, %eq3A_80 : vector<256x514xi32>
    %or3A_82 = arith.ori %eq3A_71, %eq3A_81 : vector<256x514xi1>
    %convert_element_type3A_83 = arith.extui %or3A_82 : vector<256x514xi1> to vector<256x514xi32>
    %convert_element_type3A_84 = arith.sitofp %convert_element_type3A_83 : vector<256x514xi32> to vector<256x514xf32>
    %dot_general3A_85 = arith.constant dense<0.000000e+00> : vector<256x768xf32>
    %dot_general3A_86 = tpu.matmul %convert_element_type3A_84, %get3A_1, %dot_general3A_85 {dimension_numbers = #tpu.dot_dimension_numbers<[1], [0], [0], [1], [0, 0, 1, 1], [], []>, transpose_lhs_hint = false} : vector<256x514xf32>, vector<514x768xf32>, vector<256x768xf32> -> vector<256x768xf32>
    %get3A_87 = arith.constant 0 : index
    %get3A_88 = arith.constant 0 : index
    %get3A_89 = vector.load %arg12[%get3A_87, %get3A_88] : memref<1x768xf32, #tpu.memory_space<vmem>>, vector<1x768xf32>
    %add3A_90 = vector.broadcast %get3A_89 : vector<1x768xf32> to vector<256x768xf32>
    %add3A_91 = arith.addf %dot_general3A_64, %add3A_90 : vector<256x768xf32>
    %add3A_92 = arith.addf %add3A_91, %dot_general3A_86 : vector<256x768xf32>
    %mul3A_93 = vector.broadcast %get3A_54 : vector<256x1xf32> to vector<256x768xf32>
    %mul3A_94 = arith.mulf %add3A_92, %mul3A_93 : vector<256x768xf32>
    %reduce_sum3A_95 = arith.constant dense<0.000000e+00> : vector<256xf32>
    %reduce_sum3A_96 = vector.multi_reduction <add>, %mul3A_94, %reduce_sum3A_95 [1] : vector<256x768xf32> to vector<256xf32>
    %broadcast_in_dim3A_97 = vector.shape_cast %reduce_sum3A_96 : vector<256xf32> to vector<256x1xf32>
    %div3A_98 = arith.constant 7.680000e+02 : f32
    %div3A_99 = vector.broadcast %div3A_98 : f32 to vector<256x1xf32>
    %div3A_100 = arith.divf %broadcast_in_dim3A_97, %div3A_99 : vector<256x1xf32>
    %sub3A_101 = vector.broadcast %div3A_100 : vector<256x1xf32> to vector<256x768xf32>
    %sub3A_102 = arith.subf %mul3A_94, %sub3A_101 : vector<256x768xf32>
    %mul3A_103 = arith.mulf %sub3A_102, %sub3A_102 : vector<256x768xf32>
    %reduce_sum3A_104 = arith.constant dense<0.000000e+00> : vector<256xf32>
    %reduce_sum3A_105 = vector.multi_reduction <add>, %mul3A_103, %reduce_sum3A_104 [1] : vector<256x768xf32> to vector<256xf32>
    %broadcast_in_dim3A_106 = vector.shape_cast %reduce_sum3A_105 : vector<256xf32> to vector<256x1xf32>
    %div3A_107 = arith.constant 7.680000e+02 : f32
    %div3A_108 = vector.broadcast %div3A_107 : f32 to vector<256x1xf32>
    %div3A_109 = arith.divf %broadcast_in_dim3A_106, %div3A_108 : vector<256x1xf32>
    %get3A_110 = arith.constant 0 : index
    %get3A_111 = arith.constant 0 : index
    %get3A_112 = vector.load %arg13[%get3A_110, %get3A_111] : memref<1x768xf32, #tpu.memory_space<vmem>>, vector<1x768xf32>
    %mul3A_113 = vector.broadcast %get3A_112 : vector<1x768xf32> to vector<256x768xf32>
    %mul3A_114 = arith.mulf %mul3A_113, %sub3A_102 : vector<256x768xf32>
    %add3A_115 = arith.constant 9.99999996E-13 : f32
    %add3A_116 = vector.broadcast %add3A_115 : f32 to vector<256x1xf32>
    %add3A_117 = arith.addf %div3A_109, %add3A_116 : vector<256x1xf32>
    %sqrt3A_118 = math.sqrt %add3A_117 : vector<256x1xf32>
    %div3A_119 = vector.broadcast %sqrt3A_118 : vector<256x1xf32> to vector<256x768xf32>
    %div3A_120 = arith.divf %mul3A_114, %div3A_119 : vector<256x768xf32>
    %get3A_121 = arith.constant 0 : index
    %get3A_122 = arith.constant 0 : index
    %get3A_123 = vector.load %arg14[%get3A_121, %get3A_122] : memref<1x768xf32, #tpu.memory_space<vmem>>, vector<1x768xf32>
    %add3A_124 = vector.broadcast %get3A_123 : vector<1x768xf32> to vector<256x768xf32>
    %add3A_125 = arith.addf %div3A_120, %add3A_124 : vector<256x768xf32>
    %swap3A = arith.constant 0 : index
    %swap3A_126 = arith.constant 0 : index
    %swap3A_127 = arith.constant 0 : index
    %swap3A_128 = vector.load %arg15[%swap3A, %swap3A_126, %swap3A_127] : memref<1x512x768xf32, #tpu.memory_space<vmem>>, vector<1x256x768xf32>
    %swap3A_129 = vector.shape_cast %swap3A_128 : vector<1x256x768xf32> to vector<256x768xf32>
    %swap3A_130 = vector.shape_cast %add3A_49 : vector<256x768xf32> to vector<1x256x768xf32>
    tpu.vector_store %arg15[%swap3A, %swap3A_126, %swap3A_127], %swap3A_130 {strides = array<i32>} : memref<1x512x768xf32, #tpu.memory_space<vmem>>, vector<1x256x768xf32>,
    %swap3A_131 = arith.constant 0 : index
    %swap3A_132 = arith.constant 256 : index
    %swap3A_133 = arith.constant 0 : index
    %swap3A_134 = vector.load %arg15[%swap3A_131, %swap3A_132, %swap3A_133] : memref<1x512x768xf32, #tpu.memory_space<vmem>>, vector<1x256x768xf32>
    %swap3A_135 = vector.shape_cast %swap3A_134 : vector<1x256x768xf32> to vector<256x768xf32>
    %swap3A_136 = vector.shape_cast %add3A_125 : vector<256x768xf32> to vector<1x256x768xf32>
    tpu.vector_store %arg15[%swap3A_131, %swap3A_132, %swap3A_133], %swap3A_136 {strides = array<i32>} : memref<1x512x768xf32, #tpu.memory_space<vmem>>, vector<1x256x768xf32>,
    return
  }
  func.func @transform_0(%arg0: i32) -> (i32, i32, i32) {
    %c0_i32 = arith.constant 0 : i32
    %c0_i32_0 = arith.constant 0 : i32
    %c0_i32_1 = arith.constant 0 : i32
    return %arg0, %c0_i32, %c0_i32_0 : i32, i32, i32
  }
  func.func @transform_1(%arg0: i32) -> (i32, i32, i32) {
    %c0_i32 = arith.constant 0 : i32
    %c0_i32_0 = arith.constant 0 : i32
    %c0_i32_1 = arith.constant 0 : i32
    return %arg0, %c0_i32, %c0_i32_0 : i32, i32, i32
  }
  func.func @transform_2(%arg0: i32) -> (i32, i32, i32) {
    %c0_i32 = arith.constant 0 : i32
    %c0_i32_0 = arith.constant 0 : i32
    %c0_i32_1 = arith.constant 0 : i32
    return %arg0, %c0_i32, %c0_i32_0 : i32, i32, i32
  }
  func.func @transform_3(%arg0: i32) -> (i32, i32, i32) {
    %c0_i32 = arith.constant 0 : i32
    %c0_i32_0 = arith.constant 0 : i32
    %c0_i32_1 = arith.constant 0 : i32
    return %arg0, %c0_i32, %c0_i32_0 : i32, i32, i32
  }
  func.func @transform_4(%arg0: i32) -> (i32, i32, i32) {
    %c0_i32 = arith.constant 0 : i32
    %c0_i32_0 = arith.constant 0 : i32
    %c0_i32_1 = arith.constant 0 : i32
    return %arg0, %c0_i32, %c0_i32_0 : i32, i32, i32
  }
  func.func @transform_5(%arg0: i32) -> (i32, i32, i32) {
    %c0_i32 = arith.constant 0 : i32
    %c0_i32_0 = arith.constant 0 : i32
    %c0_i32_1 = arith.constant 0 : i32
    return %arg0, %c0_i32, %c0_i32_0 : i32, i32, i32
  }
  func.func @transform_6(%arg0: i32) -> (i32, i32, i32) {
    %c0_i32 = arith.constant 0 : i32
    %c0_i32_0 = arith.constant 0 : i32
    %c0_i32_1 = arith.constant 0 : i32
    return %arg0, %c0_i32, %c0_i32_0 : i32, i32, i32
  }
  func.func @transform_7(%arg0: i32) -> (i32, i32) {
    %c0_i32 = arith.constant 0 : i32
    %c0_i32_0 = arith.constant 0 : i32
    %c0_i32_1 = arith.constant 0 : i32
    return %c0_i32, %c0_i32_0 : i32, i32
  }
  func.func @transform_8(%arg0: i32) -> (i32, i32) {
    %c0_i32 = arith.constant 0 : i32
    %c0_i32_0 = arith.constant 0 : i32
    %c0_i32_1 = arith.constant 0 : i32
    return %c0_i32, %c0_i32_0 : i32, i32
  }
  func.func @transform_9(%arg0: i32) -> (i32, i32) {
    %c0_i32 = arith.constant 0 : i32
    %c0_i32_0 = arith.constant 0 : i32
    %c0_i32_1 = arith.constant 0 : i32
    return %c0_i32, %c0_i32_0 : i32, i32
  }
  func.func @transform_10(%arg0: i32) -> (i32, i32) {
    %c0_i32 = arith.constant 0 : i32
    %c0_i32_0 = arith.constant 0 : i32
    %c0_i32_1 = arith.constant 0 : i32
    return %c0_i32, %c0_i32_0 : i32, i32
  }
  func.func @transform_11(%arg0: i32) -> (i32, i32) {
    %c0_i32 = arith.constant 0 : i32
    %c0_i32_0 = arith.constant 0 : i32
    %c0_i32_1 = arith.constant 0 : i32
    return %c0_i32, %c0_i32_0 : i32, i32
  }
  func.func @transform_12(%arg0: i32) -> (i32, i32) {
    %c0_i32 = arith.constant 0 : i32
    %c0_i32_0 = arith.constant 0 : i32
    %c0_i32_1 = arith.constant 0 : i32
    return %c0_i32, %c0_i32_0 : i32, i32
  }
  func.func @transform_13(%arg0: i32) -> (i32, i32) {
    %c0_i32 = arith.constant 0 : i32
    %c0_i32_0 = arith.constant 0 : i32
    %c0_i32_1 = arith.constant 0 : i32
    return %c0_i32, %c0_i32_0 : i32, i32
  }
  func.func @transform_14(%arg0: i32) -> (i32, i32, i32) {
    %c0_i32 = arith.constant 0 : i32
    %c0_i32_0 = arith.constant 0 : i32
    %c0_i32_1 = arith.constant 0 : i32
    return %arg0, %c0_i32, %c0_i32_0 : i32, i32, i32
  }
}

</mosaic_0001>

<sc_bundles>
// kernel: kernel.6.cloned.1.call-start
scs
__scs_entry_jumppad:
0x0: {  	(pc) =	sbr.rel $0x88, $3  }
0x1: {  	(tag) =	ssettag $0x0;
	lr =	simm.s32 $0x1  }
0x2: {  	[smem:$0x3F95] =	sst lr;
	_ =	strace $0xD0000000  }
0x3: {  	_ = 	snop  }
0x4: {  	_ = 	snop  }
0x5: {  	_ = 	snop  }
0x6: {  	_ = 	snop  }
0x7: {  	_ = 	snop  }
__scs_overlays_trampoline_lowered:
0x8: {  	[smem:$0x3FA4] =	sst s0  }
0x9: {  	[smem:$0x3FA5] =	sst s1  }
0xa: {  	[smem:$0x3FA6] =	sst s2  }
0xb: {  	[smem:$0x3FA7] =	sst s3  }
0xc: {  	[smem:$0x3FA8] =	sst s4  }
0xd: {  	[smem:$0x3FA9] =	sst s5  }
0xe: {  	[smem:$0x3FAA] =	sst s6  }
0xf: {  	[smem:$0x3FAB] =	sst s7  }
0x10: {  	[smem:$0x3FAC] =	sst s8  }
0x11: {  	[smem:$0x3FAD] =	sst s9;
	s0 =	simm.s32 @!p0 $0x0  }
0x12: {  	s1 =	sld [smem:$0x3F93];
	s0 =	simm.s32 @p0 $0x1  }
0x13: {  	[smem:$0x3FAE] =	sst s0;
	s0 =	simm.s32 @!p1 $0x0  }
0x14: {  	s2 =	sld [smem:$0x3F92];
	s0 =	simm.s32 @p1 $0x1  }
0x15: {  	[smem:$0x3FAF] =	sst s0;
	s0 =	simm.s32 @!p2 $0x0  }
0x16: {  	s3 =	sld [smem:$0x3FDB];
	s0 =	simm.s32 @p2 $0x1  }
0x17: {  	s4 =	simm.s32 $0x1BF5;
	[smem:$0x3FB1] =	sst s0  }
0x18: {  	s0 =	sld [smem:$0x3F94];
	_ =	swait.ge [sflag:s4], $0x0  }
0x19: {  	s7 =	sld [smem:$0x3F95]  }
0x1a: {  	s8 =	sadd.s32 $0xFFFFE003, lr  }
0x1b: {  	s9 =	sadd.s32 $0xFFFFFEF7, lr;
	s5 =	simm.s32 $0xFFFFFFFF;
	p2 =	slt.u32 s8, $0xFFFFF086  }
0x1c: {  	p1 =	slt.u32 s9, $0xF7A;
	s5 =	simm.s32 @!p2 $0x0  }
0x1d: {  	s5 =	simm.s32 @p1 $0x1;
	p0 =	seq.s32 s7, s2  }
0x1e: {  	s7 =	smul.u32 @!p0 $0xF7A, s2;
	p2 =	seq.s32 @!p0 s5, $0x0  }
0x1f: {  	s9 =	smul.u32 $0xF7A, s1;
	s8 =	simm.s32 @!p0 $0x1BF5;
	p2 =	por !p2, p0  }
0x20: {  	[sflag:s8] =	ssyncset.s32 @!p0 $0xFFFFF086;
	s6 =	sadd.s32 @!p0 s3, s7;
	s7 =	simm.s32 @!p0 $0x108  }
0x21: {  	s3 =	sadd.s32 s3, s9;
	s6 =	sadd.s32 @!p0 $0x88, s6;
	s7 =	simm.s32 @p2 $0x1082  }
0x22: {  	[simem:s7], [sflag:s8] =	dma.local @!p0 [hbm:s6], $0xF7A  }
0x23: {  	s9 =	sor.u32 $0xD0000000, s2;
	s6 =	simm.s32 $0x108;
	_ =	swait.ge @!p0 [sflag:s8], $0x0  }
0x24: {  	s3 =	sadd.s32 $0x88, s3;
	s6 =	simm.s32 @!p1 $0x1082;
	[sflag:s4] =	ssyncset.s32 $0xFFFFF086  }
0x25: {  	[simem:s6], [sflag:s4] =	dma.local [hbm:s3], $0xF7A  }
0x26: {  	[smem:$0x3F95] =	sst s1;
	(tag) =	ssettag s2;
	_ =	strace s9  }
0x27: {  	s1 =	sld [smem:$0x3FA5]  }
0x28: {  	s2 =	sld [smem:$0x3FA6]  }
0x29: {  	s4 =	sld [smem:$0x3FA8]  }
0x2a: {  	p0 =	seq.s32 s5, $0x0;
	s5 =	sld [smem:$0x3FA9]  }
0x2b: {  	s6 =	sld [smem:$0x3FAA]  }
0x2c: {  	s7 =	sld [smem:$0x3FAB]  }
0x2d: {  	s3 =	simm.s32 $0x108;
	s8 =	sld [smem:$0x3FAC]  }
0x2e: {  	s3 =	simm.s32 @!p0 $0x1082;
	s9 =	sld [smem:$0x3FAD]  }
0x2f: {  	lr =	sadd.s32 s0, s3;
	s0 =	sld [smem:$0x3FA4]  }
0x30: {  	s3 =	sld [smem:$0x3FA7]  }
0x31: {  	[smem:$0x3FB0] =	sst s10  }
0x32: {  	s10 =	sld [smem:$0x3FAE];
	_ =	sdelay $0x3  }
0x33: {  	p0 =	seq.s32 s10, $0x1;
	s10 =	sld [smem:$0x3FB0];
	_ =	sdelay $0x3  }
0x34: {  	[smem:$0x3FB0] =	sst s10  }
0x35: {  	s10 =	sld [smem:$0x3FAF];
	_ =	sdelay $0x3  }
0x36: {  	p1 =	seq.s32 s10, $0x1;
	s10 =	sld [smem:$0x3FB0];
	_ =	sdelay $0x3  }
0x37: {  	[smem:$0x3FB0] =	sst s10  }
0x38: {  	s10 =	sld [smem:$0x3FB1]  }
0x39: {  	_ = 	snop;
	(pc) =	sbr.ind lr, $3  }
0x3a: {  	_ = 	snop  }
0x3b: {  	_ = 	snop  }
0x3c: {  	p2 =	seq.s32 s10, $0x1;
	s10 =	sld [smem:$0x3FB0]  }
0x3d: {  	_ =	shalt  }
0x3e: {  	_ =	shalt  }
0x3f: {  	_ =	shalt  }
0x40: {  	_ =	shalt  }
0x41: {  	_ =	shalt  }
0x42: {  	_ =	shalt  }
0x43: {  	_ =	shalt  }
0x44: {  	_ =	shalt  }
0x45: {  	_ =	shalt  }
0x46: {  	_ =	shalt  }
0x47: {  	_ =	shalt  }
0x48: {  	_ =	shalt  }
0x49: {  	_ =	shalt  }
0x4a: {  	_ =	shalt  }
0x4b: {  	_ =	shalt  }
0x4c: {  	_ =	shalt  }
0x4d: {  	_ =	shalt  }
0x4e: {  	_ =	shalt  }
0x4f: {  	_ =	shalt  }
0x50: {  	_ =	shalt  }
0x51: {  	_ =	shalt  }
0x52: {  	_ =	shalt  }
0x53: {  	_ =	shalt  }
0x54: {  	_ =	shalt  }
0x55: {  	_ =	shalt  }
0x56: {  	_ =	shalt  }
0x57: {  	_ =	shalt  }
0x58: {  	_ =	shalt  }
0x59: {  	_ =	shalt  }
0x5a: {  	_ =	shalt  }
0x5b: {  	_ =	shalt  }
0x5c: {  	_ =	shalt  }
0x5d: {  	_ =	shalt  }
0x5e: {  	_ =	shalt  }
0x5f: {  	_ =	shalt  }
0x60: {  	_ =	shalt  }
0x61: {  	_ =	shalt  }
0x62: {  	_ =	shalt  }
0x63: {  	_ =	shalt  }
0x64: {  	_ =	shalt  }
0x65: {  	_ =	shalt  }
0x66: {  	_ =	shalt  }
0x67: {  	_ =	shalt  }
0x68: {  	_ =	shalt  }
0x69: {  	_ =	shalt  }
0x6a: {  	_ =	shalt  }
0x6b: {  	_ =	shalt  }
0x6c: {  	_ =	shalt  }
0x6d: {  	_ =	shalt  }
0x6e: {  	_ =	shalt  }
0x6f: {  	_ =	shalt  }
0x70: {  	_ =	shalt  }
0x71: {  	_ =	shalt  }
0x72: {  	_ =	shalt  }
0x73: {  	_ =	shalt  }
0x74: {  	_ =	shalt  }
0x75: {  	_ =	shalt  }
0x76: {  	_ =	shalt  }
0x77: {  	_ =	shalt  }
0x78: {  	_ =	shalt  }
0x79: {  	_ =	shalt  }
0x7a: {  	_ =	shalt  }
0x7b: {  	_ =	shalt  }
0x7c: {  	_ =	shalt  }
0x7d: {  	_ =	shalt  }
0x7e: {  	_ =	shalt  }
0x7f: {  	_ =	shalt  }
0x80: {  	_ =	shalt  }
0x81: {  	_ =	shalt  }
0x82: {  	_ =	shalt  }
0x83: {  	_ =	shalt  }
0x84: {  	_ =	shalt  }
0x85: {  	_ =	shalt  }
0x86: {  	_ =	shalt  }
0x87: {  	_ =	shalt  }
.Lfunc_end0:
.L_simem_size_0:
called_computation_lowered:
.L_overlay_start_0:
0x88: {  	s2 =	sld [smem:$0x3FD9]  }
0x89: {  	s3 =	sld [smem:$0x3FFE];
	_ =	sdelay $0x1  }
0x8a: {  	s1 =	srdreg.scid  }
0x8b: {  	s0 =	sand.u32 $0x1, s1  }
0x8c: {  	s17 =	sshll.u32 s0, $0xA;
	s2 =	sadd.s32 s3, s2  }
0x8d: {  	s2 =	sadd.s32 s2, s17  }
0x8e: {  	[smem:$0x3FBC] =	sst s2  }
0x8f: {  	_ = 	snop  }
0x90: {  	s2 =	sld [smem:$0x3FC7]  }
0x91: {  	s18 =	sld [smem:$0x3FD0];
	(tm) =	ssettm $0x1  }
0x92: {  	s4 =	sld [smem:$0x3FFB];
	_ =	sdelay $0x3  }
0x93: {  	_ =	strace s4  }
0x94: {  	s4 =	sld [smem:$0x3FFC];
	_ =	sdelay $0x3  }
0x95: {  	_ =	strace s4  }
0x96: {  	s4 =	sld [smem:$0x3FFD];
	_ =	sdelay $0x3  }
0x97: {  	_ =	strace s4  }
0x98: {  	_ =	strace $0x8FFFFFFF  }
0x99: {  	s19 =	sld [smem:$0x3FDB];
	_ =	sdelay $0x1  }
0x9a: {  	s5 =	simm.s32 $_scs_section_size  }
0x9b: {  	s6 =	simm.s32 $_size__tile_overlayer_lowered;
	s7 =	simm.s32 $_tile_overlayer_lowered  }
0x9c: {  	s22 =	simm.s32 $0x1BFF;
	s21 =	sshll.u32 s7, $0x1;
	s4 =	sadd.s32 s5, s19  }
0x9d: {  	s8 =	simm.s32 $0x0;
	s20 =	sshll.u32 s6, $0x1;
	s6 =	sadd.s32 s21, s4  }
0x9e: {  	[timem:s8], [sflag:s22] =	dma.local [hbm:s6], s20  }
0x9f: {  	_ =	swait.ge [sflag:s22], s20  }
0xa0: {  	s5 =	ssub.s32 $0x0, s20;
	[sflag:s22] =	ssyncset.done $0x0  }
0xa1: {  	[sflag:s22] =	ssyncadd.s32 s5;
	_ =	sdelay $0x1  }
0xa2: {  	s23 =	simm.s32 $0x1B8B  }
0xa3: {  	_ =	swait.ge [sflag:s23], $0x1  }
0xa4: {  	[sflag:s23] =	ssyncset.done $0x0  }
0xa5: {  	s25 =	simm.s32 $0x1B8E;
	s24 =	sld [smem:$0x3FFE];
	[sflag:s23] =	ssyncadd.s32 $0xFFFFFFFF  }
0xa6: {  	s26 =	simm.s32 $execute0_lowered;
	[smem:$0x3FD2] =	sst s25  }
0xa7: {  	s6 =	sshll.u32 s26, $0x1;
	_ =	strace $0x80000046;
	[dreg:$0x1] =	wrdreg $0xFFFFFFFF  }
0xa8: {  	s28 =	simm.s32 $_size_execute0_lowered;
	s4 =	sadd.s32 s4, s6;
	[dreg:$0x0] =	wrdreg $0x0  }
0xa9: {  	s6 =	sshll.u32 s28, $0x1;
	[dreg:$0x2] =	wrdreg s4  }
0xaa: {  	[dreg:$0x3] =	wrdreg s6  }
0xab: {  	[dreg:$0x4] =	wrdreg $0xC0  }
0xac: {  	_ =	task [dreg:s8], $0x5FFFF  }
0xad: {  	[dreg:$0x1] =	wrdreg $0xFFFFFFFF  }
0xae: {  	[dreg:$0x0] =	wrdreg $0x60  }
0xaf: {  	[dreg:$0x2] =	wrdreg s18  }
0xb0: {  	[dreg:$0x3] =	wrdreg s24  }
0xb1: {  	[dreg:$0x4] =	wrdreg s2  }
0xb2: {  	[dreg:$0x5] =	wrdreg $0x9  }
0xb3: {  	_ =	task.clear_ibuf [dreg:s8], $0x6FFFF;
	_ =	strace $0x90000046  }
0xb4: {  	s29 =	simm.s32 $0x9;
	_ =	strace $0x80000048  }
0xb5: {  	_ =	swait.ge [sflag:s29], $0x1  }
0xb6: {  	[sflag:s29] =	ssyncadd.s32 $0xFFFFFFFF  }
0xb7: {  	_ =	strace $0x90000048  }
0xb8: {  	_ =	sfence  }
0xb9: {  	s30 =	sld [smem:$0x0];
	_ =	sdelay $0x2  }
0xba: {  	s31 =	sshll.u32 s1, $0xD;
	s1 =	sshrl.u32 s1, $0x2  }
0xbb: {  	s3 =	sand.u32 $0x4000, s31;
	s1 =	sadd.s32 s1, s30  }
0xbc: {  	s0 =	sor.u32 s3, s0;
	s1 =	sshll.u32 s1, $0x11  }
0xbd: {  	s0 =	sor.u32 s1, s0  }
0xbe: {  	s0 =	sadd.s32 $0x8F2B, s0  }
0xbf: {  	[sflag:s0] =	ssyncadd.remote.s32 $0x1  }
0xc0: {  	_ =	sfence.sel $0xFFFF  }
0xc1: {  	[dreg:$0x0] =	wrdreg $0xFFFFFFFF;
	(pc) =	sbr.abs _section_cstart, $3  }
0xc2: {  	[dreg:$0x1] =	wrdreg $0xFFFFFFFF  }
0xc3: {  	_ =	task.clear_ibuf [dreg:s8], $0x2FFFF;
	_ =	strace $0x9FFFFFFF  }
0xc4: {  	(tm) =	ssettm $0x7FFFFFFF  }
0xc5: {  	_ =	shalt  }
tec
execute0_lowered:
.L_overlay_start_1:
0x0: {  	(tag) =	ssettag $0x1  }
0x1: {  	s4 =	stileid.u32  }
0x2: {  	p0 =	sgt.u32 s4, $0x7  }
.Ltmp0:
0x3: {  	_ = 	snop;
	(pc) =	sbr.rel @p0 .LBB2_3-.Ltmp0, $4  }
0x4: {  	s0 =	rddreg [dreg:$0x0]  }
0x5: {  	s1 =	rddreg [dreg:$0x1];
	s3 =	simm.s32 $0x0  }
0x6: {  	[smem:$0x7FF] =	sst s3  }
0x7: {  	s2 =	rddreg [dreg:$0x2];
	_ =	strace $0x80000047  }
0x8: {  	s4 =	srdreg.scid  }
0x9: {  	s5 =	stileid.u32;
	s8 =	sadd.s32 $0x3800, s1;
	s25 =	simm.s32 $0x100  }
0xa: {  	s26 =	simm.s32 $0x800;
	s4 =	sand.u32 $0x1, s4;
	s5 =	sshll.u32 s5, $0x1  }
0xb: {  	s29 =	simm.s32 $0x4100;
	[dreg:$0x14] =	wrdreg s25;
	s5 =	sor.u32 s4, s5  }
0xc: {  	s30 =	simm.s32 $0x4900;
	[dreg:$0x15] =	wrdreg s26;
	s7 =	sshll.u32 s5, $0x5  }
0xd: {  	s6 =	smul.u32 $0x6000, s5;
	s12 =	sadd.s32 s7, s1;
	s0 =	sadd.s32 s0, s7  }
0xe: {  	s31 =	simm.s32 $0x5100;
	s9 =	sadd.s32 $0x2800, s12;
	[dreg:$0x13] =	wrdreg s0  }
0xf: {  	s28 =	simm.s32 $0xC100;
	s10 =	sadd.s32 s8, s6;
	[dreg:$0x4] =	wrdreg s9  }
0x10: {  	s25 =	simm.s32 $0x3100;
	s18 =	sadd.s32 $0x2A00, s12;
	[dreg:$0x16] =	wrdreg s10  }
0x11: {  	s26 =	simm.s32 $0x3900;
	s19 =	sadd.s32 $0x2C00, s12;
	[dreg:$0xc] =	wrdreg s18  }
0x12: {  	s4 =	ssub.s32 $0x2, s4;
	s20 =	sadd.s32 $0x3000, s12;
	[dreg:$0xd] =	wrdreg s19  }
0x13: {  	s5 =	smul.u32 $0x30000, s5;
	s21 =	sadd.s32 $0x3600, s12;
	[dreg:$0xe] =	wrdreg s20  }
0x14: {  	s24 =	sshrl.u32 s4, $0x1;
	s22 =	sadd.s32 $0x2E00, s12;
	[dreg:$0xf] =	wrdreg s21  }
0x15: {  	s5 =	sshrl.u32 s5, $0x3;
	s23 =	sadd.s32 $0x3200, s12;
	[dreg:$0x10] =	wrdreg s22  }
0x16: {  	s1 =	sadd.s32 $0x3400, s12;
	s6 =	sadd.s32 $0xC00, s10;
	[dreg:$0x11] =	wrdreg s23  }
0x17: {  	s13 =	sadd.s32 $0x1800, s10;
	s5 =	sadd.s32 s8, s5;
	[dreg:$0x12] =	wrdreg s1  }
0x18: {  	s1 =	ssub.s32 s4, s24;
	s8 =	simm.s32 $0x5;
	s21 =	simm.s32 $0x1900  }
0x19: {  	v0 =	vimm.s32 $0x0;
	vm0 =	vmmov $0xffff;
	v1 =	vlaneseq.u32;
	s23 =	simm.s32 $0x2100;
	s24 =	simm.s32 $0x2900;
	[dreg:$0x5] =	wrdreg s6  }
0x1a: {  	v2 =	vimm.s32 $0xF;
	v18 =	vimm.f32 $0.0e+00;
	v3 =	vor.u32 $0x10, v1;
	s22 =	simm.s32 $0x6900;
	[dreg:$0x6] =	wrdreg s13;
	s14 =	sadd.s32 $0x2400, s5  }
0x1b: {  	v4 =	vor.u32 $0x20, v1;
	v5 =	vor.u32 $0x30, v1;
	v6 =	vor.u32 $0x40, v1;
	s18 =	simm.s32 $0x7100;
	s15 =	sadd.s32 $0x3000, s5;
	[dreg:$0x7] =	wrdreg s14  }
0x1c: {  	v7 =	vor.u32 $0x50, v1;
	v8 =	vor.u32 $0x60, v1;
	v9 =	vor.u32 $0x70, v1;
	s16 =	sadd.s32 $0x3C00, s5;
	s17 =	sadd.s32 $0x4800, s5;
	[dreg:$0x8] =	wrdreg s15  }
0x1d: {  	v10 =	vor.u32 $0x80, v1;
	v11 =	vor.u32 $0x90, v1;
	v12 =	vor.u32 $0xA0, v1;
	s5 =	sadd.s32 $0x5400, s5;
	s6 =	sadd.s32 $0x200, s2;
	[dreg:$0x9] =	wrdreg s16  }
0x1e: {  	v13 =	vor.u32 $0xB0, v1;
	v14 =	vor.u32 $0xC0, v1;
	v15 =	vor.u32 $0xD0, v1;
	s4 =	smax.u32 s1, $0x1;
	s13 =	simm.s32 $0x1;
	[dreg:$0xa] =	wrdreg s17  }
0x1f: {  	v16 =	vor.u32 $0xE0, v1;
	v17 =	vor.u32 $0xF0, v1;
	v20 =	vshrl.u32 v1, $0x3;
	[dreg:$0xb] =	wrdreg s5;
	s5 =	sadd.s32 $0x100, s2;
	s15 =	simm.s32 $0x6100  }
0x20: {  	v19 =	vand.u32 $0x7, v1;
	v21 =	vor.u32 $0x8, v1;
	v20 =	vmul.u32 $0x8, v20;
	s16 =	simm.s32 $0x7900;
	s17 =	simm.s32 $0x8100;
	s14 =	simm.s32 $0xB900  }
.LBB2_2:
0x21: {  	s19 =	rddreg [dreg:$0x13]  }
0x22: {  	[tilespmem:s3], [sflag:$0x5] =	stream.linear.gather [hbm4b:s19+s3], $0x100, $0x38;
	[tilespmem:$0x18900] =	vst v63  }
0x23: {  	_ =	swait.ge [sflag:s8], $0x100  }
0x24: {  	s12 =	rddreg [dreg:$0x4];
	[sflag:s8] =	ssyncset.done $0x0  }
0x25: {  	s20 =	rddreg [dreg:$0x14];
	[sflag:s8] =	ssyncadd.s32 $0xFFFFFF00  }
0x26: {  	[tilespmem:s20], [sflag:$0x5] =	stream.linear.gather [hbm4b:s12+s3], $0x100, $0x38;
	[tilespmem:$0x18900] =	vst v63  }
0x27: {  	_ =	swait.ge [sflag:s8], $0x100  }
0x28: {  	[sflag:s8] =	ssyncset.done $0x0  }
0x29: {  	[sflag:s8] =	ssyncadd.s32 $0xFFFFFF00  }
0x2a: {  	v22 =	vld [tilespmem:$0x0];
	_ =	sdelay $0x4  }
0x2b: {  	v23 =	vadd.s32 $0xFFFFFFFF, v22  }
0x2c: {  	vm1 =	vlt.u32 v23, $0x7739  }
0x2d: {  	v23 =	vsel vm1, $0x1, v0  }
0x2e: {  	(xrf0) =	vadd.scan.msk.s32 $0xffff, v23  }
0x2f: {  	vm2 =	vgt.s32 v22, $0x7739  }
0x30: {  	v23 =	vsel vm2, $0x1, v0  }
0x31: {  	(xrf0) =	vadd.scan.msk.s32 $0xffff, v23;
	_ =	sdelay $0x2  }
0x32: {  	v23, _, _ =	vpop (xrf0)  }
0x33: {  	v24 =	vadd.s32 $0xFFFFFFFF, v23  }
0x34: {  	v24 =	vnsel vm1, $0x0, v24  }
0x35: {  	v25 =	vld [tilespmem:$0x100];
	v26, _, _ =	vpop (xrf0)  }
0x36: {  	v27 =	vadd.s32 $0xFFFFFFFF, v26  }
0x37: {  	v27 =	vnsel vm2, $0x0, v27  }
0x38: {  	s0 =	simm.s32 $0x200  }
0x39: {  	s20 =	simm.s32 $0x300;
	[tilespmem:v24+s0+$0x0] =	vst.idx.msk vm1, v22  }
0x3a: {  	s1 =	simm.s32 $0x400;
	[tilespmem:v24+s20+$0x0] =	vst.idx.msk vm1, v25  }
0x3b: {  	s7 =	simm.s32 $0x500;
	v22 =	vadd.s32 $0xFFFF88C6, v22;
	[tilespmem:v24+s1+$0x0] =	vst.idx.msk vm1, v1  }
0x3c: {  	s10 =	simm.s32 $0x600;
	[tilespmem:v27+s7+$0x0] =	vst.idx.msk vm2, v22  }
0x3d: {  	s19 =	simm.s32 $0x700;
	[tilespmem:v27+s10+$0x0] =	vst.idx.msk vm2, v25  }
0x3e: {  	[tilespmem:v27+s19+$0x0] =	vst.idx.msk vm2, v1  }
0x3f: {  	v22 =	vld [tilespmem:$0x10];
	_ =	sdelay $0x4  }
0x40: {  	v35 =	vadd.s32 $0xFFFFFFFF, v22  }
0x41: {  	vm1 =	vlt.u32 v35, $0x7739  }
0x42: {  	v24 =	vsel vm1, $0x1, v0  }
0x43: {  	(xrf0) =	vadd.scan.msk.s32 $0xffff, v24  }
0x44: {  	vm2 =	vgt.s32 v22, $0x7739  }
0x45: {  	v36 =	vsel vm2, $0x1, v0  }
0x46: {  	(xrf0) =	vadd.scan.msk.s32 $0xffff, v36;
	_ =	sdelay $0x1  }
0x47: {  	v23 =	vperm.xlane v23, v2  }
0x48: {  	v37, _, _ =	vpop (xrf0)  }
0x49: {  	v38 =	vadd.s32 v37, v23  }
0x4a: {  	v26 =	vperm.xlane v26, v2;
	v25 =	vadd.s32 $0xFFFFFFFF, v38  }
0x4b: {  	v39, _, _ =	vpop (xrf0);
	v25 =	vnsel vm1, $0x0, v25  }
0x4c: {  	v28 =	vld [tilespmem:$0x110];
	v29 =	vadd.s32 v39, v26  }
0x4d: {  	v29 =	vadd.s32 $0xFFFFFFFF, v29  }
0x4e: {  	v29 =	vnsel vm2, $0x0, v29  }
0x4f: {  	s12 =	simm.s32 $0x200  }
0x50: {  	s11 =	simm.s32 $0x300;
	[tilespmem:v25+s12+$0x0] =	vst.idx.msk vm1, v22  }
0x51: {  	s9 =	simm.s32 $0x400;
	[tilespmem:v25+s11+$0x0] =	vst.idx.msk vm1, v28  }
0x52: {  	s7 =	simm.s32 $0x500;
	v22 =	vadd.s32 $0xFFFF88C6, v22;
	[tilespmem:v25+s9+$0x0] =	vst.idx.msk vm1, v3  }
0x53: {  	s1 =	simm.s32 $0x600;
	[tilespmem:v29+s7+$0x0] =	vst.idx.msk vm2, v22  }
0x54: {  	s20 =	simm.s32 $0x700;
	[tilespmem:v29+s1+$0x0] =	vst.idx.msk vm2, v28  }
0x55: {  	[tilespmem:v29+s20+$0x0] =	vst.idx.msk vm2, v3  }
0x56: {  	v22 =	vld [tilespmem:$0x20];
	_ =	sdelay $0x4  }
0x57: {  	v40 =	vadd.s32 $0xFFFFFFFF, v22  }
0x58: {  	vm1 =	vlt.u32 v40, $0x7739  }
0x59: {  	v25 =	vsel vm1, $0x1, v0  }
0x5a: {  	(xrf0) =	vadd.scan.msk.s32 $0xffff, v25  }
0x5b: {  	vm2 =	vgt.s32 v22, $0x7739  }
0x5c: {  	v41 =	vsel vm2, $0x1, v0  }
0x5d: {  	(xrf0) =	vadd.scan.msk.s32 $0xffff, v41  }
0x5e: {  	v24 =	vperm.xlane v37, v2;
	_ =	sdelay $0x1  }
0x5f: {  	v23 =	vadd.s32 v23, v24;
	v42, _, _ =	vpop (xrf0)  }
0x60: {  	v43 =	vperm.xlane v39, v2;
	v44 =	vadd.s32 v42, v23  }
0x61: {  	v27 =	vadd.s32 $0xFFFFFFFF, v44  }
0x62: {  	v25 =	vadd.s32 v26, v43;
	v46, _, _ =	vpop (xrf0);
	v45 =	vnsel vm1, $0x0, v27  }
0x63: {  	v28 =	vld [tilespmem:$0x120];
	v47 =	vadd.s32 v46, v25  }
0x64: {  	v29 =	vadd.s32 $0xFFFFFFFF, v47  }
0x65: {  	v29 =	vnsel vm2, $0x0, v29  }
0x66: {  	s12 =	simm.s32 $0x200  }
0x67: {  	s11 =	simm.s32 $0x300;
	[tilespmem:v45+s12+$0x0] =	vst.idx.msk vm1, v22  }
0x68: {  	s9 =	simm.s32 $0x400;
	[tilespmem:v45+s11+$0x0] =	vst.idx.msk vm1, v28  }
0x69: {  	s10 =	simm.s32 $0x500;
	v22 =	vadd.s32 $0xFFFF88C6, v22;
	[tilespmem:v45+s9+$0x0] =	vst.idx.msk vm1, v4  }
0x6a: {  	s19 =	simm.s32 $0x600;
	[tilespmem:v29+s10+$0x0] =	vst.idx.msk vm2, v22  }
0x6b: {  	s20 =	simm.s32 $0x700;
	[tilespmem:v29+s19+$0x0] =	vst.idx.msk vm2, v28  }
0x6c: {  	[tilespmem:v29+s20+$0x0] =	vst.idx.msk vm2, v4  }
0x6d: {  	v22 =	vld [tilespmem:$0x30];
	_ =	sdelay $0x4  }
0x6e: {  	v48 =	vadd.s32 $0xFFFFFFFF, v22  }
0x6f: {  	vm1 =	vlt.u32 v48, $0x7739  }
0x70: {  	v26 =	vsel vm1, $0x1, v0  }
0x71: {  	(xrf0) =	vadd.scan.msk.s32 $0xffff, v26  }
0x72: {  	vm2 =	vgt.s32 v22, $0x7739  }
0x73: {  	v49 =	vsel vm2, $0x1, v0  }
0x74: {  	(xrf0) =	vadd.scan.msk.s32 $0xffff, v49  }
0x75: {  	v24 =	vperm.xlane v42, v2;
	_ =	sdelay $0x1  }
0x76: {  	v23 =	vadd.s32 v23, v24;
	v50, _, _ =	vpop (xrf0)  }
0x77: {  	v51 =	vperm.xlane v46, v2;
	v52 =	vadd.s32 v50, v23  }
0x78: {  	v27 =	vadd.s32 $0xFFFFFFFF, v52  }
0x79: {  	v25 =	vadd.s32 v25, v51;
	v54, _, _ =	vpop (xrf0);
	v53 =	vnsel vm1, $0x0, v27  }
0x7a: {  	v28 =	vld [tilespmem:$0x130];
	v55 =	vadd.s32 v54, v25  }
0x7b: {  	v29 =	vadd.s32 $0xFFFFFFFF, v55  }
0x7c: {  	v29 =	vnsel vm2, $0x0, v29  }
0x7d: {  	s12 =	simm.s32 $0x200  }
0x7e: {  	s11 =	simm.s32 $0x300;
	[tilespmem:v53+s12+$0x0] =	vst.idx.msk vm1, v22  }
0x7f: {  	s9 =	simm.s32 $0x400;
	[tilespmem:v53+s11+$0x0] =	vst.idx.msk vm1, v28  }
0x80: {  	s10 =	simm.s32 $0x500;
	v22 =	vadd.s32 $0xFFFF88C6, v22;
	[tilespmem:v53+s9+$0x0] =	vst.idx.msk vm1, v5  }
0x81: {  	s19 =	simm.s32 $0x600;
	[tilespmem:v29+s10+$0x0] =	vst.idx.msk vm2, v22  }
0x82: {  	s20 =	simm.s32 $0x700;
	[tilespmem:v29+s19+$0x0] =	vst.idx.msk vm2, v28  }
0x83: {  	[tilespmem:v29+s20+$0x0] =	vst.idx.msk vm2, v5  }
0x84: {  	v22 =	vld [tilespmem:$0x40];
	_ =	sdelay $0x4  }
0x85: {  	v56 =	vadd.s32 $0xFFFFFFFF, v22  }
0x86: {  	vm1 =	vlt.u32 v56, $0x7739  }
0x87: {  	v26 =	vsel vm1, $0x1, v0  }
0x88: {  	(xrf0) =	vadd.scan.msk.s32 $0xffff, v26  }
0x89: {  	vm2 =	vgt.s32 v22, $0x7739  }
0x8a: {  	v57 =	vsel vm2, $0x1, v0  }
0x8b: {  	(xrf0) =	vadd.scan.msk.s32 $0xffff, v57  }
0x8c: {  	v24 =	vperm.xlane v50, v2;
	_ =	sdelay $0x1  }
0x8d: {  	v23 =	vadd.s32 v23, v24;
	v58, _, _ =	vpop (xrf0)  }
0x8e: {  	v59 =	vperm.xlane v54, v2;
	v60 =	vadd.s32 v58, v23  }
0x8f: {  	v27 =	vadd.s32 $0xFFFFFFFF, v60  }
0x90: {  	v25 =	vadd.s32 v25, v59;
	v62, _, _ =	vpop (xrf0);
	v61 =	vnsel vm1, $0x0, v27  }
0x91: {  	v28 =	vld [tilespmem:$0x140];
	v63 =	vadd.s32 v62, v25  }
0x92: {  	v29 =	vadd.s32 $0xFFFFFFFF, v63  }
0x93: {  	v29 =	vnsel vm2, $0x0, v29  }
0x94: {  	s12 =	simm.s32 $0x200  }
0x95: {  	s11 =	simm.s32 $0x300;
	[tilespmem:v61+s12+$0x0] =	vst.idx.msk vm1, v22  }
0x96: {  	s9 =	simm.s32 $0x400;
	[tilespmem:v61+s11+$0x0] =	vst.idx.msk vm1, v28  }
0x97: {  	s10 =	simm.s32 $0x500;
	v22 =	vadd.s32 $0xFFFF88C6, v22;
	[tilespmem:v61+s9+$0x0] =	vst.idx.msk vm1, v6  }
0x98: {  	s19 =	simm.s32 $0x600;
	[tilespmem:v29+s10+$0x0] =	vst.idx.msk vm2, v22  }
0x99: {  	s20 =	simm.s32 $0x700;
	[tilespmem:v29+s19+$0x0] =	vst.idx.msk vm2, v28  }
0x9a: {  	[tilespmem:v29+s20+$0x0] =	vst.idx.msk vm2, v6  }
0x9b: {  	v22 =	vld [tilespmem:$0x50];
	_ =	sdelay $0x4  }
0x9c: {  	v31 =	vadd.s32 $0xFFFFFFFF, v22  }
0x9d: {  	vm1 =	vlt.u32 v31, $0x7739  }
0x9e: {  	v26 =	vsel vm1, $0x1, v0  }
0x9f: {  	(xrf0) =	vadd.scan.msk.s32 $0xffff, v26  }
0xa0: {  	vm2 =	vgt.s32 v22, $0x7739  }
0xa1: {  	v32 =	vsel vm2, $0x1, v0  }
0xa2: {  	(xrf0) =	vadd.scan.msk.s32 $0xffff, v32  }
0xa3: {  	v24 =	vperm.xlane v58, v2;
	_ =	sdelay $0x1  }
0xa4: {  	v23 =	vadd.s32 v23, v24;
	v33, _, _ =	vpop (xrf0)  }
0xa5: {  	v34 =	vperm.xlane v62, v2;
	v35 =	vadd.s32 v33, v23  }
0xa6: {  	v27 =	vadd.s32 $0xFFFFFFFF, v35  }
0xa7: {  	v25 =	vadd.s32 v25, v34;
	v37, _, _ =	vpop (xrf0);
	v36 =	vnsel vm1, $0x0, v27  }
0xa8: {  	v28 =	vld [tilespmem:$0x150];
	v38 =	vadd.s32 v37, v25  }
0xa9: {  	v29 =	vadd.s32 $0xFFFFFFFF, v38  }
0xaa: {  	v29 =	vnsel vm2, $0x0, v29  }
0xab: {  	s12 =	simm.s32 $0x200  }
0xac: {  	s11 =	simm.s32 $0x300;
	[tilespmem:v36+s12+$0x0] =	vst.idx.msk vm1, v22  }
0xad: {  	s9 =	simm.s32 $0x400;
	[tilespmem:v36+s11+$0x0] =	vst.idx.msk vm1, v28  }
0xae: {  	s10 =	simm.s32 $0x500;
	v22 =	vadd.s32 $0xFFFF88C6, v22;
	[tilespmem:v36+s9+$0x0] =	vst.idx.msk vm1, v7  }
0xaf: {  	s19 =	simm.s32 $0x600;
	[tilespmem:v29+s10+$0x0] =	vst.idx.msk vm2, v22  }
0xb0: {  	s20 =	simm.s32 $0x700;
	[tilespmem:v29+s19+$0x0] =	vst.idx.msk vm2, v28  }
0xb1: {  	[tilespmem:v29+s20+$0x0] =	vst.idx.msk vm2, v7  }
0xb2: {  	v22 =	vld [tilespmem:$0x60];
	_ =	sdelay $0x4  }
0xb3: {  	v39 =	vadd.s32 $0xFFFFFFFF, v22  }
0xb4: {  	vm1 =	vlt.u32 v39, $0x7739  }
0xb5: {  	v26 =	vsel vm1, $0x1, v0  }
0xb6: {  	(xrf0) =	vadd.scan.msk.s32 $0xffff, v26  }
0xb7: {  	vm2 =	vgt.s32 v22, $0x7739  }
0xb8: {  	v40 =	vsel vm2, $0x1, v0  }
0xb9: {  	(xrf0) =	vadd.scan.msk.s32 $0xffff, v40  }
0xba: {  	v24 =	vperm.xlane v33, v2;
	_ =	sdelay $0x1  }
0xbb: {  	v23 =	vadd.s32 v23, v24;
	v41, _, _ =	vpop (xrf0)  }
0xbc: {  	v42 =	vperm.xlane v37, v2;
	v43 =	vadd.s32 v41, v23  }
0xbd: {  	v27 =	vadd.s32 $0xFFFFFFFF, v43  }
0xbe: {  	v25 =	vadd.s32 v25, v42;
	v45, _, _ =	vpop (xrf0);
	v44 =	vnsel vm1, $0x0, v27  }
0xbf: {  	v28 =	vld [tilespmem:$0x160];
	v46 =	vadd.s32 v45, v25  }
0xc0: {  	v29 =	vadd.s32 $0xFFFFFFFF, v46  }
0xc1: {  	v29 =	vnsel vm2, $0x0, v29  }
0xc2: {  	s12 =	simm.s32 $0x200  }
0xc3: {  	s11 =	simm.s32 $0x300;
	[tilespmem:v44+s12+$0x0] =	vst.idx.msk vm1, v22  }
0xc4: {  	s9 =	simm.s32 $0x400;
	[tilespmem:v44+s11+$0x0] =	vst.idx.msk vm1, v28  }
0xc5: {  	s10 =	simm.s32 $0x500;
	v22 =	vadd.s32 $0xFFFF88C6, v22;
	[tilespmem:v44+s9+$0x0] =	vst.idx.msk vm1, v8  }
0xc6: {  	s19 =	simm.s32 $0x600;
	[tilespmem:v29+s10+$0x0] =	vst.idx.msk vm2, v22  }
0xc7: {  	s20 =	simm.s32 $0x700;
	[tilespmem:v29+s19+$0x0] =	vst.idx.msk vm2, v28  }
0xc8: {  	[tilespmem:v29+s20+$0x0] =	vst.idx.msk vm2, v8  }
0xc9: {  	v22 =	vld [tilespmem:$0x70];
	_ =	sdelay $0x4  }
0xca: {  	v47 =	vadd.s32 $0xFFFFFFFF, v22  }
0xcb: {  	vm1 =	vlt.u32 v47, $0x7739  }
0xcc: {  	v26 =	vsel vm1, $0x1, v0  }
0xcd: {  	(xrf0) =	vadd.scan.msk.s32 $0xffff, v26;
	_ =	sdelay $0x3  }
0xce: {  	v24 =	vperm.xlane v41, v2;
	_ =	sdelay $0x1  }
0xcf: {  	v23 =	vadd.s32 v23, v24;
	v48, _, _ =	vpop (xrf0)  }
0xd0: {  	v49 =	vadd.s32 v48, v23  }
0xd1: {  	v26 =	vadd.s32 $0xFFFFFFFF, v49  }
0xd2: {  	v26 =	vnsel vm1, $0x0, v26;
	_ =	sdelay $0x3  }
0xd3: {  	s12 =	simm.s32 $0x200;
	vm2 =	vgt.s32 v22, $0x7739  }
0xd4: {  	v28 =	vld [tilespmem:$0x170];
	v50 =	vsel vm2, $0x1, v0;
	[tilespmem:v26+s12+$0x0] =	vst.idx.msk vm1, v22  }
0xd5: {  	(xrf0) =	vadd.scan.msk.s32 $0xffff, v50;
	_ =	sdelay $0x3  }
0xd6: {  	v27 =	vperm.xlane v45, v2;
	_ =	sdelay $0x1  }
0xd7: {  	v25 =	vadd.s32 v25, v27;
	v51, _, _ =	vpop (xrf0)  }
0xd8: {  	v52 =	vadd.s32 v51, v25  }
0xd9: {  	v29 =	vadd.s32 $0xFFFFFFFF, v52  }
0xda: {  	v29 =	vnsel vm2, $0x0, v29;
	_ =	sdelay $0x1  }
0xdb: {  	s11 =	simm.s32 $0x300  }
0xdc: {  	s9 =	simm.s32 $0x400;
	[tilespmem:v26+s11+$0x0] =	vst.idx.msk vm1, v28  }
0xdd: {  	s10 =	simm.s32 $0x500;
	v22 =	vadd.s32 $0xFFFF88C6, v22;
	[tilespmem:v26+s9+$0x0] =	vst.idx.msk vm1, v9  }
0xde: {  	s19 =	simm.s32 $0x600;
	[tilespmem:v29+s10+$0x0] =	vst.idx.msk vm2, v22  }
0xdf: {  	s20 =	simm.s32 $0x700;
	[tilespmem:v29+s19+$0x0] =	vst.idx.msk vm2, v28  }
0xe0: {  	[tilespmem:v29+s20+$0x0] =	vst.idx.msk vm2, v9  }
0xe1: {  	v22 =	vld [tilespmem:$0x80];
	_ =	sdelay $0x4  }
0xe2: {  	v53 =	vadd.s32 $0xFFFFFFFF, v22  }
0xe3: {  	vm1 =	vlt.u32 v53, $0x7739  }
0xe4: {  	v26 =	vsel vm1, $0x1, v0  }
0xe5: {  	(xrf0) =	vadd.scan.msk.s32 $0xffff, v26  }
0xe6: {  	vm2 =	vgt.s32 v22, $0x7739  }
0xe7: {  	v54 =	vsel vm2, $0x1, v0  }
0xe8: {  	(xrf0) =	vadd.scan.msk.s32 $0xffff, v54  }
0xe9: {  	v24 =	vperm.xlane v48, v2;
	_ =	sdelay $0x1  }
0xea: {  	v23 =	vadd.s32 v23, v24;
	v55, _, _ =	vpop (xrf0)  }
0xeb: {  	v56 =	vperm.xlane v51, v2;
	v57 =	vadd.s32 v55, v23  }
0xec: {  	v27 =	vadd.s32 $0xFFFFFFFF, v57  }
0xed: {  	v25 =	vadd.s32 v25, v56;
	v59, _, _ =	vpop (xrf0);
	v58 =	vnsel vm1, $0x0, v27  }
0xee: {  	v28 =	vld [tilespmem:$0x180];
	v60 =	vadd.s32 v59, v25  }
0xef: {  	v29 =	vadd.s32 $0xFFFFFFFF, v60  }
0xf0: {  	v29 =	vnsel vm2, $0x0, v29  }
0xf1: {  	s12 =	simm.s32 $0x200  }
0xf2: {  	s11 =	simm.s32 $0x300;
	[tilespmem:v58+s12+$0x0] =	vst.idx.msk vm1, v22  }
0xf3: {  	s9 =	simm.s32 $0x400;
	[tilespmem:v58+s11+$0x0] =	vst.idx.msk vm1, v28  }
0xf4: {  	s10 =	simm.s32 $0x500;
	v22 =	vadd.s32 $0xFFFF88C6, v22;
	[tilespmem:v58+s9+$0x0] =	vst.idx.msk vm1, v10  }
0xf5: {  	s19 =	simm.s32 $0x600;
	[tilespmem:v29+s10+$0x0] =	vst.idx.msk vm2, v22  }
0xf6: {  	s20 =	simm.s32 $0x700;
	[tilespmem:v29+s19+$0x0] =	vst.idx.msk vm2, v28  }
0xf7: {  	[tilespmem:v29+s20+$0x0] =	vst.idx.msk vm2, v10  }
0xf8: {  	v22 =	vld [tilespmem:$0x90];
	_ =	sdelay $0x4  }
0xf9: {  	v61 =	vadd.s32 $0xFFFFFFFF, v22  }
0xfa: {  	vm1 =	vlt.u32 v61, $0x7739  }
0xfb: {  	v26 =	vsel vm1, $0x1, v0  }
0xfc: {  	(xrf0) =	vadd.scan.msk.s32 $0xffff, v26  }
0xfd: {  	vm2 =	vgt.s32 v22, $0x7739  }
0xfe: {  	v62 =	vsel vm2, $0x1, v0  }
0xff: {  	(xrf0) =	vadd.scan.msk.s32 $0xffff, v62  }
0x100: {  	v24 =	vperm.xlane v55, v2;
	_ =	sdelay $0x1  }
0x101: {  	v23 =	vadd.s32 v23, v24;
	v63, _, _ =	vpop (xrf0)  }
0x102: {  	v32 =	vperm.xlane v59, v2;
	v33 =	vadd.s32 v63, v23  }
0x103: {  	v27 =	vadd.s32 $0xFFFFFFFF, v33  }
0x104: {  	v25 =	vadd.s32 v25, v32;
	v35, _, _ =	vpop (xrf0);
	v34 =	vnsel vm1, $0x0, v27  }
0x105: {  	v28 =	vld [tilespmem:$0x190];
	v36 =	vadd.s32 v35, v25  }
0x106: {  	v29 =	vadd.s32 $0xFFFFFFFF, v36  }
0x107: {  	v29 =	vnsel vm2, $0x0, v29  }
0x108: {  	s12 =	simm.s32 $0x200  }
0x109: {  	s11 =	simm.s32 $0x300;
	[tilespmem:v34+s12+$0x0] =	vst.idx.msk vm1, v22  }
0x10a: {  	s9 =	simm.s32 $0x400;
	[tilespmem:v34+s11+$0x0] =	vst.idx.msk vm1, v28  }
0x10b: {  	s10 =	simm.s32 $0x500;
	v22 =	vadd.s32 $0xFFFF88C6, v22;
	[tilespmem:v34+s9+$0x0] =	vst.idx.msk vm1, v11  }
0x10c: {  	s19 =	simm.s32 $0x600;
	[tilespmem:v29+s10+$0x0] =	vst.idx.msk vm2, v22  }
0x10d: {  	s20 =	simm.s32 $0x700;
	[tilespmem:v29+s19+$0x0] =	vst.idx.msk vm2, v28  }
0x10e: {  	[tilespmem:v29+s20+$0x0] =	vst.idx.msk vm2, v11  }
0x10f: {  	v22 =	vld [tilespmem:$0xA0];
	_ =	sdelay $0x4  }
0x110: {  	v37 =	vadd.s32 $0xFFFFFFFF, v22  }
0x111: {  	vm1 =	vlt.u32 v37, $0x7739  }
0x112: {  	v26 =	vsel vm1, $0x1, v0  }
0x113: {  	(xrf0) =	vadd.scan.msk.s32 $0xffff, v26  }
0x114: {  	vm2 =	vgt.s32 v22, $0x7739  }
0x115: {  	v38 =	vsel vm2, $0x1, v0  }
0x116: {  	(xrf0) =	vadd.scan.msk.s32 $0xffff, v38  }
0x117: {  	v24 =	vperm.xlane v63, v2;
	_ =	sdelay $0x1  }
0x118: {  	v23 =	vadd.s32 v23, v24;
	v39, _, _ =	vpop (xrf0)  }
0x119: {  	v40 =	vperm.xlane v35, v2;
	v41 =	vadd.s32 v39, v23  }
0x11a: {  	v27 =	vadd.s32 $0xFFFFFFFF, v41  }
0x11b: {  	v25 =	vadd.s32 v25, v40;
	v43, _, _ =	vpop (xrf0);
	v42 =	vnsel vm1, $0x0, v27  }
0x11c: {  	v28 =	vld [tilespmem:$0x1A0];
	v44 =	vadd.s32 v43, v25  }
0x11d: {  	v29 =	vadd.s32 $0xFFFFFFFF, v44  }
0x11e: {  	v29 =	vnsel vm2, $0x0, v29  }
0x11f: {  	s12 =	simm.s32 $0x200  }
0x120: {  	s11 =	simm.s32 $0x300;
	[tilespmem:v42+s12+$0x0] =	vst.idx.msk vm1, v22  }
0x121: {  	s9 =	simm.s32 $0x400;
	[tilespmem:v42+s11+$0x0] =	vst.idx.msk vm1, v28  }
0x122: {  	s10 =	simm.s32 $0x500;
	v22 =	vadd.s32 $0xFFFF88C6, v22;
	[tilespmem:v42+s9+$0x0] =	vst.idx.msk vm1, v12  }
0x123: {  	s19 =	simm.s32 $0x600;
	[tilespmem:v29+s10+$0x0] =	vst.idx.msk vm2, v22  }
0x124: {  	s20 =	simm.s32 $0x700;
	[tilespmem:v29+s19+$0x0] =	vst.idx.msk vm2, v28  }
0x125: {  	[tilespmem:v29+s20+$0x0] =	vst.idx.msk vm2, v12  }
0x126: {  	v22 =	vld [tilespmem:$0xB0];
	_ =	sdelay $0x4  }
0x127: {  	v45 =	vadd.s32 $0xFFFFFFFF, v22  }
0x128: {  	vm1 =	vlt.u32 v45, $0x7739  }
0x129: {  	v26 =	vsel vm1, $0x1, v0  }
0x12a: {  	(xrf0) =	vadd.scan.msk.s32 $0xffff, v26  }
0x12b: {  	vm2 =	vgt.s32 v22, $0x7739  }
0x12c: {  	v46 =	vsel vm2, $0x1, v0  }
0x12d: {  	(xrf0) =	vadd.scan.msk.s32 $0xffff, v46  }
0x12e: {  	v24 =	vperm.xlane v39, v2;
	_ =	sdelay $0x1  }
0x12f: {  	v23 =	vadd.s32 v23, v24;
	v47, _, _ =	vpop (xrf0)  }
0x130: {  	v48 =	vperm.xlane v43, v2;
	v49 =	vadd.s32 v47, v23  }
0x131: {  	v27 =	vadd.s32 $0xFFFFFFFF, v49  }
0x132: {  	v25 =	vadd.s32 v25, v48;
	v51, _, _ =	vpop (xrf0);
	v50 =	vnsel vm1, $0x0, v27  }
0x133: {  	v28 =	vld [tilespmem:$0x1B0];
	v52 =	vadd.s32 v51, v25  }
0x134: {  	v29 =	vadd.s32 $0xFFFFFFFF, v52  }
0x135: {  	v29 =	vnsel vm2, $0x0, v29  }
0x136: {  	s12 =	simm.s32 $0x200  }
0x137: {  	s11 =	simm.s32 $0x300;
	[tilespmem:v50+s12+$0x0] =	vst.idx.msk vm1, v22  }
0x138: {  	s9 =	simm.s32 $0x400;
	[tilespmem:v50+s11+$0x0] =	vst.idx.msk vm1, v28  }
0x139: {  	s10 =	simm.s32 $0x500;
	v22 =	vadd.s32 $0xFFFF88C6, v22;
	[tilespmem:v50+s9+$0x0] =	vst.idx.msk vm1, v13  }
0x13a: {  	s19 =	simm.s32 $0x600;
	[tilespmem:v29+s10+$0x0] =	vst.idx.msk vm2, v22  }
0x13b: {  	s20 =	simm.s32 $0x700;
	[tilespmem:v29+s19+$0x0] =	vst.idx.msk vm2, v28  }
0x13c: {  	[tilespmem:v29+s20+$0x0] =	vst.idx.msk vm2, v13  }
0x13d: {  	v22 =	vld [tilespmem:$0xC0];
	_ =	sdelay $0x4  }
0x13e: {  	v53 =	vadd.s32 $0xFFFFFFFF, v22  }
0x13f: {  	vm1 =	vlt.u32 v53, $0x7739  }
0x140: {  	v26 =	vsel vm1, $0x1, v0  }
0x141: {  	(xrf0) =	vadd.scan.msk.s32 $0xffff, v26  }
0x142: {  	vm2 =	vgt.s32 v22, $0x7739  }
0x143: {  	v54 =	vsel vm2, $0x1, v0  }
0x144: {  	(xrf0) =	vadd.scan.msk.s32 $0xffff, v54  }
0x145: {  	v24 =	vperm.xlane v47, v2;
	_ =	sdelay $0x1  }
0x146: {  	v23 =	vadd.s32 v23, v24;
	v55, _, _ =	vpop (xrf0)  }
0x147: {  	v56 =	vperm.xlane v51, v2;
	v57 =	vadd.s32 v55, v23  }
0x148: {  	v27 =	vadd.s32 $0xFFFFFFFF, v57  }
0x149: {  	v25 =	vadd.s32 v25, v56;
	v59, _, _ =	vpop (xrf0);
	v58 =	vnsel vm1, $0x0, v27  }
0x14a: {  	v28 =	vld [tilespmem:$0x1C0];
	v60 =	vadd.s32 v59, v25  }
0x14b: {  	v29 =	vadd.s32 $0xFFFFFFFF, v60  }
0x14c: {  	v29 =	vnsel vm2, $0x0, v29  }
0x14d: {  	s12 =	simm.s32 $0x200  }
0x14e: {  	s11 =	simm.s32 $0x300;
	[tilespmem:v58+s12+$0x0] =	vst.idx.msk vm1, v22  }
0x14f: {  	s9 =	simm.s32 $0x400;
	[tilespmem:v58+s11+$0x0] =	vst.idx.msk vm1, v28  }
0x150: {  	s10 =	simm.s32 $0x500;
	v22 =	vadd.s32 $0xFFFF88C6, v22;
	[tilespmem:v58+s9+$0x0] =	vst.idx.msk vm1, v14  }
0x151: {  	s19 =	simm.s32 $0x600;
	[tilespmem:v29+s10+$0x0] =	vst.idx.msk vm2, v22  }
0x152: {  	s20 =	simm.s32 $0x700;
	[tilespmem:v29+s19+$0x0] =	vst.idx.msk vm2, v28  }
0x153: {  	[tilespmem:v29+s20+$0x0] =	vst.idx.msk vm2, v14  }
0x154: {  	v22 =	vld [tilespmem:$0xD0];
	_ =	sdelay $0x4  }
0x155: {  	v61 =	vadd.s32 $0xFFFFFFFF, v22  }
0x156: {  	vm1 =	vlt.u32 v61, $0x7739  }
0x157: {  	v26 =	vsel vm1, $0x1, v0  }
0x158: {  	(xrf0) =	vadd.scan.msk.s32 $0xffff, v26  }
0x159: {  	vm2 =	vgt.s32 v22, $0x7739  }
0x15a: {  	v62 =	vsel vm2, $0x1, v0  }
0x15b: {  	(xrf0) =	vadd.scan.msk.s32 $0xffff, v62  }
0x15c: {  	v24 =	vperm.xlane v55, v2;
	_ =	sdelay $0x1  }
0x15d: {  	v23 =	vadd.s32 v23, v24;
	v63, _, _ =	vpop (xrf0)  }
0x15e: {  	v31 =	vperm.xlane v59, v2;
	v32 =	vadd.s32 v63, v23  }
0x15f: {  	v27 =	vadd.s32 $0xFFFFFFFF, v32  }
0x160: {  	v25 =	vadd.s32 v25, v31;
	v34, _, _ =	vpop (xrf0);
	v33 =	vnsel vm1, $0x0, v27  }
0x161: {  	v28 =	vld [tilespmem:$0x1D0];
	v35 =	vadd.s32 v34, v25  }
0x162: {  	v29 =	vadd.s32 $0xFFFFFFFF, v35  }
0x163: {  	v29 =	vnsel vm2, $0x0, v29  }
0x164: {  	s12 =	simm.s32 $0x200  }
0x165: {  	s11 =	simm.s32 $0x300;
	[tilespmem:v33+s12+$0x0] =	vst.idx.msk vm1, v22  }
0x166: {  	s9 =	simm.s32 $0x400;
	[tilespmem:v33+s11+$0x0] =	vst.idx.msk vm1, v28  }
0x167: {  	s10 =	simm.s32 $0x500;
	v22 =	vadd.s32 $0xFFFF88C6, v22;
	[tilespmem:v33+s9+$0x0] =	vst.idx.msk vm1, v15  }
0x168: {  	s19 =	simm.s32 $0x600;
	[tilespmem:v29+s10+$0x0] =	vst.idx.msk vm2, v22  }
0x169: {  	s20 =	simm.s32 $0x700;
	[tilespmem:v29+s19+$0x0] =	vst.idx.msk vm2, v28  }
0x16a: {  	[tilespmem:v29+s20+$0x0] =	vst.idx.msk vm2, v15  }
0x16b: {  	v22 =	vld [tilespmem:$0xE0];
	_ =	sdelay $0x4  }
0x16c: {  	v36 =	vadd.s32 $0xFFFFFFFF, v22  }
0x16d: {  	vm1 =	vlt.u32 v36, $0x7739  }
0x16e: {  	v26 =	vsel vm1, $0x1, v0  }
0x16f: {  	(xrf0) =	vadd.scan.msk.s32 $0xffff, v26  }
0x170: {  	vm2 =	vgt.s32 v22, $0x7739  }
0x171: {  	v37 =	vsel vm2, $0x1, v0  }
0x172: {  	(xrf0) =	vadd.scan.msk.s32 $0xffff, v37  }
0x173: {  	v24 =	vperm.xlane v63, v2;
	_ =	sdelay $0x1  }
0x174: {  	v23 =	vadd.s32 v23, v24;
	v38, _, _ =	vpop (xrf0)  }
0x175: {  	v39 =	vperm.xlane v34, v2;
	v40 =	vadd.s32 v38, v23  }
0x176: {  	v27 =	vadd.s32 $0xFFFFFFFF, v40  }
0x177: {  	v25 =	vadd.s32 v25, v39;
	v42, _, _ =	vpop (xrf0);
	v41 =	vnsel vm1, $0x0, v27  }
0x178: {  	v28 =	vld [tilespmem:$0x1E0];
	v43 =	vadd.s32 v42, v25  }
0x179: {  	v29 =	vadd.s32 $0xFFFFFFFF, v43  }
0x17a: {  	v29 =	vnsel vm2, $0x0, v29  }
0x17b: {  	s12 =	simm.s32 $0x200  }
0x17c: {  	s11 =	simm.s32 $0x300;
	[tilespmem:v41+s12+$0x0] =	vst.idx.msk vm1, v22  }
0x17d: {  	s9 =	simm.s32 $0x400;
	[tilespmem:v41+s11+$0x0] =	vst.idx.msk vm1, v28  }
0x17e: {  	s10 =	simm.s32 $0x500;
	v22 =	vadd.s32 $0xFFFF88C6, v22;
	[tilespmem:v41+s9+$0x0] =	vst.idx.msk vm1, v16  }
0x17f: {  	s19 =	simm.s32 $0x600;
	[tilespmem:v29+s10+$0x0] =	vst.idx.msk vm2, v22  }
0x180: {  	s20 =	simm.s32 $0x700;
	[tilespmem:v29+s19+$0x0] =	vst.idx.msk vm2, v28  }
0x181: {  	[tilespmem:v29+s20+$0x0] =	vst.idx.msk vm2, v16  }
0x182: {  	v22 =	vld [tilespmem:$0xF0];
	_ =	sdelay $0x4  }
0x183: {  	v44 =	vadd.s32 $0xFFFFFFFF, v22  }
0x184: {  	vm1 =	vlt.u32 v44, $0x7739  }
0x185: {  	v26 =	vsel vm1, $0x1, v0  }
0x186: {  	(xrf0) =	vadd.scan.msk.s32 $0xffff, v26  }
0x187: {  	vm2 =	vgt.s32 v22, $0x7739  }
0x188: {  	v45 =	vsel vm2, $0x1, v0  }
0x189: {  	(xrf0) =	vadd.scan.msk.s32 $0xffff, v45  }
0x18a: {  	v24 =	vperm.xlane v38, v2;
	_ =	sdelay $0x1  }
0x18b: {  	v23 =	vadd.s32 v23, v24;
	v46, _, _ =	vpop (xrf0)  }
0x18c: {  	v47 =	vperm.xlane v42, v2;
	v48 =	vadd.s32 v46, v23  }
0x18d: {  	v27 =	vadd.s32 $0xFFFFFFFF, v48  }
0x18e: {  	v24 =	vadd.s32 v25, v47;
	v50, _, _ =	vpop (xrf0);
	v49 =	vnsel vm1, $0x0, v27  }
0x18f: {  	v28 =	vld [tilespmem:$0x1F0];
	v51 =	vadd.s32 v50, v24  }
0x190: {  	v29 =	vadd.s32 $0xFFFFFFFF, v51  }
0x191: {  	v29 =	vnsel vm2, $0x0, v29  }
0x192: {  	s12 =	simm.s32 $0x200  }
0x193: {  	s11 =	simm.s32 $0x300;
	[tilespmem:v49+s12+$0x0] =	vst.idx.msk vm1, v22  }
0x194: {  	s9 =	simm.s32 $0x400;
	[tilespmem:v49+s11+$0x0] =	vst.idx.msk vm1, v28  }
0x195: {  	s10 =	simm.s32 $0x500;
	v22 =	vadd.s32 $0xFFFF88C6, v22;
	[tilespmem:v49+s9+$0x0] =	vst.idx.msk vm1, v17  }
0x196: {  	s19 =	simm.s32 $0x600;
	[tilespmem:v29+s10+$0x0] =	vst.idx.msk vm2, v22  }
0x197: {  	s20 =	simm.s32 $0x700;
	[tilespmem:v29+s19+$0x0] =	vst.idx.msk vm2, v28  }
0x198: {  	[tilespmem:v29+s20+$0x0] =	vst.idx.msk vm2, v17  }
0x199: {  	v22 =	vld [tilespmem:$0x200]  }
0x19a: {  	v52 =	vperm.xlane v46, v2;
	v53 =	vld [tilespmem:$0x300]  }
0x19b: {  	v27 =	vperm.xlane v50, v2;
	v28 =	vld [tilespmem:$0x400]  }
0x19c: {  	v23 =	vadd.s32 v23, v52;
	v54 =	vld [tilespmem:$0x500]  }
0x19d: {  	v24 =	vadd.s32 v24, v27;
	vm1 =	vgt.s32 v23, v1;
	v55 =	vld [tilespmem:$0x600]  }
0x19e: {  	vm2 =	vgt.s32 v24, $0x1;
	v30 =	vld [tilespmem:$0x700];
	v56 =	vnsel vm1, $0x0, v22  }
0x19f: {  	v22 =	vnsel vm2, $0x0, v24;
	v57 =	vnsel vm1, $0x1, v53;
	[tilespmem:$0x200] =	vst v56  }
0x1a0: {  	v59 =	vld [tilespmem:$0x210];
	v58 =	vsel vm1, v28, v1;
	[tilespmem:$0x300] =	vst v57;
	vm1 =	vgt.s32 v22, v1  }
0x1a1: {  	v61 =	vld [tilespmem:$0x310];
	[tilespmem:$0x400] =	vst v58;
	v60 =	vnsel vm1, $0x0, v54  }
0x1a2: {  	v63 =	vld [tilespmem:$0x410];
	v62 =	vnsel vm1, $0x0, v55;
	[tilespmem:$0x500] =	vst v60  }
0x1a3: {  	v33 =	vld [tilespmem:$0x510];
	v32 =	vnsel vm1, $0x0, v30;
	[tilespmem:$0x600] =	vst v62  }
0x1a4: {  	v35 =	vld [tilespmem:$0x610];
	v34 =	vsel vm1, $0x3F800000, v18;
	vm1 =	vgt.s32 v23, v3;
	[tilespmem:$0x700] =	vst v32  }
0x1a5: {  	v37 =	vld [tilespmem:$0x710];
	[tilespmem:$0x800] =	vst v34;
	v36 =	vnsel vm1, $0x0, v59  }
0x1a6: {  	v38 =	vnsel vm1, $0x1, v61;
	[tilespmem:$0x210] =	vst v36  }
0x1a7: {  	v40 =	vld [tilespmem:$0x220];
	v39 =	vsel vm1, v63, v3;
	vm1 =	vgt.s32 v22, v3;
	[tilespmem:$0x310] =	vst v38  }
0x1a8: {  	v42 =	vld [tilespmem:$0x320];
	[tilespmem:$0x410] =	vst v39;
	v41 =	vnsel vm1, $0x0, v33  }
0x1a9: {  	v44 =	vld [tilespmem:$0x420];
	v43 =	vnsel vm1, $0x0, v35;
	[tilespmem:$0x510] =	vst v41  }
0x1aa: {  	v46 =	vld [tilespmem:$0x520];
	v45 =	vnsel vm1, $0x0, v37;
	[tilespmem:$0x610] =	vst v43  }
0x1ab: {  	v48 =	vld [tilespmem:$0x620];
	v47 =	vsel vm1, $0x3F800000, v18;
	vm1 =	vgt.s32 v23, v4;
	[tilespmem:$0x710] =	vst v45  }
0x1ac: {  	v50 =	vld [tilespmem:$0x720];
	[tilespmem:$0x810] =	vst v47;
	v49 =	vnsel vm1, $0x0, v40  }
0x1ad: {  	v51 =	vnsel vm1, $0x1, v42;
	[tilespmem:$0x220] =	vst v49  }
0x1ae: {  	v53 =	vld [tilespmem:$0x230];
	v52 =	vsel vm1, v44, v4;
	vm1 =	vgt.s32 v22, v4;
	[tilespmem:$0x320] =	vst v51  }
0x1af: {  	v55 =	vld [tilespmem:$0x330];
	[tilespmem:$0x420] =	vst v52;
	v54 =	vnsel vm1, $0x0, v46  }
0x1b0: {  	v57 =	vld [tilespmem:$0x430];
	v56 =	vnsel vm1, $0x0, v48;
	[tilespmem:$0x520] =	vst v54  }
0x1b1: {  	v59 =	vld [tilespmem:$0x530];
	v58 =	vnsel vm1, $0x0, v50;
	[tilespmem:$0x620] =	vst v56  }
0x1b2: {  	v61 =	vld [tilespmem:$0x630];
	v60 =	vsel vm1, $0x3F800000, v18;
	vm1 =	vgt.s32 v23, v5;
	[tilespmem:$0x720] =	vst v58  }
0x1b3: {  	v63 =	vld [tilespmem:$0x730];
	[tilespmem:$0x820] =	vst v60;
	v62 =	vnsel vm1, $0x0, v53  }
0x1b4: {  	v31 =	vnsel vm1, $0x1, v55;
	[tilespmem:$0x230] =	vst v62  }
0x1b5: {  	v33 =	vld [tilespmem:$0x240];
	v32 =	vsel vm1, v57, v5;
	vm1 =	vgt.s32 v22, v5;
	[tilespmem:$0x330] =	vst v31  }
0x1b6: {  	v35 =	vld [tilespmem:$0x340];
	[tilespmem:$0x430] =	vst v32;
	v34 =	vnsel vm1, $0x0, v59  }
0x1b7: {  	v37 =	vld [tilespmem:$0x440];
	v36 =	vnsel vm1, $0x0, v61;
	[tilespmem:$0x530] =	vst v34  }
0x1b8: {  	v39 =	vld [tilespmem:$0x540];
	v38 =	vnsel vm1, $0x0, v63;
	[tilespmem:$0x630] =	vst v36  }
0x1b9: {  	v41 =	vld [tilespmem:$0x640];
	v40 =	vsel vm1, $0x3F800000, v18;
	vm1 =	vgt.s32 v23, v6;
	[tilespmem:$0x730] =	vst v38  }
0x1ba: {  	v43 =	vld [tilespmem:$0x740];
	[tilespmem:$0x830] =	vst v40;
	v42 =	vnsel vm1, $0x0, v33  }
0x1bb: {  	v44 =	vnsel vm1, $0x1, v35;
	[tilespmem:$0x240] =	vst v42  }
0x1bc: {  	v46 =	vld [tilespmem:$0x250];
	v45 =	vsel vm1, v37, v6;
	vm1 =	vgt.s32 v22, v6;
	[tilespmem:$0x340] =	vst v44  }
0x1bd: {  	v48 =	vld [tilespmem:$0x350];
	[tilespmem:$0x440] =	vst v45;
	v47 =	vnsel vm1, $0x0, v39  }
0x1be: {  	v50 =	vld [tilespmem:$0x450];
	v49 =	vnsel vm1, $0x0, v41;
	[tilespmem:$0x540] =	vst v47  }
0x1bf: {  	v52 =	vld [tilespmem:$0x550];
	v51 =	vnsel vm1, $0x0, v43;
	[tilespmem:$0x640] =	vst v49  }
0x1c0: {  	v54 =	vld [tilespmem:$0x650];
	v53 =	vsel vm1, $0x3F800000, v18;
	vm1 =	vgt.s32 v23, v7;
	[tilespmem:$0x740] =	vst v51  }
0x1c1: {  	v56 =	vld [tilespmem:$0x750];
	[tilespmem:$0x840] =	vst v53;
	v55 =	vnsel vm1, $0x0, v46  }
0x1c2: {  	v57 =	vnsel vm1, $0x1, v48;
	[tilespmem:$0x250] =	vst v55  }
0x1c3: {  	v59 =	vld [tilespmem:$0x260];
	v58 =	vsel vm1, v50, v7;
	vm1 =	vgt.s32 v22, v7;
	[tilespmem:$0x350] =	vst v57  }
0x1c4: {  	v61 =	vld [tilespmem:$0x360];
	[tilespmem:$0x450] =	vst v58;
	v60 =	vnsel vm1, $0x0, v52  }
0x1c5: {  	v63 =	vld [tilespmem:$0x460];
	v62 =	vnsel vm1, $0x0, v54;
	[tilespmem:$0x550] =	vst v60  }
0x1c6: {  	v33 =	vld [tilespmem:$0x560];
	v32 =	vnsel vm1, $0x0, v56;
	[tilespmem:$0x650] =	vst v62  }
0x1c7: {  	v35 =	vld [tilespmem:$0x660];
	v34 =	vsel vm1, $0x3F800000, v18;
	vm1 =	vgt.s32 v23, v8;
	[tilespmem:$0x750] =	vst v32  }
0x1c8: {  	v37 =	vld [tilespmem:$0x760];
	[tilespmem:$0x850] =	vst v34;
	v36 =	vnsel vm1, $0x0, v59  }
0x1c9: {  	v38 =	vnsel vm1, $0x1, v61;
	[tilespmem:$0x260] =	vst v36  }
0x1ca: {  	v40 =	vld [tilespmem:$0x270];
	v39 =	vsel vm1, v63, v8;
	vm1 =	vgt.s32 v22, v8;
	[tilespmem:$0x360] =	vst v38  }
0x1cb: {  	v42 =	vld [tilespmem:$0x370];
	[tilespmem:$0x460] =	vst v39;
	v41 =	vnsel vm1, $0x0, v33  }
0x1cc: {  	v44 =	vld [tilespmem:$0x470];
	v43 =	vnsel vm1, $0x0, v35;
	[tilespmem:$0x560] =	vst v41  }
0x1cd: {  	v46 =	vld [tilespmem:$0x570];
	v45 =	vnsel vm1, $0x0, v37;
	[tilespmem:$0x660] =	vst v43  }
0x1ce: {  	v48 =	vld [tilespmem:$0x670];
	v47 =	vsel vm1, $0x3F800000, v18;
	vm1 =	vgt.s32 v23, v9;
	[tilespmem:$0x760] =	vst v45  }
0x1cf: {  	v50 =	vld [tilespmem:$0x770];
	[tilespmem:$0x860] =	vst v47;
	v49 =	vnsel vm1, $0x0, v40  }
0x1d0: {  	v51 =	vnsel vm1, $0x1, v42;
	[tilespmem:$0x270] =	vst v49  }
0x1d1: {  	v53 =	vld [tilespmem:$0x280];
	v52 =	vsel vm1, v44, v9;
	vm1 =	vgt.s32 v22, v9;
	[tilespmem:$0x370] =	vst v51  }
0x1d2: {  	v55 =	vld [tilespmem:$0x380];
	[tilespmem:$0x470] =	vst v52;
	v54 =	vnsel vm1, $0x0, v46  }
0x1d3: {  	v57 =	vld [tilespmem:$0x480];
	v56 =	vnsel vm1, $0x0, v48;
	[tilespmem:$0x570] =	vst v54  }
0x1d4: {  	v59 =	vld [tilespmem:$0x580];
	v58 =	vnsel vm1, $0x0, v50;
	[tilespmem:$0x670] =	vst v56  }
0x1d5: {  	v61 =	vld [tilespmem:$0x680];
	v60 =	vsel vm1, $0x3F800000, v18;
	vm1 =	vgt.s32 v23, v10;
	[tilespmem:$0x770] =	vst v58  }
0x1d6: {  	v63 =	vld [tilespmem:$0x780];
	[tilespmem:$0x870] =	vst v60;
	v62 =	vnsel vm1, $0x0, v53  }
0x1d7: {  	v31 =	vnsel vm1, $0x1, v55;
	[tilespmem:$0x280] =	vst v62  }
0x1d8: {  	v33 =	vld [tilespmem:$0x290];
	v32 =	vsel vm1, v57, v10;
	vm1 =	vgt.s32 v22, v10;
	[tilespmem:$0x380] =	vst v31  }
0x1d9: {  	v35 =	vld [tilespmem:$0x390];
	[tilespmem:$0x480] =	vst v32;
	v34 =	vnsel vm1, $0x0, v59  }
0x1da: {  	v37 =	vld [tilespmem:$0x490];
	v36 =	vnsel vm1, $0x0, v61;
	[tilespmem:$0x580] =	vst v34  }
0x1db: {  	v39 =	vld [tilespmem:$0x590];
	v38 =	vnsel vm1, $0x0, v63;
	[tilespmem:$0x680] =	vst v36  }
0x1dc: {  	v41 =	vld [tilespmem:$0x690];
	v40 =	vsel vm1, $0x3F800000, v18;
	vm1 =	vgt.s32 v23, v11;
	[tilespmem:$0x780] =	vst v38  }
0x1dd: {  	v43 =	vld [tilespmem:$0x790];
	[tilespmem:$0x880] =	vst v40;
	v42 =	vnsel vm1, $0x0, v33  }
0x1de: {  	v44 =	vnsel vm1, $0x1, v35;
	[tilespmem:$0x290] =	vst v42  }
0x1df: {  	v46 =	vld [tilespmem:$0x2A0];
	v45 =	vsel vm1, v37, v11;
	vm1 =	vgt.s32 v22, v11;
	[tilespmem:$0x390] =	vst v44  }
0x1e0: {  	v48 =	vld [tilespmem:$0x3A0];
	[tilespmem:$0x490] =	vst v45;
	v47 =	vnsel vm1, $0x0, v39  }
0x1e1: {  	v50 =	vld [tilespmem:$0x4A0];
	v49 =	vnsel vm1, $0x0, v41;
	[tilespmem:$0x590] =	vst v47  }
0x1e2: {  	v52 =	vld [tilespmem:$0x5A0];
	v51 =	vnsel vm1, $0x0, v43;
	[tilespmem:$0x690] =	vst v49  }
0x1e3: {  	v54 =	vld [tilespmem:$0x6A0];
	v53 =	vsel vm1, $0x3F800000, v18;
	vm1 =	vgt.s32 v23, v12;
	[tilespmem:$0x790] =	vst v51  }
0x1e4: {  	v56 =	vld [tilespmem:$0x7A0];
	[tilespmem:$0x890] =	vst v53;
	v55 =	vnsel vm1, $0x0, v46  }
0x1e5: {  	v57 =	vnsel vm1, $0x1, v48;
	[tilespmem:$0x2A0] =	vst v55  }
0x1e6: {  	v59 =	vld [tilespmem:$0x2B0];
	v58 =	vsel vm1, v50, v12;
	vm1 =	vgt.s32 v22, v12;
	[tilespmem:$0x3A0] =	vst v57  }
0x1e7: {  	v61 =	vld [tilespmem:$0x3B0];
	[tilespmem:$0x4A0] =	vst v58;
	v60 =	vnsel vm1, $0x0, v52  }
0x1e8: {  	v63 =	vld [tilespmem:$0x4B0];
	v62 =	vnsel vm1, $0x0, v54;
	[tilespmem:$0x5A0] =	vst v60  }
0x1e9: {  	v33 =	vld [tilespmem:$0x5B0];
	v32 =	vnsel vm1, $0x0, v56;
	[tilespmem:$0x6A0] =	vst v62  }
0x1ea: {  	v35 =	vld [tilespmem:$0x6B0];
	v34 =	vsel vm1, $0x3F800000, v18;
	vm1 =	vgt.s32 v23, v13;
	[tilespmem:$0x7A0] =	vst v32  }
0x1eb: {  	v37 =	vld [tilespmem:$0x7B0];
	[tilespmem:$0x8A0] =	vst v34;
	v36 =	vnsel vm1, $0x0, v59  }
0x1ec: {  	v38 =	vnsel vm1, $0x1, v61;
	[tilespmem:$0x2B0] =	vst v36  }
0x1ed: {  	v40 =	vld [tilespmem:$0x2C0];
	v39 =	vsel vm1, v63, v13;
	vm1 =	vgt.s32 v22, v13;
	[tilespmem:$0x3B0] =	vst v38  }
0x1ee: {  	v42 =	vld [tilespmem:$0x3C0];
	[tilespmem:$0x4B0] =	vst v39;
	v41 =	vnsel vm1, $0x0, v33  }
0x1ef: {  	v44 =	vld [tilespmem:$0x4C0];
	v43 =	vnsel vm1, $0x0, v35;
	[tilespmem:$0x5B0] =	vst v41  }
0x1f0: {  	v46 =	vld [tilespmem:$0x5C0];
	v45 =	vnsel vm1, $0x0, v37;
	[tilespmem:$0x6B0] =	vst v43  }
0x1f1: {  	v48 =	vld [tilespmem:$0x6C0];
	v47 =	vsel vm1, $0x3F800000, v18;
	vm1 =	vgt.s32 v23, v14;
	[tilespmem:$0x7B0] =	vst v45  }
0x1f2: {  	v50 =	vld [tilespmem:$0x7C0];
	[tilespmem:$0x8B0] =	vst v47;
	v49 =	vnsel vm1, $0x0, v40  }
0x1f3: {  	v51 =	vnsel vm1, $0x1, v42;
	[tilespmem:$0x2C0] =	vst v49  }
0x1f4: {  	v53 =	vld [tilespmem:$0x2D0];
	v52 =	vsel vm1, v44, v14;
	vm1 =	vgt.s32 v22, v14;
	[tilespmem:$0x3C0] =	vst v51  }
0x1f5: {  	v55 =	vld [tilespmem:$0x3D0];
	[tilespmem:$0x4C0] =	vst v52;
	v54 =	vnsel vm1, $0x0, v46  }
0x1f6: {  	v57 =	vld [tilespmem:$0x4D0];
	v56 =	vnsel vm1, $0x0, v48;
	[tilespmem:$0x5C0] =	vst v54  }
0x1f7: {  	v59 =	vld [tilespmem:$0x5D0];
	v58 =	vnsel vm1, $0x0, v50;
	[tilespmem:$0x6C0] =	vst v56  }
0x1f8: {  	v61 =	vld [tilespmem:$0x6D0];
	v60 =	vsel vm1, $0x3F800000, v18;
	vm1 =	vgt.s32 v23, v15;
	[tilespmem:$0x7C0] =	vst v58  }
0x1f9: {  	v63 =	vld [tilespmem:$0x7D0];
	[tilespmem:$0x8C0] =	vst v60;
	v62 =	vnsel vm1, $0x0, v53  }
0x1fa: {  	v33 =	vld [tilespmem:$0x2E0];
	v32 =	vnsel vm1, $0x1, v55;
	[tilespmem:$0x2D0] =	vst v62  }
0x1fb: {  	v35 =	vld [tilespmem:$0x3E0];
	v34 =	vsel vm1, v57, v15;
	vm1 =	vgt.s32 v22, v15;
	[tilespmem:$0x3D0] =	vst v32  }
0x1fc: {  	v37 =	vld [tilespmem:$0x4E0];
	[tilespmem:$0x4D0] =	vst v34;
	v36 =	vnsel vm1, $0x0, v59  }
0x1fd: {  	v39 =	vld [tilespmem:$0x5E0];
	v38 =	vnsel vm1, $0x0, v61;
	[tilespmem:$0x5D0] =	vst v36  }
0x1fe: {  	v41 =	vld [tilespmem:$0x6E0];
	v40 =	vnsel vm1, $0x0, v63;
	[tilespmem:$0x6D0] =	vst v38  }
0x1ff: {  	v43 =	vld [tilespmem:$0x200];
	v42 =	vsel vm1, $0x3F800000, v18;
	vm1 =	vgt.s32 v23, v16;
	[tilespmem:$0x7D0] =	vst v40  }
0x200: {  	v45 =	vld [tilespmem:$0x7E0];
	[tilespmem:$0x8D0] =	vst v42;
	v44 =	vnsel vm1, $0x0, v33  }
0x201: {  	v46 =	vnsel vm1, $0x1, v35;
	[tilespmem:$0x2E0] =	vst v44  }
0x202: {  	v48 =	vld [tilespmem:$0x2F0];
	v47 =	vsel vm1, v37, v16;
	vm1 =	vgt.s32 v22, v16;
	[tilespmem:$0x3E0] =	vst v46  }
0x203: {  	v50 =	vld [tilespmem:$0x3F0];
	[tilespmem:$0x4E0] =	vst v47;
	v49 =	vnsel vm1, $0x0, v39  }
0x204: {  	v52 =	vld [tilespmem:$0x4F0];
	v51 =	vnsel vm1, $0x0, v41;
	v53 =	vshrl.u32 v43, $0x3;
	[tilespmem:$0x5E0] =	vst v49  }
0x205: {  	v55 =	vld [tilespmem:$0x5F0];
	v54 =	vnsel vm1, $0x0, v45;
	[tilespmem:$0x6E0] =	vst v51;
	v29 =	vmul.u32 $0x30, v53  }
0x206: {  	v56 =	vsel vm1, $0x3F800000, v18;
	vm1 =	vgt.s32 v23, v17;
	v23 =	vld [tilespmem:$0x6F0];
	v30 =	vand.u32 $0x7, v43;
	[tilespmem:$0x7E0] =	vst v54  }
0x207: {  	v59 =	vld [tilespmem:$0x7F0];
	[tilespmem:$0x8E0] =	vst v56;
	v57 =	vnsel vm1, $0x0, v48;
	v58 =	vor.u32 v30, v29  }
0x208: {  	v60 =	vnsel vm1, $0x1, v50;
	[tilespmem:$0x2F0] =	vst v57;
	v61 =	vperm.xlane v58, v19  }
0x209: {  	v62 =	vsel vm1, v52, v17;
	vm1 =	vgt.s32 v22, v17;
	[tilespmem:$0x3F0] =	vst v60  }
0x20a: {  	[tilespmem:$0x4F0] =	vst v62;
	v22 =	vnsel vm1, $0x0, v55;
	v63 =	vadd.s32 v20, v61  }
0x20b: {  	[tilespmem:$0x5F0] =	vst v22;
	v22 =	vnsel vm1, $0x0, v23  }
0x20c: {  	[tilespmem:$0x6F0] =	vst v22;
	v22 =	vnsel vm1, $0x0, v59  }
0x20d: {  	[tilespmem:$0x7F0] =	vst v22;
	v22 =	vsel vm1, $0x3F800000, v18  }
0x20e: {  	s10 =	simm.s32 $0x900;
	[tilespmem:$0x8F0] =	vst v22;
	v22 =	vperm.xlane v58, v21  }
0x20f: {  	[tilespmem:s10], [sflag:$0x1] =	stream.indirect_vreg.gather [hbm4b:s2+s3], $0x80, v63, vm0, $0xb8;
	[tilespmem:$0x18900] =	vst v63  }
0x210: {  	s20 =	simm.s32 $0x1100;
	v22 =	vadd.s32 v20, v22  }
0x211: {  	[tilespmem:s20], [sflag:$0x1] =	stream.indirect_vreg.gather [hbm4b:s5+s3], $0x80, v63, vm0, $0xb8;
	[tilespmem:$0x18900] =	vst v63  }
0x212: {  	_ = 	snop  }
0x213: {  	[tilespmem:s21], [sflag:$0x1] =	stream.indirect_vreg.gather [hbm4b:s6+s3], $0x80, v63, vm0, $0xb8;
	[tilespmem:$0x18900] =	vst v63  }
0x214: {  	_ = 	snop  }
0x215: {  	[tilespmem:s23], [sflag:$0x1] =	stream.indirect_vreg.gather [hbm4b:s2+s3], $0x80, v22, vm0, $0xb8;
	[tilespmem:$0x18900] =	vst v63  }
0x216: {  	_ = 	snop  }
0x217: {  	[tilespmem:s24], [sflag:$0x1] =	stream.indirect_vreg.gather [hbm4b:s5+s3], $0x80, v22, vm0, $0xb8;
	[tilespmem:$0x18900] =	vst v63  }
0x218: {  	_ = 	snop  }
0x219: {  	[tilespmem:s25], [sflag:$0x1] =	stream.indirect_vreg.gather [hbm4b:s6+s3], $0x80, v22, vm0, $0xb8;
	[tilespmem:$0x18900] =	vst v63  }
0x21a: {  	v22 =	vld [tilespmem:$0x210];
	_ =	sdelay $0x4  }
0x21b: {  	v23 =	vshrl.u32 v22, $0x3  }
0x21c: {  	v23 =	vmul.u32 $0x30, v23  }
0x21d: {  	v22 =	vand.u32 $0x7, v22  }
0x21e: {  	v22 =	vor.u32 v22, v23  }
0x21f: {  	v23 =	vperm.xlane v22, v19;
	_ =	sdelay $0x1  }
0x220: {  	v23 =	vadd.s32 v20, v23;
	_ =	sdelay $0x3  }
0x221: {  	v22 =	vperm.xlane v22, v21  }
0x222: {  	[tilespmem:s26], [sflag:$0x1] =	stream.indirect_vreg.gather [hbm4b:s2+s3], $0x80, v23, vm0, $0xb8;
	[tilespmem:$0x18900] =	vst v63  }
0x223: {  	v22 =	vadd.s32 v20, v22  }
0x224: {  	[tilespmem:s29], [sflag:$0x1] =	stream.indirect_vreg.gather [hbm4b:s5+s3], $0x80, v23, vm0, $0xb8;
	[tilespmem:$0x18900] =	vst v63  }
0x225: {  	_ = 	snop  }
0x226: {  	[tilespmem:s30], [sflag:$0x1] =	stream.indirect_vreg.gather [hbm4b:s6+s3], $0x80, v23, vm0, $0xb8;
	[tilespmem:$0x18900] =	vst v63  }
0x227: {  	_ = 	snop  }
0x228: {  	[tilespmem:s31], [sflag:$0x1] =	stream.indirect_vreg.gather [hbm4b:s2+s3], $0x80, v22, vm0, $0xb8;
	[tilespmem:$0x18900] =	vst v63  }
0x229: {  	s7 =	simm.s32 $0x5900  }
0x22a: {  	[tilespmem:s7], [sflag:$0x1] =	stream.indirect_vreg.gather [hbm4b:s5+s3], $0x80, v22, vm0, $0xb8;
	[tilespmem:$0x18900] =	vst v63  }
0x22b: {  	_ = 	snop  }
0x22c: {  	[tilespmem:s15], [sflag:$0x1] =	stream.indirect_vreg.gather [hbm4b:s6+s3], $0x80, v22, vm0, $0xb8;
	[tilespmem:$0x18900] =	vst v63  }
0x22d: {  	v22 =	vld [tilespmem:$0x220];
	_ =	sdelay $0x4  }
0x22e: {  	v23 =	vshrl.u32 v22, $0x3  }
0x22f: {  	v23 =	vmul.u32 $0x30, v23  }
0x230: {  	v22 =	vand.u32 $0x7, v22  }
0x231: {  	v22 =	vor.u32 v22, v23  }
0x232: {  	v23 =	vperm.xlane v22, v19;
	_ =	sdelay $0x1  }
0x233: {  	v23 =	vadd.s32 v20, v23;
	_ =	sdelay $0x3  }
0x234: {  	v22 =	vperm.xlane v22, v21  }
0x235: {  	[tilespmem:s22], [sflag:$0x1] =	stream.indirect_vreg.gather [hbm4b:s2+s3], $0x80, v23, vm0, $0xb8;
	[tilespmem:$0x18900] =	vst v63  }
0x236: {  	v22 =	vadd.s32 v20, v22  }
0x237: {  	[tilespmem:s18], [sflag:$0x1] =	stream.indirect_vreg.gather [hbm4b:s5+s3], $0x80, v23, vm0, $0xb8;
	[tilespmem:$0x18900] =	vst v63  }
0x238: {  	_ = 	snop  }
0x239: {  	[tilespmem:s16], [sflag:$0x1] =	stream.indirect_vreg.gather [hbm4b:s6+s3], $0x80, v23, vm0, $0xb8;
	[tilespmem:$0x18900] =	vst v63  }
0x23a: {  	_ = 	snop  }
0x23b: {  	[tilespmem:s17], [sflag:$0x1] =	stream.indirect_vreg.gather [hbm4b:s2+s3], $0x80, v22, vm0, $0xb8;
	[tilespmem:$0x18900] =	vst v63  }
0x23c: {  	s11 =	simm.s32 $0x8900  }
0x23d: {  	[tilespmem:s11], [sflag:$0x1] =	stream.indirect_vreg.gather [hbm4b:s5+s3], $0x80, v22, vm0, $0xb8;
	[tilespmem:$0x18900] =	vst v63  }
0x23e: {  	s12 =	simm.s32 $0x9100  }
0x23f: {  	[tilespmem:s12], [sflag:$0x1] =	stream.indirect_vreg.gather [hbm4b:s6+s3], $0x80, v22, vm0, $0xb8;
	[tilespmem:$0x18900] =	vst v63  }
0x240: {  	v22 =	vld [tilespmem:$0x230];
	_ =	sdelay $0x4  }
0x241: {  	v23 =	vshrl.u32 v22, $0x3  }
0x242: {  	v23 =	vmul.u32 $0x30, v23  }
0x243: {  	v22 =	vand.u32 $0x7, v22  }
0x244: {  	v22 =	vor.u32 v22, v23  }
0x245: {  	v23 =	vperm.xlane v22, v19;
	_ =	sdelay $0x1  }
0x246: {  	v23 =	vadd.s32 v20, v23;
	_ =	sdelay $0x3  }
0x247: {  	s19 =	simm.s32 $0x9900;
	v22 =	vperm.xlane v22, v21  }
0x248: {  	[tilespmem:s19], [sflag:$0x1] =	stream.indirect_vreg.gather [hbm4b:s2+s3], $0x80, v23, vm0, $0xb8;
	[tilespmem:$0x18900] =	vst v63  }
0x249: {  	s11 =	simm.s32 $0xA100;
	v22 =	vadd.s32 v20, v22  }
0x24a: {  	[tilespmem:s11], [sflag:$0x1] =	stream.indirect_vreg.gather [hbm4b:s5+s3], $0x80, v23, vm0, $0xb8;
	[tilespmem:$0x18900] =	vst v63  }
0x24b: {  	s12 =	simm.s32 $0xA900  }
0x24c: {  	[tilespmem:s12], [sflag:$0x1] =	stream.indirect_vreg.gather [hbm4b:s6+s3], $0x80, v23, vm0, $0xb8;
	[tilespmem:$0x18900] =	vst v63  }
0x24d: {  	s1 =	simm.s32 $0xB100  }
0x24e: {  	[tilespmem:s1], [sflag:$0x1] =	stream.indirect_vreg.gather [hbm4b:s2+s3], $0x80, v22, vm0, $0xb8;
	[tilespmem:$0x18900] =	vst v63  }
0x24f: {  	_ = 	snop  }
0x250: {  	[tilespmem:s14], [sflag:$0x1] =	stream.indirect_vreg.gather [hbm4b:s5+s3], $0x80, v22, vm0, $0xb8;
	[tilespmem:$0x18900] =	vst v63  }
0x251: {  	_ = 	snop  }
0x252: {  	[tilespmem:s28], [sflag:$0x1] =	stream.indirect_vreg.gather [hbm4b:s6+s3], $0x80, v22, vm0, $0xb8;
	[tilespmem:$0x18900] =	vst v63  }
0x253: {  	v22 =	vld [tilespmem:$0x240];
	_ =	sdelay $0x4  }
0x254: {  	v23 =	vshrl.u32 v22, $0x3  }
0x255: {  	v23 =	vmul.u32 $0x30, v23  }
0x256: {  	v22 =	vand.u32 $0x7, v22  }
0x257: {  	v22 =	vor.u32 v22, v23  }
0x258: {  	v23 =	vperm.xlane v22, v19;
	_ =	sdelay $0x1  }
0x259: {  	v23 =	vadd.s32 v20, v23;
	_ =	sdelay $0x3  }
0x25a: {  	s0 =	simm.s32 $0xC900;
	v22 =	vperm.xlane v22, v21  }
0x25b: {  	[tilespmem:s0], [sflag:$0x1] =	stream.indirect_vreg.gather [hbm4b:s2+s3], $0x80, v23, vm0, $0xb8;
	[tilespmem:$0x18900] =	vst v63  }
0x25c: {  	s9 =	simm.s32 $0xD100;
	v22 =	vadd.s32 v20, v22  }
0x25d: {  	[tilespmem:s9], [sflag:$0x1] =	stream.indirect_vreg.gather [hbm4b:s5+s3], $0x80, v23, vm0, $0xb8;
	[tilespmem:$0x18900] =	vst v63  }
0x25e: {  	s10 =	simm.s32 $0xD900  }
0x25f: {  	[tilespmem:s10], [sflag:$0x1] =	stream.indirect_vreg.gather [hbm4b:s6+s3], $0x80, v23, vm0, $0xb8;
	[tilespmem:$0x18900] =	vst v63  }
0x260: {  	s19 =	simm.s32 $0xE100  }
0x261: {  	[tilespmem:s19], [sflag:$0x1] =	stream.indirect_vreg.gather [hbm4b:s2+s3], $0x80, v22, vm0, $0xb8;
	[tilespmem:$0x18900] =	vst v63  }
0x262: {  	s9 =	simm.s32 $0xE900  }
0x263: {  	[tilespmem:s9], [sflag:$0x1] =	stream.indirect_vreg.gather [hbm4b:s5+s3], $0x80, v22, vm0, $0xb8;
	[tilespmem:$0x18900] =	vst v63  }
0x264: {  	s10 =	simm.s32 $0xF100  }
0x265: {  	[tilespmem:s10], [sflag:$0x1] =	stream.indirect_vreg.gather [hbm4b:s6+s3], $0x80, v22, vm0, $0xb8;
	[tilespmem:$0x18900] =	vst v63  }
0x266: {  	v22 =	vld [tilespmem:$0x250];
	_ =	sdelay $0x4  }
0x267: {  	v23 =	vshrl.u32 v22, $0x3  }
0x268: {  	v23 =	vmul.u32 $0x30, v23  }
0x269: {  	v22 =	vand.u32 $0x7, v22  }
0x26a: {  	v22 =	vor.u32 v22, v23  }
0x26b: {  	v23 =	vperm.xlane v22, v19;
	_ =	sdelay $0x1  }
0x26c: {  	v23 =	vadd.s32 v20, v23;
	_ =	sdelay $0x3  }
0x26d: {  	s19 =	simm.s32 $0xF900;
	v22 =	vperm.xlane v22, v21  }
0x26e: {  	[tilespmem:s19], [sflag:$0x1] =	stream.indirect_vreg.gather [hbm4b:s2+s3], $0x80, v23, vm0, $0xb8;
	[tilespmem:$0x18900] =	vst v63  }
0x26f: {  	s9 =	simm.s32 $0x10100;
	v22 =	vadd.s32 v20, v22  }
0x270: {  	[tilespmem:s9], [sflag:$0x1] =	stream.indirect_vreg.gather [hbm4b:s5+s3], $0x80, v23, vm0, $0xb8;
	[tilespmem:$0x18900] =	vst v63  }
0x271: {  	s10 =	simm.s32 $0x10900  }
0x272: {  	[tilespmem:s10], [sflag:$0x1] =	stream.indirect_vreg.gather [hbm4b:s6+s3], $0x80, v23, vm0, $0xb8;
	[tilespmem:$0x18900] =	vst v63  }
0x273: {  	s19 =	simm.s32 $0x11100  }
0x274: {  	[tilespmem:s19], [sflag:$0x1] =	stream.indirect_vreg.gather [hbm4b:s2+s3], $0x80, v22, vm0, $0xb8;
	[tilespmem:$0x18900] =	vst v63  }
0x275: {  	s9 =	simm.s32 $0x11900  }
0x276: {  	[tilespmem:s9], [sflag:$0x1] =	stream.indirect_vreg.gather [hbm4b:s5+s3], $0x80, v22, vm0, $0xb8;
	[tilespmem:$0x18900] =	vst v63  }
0x277: {  	s10 =	simm.s32 $0x12100  }
0x278: {  	[tilespmem:s10], [sflag:$0x1] =	stream.indirect_vreg.gather [hbm4b:s6+s3], $0x80, v22, vm0, $0xb8;
	[tilespmem:$0x18900] =	vst v63  }
0x279: {  	v22 =	vld [tilespmem:$0x260];
	_ =	sdelay $0x4  }
0x27a: {  	v23 =	vshrl.u32 v22, $0x3  }
0x27b: {  	v23 =	vmul.u32 $0x30, v23  }
0x27c: {  	v22 =	vand.u32 $0x7, v22  }
0x27d: {  	v22 =	vor.u32 v22, v23  }
0x27e: {  	v23 =	vperm.xlane v22, v19;
	_ =	sdelay $0x1  }
0x27f: {  	v23 =	vadd.s32 v20, v23;
	_ =	sdelay $0x3  }
0x280: {  	s1 =	simm.s32 $0x12900;
	v22 =	vperm.xlane v22, v21  }
0x281: {  	[tilespmem:s1], [sflag:$0x1] =	stream.indirect_vreg.gather [hbm4b:s2+s3], $0x80, v23, vm0, $0xb8;
	[tilespmem:$0x18900] =	vst v63  }
0x282: {  	s19 =	simm.s32 $0x13100;
	v22 =	vadd.s32 v20, v22  }
0x283: {  	[tilespmem:s19], [sflag:$0x1] =	stream.indirect_vreg.gather [hbm4b:s5+s3], $0x80, v23, vm0, $0xb8;
	[tilespmem:$0x18900] =	vst v63  }
0x284: {  	s10 =	simm.s32 $0x13900  }
0x285: {  	[tilespmem:s10], [sflag:$0x1] =	stream.indirect_vreg.gather [hbm4b:s6+s3], $0x80, v23, vm0, $0xb8;
	[tilespmem:$0x18900] =	vst v63  }
0x286: {  	s19 =	simm.s32 $0x14100  }
0x287: {  	[tilespmem:s19], [sflag:$0x1] =	stream.indirect_vreg.gather [hbm4b:s2+s3], $0x80, v22, vm0, $0xb8;
	[tilespmem:$0x18900] =	vst v63  }
0x288: {  	s10 =	simm.s32 $0x14900  }
0x289: {  	[tilespmem:s10], [sflag:$0x1] =	stream.indirect_vreg.gather [hbm4b:s5+s3], $0x80, v22, vm0, $0xb8;
	[tilespmem:$0x18900] =	vst v63  }
0x28a: {  	s19 =	simm.s32 $0x15100  }
0x28b: {  	[tilespmem:s19], [sflag:$0x1] =	stream.indirect_vreg.gather [hbm4b:s6+s3], $0x80, v22, vm0, $0xb8;
	[tilespmem:$0x18900] =	vst v63  }
0x28c: {  	v22 =	vld [tilespmem:$0x270];
	_ =	sdelay $0x4  }
0x28d: {  	v23 =	vshrl.u32 v22, $0x3  }
0x28e: {  	v23 =	vmul.u32 $0x30, v23  }
0x28f: {  	v22 =	vand.u32 $0x7, v22  }
0x290: {  	v22 =	vor.u32 v22, v23  }
0x291: {  	v23 =	vperm.xlane v22, v19;
	_ =	sdelay $0x1  }
0x292: {  	v23 =	vadd.s32 v20, v23;
	_ =	sdelay $0x3  }
0x293: {  	s10 =	simm.s32 $0x15900;
	v22 =	vperm.xlane v22, v21  }
0x294: {  	[tilespmem:s10], [sflag:$0x1] =	stream.indirect_vreg.gather [hbm4b:s2+s3], $0x80, v23, vm0, $0xb8;
	[tilespmem:$0x18900] =	vst v63  }
0x295: {  	s19 =	simm.s32 $0x16100;
	v22 =	vadd.s32 v20, v22  }
0x296: {  	[tilespmem:s19], [sflag:$0x1] =	stream.indirect_vreg.gather [hbm4b:s5+s3], $0x80, v23, vm0, $0xb8;
	[tilespmem:$0x18900] =	vst v63  }
0x297: {  	s10 =	simm.s32 $0x16900  }
0x298: {  	[tilespmem:s10], [sflag:$0x1] =	stream.indirect_vreg.gather [hbm4b:s6+s3], $0x80, v23, vm0, $0xb8;
	[tilespmem:$0x18900] =	vst v63  }
0x299: {  	s19 =	simm.s32 $0x17100  }
0x29a: {  	[tilespmem:s19], [sflag:$0x1] =	stream.indirect_vreg.gather [hbm4b:s2+s3], $0x80, v22, vm0, $0xb8;
	[tilespmem:$0x18900] =	vst v63  }
0x29b: {  	s10 =	simm.s32 $0x17900  }
0x29c: {  	[tilespmem:s10], [sflag:$0x1] =	stream.indirect_vreg.gather [hbm4b:s5+s3], $0x80, v22, vm0, $0xb8;
	[tilespmem:$0x18900] =	vst v63  }
0x29d: {  	s19 =	simm.s32 $0x18100  }
0x29e: {  	[tilespmem:s19], [sflag:$0x1] =	stream.indirect_vreg.gather [hbm4b:s6+s3], $0x80, v22, vm0, $0xb8;
	[tilespmem:$0x18900] =	vst v63  }
0x29f: {  	_ =	swait.ge [sflag:s13], $0x6000  }
0x2a0: {  	[sflag:s13] =	ssyncset.done $0x0  }
0x2a1: {  	s10 =	simm.s32 $0x900;
	s9 =	rddreg [dreg:$0x16];
	[sflag:s13] =	ssyncadd.s32 $0xFFFFA000  }
0x2a2: {  	[hbm4b:s9+s3] =	stream.linear.scatter [tilespmem:s10], [sflag:$0x2], $0x6000, $0x38;
	[tilespmem:$0x18900] =	vst v63  }
0x2a3: {  	s9 =	simm.s32 $0x2  }
0x2a4: {  	_ =	swait.ge [sflag:s9], $0x6000  }
0x2a5: {  	[sflag:s9] =	ssyncset.done $0x0  }
0x2a6: {  	[sflag:s9] =	ssyncadd.s32 $0xFFFFA000  }
0x2a7: {  	v22 =	vld [tilespmem:$0x280];
	_ =	sdelay $0x4  }
0x2a8: {  	v23 =	vshrl.u32 v22, $0x3  }
0x2a9: {  	v23 =	vmul.u32 $0x30, v23  }
0x2aa: {  	v22 =	vand.u32 $0x7, v22  }
0x2ab: {  	v22 =	vor.u32 v22, v23  }
0x2ac: {  	v23 =	vperm.xlane v22, v19;
	_ =	sdelay $0x1  }
0x2ad: {  	v23 =	vadd.s32 v20, v23;
	_ =	sdelay $0x3  }
0x2ae: {  	v22 =	vperm.xlane v22, v21  }
0x2af: {  	[tilespmem:s10], [sflag:$0x1] =	stream.indirect_vreg.gather [hbm4b:s2+s3], $0x80, v23, vm0, $0xb8;
	[tilespmem:$0x18900] =	vst v63  }
0x2b0: {  	v22 =	vadd.s32 v20, v22  }
0x2b1: {  	[tilespmem:s20], [sflag:$0x1] =	stream.indirect_vreg.gather [hbm4b:s5+s3], $0x80, v23, vm0, $0xb8;
	[tilespmem:$0x18900] =	vst v63  }
0x2b2: {  	_ = 	snop  }
0x2b3: {  	[tilespmem:s21], [sflag:$0x1] =	stream.indirect_vreg.gather [hbm4b:s6+s3], $0x80, v23, vm0, $0xb8;
	[tilespmem:$0x18900] =	vst v63  }
0x2b4: {  	_ = 	snop  }
0x2b5: {  	[tilespmem:s23], [sflag:$0x1] =	stream.indirect_vreg.gather [hbm4b:s2+s3], $0x80, v22, vm0, $0xb8;
	[tilespmem:$0x18900] =	vst v63  }
0x2b6: {  	_ = 	snop  }
0x2b7: {  	[tilespmem:s24], [sflag:$0x1] =	stream.indirect_vreg.gather [hbm4b:s5+s3], $0x80, v22, vm0, $0xb8;
	[tilespmem:$0x18900] =	vst v63  }
0x2b8: {  	_ = 	snop  }
0x2b9: {  	[tilespmem:s25], [sflag:$0x1] =	stream.indirect_vreg.gather [hbm4b:s6+s3], $0x80, v22, vm0, $0xb8;
	[tilespmem:$0x18900] =	vst v63  }
0x2ba: {  	v22 =	vld [tilespmem:$0x290];
	_ =	sdelay $0x4  }
0x2bb: {  	v23 =	vshrl.u32 v22, $0x3  }
0x2bc: {  	v23 =	vmul.u32 $0x30, v23  }
0x2bd: {  	v22 =	vand.u32 $0x7, v22  }
0x2be: {  	v22 =	vor.u32 v22, v23  }
0x2bf: {  	v23 =	vperm.xlane v22, v19;
	_ =	sdelay $0x1  }
0x2c0: {  	v23 =	vadd.s32 v20, v23;
	_ =	sdelay $0x3  }
0x2c1: {  	v22 =	vperm.xlane v22, v21  }
0x2c2: {  	[tilespmem:s26], [sflag:$0x1] =	stream.indirect_vreg.gather [hbm4b:s2+s3], $0x80, v23, vm0, $0xb8;
	[tilespmem:$0x18900] =	vst v63  }
0x2c3: {  	v22 =	vadd.s32 v20, v22  }
0x2c4: {  	[tilespmem:s29], [sflag:$0x1] =	stream.indirect_vreg.gather [hbm4b:s5+s3], $0x80, v23, vm0, $0xb8;
	[tilespmem:$0x18900] =	vst v63  }
0x2c5: {  	_ = 	snop  }
0x2c6: {  	[tilespmem:s30], [sflag:$0x1] =	stream.indirect_vreg.gather [hbm4b:s6+s3], $0x80, v23, vm0, $0xb8;
	[tilespmem:$0x18900] =	vst v63  }
0x2c7: {  	_ = 	snop  }
0x2c8: {  	[tilespmem:s31], [sflag:$0x1] =	stream.indirect_vreg.gather [hbm4b:s2+s3], $0x80, v22, vm0, $0xb8;
	[tilespmem:$0x18900] =	vst v63  }
0x2c9: {  	_ = 	snop  }
0x2ca: {  	[tilespmem:s7], [sflag:$0x1] =	stream.indirect_vreg.gather [hbm4b:s5+s3], $0x80, v22, vm0, $0xb8;
	[tilespmem:$0x18900] =	vst v63  }
0x2cb: {  	_ = 	snop  }
0x2cc: {  	[tilespmem:s15], [sflag:$0x1] =	stream.indirect_vreg.gather [hbm4b:s6+s3], $0x80, v22, vm0, $0xb8;
	[tilespmem:$0x18900] =	vst v63  }
0x2cd: {  	_ =	swait.ge [sflag:s13], $0x6000  }
0x2ce: {  	[sflag:s13] =	ssyncset.done $0x0  }
0x2cf: {  	s7 =	simm.s32 $0x3;
	s10 =	rddreg [dreg:$0x5];
	[sflag:s13] =	ssyncadd.s32 $0xFFFFA000  }
0x2d0: {  	[hbm4b:s10+s3] =	stream.linear.scatter [tilespmem:s22], [sflag:$0x3], $0x6000, $0x38;
	[tilespmem:$0x18900] =	vst v63  }
0x2d1: {  	_ =	swait.ge [sflag:s7], $0x6000  }
0x2d2: {  	[sflag:s7] =	ssyncset.done $0x0  }
0x2d3: {  	[sflag:s7] =	ssyncadd.s32 $0xFFFFA000  }
0x2d4: {  	v22 =	vld [tilespmem:$0x2A0];
	_ =	sdelay $0x4  }
0x2d5: {  	v23 =	vshrl.u32 v22, $0x3  }
0x2d6: {  	v23 =	vmul.u32 $0x30, v23  }
0x2d7: {  	v22 =	vand.u32 $0x7, v22  }
0x2d8: {  	v22 =	vor.u32 v22, v23  }
0x2d9: {  	v23 =	vperm.xlane v22, v19;
	_ =	sdelay $0x1  }
0x2da: {  	v23 =	vadd.s32 v20, v23;
	_ =	sdelay $0x3  }
0x2db: {  	v22 =	vperm.xlane v22, v21  }
0x2dc: {  	[tilespmem:s22], [sflag:$0x1] =	stream.indirect_vreg.gather [hbm4b:s2+s3], $0x80, v23, vm0, $0xb8;
	[tilespmem:$0x18900] =	vst v63  }
0x2dd: {  	v22 =	vadd.s32 v20, v22  }
0x2de: {  	[tilespmem:s18], [sflag:$0x1] =	stream.indirect_vreg.gather [hbm4b:s5+s3], $0x80, v23, vm0, $0xb8;
	[tilespmem:$0x18900] =	vst v63  }
0x2df: {  	_ = 	snop  }
0x2e0: {  	[tilespmem:s16], [sflag:$0x1] =	stream.indirect_vreg.gather [hbm4b:s6+s3], $0x80, v23, vm0, $0xb8;
	[tilespmem:$0x18900] =	vst v63  }
0x2e1: {  	_ = 	snop  }
0x2e2: {  	[tilespmem:s17], [sflag:$0x1] =	stream.indirect_vreg.gather [hbm4b:s2+s3], $0x80, v22, vm0, $0xb8;
	[tilespmem:$0x18900] =	vst v63  }
0x2e3: {  	s20 =	simm.s32 $0x8900  }
0x2e4: {  	[tilespmem:s20], [sflag:$0x1] =	stream.indirect_vreg.gather [hbm4b:s5+s3], $0x80, v22, vm0, $0xb8;
	[tilespmem:$0x18900] =	vst v63  }
0x2e5: {  	s19 =	simm.s32 $0x9100  }
0x2e6: {  	[tilespmem:s19], [sflag:$0x1] =	stream.indirect_vreg.gather [hbm4b:s6+s3], $0x80, v22, vm0, $0xb8;
	[tilespmem:$0x18900] =	vst v63  }
0x2e7: {  	v22 =	vld [tilespmem:$0x2B0];
	_ =	sdelay $0x4  }
0x2e8: {  	v23 =	vshrl.u32 v22, $0x3  }
0x2e9: {  	v23 =	vmul.u32 $0x30, v23  }
0x2ea: {  	v22 =	vand.u32 $0x7, v22  }
0x2eb: {  	v22 =	vor.u32 v22, v23  }
0x2ec: {  	v23 =	vperm.xlane v22, v19;
	_ =	sdelay $0x1  }
0x2ed: {  	v23 =	vadd.s32 v20, v23;
	_ =	sdelay $0x3  }
0x2ee: {  	s20 =	simm.s32 $0x9900;
	v22 =	vperm.xlane v22, v21  }
0x2ef: {  	[tilespmem:s20], [sflag:$0x1] =	stream.indirect_vreg.gather [hbm4b:s2+s3], $0x80, v23, vm0, $0xb8;
	[tilespmem:$0x18900] =	vst v63  }
0x2f0: {  	v22 =	vadd.s32 v20, v22  }
0x2f1: {  	[tilespmem:s11], [sflag:$0x1] =	stream.indirect_vreg.gather [hbm4b:s5+s3], $0x80, v23, vm0, $0xb8;
	[tilespmem:$0x18900] =	vst v63  }
0x2f2: {  	_ = 	snop  }
0x2f3: {  	[tilespmem:s12], [sflag:$0x1] =	stream.indirect_vreg.gather [hbm4b:s6+s3], $0x80, v23, vm0, $0xb8;
	[tilespmem:$0x18900] =	vst v63  }
0x2f4: {  	s11 =	simm.s32 $0xB100  }
0x2f5: {  	[tilespmem:s11], [sflag:$0x1] =	stream.indirect_vreg.gather [hbm4b:s2+s3], $0x80, v22, vm0, $0xb8;
	[tilespmem:$0x18900] =	vst v63  }
0x2f6: {  	_ = 	snop  }
0x2f7: {  	[tilespmem:s14], [sflag:$0x1] =	stream.indirect_vreg.gather [hbm4b:s5+s3], $0x80, v22, vm0, $0xb8;
	[tilespmem:$0x18900] =	vst v63  }
0x2f8: {  	_ = 	snop  }
0x2f9: {  	[tilespmem:s28], [sflag:$0x1] =	stream.indirect_vreg.gather [hbm4b:s6+s3], $0x80, v22, vm0, $0xb8;
	[tilespmem:$0x18900] =	vst v63  }
0x2fa: {  	_ =	swait.ge [sflag:s13], $0x6000  }
0x2fb: {  	[sflag:s13] =	ssyncset.done $0x0  }
0x2fc: {  	s11 =	simm.s32 $0x4;
	s12 =	rddreg [dreg:$0x6];
	[sflag:s13] =	ssyncadd.s32 $0xFFFFA000  }
0x2fd: {  	[hbm4b:s12+s3] =	stream.linear.scatter [tilespmem:s0], [sflag:$0x4], $0x6000, $0x38;
	[tilespmem:$0x18900] =	vst v63  }
0x2fe: {  	_ =	swait.ge [sflag:s11], $0x6000  }
0x2ff: {  	[sflag:s11] =	ssyncset.done $0x0  }
0x300: {  	[sflag:s11] =	ssyncadd.s32 $0xFFFFA000  }
0x301: {  	v22 =	vld [tilespmem:$0x2C0];
	_ =	sdelay $0x4  }
0x302: {  	v23 =	vshrl.u32 v22, $0x3  }
0x303: {  	v23 =	vmul.u32 $0x30, v23  }
0x304: {  	v22 =	vand.u32 $0x7, v22  }
0x305: {  	v22 =	vor.u32 v22, v23  }
0x306: {  	v23 =	vperm.xlane v22, v19;
	_ =	sdelay $0x1  }
0x307: {  	v23 =	vadd.s32 v20, v23;
	_ =	sdelay $0x3  }
0x308: {  	v22 =	vperm.xlane v22, v21  }
0x309: {  	[tilespmem:s0], [sflag:$0x1] =	stream.indirect_vreg.gather [hbm4b:s2+s3], $0x80, v23, vm0, $0xb8;
	[tilespmem:$0x18900] =	vst v63  }
0x30a: {  	s19 =	simm.s32 $0xD100;
	v22 =	vadd.s32 v20, v22  }
0x30b: {  	[tilespmem:s19], [sflag:$0x1] =	stream.indirect_vreg.gather [hbm4b:s5+s3], $0x80, v23, vm0, $0xb8;
	[tilespmem:$0x18900] =	vst v63  }
0x30c: {  	s20 =	simm.s32 $0xD900  }
0x30d: {  	[tilespmem:s20], [sflag:$0x1] =	stream.indirect_vreg.gather [hbm4b:s6+s3], $0x80, v23, vm0, $0xb8;
	[tilespmem:$0x18900] =	vst v63  }
0x30e: {  	s12 =	simm.s32 $0xE100  }
0x30f: {  	[tilespmem:s12], [sflag:$0x1] =	stream.indirect_vreg.gather [hbm4b:s2+s3], $0x80, v22, vm0, $0xb8;
	[tilespmem:$0x18900] =	vst v63  }
0x310: {  	s19 =	simm.s32 $0xE900  }
0x311: {  	[tilespmem:s19], [sflag:$0x1] =	stream.indirect_vreg.gather [hbm4b:s5+s3], $0x80, v22, vm0, $0xb8;
	[tilespmem:$0x18900] =	vst v63  }
0x312: {  	s20 =	simm.s32 $0xF100  }
0x313: {  	[tilespmem:s20], [sflag:$0x1] =	stream.indirect_vreg.gather [hbm4b:s6+s3], $0x80, v22, vm0, $0xb8;
	[tilespmem:$0x18900] =	vst v63  }
0x314: {  	v22 =	vld [tilespmem:$0x2D0];
	_ =	sdelay $0x4  }
0x315: {  	v23 =	vshrl.u32 v22, $0x3  }
0x316: {  	v23 =	vmul.u32 $0x30, v23  }
0x317: {  	v22 =	vand.u32 $0x7, v22  }
0x318: {  	v22 =	vor.u32 v22, v23  }
0x319: {  	v23 =	vperm.xlane v22, v19;
	_ =	sdelay $0x1  }
0x31a: {  	v23 =	vadd.s32 v20, v23;
	_ =	sdelay $0x3  }
0x31b: {  	s12 =	simm.s32 $0xF900;
	v22 =	vperm.xlane v22, v21  }
0x31c: {  	[tilespmem:s12], [sflag:$0x1] =	stream.indirect_vreg.gather [hbm4b:s2+s3], $0x80, v23, vm0, $0xb8;
	[tilespmem:$0x18900] =	vst v63  }
0x31d: {  	s19 =	simm.s32 $0x10100;
	v22 =	vadd.s32 v20, v22  }
0x31e: {  	[tilespmem:s19], [sflag:$0x1] =	stream.indirect_vreg.gather [hbm4b:s5+s3], $0x80, v23, vm0, $0xb8;
	[tilespmem:$0x18900] =	vst v63  }
0x31f: {  	s20 =	simm.s32 $0x10900  }
0x320: {  	[tilespmem:s20], [sflag:$0x1] =	stream.indirect_vreg.gather [hbm4b:s6+s3], $0x80, v23, vm0, $0xb8;
	[tilespmem:$0x18900] =	vst v63  }
0x321: {  	s12 =	simm.s32 $0x11100  }
0x322: {  	[tilespmem:s12], [sflag:$0x1] =	stream.indirect_vreg.gather [hbm4b:s2+s3], $0x80, v22, vm0, $0xb8;
	[tilespmem:$0x18900] =	vst v63  }
0x323: {  	s19 =	simm.s32 $0x11900  }
0x324: {  	[tilespmem:s19], [sflag:$0x1] =	stream.indirect_vreg.gather [hbm4b:s5+s3], $0x80, v22, vm0, $0xb8;
	[tilespmem:$0x18900] =	vst v63  }
0x325: {  	s20 =	simm.s32 $0x12100  }
0x326: {  	[tilespmem:s20], [sflag:$0x1] =	stream.indirect_vreg.gather [hbm4b:s6+s3], $0x80, v22, vm0, $0xb8;
	[tilespmem:$0x18900] =	vst v63  }
0x327: {  	_ =	swait.ge [sflag:s13], $0x6000  }
0x328: {  	[sflag:s13] =	ssyncset.done $0x0  }
0x329: {  	s12 =	rddreg [dreg:$0x7];
	[sflag:s13] =	ssyncadd.s32 $0xFFFFA000  }
0x32a: {  	[hbm4b:s12+s3] =	stream.linear.scatter [tilespmem:s1], [sflag:$0x2], $0x6000, $0x38;
	[tilespmem:$0x18900] =	vst v63  }
0x32b: {  	_ =	swait.ge [sflag:s9], $0x6000  }
0x32c: {  	[sflag:s9] =	ssyncset.done $0x0  }
0x32d: {  	[sflag:s9] =	ssyncadd.s32 $0xFFFFA000  }
0x32e: {  	v22 =	vld [tilespmem:$0x2E0];
	_ =	sdelay $0x4  }
0x32f: {  	v23 =	vshrl.u32 v22, $0x3  }
0x330: {  	v23 =	vmul.u32 $0x30, v23  }
0x331: {  	v22 =	vand.u32 $0x7, v22  }
0x332: {  	v22 =	vor.u32 v22, v23  }
0x333: {  	v23 =	vperm.xlane v22, v19;
	_ =	sdelay $0x1  }
0x334: {  	v23 =	vadd.s32 v20, v23;
	_ =	sdelay $0x3  }
0x335: {  	v22 =	vperm.xlane v22, v21  }
0x336: {  	[tilespmem:s1], [sflag:$0x1] =	stream.indirect_vreg.gather [hbm4b:s2+s3], $0x80, v23, vm0, $0xb8;
	[tilespmem:$0x18900] =	vst v63  }
0x337: {  	s19 =	simm.s32 $0x13100;
	v22 =	vadd.s32 v20, v22  }
0x338: {  	[tilespmem:s19], [sflag:$0x1] =	stream.indirect_vreg.gather [hbm4b:s5+s3], $0x80, v23, vm0, $0xb8;
	[tilespmem:$0x18900] =	vst v63  }
0x339: {  	s20 =	simm.s32 $0x13900  }
0x33a: {  	[tilespmem:s20], [sflag:$0x1] =	stream.indirect_vreg.gather [hbm4b:s6+s3], $0x80, v23, vm0, $0xb8;
	[tilespmem:$0x18900] =	vst v63  }
0x33b: {  	s12 =	simm.s32 $0x14100  }
0x33c: {  	[tilespmem:s12], [sflag:$0x1] =	stream.indirect_vreg.gather [hbm4b:s2+s3], $0x80, v22, vm0, $0xb8;
	[tilespmem:$0x18900] =	vst v63  }
0x33d: {  	s19 =	simm.s32 $0x14900  }
0x33e: {  	[tilespmem:s19], [sflag:$0x1] =	stream.indirect_vreg.gather [hbm4b:s5+s3], $0x80, v22, vm0, $0xb8;
	[tilespmem:$0x18900] =	vst v63  }
0x33f: {  	s20 =	simm.s32 $0x15100  }
0x340: {  	[tilespmem:s20], [sflag:$0x1] =	stream.indirect_vreg.gather [hbm4b:s6+s3], $0x80, v22, vm0, $0xb8;
	[tilespmem:$0x18900] =	vst v63  }
0x341: {  	v22 =	vld [tilespmem:$0x2F0];
	_ =	sdelay $0x4  }
0x342: {  	v23 =	vshrl.u32 v22, $0x3  }
0x343: {  	v23 =	vmul.u32 $0x30, v23  }
0x344: {  	v22 =	vand.u32 $0x7, v22  }
0x345: {  	v22 =	vor.u32 v22, v23  }
0x346: {  	v23 =	vperm.xlane v22, v19;
	_ =	sdelay $0x1  }
0x347: {  	v23 =	vadd.s32 v20, v23;
	_ =	sdelay $0x3  }
0x348: {  	s12 =	simm.s32 $0x15900;
	v22 =	vperm.xlane v22, v21  }
0x349: {  	[tilespmem:s12], [sflag:$0x1] =	stream.indirect_vreg.gather [hbm4b:s2+s3], $0x80, v23, vm0, $0xb8;
	[tilespmem:$0x18900] =	vst v63  }
0x34a: {  	s19 =	simm.s32 $0x16100;
	v22 =	vadd.s32 v20, v22  }
0x34b: {  	[tilespmem:s19], [sflag:$0x1] =	stream.indirect_vreg.gather [hbm4b:s5+s3], $0x80, v23, vm0, $0xb8;
	[tilespmem:$0x18900] =	vst v63  }
0x34c: {  	s20 =	simm.s32 $0x16900  }
0x34d: {  	[tilespmem:s20], [sflag:$0x1] =	stream.indirect_vreg.gather [hbm4b:s6+s3], $0x80, v23, vm0, $0xb8;
	[tilespmem:$0x18900] =	vst v63  }
0x34e: {  	s12 =	simm.s32 $0x17100  }
0x34f: {  	[tilespmem:s12], [sflag:$0x1] =	stream.indirect_vreg.gather [hbm4b:s2+s3], $0x80, v22, vm0, $0xb8;
	[tilespmem:$0x18900] =	vst v63  }
0x350: {  	s19 =	simm.s32 $0x17900  }
0x351: {  	[tilespmem:s19], [sflag:$0x1] =	stream.indirect_vreg.gather [hbm4b:s5+s3], $0x80, v22, vm0, $0xb8;
	[tilespmem:$0x18900] =	vst v63  }
0x352: {  	s20 =	simm.s32 $0x18100  }
0x353: {  	[tilespmem:s20], [sflag:$0x1] =	stream.indirect_vreg.gather [hbm4b:s6+s3], $0x80, v22, vm0, $0xb8;
	[tilespmem:$0x18900] =	vst v63  }
0x354: {  	_ =	swait.ge [sflag:s13], $0x6000  }
0x355: {  	[sflag:s13] =	ssyncset.done $0x0  }
0x356: {  	s20 =	simm.s32 $0x900;
	s12 =	rddreg [dreg:$0x8];
	[sflag:s13] =	ssyncadd.s32 $0xFFFFA000  }
0x357: {  	[hbm4b:s12+s3] =	stream.linear.scatter [tilespmem:s20], [sflag:$0x2], $0x6000, $0x38;
	[tilespmem:$0x18900] =	vst v63  }
0x358: {  	_ =	swait.ge [sflag:s13], $0x6000  }
0x359: {  	[sflag:s13] =	ssyncset.done $0x0  }
0x35a: {  	s12 =	rddreg [dreg:$0x9];
	[sflag:s13] =	ssyncadd.s32 $0xFFFFA000  }
0x35b: {  	[hbm4b:s12+s3] =	stream.linear.scatter [tilespmem:s22], [sflag:$0x3], $0x6000, $0x38;
	[tilespmem:$0x18900] =	vst v63  }
0x35c: {  	_ =	swait.ge [sflag:s13], $0x6000  }
0x35d: {  	[sflag:s13] =	ssyncset.done $0x0  }
0x35e: {  	s20 =	rddreg [dreg:$0xa];
	[sflag:s13] =	ssyncadd.s32 $0xFFFFA000  }
0x35f: {  	[hbm4b:s20+s3] =	stream.linear.scatter [tilespmem:s0], [sflag:$0x4], $0x6000, $0x38;
	[tilespmem:$0x18900] =	vst v63  }
0x360: {  	_ =	swait.ge [sflag:s13], $0x6000  }
0x361: {  	[sflag:s13] =	ssyncset.done $0x0  }
0x362: {  	s10 =	rddreg [dreg:$0xb];
	[sflag:s13] =	ssyncadd.s32 $0xFFFFA000  }
0x363: {  	[hbm4b:s10+s3] =	stream.linear.scatter [tilespmem:s1], [sflag:$0x2], $0x6000, $0x38;
	[tilespmem:$0x18900] =	vst v63  }
0x364: {  	s19 =	simm.s32 $0x200;
	s12 =	rddreg [dreg:$0xc]  }
0x365: {  	[hbm4b:s12+s3] =	stream.linear.scatter [tilespmem:s19], [sflag:$0x5], $0x100, $0x38;
	[tilespmem:$0x18900] =	vst v63  }
0x366: {  	_ =	swait.ge [sflag:s8], $0x100  }
0x367: {  	[sflag:s8] =	ssyncset.done $0x0  }
0x368: {  	s10 =	simm.s32 $0x300;
	s1 =	rddreg [dreg:$0xd];
	[sflag:s8] =	ssyncadd.s32 $0xFFFFFF00  }
0x369: {  	[hbm4b:s1+s3] =	stream.linear.scatter [tilespmem:s10], [sflag:$0x5], $0x100, $0x38;
	[tilespmem:$0x18900] =	vst v63  }
0x36a: {  	_ =	swait.ge [sflag:s8], $0x100  }
0x36b: {  	[sflag:s8] =	ssyncset.done $0x0  }
0x36c: {  	s20 =	simm.s32 $0x400;
	s12 =	rddreg [dreg:$0xe];
	[sflag:s8] =	ssyncadd.s32 $0xFFFFFF00  }
0x36d: {  	[hbm4b:s12+s3] =	stream.linear.scatter [tilespmem:s20], [sflag:$0x5], $0x100, $0x38;
	[tilespmem:$0x18900] =	vst v63  }
0x36e: {  	_ =	swait.ge [sflag:s8], $0x100  }
0x36f: {  	[sflag:s8] =	ssyncset.done $0x0  }
0x370: {  	s10 =	simm.s32 $0x500;
	s1 =	rddreg [dreg:$0xf];
	[sflag:s8] =	ssyncadd.s32 $0xFFFFFF00  }
0x371: {  	[hbm4b:s1+s3] =	stream.linear.scatter [tilespmem:s10], [sflag:$0x5], $0x100, $0x38;
	[tilespmem:$0x18900] =	vst v63  }
0x372: {  	_ =	swait.ge [sflag:s8], $0x100  }
0x373: {  	[sflag:s8] =	ssyncset.done $0x0  }
0x374: {  	s20 =	simm.s32 $0x600;
	s12 =	rddreg [dreg:$0x10];
	[sflag:s8] =	ssyncadd.s32 $0xFFFFFF00  }
0x375: {  	[hbm4b:s12+s3] =	stream.linear.scatter [tilespmem:s20], [sflag:$0x5], $0x100, $0x38;
	[tilespmem:$0x18900] =	vst v63  }
0x376: {  	_ =	swait.ge [sflag:s8], $0x100  }
0x377: {  	[sflag:s8] =	ssyncset.done $0x0  }
0x378: {  	s1 =	simm.s32 $0x700;
	s0 =	rddreg [dreg:$0x11];
	[sflag:s8] =	ssyncadd.s32 $0xFFFFFF00  }
0x379: {  	[hbm4b:s0+s3] =	stream.linear.scatter [tilespmem:s1], [sflag:$0x5], $0x100, $0x38;
	[tilespmem:$0x18900] =	vst v63  }
0x37a: {  	_ =	swait.ge [sflag:s8], $0x100  }
0x37b: {  	s10 =	rddreg [dreg:$0x12];
	[sflag:s8] =	ssyncset.done $0x0  }
0x37c: {  	s12 =	rddreg [dreg:$0x15];
	[sflag:s8] =	ssyncadd.s32 $0xFFFFFF00  }
0x37d: {  	[hbm4b:s10+s3] =	stream.linear.scatter [tilespmem:s12], [sflag:$0x5], $0x100, $0x38;
	[tilespmem:$0x18900] =	vst v63  }
0x37e: {  	_ =	swait.ge [sflag:s8], $0x100  }
0x37f: {  	[sflag:s8] =	ssyncset.done $0x0  }
0x380: {  	[sflag:s8] =	ssyncadd.s32 $0xFFFFFF00  }
0x381: {  	_ =	swait.ge [sflag:s9], $0x6000  }
0x382: {  	[sflag:s9] =	ssyncset.done $0x0  }
0x383: {  	[sflag:s9] =	ssyncadd.s32 $0xFFFFA000  }
0x384: {  	_ =	swait.ge [sflag:s7], $0x6000  }
0x385: {  	[sflag:s7] =	ssyncset.done $0x0  }
0x386: {  	[sflag:s7] =	ssyncadd.s32 $0xFFFFA000  }
0x387: {  	p0 =	sne.s32 s4, $0x1;
	_ =	swait.ge [sflag:s11], $0x6000  }
.Ltmp1:
0x388: {  	[sflag:s11] =	ssyncset.done $0x0;
	(pc) =	sbr.rel @p0 .LBB2_2-.Ltmp1, $4  }
0x389: {  	[sflag:s11] =	ssyncadd.s32 $0xFFFFA000  }
0x38a: {  	_ =	swait.ge [sflag:s9], $0x6000  }
0x38b: {  	[sflag:s9] =	ssyncset.done $0x0  }
0x38c: {  	s4 =	sadd.s32 $0xFFFFFFFF, s4;
	[sflag:s9] =	ssyncadd.s32 $0xFFFFA000  }
.LBB2_3:
0x38d: {  	_ =	sfence.sel $0x180000  }
0x38e: {  	[bflag:$0x0] =	sbarrier.arrive $0xFFFF  }
0x38f: {  	_ =	strace $0x90000047  }
0x390: {  	s0 =	stileid.u32;
	[bflag:$0x2] =	sbarrier.arrive $0xFFFF  }
0x391: {  	p0 =	sne.s32 s0, $0x0;
	s0 =	rddreg [dreg:$0x3]  }
0x392: {  	s0 =	sadd.s32 @!p0 $0x100000, s0  }
0x393: {  	[sflag:s0] =	ssyncadd.tile.s32 @!p0 $0x1;
	_ =	shalt  }
.Lfunc_end2:
_tile_overlayer_lowered:
.L_overlay_start_2:
0x394: {  	(tag) =	ssettag $0x2  }
0x395: {  	s0 =	rddreg [dreg:$0x0];
	s2 =	stileid.u32  }
0x396: {  	s1 =	rddreg [dreg:$0x1];
	p0 =	sne.s32 s2, $0x0  }
0x397: {  	s3 =	rddreg [dreg:$0x2];
	[bflag:$0x3] =	sbarrier.arrive $0xFFFF;
	s2 =	simm.s32 @!p0 $0x1C05  }
0x398: {  	[timem:s3], [sflag:s2] =	dma.local @!p0 [hbm:s0], s1  }
0x399: {  	s0 =	simm.s32 @!p0 $0x5  }
0x39a: {  	_ =	swait.ge @!p0 [sflag:s0], s1  }
0x39b: {  	s1 =	ssub.s32 @!p0 $0x0, s1;
	[sflag:s0] =	ssyncset.done @!p0 $0x0  }
0x39c: {  	[sflag:s0] =	ssyncadd.s32 @!p0 s1  }
0x39d: {  	[bflag:$0x3] =	sbarrier.arrive $0xFFFF  }
0x39e: {  	_ =	shalt  }

// kernel: kernel.9.cloned.1.call-start
scs
__scs_entry_jumppad:
0x0: {  	(pc) =	sbr.rel $0x88, $3  }
0x1: {  	(tag) =	ssettag $0x0;
	lr =	simm.s32 $0x1  }
0x2: {  	[smem:$0x3F95] =	sst lr;
	_ =	strace $0xD0000000  }
0x3: {  	_ = 	snop  }
0x4: {  	_ = 	snop  }
0x5: {  	_ = 	snop  }
0x6: {  	_ = 	snop  }
0x7: {  	_ = 	snop  }
__scs_overlays_trampoline_lowered:
0x8: {  	[smem:$0x3FA4] =	sst s0  }
0x9: {  	[smem:$0x3FA5] =	sst s1  }
0xa: {  	[smem:$0x3FA6] =	sst s2  }
0xb: {  	[smem:$0x3FA7] =	sst s3  }
0xc: {  	[smem:$0x3FA8] =	sst s4  }
0xd: {  	[smem:$0x3FA9] =	sst s5  }
0xe: {  	[smem:$0x3FAA] =	sst s6  }
0xf: {  	[smem:$0x3FAB] =	sst s7  }
0x10: {  	[smem:$0x3FAC] =	sst s8  }
0x11: {  	[smem:$0x3FAD] =	sst s9;
	s0 =	simm.s32 @!p0 $0x0  }
0x12: {  	s1 =	sld [smem:$0x3F93];
	s0 =	simm.s32 @p0 $0x1  }
0x13: {  	[smem:$0x3FAE] =	sst s0;
	s0 =	simm.s32 @!p1 $0x0  }
0x14: {  	s2 =	sld [smem:$0x3F92];
	s0 =	simm.s32 @p1 $0x1  }
0x15: {  	[smem:$0x3FAF] =	sst s0;
	s0 =	simm.s32 @!p2 $0x0  }
0x16: {  	s3 =	sld [smem:$0x3FDB];
	s0 =	simm.s32 @p2 $0x1  }
0x17: {  	s4 =	simm.s32 $0x1BF5;
	[smem:$0x3FB1] =	sst s0  }
0x18: {  	s0 =	sld [smem:$0x3F94];
	_ =	swait.ge [sflag:s4], $0x0  }
0x19: {  	s7 =	sld [smem:$0x3F95]  }
0x1a: {  	s8 =	sadd.s32 $0xFFFFE003, lr  }
0x1b: {  	s9 =	sadd.s32 $0xFFFFFEF7, lr;
	s5 =	simm.s32 $0xFFFFFFFF;
	p2 =	slt.u32 s8, $0xFFFFF086  }
0x1c: {  	p1 =	slt.u32 s9, $0xF7A;
	s5 =	simm.s32 @!p2 $0x0  }
0x1d: {  	s5 =	simm.s32 @p1 $0x1;
	p0 =	seq.s32 s7, s2  }
0x1e: {  	s7 =	smul.u32 @!p0 $0xF7A, s2;
	p2 =	seq.s32 @!p0 s5, $0x0  }
0x1f: {  	s9 =	smul.u32 $0xF7A, s1;
	s8 =	simm.s32 @!p0 $0x1BF5;
	p2 =	por !p2, p0  }
0x20: {  	[sflag:s8] =	ssyncset.s32 @!p0 $0xFFFFF086;
	s6 =	sadd.s32 @!p0 s3, s7;
	s7 =	simm.s32 @!p0 $0x108  }
0x21: {  	s3 =	sadd.s32 s3, s9;
	s6 =	sadd.s32 @!p0 $0x88, s6;
	s7 =	simm.s32 @p2 $0x1082  }
0x22: {  	[simem:s7], [sflag:s8] =	dma.local @!p0 [hbm:s6], $0xF7A  }
0x23: {  	s9 =	sor.u32 $0xD0000000, s2;
	s6 =	simm.s32 $0x108;
	_ =	swait.ge @!p0 [sflag:s8], $0x0  }
0x24: {  	s3 =	sadd.s32 $0x88, s3;
	s6 =	simm.s32 @!p1 $0x1082;
	[sflag:s4] =	ssyncset.s32 $0xFFFFF086  }
0x25: {  	[simem:s6], [sflag:s4] =	dma.local [hbm:s3], $0xF7A  }
0x26: {  	[smem:$0x3F95] =	sst s1;
	(tag) =	ssettag s2;
	_ =	strace s9  }
0x27: {  	s1 =	sld [smem:$0x3FA5]  }
0x28: {  	s2 =	sld [smem:$0x3FA6]  }
0x29: {  	s4 =	sld [smem:$0x3FA8]  }
0x2a: {  	p0 =	seq.s32 s5, $0x0;
	s5 =	sld [smem:$0x3FA9]  }
0x2b: {  	s6 =	sld [smem:$0x3FAA]  }
0x2c: {  	s7 =	sld [smem:$0x3FAB]  }
0x2d: {  	s3 =	simm.s32 $0x108;
	s8 =	sld [smem:$0x3FAC]  }
0x2e: {  	s3 =	simm.s32 @!p0 $0x1082;
	s9 =	sld [smem:$0x3FAD]  }
0x2f: {  	lr =	sadd.s32 s0, s3;
	s0 =	sld [smem:$0x3FA4]  }
0x30: {  	s3 =	sld [smem:$0x3FA7]  }
0x31: {  	[smem:$0x3FB0] =	sst s10  }
0x32: {  	s10 =	sld [smem:$0x3FAE];
	_ =	sdelay $0x3  }
0x33: {  	p0 =	seq.s32 s10, $0x1;
	s10 =	sld [smem:$0x3FB0];
	_ =	sdelay $0x3  }
0x34: {  	[smem:$0x3FB0] =	sst s10  }
0x35: {  	s10 =	sld [smem:$0x3FAF];
	_ =	sdelay $0x3  }
0x36: {  	p1 =	seq.s32 s10, $0x1;
	s10 =	sld [smem:$0x3FB0];
	_ =	sdelay $0x3  }
0x37: {  	[smem:$0x3FB0] =	sst s10  }
0x38: {  	s10 =	sld [smem:$0x3FB1]  }
0x39: {  	_ = 	snop;
	(pc) =	sbr.ind lr, $3  }
0x3a: {  	_ = 	snop  }
0x3b: {  	_ = 	snop  }
0x3c: {  	p2 =	seq.s32 s10, $0x1;
	s10 =	sld [smem:$0x3FB0]  }
0x3d: {  	_ =	shalt  }
0x3e: {  	_ =	shalt  }
0x3f: {  	_ =	shalt  }
0x40: {  	_ =	shalt  }
0x41: {  	_ =	shalt  }
0x42: {  	_ =	shalt  }
0x43: {  	_ =	shalt  }
0x44: {  	_ =	shalt  }
0x45: {  	_ =	shalt  }
0x46: {  	_ =	shalt  }
0x47: {  	_ =	shalt  }
0x48: {  	_ =	shalt  }
0x49: {  	_ =	shalt  }
0x4a: {  	_ =	shalt  }
0x4b: {  	_ =	shalt  }
0x4c: {  	_ =	shalt  }
0x4d: {  	_ =	shalt  }
0x4e: {  	_ =	shalt  }
0x4f: {  	_ =	shalt  }
0x50: {  	_ =	shalt  }
0x51: {  	_ =	shalt  }
0x52: {  	_ =	shalt  }
0x53: {  	_ =	shalt  }
0x54: {  	_ =	shalt  }
0x55: {  	_ =	shalt  }
0x56: {  	_ =	shalt  }
0x57: {  	_ =	shalt  }
0x58: {  	_ =	shalt  }
0x59: {  	_ =	shalt  }
0x5a: {  	_ =	shalt  }
0x5b: {  	_ =	shalt  }
0x5c: {  	_ =	shalt  }
0x5d: {  	_ =	shalt  }
0x5e: {  	_ =	shalt  }
0x5f: {  	_ =	shalt  }
0x60: {  	_ =	shalt  }
0x61: {  	_ =	shalt  }
0x62: {  	_ =	shalt  }
0x63: {  	_ =	shalt  }
0x64: {  	_ =	shalt  }
0x65: {  	_ =	shalt  }
0x66: {  	_ =	shalt  }
0x67: {  	_ =	shalt  }
0x68: {  	_ =	shalt  }
0x69: {  	_ =	shalt  }
0x6a: {  	_ =	shalt  }
0x6b: {  	_ =	shalt  }
0x6c: {  	_ =	shalt  }
0x6d: {  	_ =	shalt  }
0x6e: {  	_ =	shalt  }
0x6f: {  	_ =	shalt  }
0x70: {  	_ =	shalt  }
0x71: {  	_ =	shalt  }
0x72: {  	_ =	shalt  }
0x73: {  	_ =	shalt  }
0x74: {  	_ =	shalt  }
0x75: {  	_ =	shalt  }
0x76: {  	_ =	shalt  }
0x77: {  	_ =	shalt  }
0x78: {  	_ =	shalt  }
0x79: {  	_ =	shalt  }
0x7a: {  	_ =	shalt  }
0x7b: {  	_ =	shalt  }
0x7c: {  	_ =	shalt  }
0x7d: {  	_ =	shalt  }
0x7e: {  	_ =	shalt  }
0x7f: {  	_ =	shalt  }
0x80: {  	_ =	shalt  }
0x81: {  	_ =	shalt  }
0x82: {  	_ =	shalt  }
0x83: {  	_ =	shalt  }
0x84: {  	_ =	shalt  }
0x85: {  	_ =	shalt  }
0x86: {  	_ =	shalt  }
0x87: {  	_ =	shalt  }
.Lfunc_end0:
.L_simem_size_0:
called_computation.1_lowered:
.L_overlay_start_0:
0x88: {  	s2 =	sld [smem:$0x3FD9]  }
0x89: {  	s3 =	sld [smem:$0x3FFE];
	_ =	sdelay $0x1  }
0x8a: {  	s1 =	srdreg.scid  }
0x8b: {  	s0 =	sand.u32 $0x1, s1  }
0x8c: {  	s17 =	sshll.u32 s0, $0xA;
	s2 =	sadd.s32 s3, s2  }
0x8d: {  	s2 =	sadd.s32 s2, s17  }
0x8e: {  	[smem:$0x3FBC] =	sst s2  }
0x8f: {  	_ = 	snop  }
0x90: {  	s2 =	sld [smem:$0x3FD0];
	(tm) =	ssettm $0x1  }
0x91: {  	s18 =	sld [smem:$0x3FFB];
	_ =	sdelay $0x3  }
0x92: {  	_ =	strace s18  }
0x93: {  	s3 =	sld [smem:$0x3FFC];
	_ =	sdelay $0x3  }
0x94: {  	_ =	strace s3  }
0x95: {  	s3 =	sld [smem:$0x3FFD];
	_ =	sdelay $0x3  }
0x96: {  	_ =	strace s3  }
0x97: {  	_ =	strace $0x8FFFFFFF  }
0x98: {  	s19 =	sld [smem:$0x3FDB];
	_ =	sdelay $0x1  }
0x99: {  	s4 =	simm.s32 $_scs_section_size  }
0x9a: {  	s5 =	simm.s32 $_size__tile_overlayer_lowered;
	s6 =	simm.s32 $_tile_overlayer_lowered  }
0x9b: {  	s22 =	simm.s32 $0x1BFF;
	s21 =	sshll.u32 s6, $0x1;
	s3 =	sadd.s32 s4, s19  }
0x9c: {  	s7 =	simm.s32 $0x0;
	s20 =	sshll.u32 s5, $0x1;
	s5 =	sadd.s32 s21, s3  }
0x9d: {  	[timem:s7], [sflag:s22] =	dma.local [hbm:s5], s20  }
0x9e: {  	_ =	swait.ge [sflag:s22], s20  }
0x9f: {  	s4 =	ssub.s32 $0x0, s20;
	[sflag:s22] =	ssyncset.done $0x0  }
0xa0: {  	[sflag:s22] =	ssyncadd.s32 s4;
	_ =	sdelay $0x1  }
0xa1: {  	s23 =	simm.s32 $0x1B8B  }
0xa2: {  	_ =	swait.ge [sflag:s23], $0x1  }
0xa3: {  	[sflag:s23] =	ssyncset.done $0x0  }
0xa4: {  	s25 =	simm.s32 $0x1B8E;
	s24 =	sld [smem:$0x3FFE];
	[sflag:s23] =	ssyncadd.s32 $0xFFFFFFFF  }
0xa5: {  	s26 =	simm.s32 $execute0_lowered;
	[smem:$0x3FD2] =	sst s25  }
0xa6: {  	s5 =	sshll.u32 s26, $0x1;
	_ =	strace $0x80000049;
	[dreg:$0x1] =	wrdreg $0xFFFFFFFF  }
0xa7: {  	s28 =	simm.s32 $_size_execute0_lowered;
	s3 =	sadd.s32 s3, s5;
	[dreg:$0x0] =	wrdreg $0x0  }
0xa8: {  	s5 =	sshll.u32 s28, $0x1;
	[dreg:$0x2] =	wrdreg s3  }
0xa9: {  	[dreg:$0x3] =	wrdreg s5  }
0xaa: {  	[dreg:$0x4] =	wrdreg $0xC0  }
0xab: {  	_ =	task [dreg:s7], $0x5FFFF  }
0xac: {  	[dreg:$0x1] =	wrdreg $0xFFFFFFFF  }
0xad: {  	[dreg:$0x0] =	wrdreg $0x60  }
0xae: {  	[dreg:$0x2] =	wrdreg s24  }
0xaf: {  	[dreg:$0x3] =	wrdreg s2  }
0xb0: {  	[dreg:$0x4] =	wrdreg $0x9  }
0xb1: {  	_ =	task.clear_ibuf [dreg:s7], $0x5FFFF;
	_ =	strace $0x90000049  }
0xb2: {  	s29 =	simm.s32 $0x9;
	_ =	strace $0x8000004B  }
0xb3: {  	_ =	swait.ge [sflag:s29], $0x1  }
0xb4: {  	[sflag:s29] =	ssyncadd.s32 $0xFFFFFFFF  }
0xb5: {  	_ =	strace $0x9000004B  }
0xb6: {  	_ =	sfence  }
0xb7: {  	s30 =	sld [smem:$0x0];
	_ =	sdelay $0x2  }
0xb8: {  	s31 =	sshll.u32 s1, $0xD;
	s1 =	sshrl.u32 s1, $0x2  }
0xb9: {  	s3 =	sand.u32 $0x4000, s31;
	s1 =	sadd.s32 s1, s30  }
0xba: {  	s0 =	sor.u32 s3, s0;
	s1 =	sshll.u32 s1, $0x11  }
0xbb: {  	s0 =	sor.u32 s1, s0  }
0xbc: {  	s0 =	sadd.s32 $0x8F2B, s0  }
0xbd: {  	[sflag:s0] =	ssyncadd.remote.s32 $0x1  }
0xbe: {  	_ =	sfence.sel $0xFFFF  }
0xbf: {  	[dreg:$0x0] =	wrdreg $0xFFFFFFFF;
	(pc) =	sbr.abs _section_cstart, $3  }
0xc0: {  	[dreg:$0x1] =	wrdreg $0xFFFFFFFF  }
0xc1: {  	_ =	task.clear_ibuf [dreg:s7], $0x2FFFF;
	_ =	strace $0x9FFFFFFF  }
0xc2: {  	(tm) =	ssettm $0x7FFFFFFF  }
0xc3: {  	_ =	shalt  }
tec
execute0_lowered:
.L_overlay_start_1:
0x0: {  	(tag) =	ssettag $0x1  }
0x1: {  	s1 =	srdreg.scid  }
0x2: {  	s0 =	stileid.u32;
	s6 =	sand.u32 $0x1, s1  }
0x3: {  	s5 =	rddreg [dreg:$0x0];
	s30 =	sshll.u32 s0, $0x8;
	s2 =	sshll.u32 s6, $0x7  }
0x4: {  	s8 =	rddreg [dreg:$0x1];
	s9 =	sor.u32 s2, s30  }
0x5: {  	s1 =	rddreg [dreg:$0x2];
	s2 =	simm.s32 $0x0;
	s3 =	sshrl.u32 s9, $0x3  }
0x6: {  	s10 =	ssub.s32 $0x2, s6;
	[smem:$0x7FF] =	sst s2;
	s3 =	sadd.s32 s3, s5  }
0x7: {  	_ =	strace $0x8000004A;
	s4 =	sadd.s32 $0x3600, s3;
	s3 =	simm.s32 $0x2  }
0x8: {  	[tilespmem:s2], [sflag:$0x2] =	stream.linear.gather [hbm4b:s4+s2], $0x80, $0x38;
	[tilespmem:$0x4080] =	vst v63  }
0x9: {  	s7 =	simm.s32 $0x1;
	s11 =	sshrl.u32 s10, $0x1;
	_ =	swait.ge [sflag:s3], $0x80  }
0xa: {  	s6 =	simm.s32 $0x80;
	s10 =	ssub.s32 s10, s11;
	[sflag:s3] =	ssyncset.done $0x0  }
0xb: {  	s5 =	sadd.s32 $0x63800, s5;
	s31 =	smax.u32 s10, $0x1;
	[sflag:s3] =	ssyncadd.s32 $0xFFFFFF80  }
0xc: {  	[tilespmem:s6], [sflag:$0x1] =	stream.indirect.gather [hbm4b:s5+s6], $0x80, s2, s6, $0xb8;
	[tilespmem:$0x4080] =	vst v63  }
0xd: {  	p0 =	sne.s32 s31, $0x1;
	_ =	swait.ge [sflag:s7], $0x4000  }
.Ltmp0:
0xe: {  	s9 =	sshll.u32 s9, $0x4;
	[sflag:s7] =	ssyncset.done $0x0;
	(pc) =	sbr.rel @!p0 .LBB2_2-.Ltmp0, $4  }
0xf: {  	s8 =	sadd.s32 s8, s9;
	[sflag:s7] =	ssyncadd.s32 $0xFFFFC000  }
0x10: {  	[hbm4b:s8+s2] =	stream.linear.scatter [tilespmem:s6], [sflag:$0x2], $0x4000, $0x38;
	[tilespmem:$0x4080] =	vst v63  }
0x11: {  	_ =	swait.ge [sflag:s3], $0x4000  }
0x12: {  	s9 =	sadd.s32 $0xFFFFFFFF, s31;
	[sflag:s3] =	ssyncset.done $0x0  }
.LBB2_1:
0x13: {  	p0 =	sne.s32 s9, $0x1;
	s9 =	sadd.s32 $0xFFFFFFFF, s9;
	[sflag:s3] =	ssyncadd.s32 $0xFFFFC000  }
0x14: {  	[tilespmem:s2], [sflag:$0x2] =	stream.linear.gather [hbm4b:s4+s2], $0x80, $0x38;
	[tilespmem:$0x4080] =	vst v63  }
0x15: {  	_ =	swait.ge [sflag:s3], $0x80  }
0x16: {  	[sflag:s3] =	ssyncset.done $0x0  }
0x17: {  	[sflag:s3] =	ssyncadd.s32 $0xFFFFFF80  }
0x18: {  	[tilespmem:s6], [sflag:$0x1] =	stream.indirect.gather [hbm4b:s5+s6], $0x80, s2, s6, $0xb8;
	[tilespmem:$0x4080] =	vst v63  }
0x19: {  	_ =	swait.ge [sflag:s7], $0x4000  }
.Ltmp1:
0x1a: {  	[sflag:s7] =	ssyncset.done $0x0;
	(pc) =	sbr.rel @p0 .LBB2_1-.Ltmp1, $4  }
0x1b: {  	[sflag:s7] =	ssyncadd.s32 $0xFFFFC000  }
0x1c: {  	[hbm4b:s8+s2] =	stream.linear.scatter [tilespmem:s6], [sflag:$0x2], $0x4000, $0x38;
	[tilespmem:$0x4080] =	vst v63  }
0x1d: {  	_ =	swait.ge [sflag:s3], $0x4000  }
0x1e: {  	[sflag:s3] =	ssyncset.done $0x0  }
.LBB2_2:
0x1f: {  	[sflag:s3] =	ssyncadd.s32 $0xFFFFC000  }
0x20: {  	_ =	sfence.sel $0x180000  }
0x21: {  	[bflag:$0x0] =	sbarrier.arrive $0xFFFF  }
0x22: {  	p0 =	sne.s32 s0, $0x0;
	_ =	strace $0x9000004A  }
0x23: {  	s0 =	sadd.s32 @!p0 $0x100000, s1;
	[bflag:$0x2] =	sbarrier.arrive $0xFFFF  }
0x24: {  	[sflag:s0] =	ssyncadd.tile.s32 @!p0 $0x1;
	_ =	shalt  }
.Lfunc_end2:
_tile_overlayer_lowered:
.L_overlay_start_2:
0x25: {  	(tag) =	ssettag $0x2  }
0x26: {  	s0 =	rddreg [dreg:$0x0];
	s2 =	stileid.u32  }
0x27: {  	s1 =	rddreg [dreg:$0x1];
	p0 =	sne.s32 s2, $0x0  }
0x28: {  	s3 =	rddreg [dreg:$0x2];
	[bflag:$0x3] =	sbarrier.arrive $0xFFFF;
	s2 =	simm.s32 @!p0 $0x1C02  }
0x29: {  	[timem:s3], [sflag:s2] =	dma.local @!p0 [hbm:s0], s1  }
0x2a: {  	s0 =	simm.s32 @!p0 $0x2  }
0x2b: {  	_ =	swait.ge @!p0 [sflag:s0], s1  }
0x2c: {  	s1 =	ssub.s32 @!p0 $0x0, s1;
	[sflag:s0] =	ssyncset.done @!p0 $0x0  }
0x2d: {  	[sflag:s0] =	ssyncadd.s32 @!p0 s1  }
0x2e: {  	[bflag:$0x3] =	sbarrier.arrive $0xFFFF  }
0x2f: {  	_ =	shalt  }

</sc_bundles>
